<compile_context>
chip_gen: v7x
topology: tpu7x:2x2x1
jax: 0.10.2.dev20260603
libtpu: 0.0.44.dev20260713+nightly
codegen_flags: <defaults>
</compile_context>

<pallas_src>
import functools

import jax
import jax.numpy as jnp
from jax import lax
from jax.experimental import pallas as pl
from jax.experimental.pallas import tpu as pltpu
from jax.experimental.pallas import tpu_sc as plsc

N = 10000
D = 128
E = 320000
NC, NS = 2, 16
NW = NC * NS
R = 313
NPAD = NW * R
RT = R
AGG_WORDS = (R + 1) * D
C = 8000
L = 16


NBUF = 8
NCHUNK = E // C


def _sc_body(hp_ref, src_ref, dst_ref, out_ref, agg_v, src_c, dst_c,
             sel_src, sel_dst, rows_v, gsem, csem):
    wid = lax.axis_index("s") * NC + lax.axis_index("c")
    lo = wid * R
    hi = lo + R


    def zero_body(i, _):
        agg_v[pl.ds(i * L, L)] = jnp.zeros((L,), jnp.float32)
        return 0
    lax.fori_loop(0, AGG_WORDS // L, zero_body, 0)

    SEL = C + L
    NSCAN = C // (4 * L)
    FUSED_G = (NSCAN - 1) // 8 + 1

    def start_chunk(c, slot):
        pltpu.async_copy(src_ref.at[pl.ds(c * C, C)],
                         src_c.at[pl.ds(slot * C, C)], csem.at[0])
        pltpu.async_copy(dst_ref.at[pl.ds(c * C, C)],
                         dst_c.at[pl.ds(slot * C, C)], csem.at[1])

    def wait_chunk(slot):
        pltpu.make_async_copy(src_ref.at[pl.ds(0, C)],
                              src_c.at[pl.ds(slot * C, C)], csem.at[0]).wait()
        pltpu.make_async_copy(dst_ref.at[pl.ds(0, C)],
                              dst_c.at[pl.ds(slot * C, C)], csem.at[1]).wait()

    def scan4(i, off, rbase, sbase, valid=None):
        ds_l, ss_l, ms_l, inc_l = [], [], [], []
        for u in range(4):
            d = dst_c[pl.ds(rbase + (4 * i + u) * L, L)]
            s = src_c[pl.ds(rbase + (4 * i + u) * L, L)]
            m = (d >= lo) & (d < hi)
            if valid is not None:
                m = m & valid
            ds_l.append(d); ss_l.append(s); ms_l.append(m)
            inc_l.append(plsc.cumsum(m.astype(jnp.int32)))
        for u in range(4):
            pos = sbase + off + inc_l[u] - 1
            plsc.store_scatter(sel_src, [pos], ss_l[u], mask=ms_l[u])
            plsc.store_scatter(sel_dst, [pos], ds_l[u] - lo, mask=ms_l[u])
            off = off + inc_l[u][L - 1]
        return off

    def pad_sel(n, sbase):
        sel_src[pl.ds(sbase + n, L)] = jnp.zeros((L,), jnp.int32)
        sel_dst[pl.ds(sbase + n, L)] = jnp.full((L,), RT, jnp.int32)

    def start_gather(b, sbase):
        p = lax.rem(b, NBUF)
        idx = sel_src[pl.ds(sbase + b * L, L)]
        pltpu.async_copy(hp_ref.at[idx], rows_v.at[p], gsem.at[p])

    def process_group(b, sbase):
        p = lax.rem(b, NBUF)
        dvec = sel_dst[pl.ds(sbase + b * L, L)]
        pltpu.make_async_copy(
            hp_ref.at[pl.ds(0, L)], rows_v.at[p], gsem.at[p]).wait()
        for e in range(L):
            dbase = dvec[e] * D
            for j in range(D // L):
                av = agg_v[pl.ds(dbase + j * L, L)]
                rv = rows_v[p, e, pl.ds(j * L, L)]
                agg_v[pl.ds(dbase + j * L, L)] = jnp.maximum(av, rv)

    start_chunk(0, 0)

    def chunk_body(c, _):
        slot = lax.rem(c, 2)
        sbase = slot * SEL
        wait_chunk(slot)

        @pl.when(c + 1 < NCHUNK)
        def _():
            start_chunk(c + 1, 1 - slot)

        n = lax.fori_loop(
            0, NSCAN, lambda i, off: scan4(i, off, slot * C, sbase), 0)
        pad_sel(n, sbase)
        nb = (n + L - 1) // L

        for k in range(NBUF):
            @pl.when(k < nb)
            def _():
                start_gather(k, sbase)

        def group_body(b, _):
            process_group(b, sbase)

            @pl.when(b + NBUF < nb)
            def _():
                start_gather(b + NBUF, sbase)
            return 0

        lax.fori_loop(0, nb, group_body, 0)
        return 0

    lax.fori_loop(0, NCHUNK, chunk_body, 0)
    pltpu.sync_copy(agg_v.at[pl.ds(0, R * D)], out_ref.at[pl.ds(lo * D, R * D)])


@jax.jit
def _sc_scatter_max(hp, src, dst):
    mesh = plsc.VectorSubcoreMesh(core_axis_name="c", subcore_axis_name="s",
                                  num_cores=NC, num_subcores=NS)
    fn = pl.kernel(
        _sc_body,
        out_type=jax.ShapeDtypeStruct((NPAD * D,), jnp.float32),
        mesh=mesh,
        compiler_params=pltpu.CompilerParams(needs_layout_passes=False),
        scratch_types=[
            pltpu.VMEM((AGG_WORDS,), jnp.float32),
            pltpu.VMEM((2 * C,), jnp.int32),
            pltpu.VMEM((2 * C,), jnp.int32),
            pltpu.VMEM((2 * (C + L),), jnp.int32),
            pltpu.VMEM((2 * (C + L),), jnp.int32),
            pltpu.VMEM((NBUF, L, D), jnp.float32),
            pltpu.SemaphoreType.DMA((NBUF,)),
            pltpu.SemaphoreType.DMA((2,)),
        ],
    )
    return fn(hp, src, dst)


def _pre_body(x_ref, wp_ref, bp_ref, o_ref):
    x = x_ref[...]
    o_ref[...] = jax.nn.relu(
        jnp.dot(x, wp_ref[...], preferred_element_type=jnp.float32) + bp_ref[...])


def _mid_body(x_ref, a_ref, ws_ref, wn_ref, bn_ref, wp_ref, bp_ref,
              h1_ref, hp2_ref):
    h1 = jax.nn.relu(
        jnp.dot(x_ref[...], ws_ref[...], preferred_element_type=jnp.float32)
        + jnp.dot(a_ref[...], wn_ref[...], preferred_element_type=jnp.float32)
        + bn_ref[...])
    h1_ref[...] = h1
    hp2_ref[...] = jax.nn.relu(
        jnp.dot(h1, wp_ref[...], preferred_element_type=jnp.float32) + bp_ref[...])


def _post_body(x_ref, a_ref, ws_ref, wn_ref, bn_ref, o_ref):
    o_ref[...] = jax.nn.relu(
        jnp.dot(x_ref[...], ws_ref[...], preferred_element_type=jnp.float32)
        + jnp.dot(a_ref[...], wn_ref[...], preferred_element_type=jnp.float32)
        + bn_ref[...])


_f32mat = functools.partial(jax.ShapeDtypeStruct, dtype=jnp.float32)


def _pre(x, Wp, bp):
    return pl.pallas_call(_pre_body, out_shape=_f32mat((N, D)))(
        x, Wp, bp.reshape(1, D))


def _mid(x, a, Ws, Wn, bn, Wp, bp):
    return pl.pallas_call(
        _mid_body, out_shape=(_f32mat((N, D)), _f32mat((N, D))))(
        x, a, Ws, Wn, bn.reshape(1, D), Wp, bp.reshape(1, D))


def _post(x, a, Ws, Wn, bn):
    return pl.pallas_call(_post_body, out_shape=_f32mat((N, D)))(
        x, a, Ws, Wn, bn.reshape(1, D))


def _sage_twice(x, edge_index, Wp, bp, Ws, Wn, bn):
    src, dst = edge_index[0], edge_index[1]
    hp1 = _pre(x, Wp, bp)
    agg1 = _sc_scatter_max(hp1, src, dst).reshape(NPAD, D)[:N]
    h1, hp2 = _mid(x, agg1, Ws, Wn, bn, Wp, bp)
    agg2 = _sc_scatter_max(hp2, src, dst).reshape(NPAD, D)[:N]
    h2 = _post(h1, agg2, Ws, Wn, bn)
    return h1, h2


def kernel(h_dr, h_p, ddi_edge_index, ppi_edge_index,
           ddi_Wp, ddi_bp, ddi_Ws, ddi_Wn, ddi_bn,
           ppi_Wp, ppi_bp, ppi_Ws, ppi_Wn, ppi_bn):
    h_dr1, h_dr2 = _sage_twice(h_dr, ddi_edge_index,
                               ddi_Wp, ddi_bp, ddi_Ws, ddi_Wn, ddi_bn)
    h_p1, h_p2 = _sage_twice(h_p, ppi_edge_index,
                             ppi_Wp, ppi_bp, ppi_Ws, ppi_Wn, ppi_bn)
    return (h_dr1, h_p1, h_dr2, h_p2)

# --- scband reference (transcript-rebuilt; emitter-appended) ---
"""Pipeline reference for scband-all-graph-net-5317169512565 (READ-ONLY COPY).

The authoritative reference and input builder live on the scoring server;
editing this copy changes nothing except your own understanding.
"""

import jax, jax.numpy as jnp
import numpy as np

N_DR = 10000
N_P = 10000
E_DR = 320000
E_P = 320000
D = 128


def setup_inputs(seed: int = 0) -> dict:
    key = jax.random.key(seed)
    ks = jax.random.split(key, 16)
    inp = {}
    inp["h_dr"] = jax.random.normal(ks[0], (N_DR, D), dtype=jnp.float32)
    inp["h_p"] = jax.random.normal(ks[1], (N_P, D), dtype=jnp.float32)
    inp["ddi_edge_index"] = jax.random.randint(ks[2], (2, E_DR), 0, N_DR, dtype=jnp.int32)
    inp["ppi_edge_index"] = jax.random.randint(ks[3], (2, E_P), 0, N_P, dtype=jnp.int32)
    s = 0.05
    # DDI SAGE (pool aggregator) params: fc_pool (W,b), fc_self (W), fc_neigh (W,b)
    inp["ddi_Wp"] = jax.random.normal(ks[4], (D, D), dtype=jnp.float32) * s
    inp["ddi_bp"] = jnp.zeros((D,), dtype=jnp.float32)
    inp["ddi_Ws"] = jax.random.normal(ks[5], (D, D), dtype=jnp.float32) * s
    inp["ddi_Wn"] = jax.random.normal(ks[6], (D, D), dtype=jnp.float32) * s
    inp["ddi_bn"] = jnp.zeros((D,), dtype=jnp.float32)
    # PPI SAGE params
    inp["ppi_Wp"] = jax.random.normal(ks[7], (D, D), dtype=jnp.float32) * s
    inp["ppi_bp"] = jnp.zeros((D,), dtype=jnp.float32)
    inp["ppi_Ws"] = jax.random.normal(ks[8], (D, D), dtype=jnp.float32) * s
    inp["ppi_Wn"] = jax.random.normal(ks[9], (D, D), dtype=jnp.float32) * s
    inp["ppi_bn"] = jnp.zeros((D,), dtype=jnp.float32)
    return inp


def sage_pool(x, src, dst, Wp, bp, Ws, Wn, bn, num_nodes):
    # DGL SAGEConv, aggregator_type='pool', feat_drop=0, activation=relu
    h_pool = jax.nn.relu(x @ Wp + bp)          # fc_pool + relu on source feats
    msgs = jnp.take(h_pool, src, axis=0)        # gather along edges (copy_u)
    agg = jax.ops.segment_max(msgs, dst, num_segments=num_nodes)  # max reduce
    agg = jnp.where(jnp.isfinite(agg), agg, 0.0)  # zero-in-degree nodes -> 0
    rst = x @ Ws + agg @ Wn + bn                # fc_self + fc_neigh
    return jax.nn.relu(rst)                     # activation


def reference(h_dr, h_p, ddi_edge_index, ppi_edge_index,
              ddi_Wp, ddi_bp, ddi_Ws, ddi_Wn, ddi_bn,
              ppi_Wp, ppi_bp, ppi_Ws, ppi_Wn, ppi_bn):
    ddi_src, ddi_dst = ddi_edge_index[0], ddi_edge_index[1]
    ppi_src, ppi_dst = ppi_edge_index[0], ppi_edge_index[1]
    # DDI_Net applied twice (shared weights)
    h_dr1 = sage_pool(h_dr, ddi_src, ddi_dst, ddi_Wp, ddi_bp, ddi_Ws, ddi_Wn, ddi_bn, N_DR)
    h_dr2 = sage_pool(h_dr1, ddi_src, ddi_dst, ddi_Wp, ddi_bp, ddi_Ws, ddi_Wn, ddi_bn, N_DR)
    # PPI_Net applied twice (shared weights)
    h_p1 = sage_pool(h_p, ppi_src, ppi_dst, ppi_Wp, ppi_bp, ppi_Ws, ppi_Wn, ppi_bn, N_P)
    h_p2 = sage_pool(h_p1, ppi_src, ppi_dst, ppi_Wp, ppi_bp, ppi_Ws, ppi_Wn, ppi_bn, N_P)
    return (h_dr1, h_p1, h_dr2, h_p2)

if __name__ == "__main__":
    import jax
    _d = setup_inputs()
    print(jax.jit(kernel)(*tuple(_d.values())))

</pallas_src>

<mosaic_0001>
#map = affine_map<(d0, d1) -> (0, 0)>
#map1 = affine_map<(d0, d1) -> (0)>
module attributes {stable_mosaic.version = 14 : i64} {
  func.func @_sc_body(%arg0: i32, %arg1: i32, %arg2: memref<10000x128xf32, #tpu.memory_space<hbm>>, %arg3: memref<320000xi32, #tpu.memory_space<hbm>>, %arg4: memref<320000xi32, #tpu.memory_space<hbm>>, %arg5: memref<1282048xf32, #tpu.memory_space<hbm>>, %arg6: memref<40192xf32, #tpu.memory_space<vmem>>, %arg7: memref<16000xi32, #tpu.memory_space<vmem>>, %arg8: memref<16000xi32, #tpu.memory_space<vmem>>, %arg9: memref<16032xi32, #tpu.memory_space<vmem>>, %arg10: memref<16032xi32, #tpu.memory_space<vmem>>, %arg11: memref<8x16x128xf32, #tpu.memory_space<vmem>>, %arg12: memref<8x!tpu.dma_semaphore, #tpu.memory_space<semaphore_mem>>, %arg13: memref<2x!tpu.dma_semaphore, #tpu.memory_space<semaphore_mem>>) attributes {dimension_semantics = [#tpu.dimension_semantics<core_parallel>, #tpu.dimension_semantics<subcore_parallel>], iteration_bounds = array<i64: 2, 16>, scalar_prefetch = 0 : i64, scratch_operands = 8 : i64, tpu.core_type = #tpu.core_type<sc_vector_subcore>, window_params = [{transform_indices = #map}, {transform_indices = #map1}, {transform_indices = #map1}, {transform_indices = #map1}]} {
    %mul3A = arith.constant 2 : i32
    %mul3A_0 = arith.muli %arg1, %mul3A : i32
    %add3A = arith.addi %mul3A_0, %arg0 : i32
    %mul3A_1 = arith.constant 313 : i32
    %mul3A_2 = arith.muli %add3A, %mul3A_1 : i32
    %add3A_3 = arith.constant 313 : i32
    %add3A_4 = arith.addi %mul3A_2, %add3A_3 : i32
    %scan3A = arith.constant 0 : i32
    %scan3A_5 = arith.constant 0 : i32
    %scan3A_6 = arith.constant 2512 : i32
    %scan3A_7 = arith.addi %scan3A_5, %scan3A_6 : i32
    %scan3A_8 = arith.constant 1 : i32
    %scan3A_9 = scf.for %scan3A_41 = %scan3A_5 to %scan3A_7 step %scan3A_8 iter_args(%scan3A_42 = %scan3A) -> (i32)  : i32 {
      %broadcast_in_dim3A = arith.constant 0.000000e+00 : f32
      %broadcast_in_dim3A_43 = vector.broadcast %broadcast_in_dim3A : f32 to vector<16xf32>
      %mul3A_44 = arith.constant 16 : i32
      %mul3A_45 = arith.muli %scan3A_41, %mul3A_44 : i32
      %swap3A = arith.index_cast %mul3A_45 : i32 to index
      %swap3A_46 = tpu.vector_load %arg6[%swap3A] {strides = array<i32>} : memref<40192xf32, #tpu.memory_space<vmem>>, vector<16xf32>,
      tpu.vector_store %arg6[%swap3A], %broadcast_in_dim3A_43 {strides = array<i32>} : memref<40192xf32, #tpu.memory_space<vmem>>, vector<16xf32>,
      %scan3A_47 = arith.constant 0 : i32
      scf.yield %scan3A_47 : i32
    }
    %scan3A_10 = arith.constant 2512 : i32
    %dma_start3A = arith.constant 0 : i32
    %dma_start3A_11 = arith.constant 0 : i32
    %dma_start3A_12 = tpu.memref_slice %arg7[%dma_start3A_11] : memref<16000xi32, #tpu.memory_space<vmem>> -> memref<8000xi32, #tpu.memory_space<vmem>>
    %dma_start3A_13 = arith.constant 0 : i32
    %dma_start3A_14 = tpu.memref_slice %arg3[%dma_start3A_13] : memref<320000xi32, #tpu.memory_space<hbm>> -> memref<8000xi32, #tpu.memory_space<hbm>>
    %dma_start3A_15 = tpu.memref_slice %arg13[%dma_start3A] : memref<2x!tpu.dma_semaphore, #tpu.memory_space<semaphore_mem>> -> memref<1x!tpu.dma_semaphore, #tpu.memory_space<semaphore_mem>>
    %dma_start3A_16 = tpu.memref_squeeze %dma_start3A_15 : memref<1x!tpu.dma_semaphore, #tpu.memory_space<semaphore_mem>> -> memref<!tpu.dma_semaphore, #tpu.memory_space<semaphore_mem>>
    %dma_start3A_17 = arith.constant 0 : i32
    %dma_start3A_18 = tpu.memref_slice %arg7[%dma_start3A_17] : memref<16000xi32, #tpu.memory_space<vmem>> -> memref<8000xi32, #tpu.memory_space<vmem>>
    %dma_start3A_19 = arith.constant 0 : i32
    %dma_start3A_20 = tpu.memref_slice %arg3[%dma_start3A_19] : memref<320000xi32, #tpu.memory_space<hbm>> -> memref<8000xi32, #tpu.memory_space<hbm>>
    tpu.enqueue_dma source(%dma_start3A_20 : memref<8000xi32, #tpu.memory_space<hbm>>) target(%dma_start3A_18 : memref<8000xi32, #tpu.memory_space<vmem>>) target_semaphore(%dma_start3A_16 : memref<!tpu.dma_semaphore, #tpu.memory_space<semaphore_mem>>)
    %dma_start3A_21 = arith.constant 1 : i32
    %dma_start3A_22 = arith.constant 0 : i32
    %dma_start3A_23 = tpu.memref_slice %arg8[%dma_start3A_22] : memref<16000xi32, #tpu.memory_space<vmem>> -> memref<8000xi32, #tpu.memory_space<vmem>>
    %dma_start3A_24 = arith.constant 0 : i32
    %dma_start3A_25 = tpu.memref_slice %arg4[%dma_start3A_24] : memref<320000xi32, #tpu.memory_space<hbm>> -> memref<8000xi32, #tpu.memory_space<hbm>>
    %dma_start3A_26 = tpu.memref_slice %arg13[%dma_start3A_21] : memref<2x!tpu.dma_semaphore, #tpu.memory_space<semaphore_mem>> -> memref<1x!tpu.dma_semaphore, #tpu.memory_space<semaphore_mem>>
    %dma_start3A_27 = tpu.memref_squeeze %dma_start3A_26 : memref<1x!tpu.dma_semaphore, #tpu.memory_space<semaphore_mem>> -> memref<!tpu.dma_semaphore, #tpu.memory_space<semaphore_mem>>
    %dma_start3A_28 = arith.constant 0 : i32
    %dma_start3A_29 = tpu.memref_slice %arg8[%dma_start3A_28] : memref<16000xi32, #tpu.memory_space<vmem>> -> memref<8000xi32, #tpu.memory_space<vmem>>
    %dma_start3A_30 = arith.constant 0 : i32
    %dma_start3A_31 = tpu.memref_slice %arg4[%dma_start3A_30] : memref<320000xi32, #tpu.memory_space<hbm>> -> memref<8000xi32, #tpu.memory_space<hbm>>
    tpu.enqueue_dma source(%dma_start3A_31 : memref<8000xi32, #tpu.memory_space<hbm>>) target(%dma_start3A_29 : memref<8000xi32, #tpu.memory_space<vmem>>) target_semaphore(%dma_start3A_27 : memref<!tpu.dma_semaphore, #tpu.memory_space<semaphore_mem>>)
    %scan3A_32 = arith.constant 0 : i32
    %scan3A_33 = arith.constant 0 : i32
    %scan3A_34 = arith.constant 40 : i32
    %scan3A_35 = arith.addi %scan3A_33, %scan3A_34 : i32
    %scan3A_36 = arith.constant 1 : i32
    %scan3A_37 = scf.for %scan3A_41 = %scan3A_33 to %scan3A_35 step %scan3A_36 iter_args(%scan3A_42 = %scan3A_32) -> (i32)  : i32 {
      %rem3A = arith.constant 2 : i32
      %rem3A_43 = arith.remsi %scan3A_41, %rem3A : i32
      %mul3A_44 = arith.constant 8016 : i32
      %mul3A_45 = arith.muli %rem3A_43, %mul3A_44 : i32
      %mul3A_46 = arith.constant 8000 : i32
      %mul3A_47 = arith.muli %rem3A_43, %mul3A_46 : i32
      %dma_wait3A = arith.constant 0 : i32
      %dma_wait3A_48 = tpu.memref_slice %arg7[%mul3A_47] : memref<16000xi32, #tpu.memory_space<vmem>> -> memref<8000xi32, #tpu.memory_space<vmem>>
      %dma_wait3A_49 = arith.constant 0 : i32
      %dma_wait3A_50 = tpu.memref_slice %arg3[%dma_wait3A_49] : memref<320000xi32, #tpu.memory_space<hbm>> -> memref<8000xi32, #tpu.memory_space<hbm>>
      %dma_wait3A_51 = tpu.memref_slice %arg13[%dma_wait3A] : memref<2x!tpu.dma_semaphore, #tpu.memory_space<semaphore_mem>> -> memref<1x!tpu.dma_semaphore, #tpu.memory_space<semaphore_mem>>
      %dma_wait3A_52 = tpu.memref_squeeze %dma_wait3A_51 : memref<1x!tpu.dma_semaphore, #tpu.memory_space<semaphore_mem>> -> memref<!tpu.dma_semaphore, #tpu.memory_space<semaphore_mem>>
      %dma_wait3A_53 = tpu.memref_slice %arg7[%mul3A_47] : memref<16000xi32, #tpu.memory_space<vmem>> -> memref<8000xi32, #tpu.memory_space<vmem>>
      %dma_wait3A_54 = arith.constant 0 : i32
      %dma_wait3A_55 = tpu.memref_slice %arg3[%dma_wait3A_54] : memref<320000xi32, #tpu.memory_space<hbm>> -> memref<8000xi32, #tpu.memory_space<hbm>>
      tpu.wait_dma2 semaphore(%dma_wait3A_52 : memref<!tpu.dma_semaphore, #tpu.memory_space<semaphore_mem>>) src(%dma_wait3A_55 : memref<8000xi32, #tpu.memory_space<hbm>>) dst(%dma_wait3A_53 : memref<8000xi32, #tpu.memory_space<vmem>>)
      %mul3A_56 = arith.constant 8000 : i32
      %mul3A_57 = arith.muli %rem3A_43, %mul3A_56 : i32
      %dma_wait3A_58 = arith.constant 1 : i32
      %dma_wait3A_59 = tpu.memref_slice %arg8[%mul3A_57] : memref<16000xi32, #tpu.memory_space<vmem>> -> memref<8000xi32, #tpu.memory_space<vmem>>
      %dma_wait3A_60 = arith.constant 0 : i32
      %dma_wait3A_61 = tpu.memref_slice %arg4[%dma_wait3A_60] : memref<320000xi32, #tpu.memory_space<hbm>> -> memref<8000xi32, #tpu.memory_space<hbm>>
      %dma_wait3A_62 = tpu.memref_slice %arg13[%dma_wait3A_58] : memref<2x!tpu.dma_semaphore, #tpu.memory_space<semaphore_mem>> -> memref<1x!tpu.dma_semaphore, #tpu.memory_space<semaphore_mem>>
      %dma_wait3A_63 = tpu.memref_squeeze %dma_wait3A_62 : memref<1x!tpu.dma_semaphore, #tpu.memory_space<semaphore_mem>> -> memref<!tpu.dma_semaphore, #tpu.memory_space<semaphore_mem>>
      %dma_wait3A_64 = tpu.memref_slice %arg8[%mul3A_57] : memref<16000xi32, #tpu.memory_space<vmem>> -> memref<8000xi32, #tpu.memory_space<vmem>>
      %dma_wait3A_65 = arith.constant 0 : i32
      %dma_wait3A_66 = tpu.memref_slice %arg4[%dma_wait3A_65] : memref<320000xi32, #tpu.memory_space<hbm>> -> memref<8000xi32, #tpu.memory_space<hbm>>
      tpu.wait_dma2 semaphore(%dma_wait3A_63 : memref<!tpu.dma_semaphore, #tpu.memory_space<semaphore_mem>>) src(%dma_wait3A_66 : memref<8000xi32, #tpu.memory_space<hbm>>) dst(%dma_wait3A_64 : memref<8000xi32, #tpu.memory_space<vmem>>)
      %add3A_67 = arith.constant 1 : i32
      %add3A_68 = arith.addi %scan3A_41, %add3A_67 : i32
      %lt3A = arith.constant 40 : i32
      %lt3A_69 = arith.cmpi slt, %add3A_68, %lt3A : i32
      %convert_element_type3A = arith.extui %lt3A_69 : i1 to i32
      %cond3A = arith.constant 0 : i32
      %cond3A_70 = arith.cmpi ne, %convert_element_type3A, %cond3A : i32
      scf.if %cond3A_70 {
        %add3A_158 = arith.constant 1 : i32
        %add3A_159 = arith.addi %scan3A_41, %add3A_158 : i32
        %sub3A_160 = arith.constant 1 : i32
        %sub3A_161 = arith.subi %sub3A_160, %rem3A_43 : i32
        %mul3A_162 = arith.constant 8000 : i32
        %mul3A_163 = arith.muli %add3A_159, %mul3A_162 : i32
        %mul3A_164 = arith.constant 8000 : i32
        %mul3A_165 = arith.muli %sub3A_161, %mul3A_164 : i32
        %dma_start3A_166 = arith.constant 0 : i32
        %dma_start3A_167 = tpu.memref_slice %arg7[%mul3A_165] : memref<16000xi32, #tpu.memory_space<vmem>> -> memref<8000xi32, #tpu.memory_space<vmem>>
        %dma_start3A_168 = tpu.memref_slice %arg3[%mul3A_163] : memref<320000xi32, #tpu.memory_space<hbm>> -> memref<8000xi32, #tpu.memory_space<hbm>>
        %dma_start3A_169 = tpu.memref_slice %arg13[%dma_start3A_166] : memref<2x!tpu.dma_semaphore, #tpu.memory_space<semaphore_mem>> -> memref<1x!tpu.dma_semaphore, #tpu.memory_space<semaphore_mem>>
        %dma_start3A_170 = tpu.memref_squeeze %dma_start3A_169 : memref<1x!tpu.dma_semaphore, #tpu.memory_space<semaphore_mem>> -> memref<!tpu.dma_semaphore, #tpu.memory_space<semaphore_mem>>
        %dma_start3A_171 = tpu.memref_slice %arg7[%mul3A_165] : memref<16000xi32, #tpu.memory_space<vmem>> -> memref<8000xi32, #tpu.memory_space<vmem>>
        %dma_start3A_172 = tpu.memref_slice %arg3[%mul3A_163] : memref<320000xi32, #tpu.memory_space<hbm>> -> memref<8000xi32, #tpu.memory_space<hbm>>
        tpu.enqueue_dma source(%dma_start3A_172 : memref<8000xi32, #tpu.memory_space<hbm>>) target(%dma_start3A_171 : memref<8000xi32, #tpu.memory_space<vmem>>) target_semaphore(%dma_start3A_170 : memref<!tpu.dma_semaphore, #tpu.memory_space<semaphore_mem>>)
        %mul3A_173 = arith.constant 8000 : i32
        %mul3A_174 = arith.muli %add3A_159, %mul3A_173 : i32
        %mul3A_175 = arith.constant 8000 : i32
        %mul3A_176 = arith.muli %sub3A_161, %mul3A_175 : i32
        %dma_start3A_177 = arith.constant 1 : i32
        %dma_start3A_178 = tpu.memref_slice %arg8[%mul3A_176] : memref<16000xi32, #tpu.memory_space<vmem>> -> memref<8000xi32, #tpu.memory_space<vmem>>
        %dma_start3A_179 = tpu.memref_slice %arg4[%mul3A_174] : memref<320000xi32, #tpu.memory_space<hbm>> -> memref<8000xi32, #tpu.memory_space<hbm>>
        %dma_start3A_180 = tpu.memref_slice %arg13[%dma_start3A_177] : memref<2x!tpu.dma_semaphore, #tpu.memory_space<semaphore_mem>> -> memref<1x!tpu.dma_semaphore, #tpu.memory_space<semaphore_mem>>
        %dma_start3A_181 = tpu.memref_squeeze %dma_start3A_180 : memref<1x!tpu.dma_semaphore, #tpu.memory_space<semaphore_mem>> -> memref<!tpu.dma_semaphore, #tpu.memory_space<semaphore_mem>>
        %dma_start3A_182 = tpu.memref_slice %arg8[%mul3A_176] : memref<16000xi32, #tpu.memory_space<vmem>> -> memref<8000xi32, #tpu.memory_space<vmem>>
        %dma_start3A_183 = tpu.memref_slice %arg4[%mul3A_174] : memref<320000xi32, #tpu.memory_space<hbm>> -> memref<8000xi32, #tpu.memory_space<hbm>>
        tpu.enqueue_dma source(%dma_start3A_183 : memref<8000xi32, #tpu.memory_space<hbm>>) target(%dma_start3A_182 : memref<8000xi32, #tpu.memory_space<vmem>>) target_semaphore(%dma_start3A_181 : memref<!tpu.dma_semaphore, #tpu.memory_space<semaphore_mem>>)
      } else {
      }
      %scan3A_71 = arith.constant 0 : i32
      %scan3A_72 = arith.constant 0 : i32
      %scan3A_73 = arith.constant 125 : i32
      %scan3A_74 = arith.addi %scan3A_72, %scan3A_73 : i32
      %scan3A_75 = arith.constant 1 : i32
      %scan3A_76 = scf.for %scan3A_158 = %scan3A_72 to %scan3A_74 step %scan3A_75 iter_args(%scan3A_159 = %scan3A_71) -> (i32)  : i32 {
        %mul3A_160 = arith.constant 8000 : i32
        %mul3A_161 = arith.muli %rem3A_43, %mul3A_160 : i32
        %mul3A_162 = arith.constant 4 : i32
        %mul3A_163 = arith.muli %mul3A_162, %scan3A_158 : i32
        %add3A_164 = arith.constant 0 : i32
        %add3A_165 = arith.addi %mul3A_163, %add3A_164 : i32
        %mul3A_166 = arith.constant 16 : i32
        %mul3A_167 = arith.muli %add3A_165, %mul3A_166 : i32
        %add3A_168 = arith.addi %mul3A_161, %mul3A_167 : i32
        %get3A = arith.index_cast %add3A_168 : i32 to index
        %get3A_169 = tpu.vector_load %arg8[%get3A] {strides = array<i32>} : memref<16000xi32, #tpu.memory_space<vmem>>, vector<16xi32>,
        %mul3A_170 = arith.constant 4 : i32
        %mul3A_171 = arith.muli %mul3A_170, %scan3A_158 : i32
        %add3A_172 = arith.constant 0 : i32
        %add3A_173 = arith.addi %mul3A_171, %add3A_172 : i32
        %mul3A_174 = arith.constant 16 : i32
        %mul3A_175 = arith.muli %add3A_173, %mul3A_174 : i32
        %add3A_176 = arith.addi %mul3A_161, %mul3A_175 : i32
        %get3A_177 = arith.index_cast %add3A_176 : i32 to index
        %get3A_178 = tpu.vector_load %arg7[%get3A_177] {strides = array<i32>} : memref<16000xi32, #tpu.memory_space<vmem>>, vector<16xi32>,
        %ge3A = vector.broadcast %mul3A_2 : i32 to vector<16xi32>
        %ge3A_179 = arith.cmpi sge, %get3A_169, %ge3A : vector<16xi32>
        %lt3A_180 = vector.broadcast %add3A_4 : i32 to vector<16xi32>
        %lt3A_181 = arith.cmpi slt, %get3A_169, %lt3A_180 : vector<16xi32>
        %and3A_182 = arith.andi %ge3A_179, %lt3A_181 : vector<16xi1>
        %convert_element_type3A_183 = arith.extui %and3A_182 : vector<16xi1> to vector<16xi32>
        %broadcast_in_dim3A_184 = arith.constant true
        %broadcast_in_dim3A_185 = vector.broadcast %broadcast_in_dim3A_184 : i1 to vector<16xi1>
        %masked_cumsum3A = tpu.scan <sum>, %convert_element_type3A_183 masked %broadcast_in_dim3A_185 : vector<16xi32>, vector<16xi1> -> vector<16xi32>
        %mul3A_186 = arith.constant 4 : i32
        %mul3A_187 = arith.muli %mul3A_186, %scan3A_158 : i32
        %add3A_188 = arith.constant 1 : i32
        %add3A_189 = arith.addi %mul3A_187, %add3A_188 : i32
        %mul3A_190 = arith.constant 16 : i32
        %mul3A_191 = arith.muli %add3A_189, %mul3A_190 : i32
        %add3A_192 = arith.addi %mul3A_161, %mul3A_191 : i32
        %get3A_193 = arith.index_cast %add3A_192 : i32 to index
        %get3A_194 = tpu.vector_load %arg8[%get3A_193] {strides = array<i32>} : memref<16000xi32, #tpu.memory_space<vmem>>, vector<16xi32>,
        %mul3A_195 = arith.constant 4 : i32
        %mul3A_196 = arith.muli %mul3A_195, %scan3A_158 : i32
        %add3A_197 = arith.constant 1 : i32
        %add3A_198 = arith.addi %mul3A_196, %add3A_197 : i32
        %mul3A_199 = arith.constant 16 : i32
        %mul3A_200 = arith.muli %add3A_198, %mul3A_199 : i32
        %add3A_201 = arith.addi %mul3A_161, %mul3A_200 : i32
        %get3A_202 = arith.index_cast %add3A_201 : i32 to index
        %get3A_203 = tpu.vector_load %arg7[%get3A_202] {strides = array<i32>} : memref<16000xi32, #tpu.memory_space<vmem>>, vector<16xi32>,
        %ge3A_204 = vector.broadcast %mul3A_2 : i32 to vector<16xi32>
        %ge3A_205 = arith.cmpi sge, %get3A_194, %ge3A_204 : vector<16xi32>
        %lt3A_206 = vector.broadcast %add3A_4 : i32 to vector<16xi32>
        %lt3A_207 = arith.cmpi slt, %get3A_194, %lt3A_206 : vector<16xi32>
        %and3A_208 = arith.andi %ge3A_205, %lt3A_207 : vector<16xi1>
        %convert_element_type3A_209 = arith.extui %and3A_208 : vector<16xi1> to vector<16xi32>
        %broadcast_in_dim3A_210 = arith.constant true
        %broadcast_in_dim3A_211 = vector.broadcast %broadcast_in_dim3A_210 : i1 to vector<16xi1>
        %masked_cumsum3A_212 = tpu.scan <sum>, %convert_element_type3A_209 masked %broadcast_in_dim3A_211 : vector<16xi32>, vector<16xi1> -> vector<16xi32>
        %mul3A_213 = arith.constant 4 : i32
        %mul3A_214 = arith.muli %mul3A_213, %scan3A_158 : i32
        %add3A_215 = arith.constant 2 : i32
        %add3A_216 = arith.addi %mul3A_214, %add3A_215 : i32
        %mul3A_217 = arith.constant 16 : i32
        %mul3A_218 = arith.muli %add3A_216, %mul3A_217 : i32
        %add3A_219 = arith.addi %mul3A_161, %mul3A_218 : i32
        %get3A_220 = arith.index_cast %add3A_219 : i32 to index
        %get3A_221 = tpu.vector_load %arg8[%get3A_220] {strides = array<i32>} : memref<16000xi32, #tpu.memory_space<vmem>>, vector<16xi32>,
        %mul3A_222 = arith.constant 4 : i32
        %mul3A_223 = arith.muli %mul3A_222, %scan3A_158 : i32
        %add3A_224 = arith.constant 2 : i32
        %add3A_225 = arith.addi %mul3A_223, %add3A_224 : i32
        %mul3A_226 = arith.constant 16 : i32
        %mul3A_227 = arith.muli %add3A_225, %mul3A_226 : i32
        %add3A_228 = arith.addi %mul3A_161, %mul3A_227 : i32
        %get3A_229 = arith.index_cast %add3A_228 : i32 to index
        %get3A_230 = tpu.vector_load %arg7[%get3A_229] {strides = array<i32>} : memref<16000xi32, #tpu.memory_space<vmem>>, vector<16xi32>,
        %ge3A_231 = vector.broadcast %mul3A_2 : i32 to vector<16xi32>
        %ge3A_232 = arith.cmpi sge, %get3A_221, %ge3A_231 : vector<16xi32>
        %lt3A_233 = vector.broadcast %add3A_4 : i32 to vector<16xi32>
        %lt3A_234 = arith.cmpi slt, %get3A_221, %lt3A_233 : vector<16xi32>
        %and3A_235 = arith.andi %ge3A_232, %lt3A_234 : vector<16xi1>
        %convert_element_type3A_236 = arith.extui %and3A_235 : vector<16xi1> to vector<16xi32>
        %broadcast_in_dim3A_237 = arith.constant true
        %broadcast_in_dim3A_238 = vector.broadcast %broadcast_in_dim3A_237 : i1 to vector<16xi1>
        %masked_cumsum3A_239 = tpu.scan <sum>, %convert_element_type3A_236 masked %broadcast_in_dim3A_238 : vector<16xi32>, vector<16xi1> -> vector<16xi32>
        %mul3A_240 = arith.constant 4 : i32
        %mul3A_241 = arith.muli %mul3A_240, %scan3A_158 : i32
        %add3A_242 = arith.constant 3 : i32
        %add3A_243 = arith.addi %mul3A_241, %add3A_242 : i32
        %mul3A_244 = arith.constant 16 : i32
        %mul3A_245 = arith.muli %add3A_243, %mul3A_244 : i32
        %add3A_246 = arith.addi %mul3A_161, %mul3A_245 : i32
        %get3A_247 = arith.index_cast %add3A_246 : i32 to index
        %get3A_248 = tpu.vector_load %arg8[%get3A_247] {strides = array<i32>} : memref<16000xi32, #tpu.memory_space<vmem>>, vector<16xi32>,
        %mul3A_249 = arith.constant 4 : i32
        %mul3A_250 = arith.muli %mul3A_249, %scan3A_158 : i32
        %add3A_251 = arith.constant 3 : i32
        %add3A_252 = arith.addi %mul3A_250, %add3A_251 : i32
        %mul3A_253 = arith.constant 16 : i32
        %mul3A_254 = arith.muli %add3A_252, %mul3A_253 : i32
        %add3A_255 = arith.addi %mul3A_161, %mul3A_254 : i32
        %get3A_256 = arith.index_cast %add3A_255 : i32 to index
        %get3A_257 = tpu.vector_load %arg7[%get3A_256] {strides = array<i32>} : memref<16000xi32, #tpu.memory_space<vmem>>, vector<16xi32>,
        %ge3A_258 = vector.broadcast %mul3A_2 : i32 to vector<16xi32>
        %ge3A_259 = arith.cmpi sge, %get3A_248, %ge3A_258 : vector<16xi32>
        %lt3A_260 = vector.broadcast %add3A_4 : i32 to vector<16xi32>
        %lt3A_261 = arith.cmpi slt, %get3A_248, %lt3A_260 : vector<16xi32>
        %and3A_262 = arith.andi %ge3A_259, %lt3A_261 : vector<16xi1>
        %convert_element_type3A_263 = arith.extui %and3A_262 : vector<16xi1> to vector<16xi32>
        %broadcast_in_dim3A_264 = arith.constant true
        %broadcast_in_dim3A_265 = vector.broadcast %broadcast_in_dim3A_264 : i1 to vector<16xi1>
        %masked_cumsum3A_266 = tpu.scan <sum>, %convert_element_type3A_263 masked %broadcast_in_dim3A_265 : vector<16xi32>, vector<16xi1> -> vector<16xi32>
        %add3A_267 = arith.addi %mul3A_45, %scan3A_159 : i32
        %add3A_268 = vector.broadcast %add3A_267 : i32 to vector<16xi32>
        %add3A_269 = arith.addi %add3A_268, %masked_cumsum3A : vector<16xi32>
        %sub3A_270 = arith.constant 1 : i32
        %sub3A_271 = vector.broadcast %sub3A_270 : i32 to vector<16xi32>
        %sub3A_272 = arith.subi %add3A_269, %sub3A_271 : vector<16xi32>
        tpu.vector_store_idx %arg9[%sub3A_272], %get3A_178 masked %and3A_182 : memref<16032xi32, #tpu.memory_space<vmem>>[vector<16xi32>], vector<16xi32>, vector<16xi1>
        %sub3A_273 = vector.broadcast %mul3A_2 : i32 to vector<16xi32>
        %sub3A_274 = arith.subi %get3A_169, %sub3A_273 : vector<16xi32>
        tpu.vector_store_idx %arg10[%sub3A_272], %sub3A_274 masked %and3A_182 : memref<16032xi32, #tpu.memory_space<vmem>>[vector<16xi32>], vector<16xi32>, vector<16xi1>
        %slice3A = vector.extract_strided_slice %masked_cumsum3A {offsets = [15], sizes = [1], strides = [1]} : vector<16xi32> to vector<1xi32>
        %squeeze3A = vector.extract %slice3A[0] : i32 from vector<1xi32>
        %add3A_275 = arith.addi %scan3A_159, %squeeze3A : i32
        %add3A_276 = arith.addi %mul3A_45, %add3A_275 : i32
        %add3A_277 = vector.broadcast %add3A_276 : i32 to vector<16xi32>
        %add3A_278 = arith.addi %add3A_277, %masked_cumsum3A_212 : vector<16xi32>
        %sub3A_279 = arith.constant 1 : i32
        %sub3A_280 = vector.broadcast %sub3A_279 : i32 to vector<16xi32>
        %sub3A_281 = arith.subi %add3A_278, %sub3A_280 : vector<16xi32>
        tpu.vector_store_idx %arg9[%sub3A_281], %get3A_203 masked %and3A_208 : memref<16032xi32, #tpu.memory_space<vmem>>[vector<16xi32>], vector<16xi32>, vector<16xi1>
        %sub3A_282 = vector.broadcast %mul3A_2 : i32 to vector<16xi32>
        %sub3A_283 = arith.subi %get3A_194, %sub3A_282 : vector<16xi32>
        tpu.vector_store_idx %arg10[%sub3A_281], %sub3A_283 masked %and3A_208 : memref<16032xi32, #tpu.memory_space<vmem>>[vector<16xi32>], vector<16xi32>, vector<16xi1>
        %slice3A_284 = vector.extract_strided_slice %masked_cumsum3A_212 {offsets = [15], sizes = [1], strides = [1]} : vector<16xi32> to vector<1xi32>
        %squeeze3A_285 = vector.extract %slice3A_284[0] : i32 from vector<1xi32>
        %add3A_286 = arith.addi %add3A_275, %squeeze3A_285 : i32
        %add3A_287 = arith.addi %mul3A_45, %add3A_286 : i32
        %add3A_288 = vector.broadcast %add3A_287 : i32 to vector<16xi32>
        %add3A_289 = arith.addi %add3A_288, %masked_cumsum3A_239 : vector<16xi32>
        %sub3A_290 = arith.constant 1 : i32
        %sub3A_291 = vector.broadcast %sub3A_290 : i32 to vector<16xi32>
        %sub3A_292 = arith.subi %add3A_289, %sub3A_291 : vector<16xi32>
        tpu.vector_store_idx %arg9[%sub3A_292], %get3A_230 masked %and3A_235 : memref<16032xi32, #tpu.memory_space<vmem>>[vector<16xi32>], vector<16xi32>, vector<16xi1>
        %sub3A_293 = vector.broadcast %mul3A_2 : i32 to vector<16xi32>
        %sub3A_294 = arith.subi %get3A_221, %sub3A_293 : vector<16xi32>
        tpu.vector_store_idx %arg10[%sub3A_292], %sub3A_294 masked %and3A_235 : memref<16032xi32, #tpu.memory_space<vmem>>[vector<16xi32>], vector<16xi32>, vector<16xi1>
        %slice3A_295 = vector.extract_strided_slice %masked_cumsum3A_239 {offsets = [15], sizes = [1], strides = [1]} : vector<16xi32> to vector<1xi32>
        %squeeze3A_296 = vector.extract %slice3A_295[0] : i32 from vector<1xi32>
        %add3A_297 = arith.addi %add3A_286, %squeeze3A_296 : i32
        %add3A_298 = arith.addi %mul3A_45, %add3A_297 : i32
        %add3A_299 = vector.broadcast %add3A_298 : i32 to vector<16xi32>
        %add3A_300 = arith.addi %add3A_299, %masked_cumsum3A_266 : vector<16xi32>
        %sub3A_301 = arith.constant 1 : i32
        %sub3A_302 = vector.broadcast %sub3A_301 : i32 to vector<16xi32>
        %sub3A_303 = arith.subi %add3A_300, %sub3A_302 : vector<16xi32>
        tpu.vector_store_idx %arg9[%sub3A_303], %get3A_257 masked %and3A_262 : memref<16032xi32, #tpu.memory_space<vmem>>[vector<16xi32>], vector<16xi32>, vector<16xi1>
        %sub3A_304 = vector.broadcast %mul3A_2 : i32 to vector<16xi32>
        %sub3A_305 = arith.subi %get3A_248, %sub3A_304 : vector<16xi32>
        tpu.vector_store_idx %arg10[%sub3A_303], %sub3A_305 masked %and3A_262 : memref<16032xi32, #tpu.memory_space<vmem>>[vector<16xi32>], vector<16xi32>, vector<16xi1>
        %slice3A_306 = vector.extract_strided_slice %masked_cumsum3A_266 {offsets = [15], sizes = [1], strides = [1]} : vector<16xi32> to vector<1xi32>
        %squeeze3A_307 = vector.extract %slice3A_306[0] : i32 from vector<1xi32>
        %add3A_308 = arith.addi %add3A_297, %squeeze3A_307 : i32
        scf.yield %add3A_308 : i32
      }
      %scan3A_77 = arith.constant 125 : i32
      %broadcast_in_dim3A = arith.constant 0 : i32
      %broadcast_in_dim3A_78 = vector.broadcast %broadcast_in_dim3A : i32 to vector<16xi32>
      %add3A_79 = arith.addi %mul3A_45, %scan3A_76 : i32
      %swap3A = arith.index_cast %add3A_79 : i32 to index
      %swap3A_80 = tpu.vector_load %arg9[%swap3A] {strides = array<i32>} : memref<16032xi32, #tpu.memory_space<vmem>>, vector<16xi32>,
      tpu.vector_store %arg9[%swap3A], %broadcast_in_dim3A_78 {strides = array<i32>} : memref<16032xi32, #tpu.memory_space<vmem>>, vector<16xi32>,
      %broadcast_in_dim3A_81 = arith.constant 313 : i32
      %broadcast_in_dim3A_82 = vector.broadcast %broadcast_in_dim3A_81 : i32 to vector<16xi32>
      %add3A_83 = arith.addi %mul3A_45, %scan3A_76 : i32
      %swap3A_84 = arith.index_cast %add3A_83 : i32 to index
      %swap3A_85 = tpu.vector_load %arg10[%swap3A_84] {strides = array<i32>} : memref<16032xi32, #tpu.memory_space<vmem>>, vector<16xi32>,
      tpu.vector_store %arg10[%swap3A_84], %broadcast_in_dim3A_82 {strides = array<i32>} : memref<16032xi32, #tpu.memory_space<vmem>>, vector<16xi32>,
      %add3A_86 = arith.constant 16 : i32
      %add3A_87 = arith.addi %scan3A_76, %add3A_86 : i32
      %sub3A = arith.constant 1 : i32
      %sub3A_88 = arith.subi %add3A_87, %sub3A : i32
      %jit3A = arith.constant 16 : i32
      %div3A = arith.divsi %sub3A_88, %jit3A : i32
      %sign3A = arith.constant 0 : i32
      %sign3A_89 = arith.cmpi sgt, %sub3A_88, %sign3A : i32
      %sign3A_90 = arith.extui %sign3A_89 : i1 to i32
      %sign3A_91 = arith.constant 0 : i32
      %sign3A_92 = arith.cmpi slt, %sub3A_88, %sign3A_91 : i32
      %sign3A_93 = arith.extui %sign3A_92 : i1 to i32
      %sign3A_94 = arith.subi %sign3A_90, %sign3A_93 : i32
      %sign3A_95 = arith.constant 0 : i32
      %sign3A_96 = arith.cmpi sgt, %jit3A, %sign3A_95 : i32
      %sign3A_97 = arith.extui %sign3A_96 : i1 to i32
      %sign3A_98 = arith.constant 0 : i32
      %sign3A_99 = arith.cmpi slt, %jit3A, %sign3A_98 : i32
      %sign3A_100 = arith.extui %sign3A_99 : i1 to i32
      %sign3A_101 = arith.subi %sign3A_97, %sign3A_100 : i32
      %ne3A = arith.cmpi ne, %sign3A_94, %sign3A_101 : i32
      %rem3A_102 = arith.remsi %sub3A_88, %jit3A : i32
      %ne3A_103 = arith.constant 0 : i32
      %ne3A_104 = arith.cmpi ne, %rem3A_102, %ne3A_103 : i32
      %and3A = arith.andi %ne3A, %ne3A_104 : i1
      %sub3A_105 = arith.constant 1 : i32
      %sub3A_106 = arith.subi %div3A, %sub3A_105 : i32
      %select_n3A = arith.select %and3A, %sub3A_106, %div3A : i32
      %gt3A = arith.constant 0 : i32
      %gt3A_107 = arith.cmpi sgt, %select_n3A, %gt3A : i32
      %convert_element_type3A_108 = arith.extui %gt3A_107 : i1 to i32
      %cond3A_109 = arith.constant 0 : i32
      %cond3A_110 = arith.cmpi ne, %convert_element_type3A_108, %cond3A_109 : i32
      scf.if %cond3A_110 {
        %rem3A_158 = arith.constant 0 : i32
        %rem3A_159 = arith.constant 8 : i32
        %rem3A_160 = arith.remsi %rem3A_158, %rem3A_159 : i32
        %add3A_161 = arith.constant 0 : i32
        %add3A_162 = arith.addi %mul3A_45, %add3A_161 : i32
        %get3A = arith.index_cast %add3A_162 : i32 to index
        %get3A_163 = tpu.vector_load %arg9[%get3A] {strides = array<i32>} : memref<16032xi32, #tpu.memory_space<vmem>>, vector<16xi32>,
        %dma_start3A_164 = arith.constant 0 : i32
        %dma_start3A_165 = arith.constant 0 : i32
        %dma_start3A_166 = tpu.memref_slice %arg11[%rem3A_160, %dma_start3A_164, %dma_start3A_165] : memref<8x16x128xf32, #tpu.memory_space<vmem>> -> memref<1x16x128xf32, #tpu.memory_space<vmem>>
        %dma_start3A_167 = tpu.memref_squeeze %dma_start3A_166 : memref<1x16x128xf32, #tpu.memory_space<vmem>> -> memref<16x128xf32, #tpu.memory_space<vmem>>
        %dma_start3A_168 = arith.constant 0 : i32
        %dma_start3A_169 = arith.constant 0 : i32
        %dma_start3A_170 = tpu.memref_slice %arg2[%dma_start3A_168, %dma_start3A_169] : memref<10000x128xf32, #tpu.memory_space<hbm>> -> memref<10000x128xf32, #tpu.memory_space<hbm>>
        %dma_start3A_171 = tpu.memref_slice %arg12[%rem3A_160] : memref<8x!tpu.dma_semaphore, #tpu.memory_space<semaphore_mem>> -> memref<1x!tpu.dma_semaphore, #tpu.memory_space<semaphore_mem>>
        %dma_start3A_172 = tpu.memref_squeeze %dma_start3A_171 : memref<1x!tpu.dma_semaphore, #tpu.memory_space<semaphore_mem>> -> memref<!tpu.dma_semaphore, #tpu.memory_space<semaphore_mem>>
        tpu.enqueue_indirect_dma source(%dma_start3A_170 : memref<10000x128xf32, #tpu.memory_space<hbm>>) target(%dma_start3A_167 : memref<16x128xf32, #tpu.memory_space<vmem>>) offsets(%get3A_163 : vector<16xi32>) semaphore(%dma_start3A_172 : memref<!tpu.dma_semaphore, #tpu.memory_space<semaphore_mem>>)
      } else {
      }
      %gt3A_111 = arith.constant 1 : i32
      %gt3A_112 = arith.cmpi sgt, %select_n3A, %gt3A_111 : i32
      %convert_element_type3A_113 = arith.extui %gt3A_112 : i1 to i32
      %cond3A_114 = arith.constant 0 : i32
      %cond3A_115 = arith.cmpi ne, %convert_element_type3A_113, %cond3A_114 : i32
      scf.if %cond3A_115 {
        %rem3A_158 = arith.constant 1 : i32
        %rem3A_159 = arith.constant 8 : i32
        %rem3A_160 = arith.remsi %rem3A_158, %rem3A_159 : i32
        %add3A_161 = arith.constant 16 : i32
        %add3A_162 = arith.addi %mul3A_45, %add3A_161 : i32
        %get3A = arith.index_cast %add3A_162 : i32 to index
        %get3A_163 = tpu.vector_load %arg9[%get3A] {strides = array<i32>} : memref<16032xi32, #tpu.memory_space<vmem>>, vector<16xi32>,
        %dma_start3A_164 = arith.constant 0 : i32
        %dma_start3A_165 = arith.constant 0 : i32
        %dma_start3A_166 = tpu.memref_slice %arg11[%rem3A_160, %dma_start3A_164, %dma_start3A_165] : memref<8x16x128xf32, #tpu.memory_space<vmem>> -> memref<1x16x128xf32, #tpu.memory_space<vmem>>
        %dma_start3A_167 = tpu.memref_squeeze %dma_start3A_166 : memref<1x16x128xf32, #tpu.memory_space<vmem>> -> memref<16x128xf32, #tpu.memory_space<vmem>>
        %dma_start3A_168 = arith.constant 0 : i32
        %dma_start3A_169 = arith.constant 0 : i32
        %dma_start3A_170 = tpu.memref_slice %arg2[%dma_start3A_168, %dma_start3A_169] : memref<10000x128xf32, #tpu.memory_space<hbm>> -> memref<10000x128xf32, #tpu.memory_space<hbm>>
        %dma_start3A_171 = tpu.memref_slice %arg12[%rem3A_160] : memref<8x!tpu.dma_semaphore, #tpu.memory_space<semaphore_mem>> -> memref<1x!tpu.dma_semaphore, #tpu.memory_space<semaphore_mem>>
        %dma_start3A_172 = tpu.memref_squeeze %dma_start3A_171 : memref<1x!tpu.dma_semaphore, #tpu.memory_space<semaphore_mem>> -> memref<!tpu.dma_semaphore, #tpu.memory_space<semaphore_mem>>
        tpu.enqueue_indirect_dma source(%dma_start3A_170 : memref<10000x128xf32, #tpu.memory_space<hbm>>) target(%dma_start3A_167 : memref<16x128xf32, #tpu.memory_space<vmem>>) offsets(%get3A_163 : vector<16xi32>) semaphore(%dma_start3A_172 : memref<!tpu.dma_semaphore, #tpu.memory_space<semaphore_mem>>)
      } else {
      }
      %gt3A_116 = arith.constant 2 : i32
      %gt3A_117 = arith.cmpi sgt, %select_n3A, %gt3A_116 : i32
      %convert_element_type3A_118 = arith.extui %gt3A_117 : i1 to i32
      %cond3A_119 = arith.constant 0 : i32
      %cond3A_120 = arith.cmpi ne, %convert_element_type3A_118, %cond3A_119 : i32
      scf.if %cond3A_120 {
        %rem3A_158 = arith.constant 2 : i32
        %rem3A_159 = arith.constant 8 : i32
        %rem3A_160 = arith.remsi %rem3A_158, %rem3A_159 : i32
        %add3A_161 = arith.constant 32 : i32
        %add3A_162 = arith.addi %mul3A_45, %add3A_161 : i32
        %get3A = arith.index_cast %add3A_162 : i32 to index
        %get3A_163 = tpu.vector_load %arg9[%get3A] {strides = array<i32>} : memref<16032xi32, #tpu.memory_space<vmem>>, vector<16xi32>,
        %dma_start3A_164 = arith.constant 0 : i32
        %dma_start3A_165 = arith.constant 0 : i32
        %dma_start3A_166 = tpu.memref_slice %arg11[%rem3A_160, %dma_start3A_164, %dma_start3A_165] : memref<8x16x128xf32, #tpu.memory_space<vmem>> -> memref<1x16x128xf32, #tpu.memory_space<vmem>>
        %dma_start3A_167 = tpu.memref_squeeze %dma_start3A_166 : memref<1x16x128xf32, #tpu.memory_space<vmem>> -> memref<16x128xf32, #tpu.memory_space<vmem>>
        %dma_start3A_168 = arith.constant 0 : i32
        %dma_start3A_169 = arith.constant 0 : i32
        %dma_start3A_170 = tpu.memref_slice %arg2[%dma_start3A_168, %dma_start3A_169] : memref<10000x128xf32, #tpu.memory_space<hbm>> -> memref<10000x128xf32, #tpu.memory_space<hbm>>
        %dma_start3A_171 = tpu.memref_slice %arg12[%rem3A_160] : memref<8x!tpu.dma_semaphore, #tpu.memory_space<semaphore_mem>> -> memref<1x!tpu.dma_semaphore, #tpu.memory_space<semaphore_mem>>
        %dma_start3A_172 = tpu.memref_squeeze %dma_start3A_171 : memref<1x!tpu.dma_semaphore, #tpu.memory_space<semaphore_mem>> -> memref<!tpu.dma_semaphore, #tpu.memory_space<semaphore_mem>>
        tpu.enqueue_indirect_dma source(%dma_start3A_170 : memref<10000x128xf32, #tpu.memory_space<hbm>>) target(%dma_start3A_167 : memref<16x128xf32, #tpu.memory_space<vmem>>) offsets(%get3A_163 : vector<16xi32>) semaphore(%dma_start3A_172 : memref<!tpu.dma_semaphore, #tpu.memory_space<semaphore_mem>>)
      } else {
      }
      %gt3A_121 = arith.constant 3 : i32
      %gt3A_122 = arith.cmpi sgt, %select_n3A, %gt3A_121 : i32
      %convert_element_type3A_123 = arith.extui %gt3A_122 : i1 to i32
      %cond3A_124 = arith.constant 0 : i32
      %cond3A_125 = arith.cmpi ne, %convert_element_type3A_123, %cond3A_124 : i32
      scf.if %cond3A_125 {
        %rem3A_158 = arith.constant 3 : i32
        %rem3A_159 = arith.constant 8 : i32
        %rem3A_160 = arith.remsi %rem3A_158, %rem3A_159 : i32
        %add3A_161 = arith.constant 48 : i32
        %add3A_162 = arith.addi %mul3A_45, %add3A_161 : i32
        %get3A = arith.index_cast %add3A_162 : i32 to index
        %get3A_163 = tpu.vector_load %arg9[%get3A] {strides = array<i32>} : memref<16032xi32, #tpu.memory_space<vmem>>, vector<16xi32>,
        %dma_start3A_164 = arith.constant 0 : i32
        %dma_start3A_165 = arith.constant 0 : i32
        %dma_start3A_166 = tpu.memref_slice %arg11[%rem3A_160, %dma_start3A_164, %dma_start3A_165] : memref<8x16x128xf32, #tpu.memory_space<vmem>> -> memref<1x16x128xf32, #tpu.memory_space<vmem>>
        %dma_start3A_167 = tpu.memref_squeeze %dma_start3A_166 : memref<1x16x128xf32, #tpu.memory_space<vmem>> -> memref<16x128xf32, #tpu.memory_space<vmem>>
        %dma_start3A_168 = arith.constant 0 : i32
        %dma_start3A_169 = arith.constant 0 : i32
        %dma_start3A_170 = tpu.memref_slice %arg2[%dma_start3A_168, %dma_start3A_169] : memref<10000x128xf32, #tpu.memory_space<hbm>> -> memref<10000x128xf32, #tpu.memory_space<hbm>>
        %dma_start3A_171 = tpu.memref_slice %arg12[%rem3A_160] : memref<8x!tpu.dma_semaphore, #tpu.memory_space<semaphore_mem>> -> memref<1x!tpu.dma_semaphore, #tpu.memory_space<semaphore_mem>>
        %dma_start3A_172 = tpu.memref_squeeze %dma_start3A_171 : memref<1x!tpu.dma_semaphore, #tpu.memory_space<semaphore_mem>> -> memref<!tpu.dma_semaphore, #tpu.memory_space<semaphore_mem>>
        tpu.enqueue_indirect_dma source(%dma_start3A_170 : memref<10000x128xf32, #tpu.memory_space<hbm>>) target(%dma_start3A_167 : memref<16x128xf32, #tpu.memory_space<vmem>>) offsets(%get3A_163 : vector<16xi32>) semaphore(%dma_start3A_172 : memref<!tpu.dma_semaphore, #tpu.memory_space<semaphore_mem>>)
      } else {
      }
      %gt3A_126 = arith.constant 4 : i32
      %gt3A_127 = arith.cmpi sgt, %select_n3A, %gt3A_126 : i32
      %convert_element_type3A_128 = arith.extui %gt3A_127 : i1 to i32
      %cond3A_129 = arith.constant 0 : i32
      %cond3A_130 = arith.cmpi ne, %convert_element_type3A_128, %cond3A_129 : i32
      scf.if %cond3A_130 {
        %rem3A_158 = arith.constant 4 : i32
        %rem3A_159 = arith.constant 8 : i32
        %rem3A_160 = arith.remsi %rem3A_158, %rem3A_159 : i32
        %add3A_161 = arith.constant 64 : i32
        %add3A_162 = arith.addi %mul3A_45, %add3A_161 : i32
        %get3A = arith.index_cast %add3A_162 : i32 to index
        %get3A_163 = tpu.vector_load %arg9[%get3A] {strides = array<i32>} : memref<16032xi32, #tpu.memory_space<vmem>>, vector<16xi32>,
        %dma_start3A_164 = arith.constant 0 : i32
        %dma_start3A_165 = arith.constant 0 : i32
        %dma_start3A_166 = tpu.memref_slice %arg11[%rem3A_160, %dma_start3A_164, %dma_start3A_165] : memref<8x16x128xf32, #tpu.memory_space<vmem>> -> memref<1x16x128xf32, #tpu.memory_space<vmem>>
        %dma_start3A_167 = tpu.memref_squeeze %dma_start3A_166 : memref<1x16x128xf32, #tpu.memory_space<vmem>> -> memref<16x128xf32, #tpu.memory_space<vmem>>
        %dma_start3A_168 = arith.constant 0 : i32
        %dma_start3A_169 = arith.constant 0 : i32
        %dma_start3A_170 = tpu.memref_slice %arg2[%dma_start3A_168, %dma_start3A_169] : memref<10000x128xf32, #tpu.memory_space<hbm>> -> memref<10000x128xf32, #tpu.memory_space<hbm>>
        %dma_start3A_171 = tpu.memref_slice %arg12[%rem3A_160] : memref<8x!tpu.dma_semaphore, #tpu.memory_space<semaphore_mem>> -> memref<1x!tpu.dma_semaphore, #tpu.memory_space<semaphore_mem>>
        %dma_start3A_172 = tpu.memref_squeeze %dma_start3A_171 : memref<1x!tpu.dma_semaphore, #tpu.memory_space<semaphore_mem>> -> memref<!tpu.dma_semaphore, #tpu.memory_space<semaphore_mem>>
        tpu.enqueue_indirect_dma source(%dma_start3A_170 : memref<10000x128xf32, #tpu.memory_space<hbm>>) target(%dma_start3A_167 : memref<16x128xf32, #tpu.memory_space<vmem>>) offsets(%get3A_163 : vector<16xi32>) semaphore(%dma_start3A_172 : memref<!tpu.dma_semaphore, #tpu.memory_space<semaphore_mem>>)
      } else {
      }
      %gt3A_131 = arith.constant 5 : i32
      %gt3A_132 = arith.cmpi sgt, %select_n3A, %gt3A_131 : i32
      %convert_element_type3A_133 = arith.extui %gt3A_132 : i1 to i32
      %cond3A_134 = arith.constant 0 : i32
      %cond3A_135 = arith.cmpi ne, %convert_element_type3A_133, %cond3A_134 : i32
      scf.if %cond3A_135 {
        %rem3A_158 = arith.constant 5 : i32
        %rem3A_159 = arith.constant 8 : i32
        %rem3A_160 = arith.remsi %rem3A_158, %rem3A_159 : i32
        %add3A_161 = arith.constant 80 : i32
        %add3A_162 = arith.addi %mul3A_45, %add3A_161 : i32
        %get3A = arith.index_cast %add3A_162 : i32 to index
        %get3A_163 = tpu.vector_load %arg9[%get3A] {strides = array<i32>} : memref<16032xi32, #tpu.memory_space<vmem>>, vector<16xi32>,
        %dma_start3A_164 = arith.constant 0 : i32
        %dma_start3A_165 = arith.constant 0 : i32
        %dma_start3A_166 = tpu.memref_slice %arg11[%rem3A_160, %dma_start3A_164, %dma_start3A_165] : memref<8x16x128xf32, #tpu.memory_space<vmem>> -> memref<1x16x128xf32, #tpu.memory_space<vmem>>
        %dma_start3A_167 = tpu.memref_squeeze %dma_start3A_166 : memref<1x16x128xf32, #tpu.memory_space<vmem>> -> memref<16x128xf32, #tpu.memory_space<vmem>>
        %dma_start3A_168 = arith.constant 0 : i32
        %dma_start3A_169 = arith.constant 0 : i32
        %dma_start3A_170 = tpu.memref_slice %arg2[%dma_start3A_168, %dma_start3A_169] : memref<10000x128xf32, #tpu.memory_space<hbm>> -> memref<10000x128xf32, #tpu.memory_space<hbm>>
        %dma_start3A_171 = tpu.memref_slice %arg12[%rem3A_160] : memref<8x!tpu.dma_semaphore, #tpu.memory_space<semaphore_mem>> -> memref<1x!tpu.dma_semaphore, #tpu.memory_space<semaphore_mem>>
        %dma_start3A_172 = tpu.memref_squeeze %dma_start3A_171 : memref<1x!tpu.dma_semaphore, #tpu.memory_space<semaphore_mem>> -> memref<!tpu.dma_semaphore, #tpu.memory_space<semaphore_mem>>
        tpu.enqueue_indirect_dma source(%dma_start3A_170 : memref<10000x128xf32, #tpu.memory_space<hbm>>) target(%dma_start3A_167 : memref<16x128xf32, #tpu.memory_space<vmem>>) offsets(%get3A_163 : vector<16xi32>) semaphore(%dma_start3A_172 : memref<!tpu.dma_semaphore, #tpu.memory_space<semaphore_mem>>)
      } else {
      }
      %gt3A_136 = arith.constant 6 : i32
      %gt3A_137 = arith.cmpi sgt, %select_n3A, %gt3A_136 : i32
      %convert_element_type3A_138 = arith.extui %gt3A_137 : i1 to i32
      %cond3A_139 = arith.constant 0 : i32
      %cond3A_140 = arith.cmpi ne, %convert_element_type3A_138, %cond3A_139 : i32
      scf.if %cond3A_140 {
        %rem3A_158 = arith.constant 6 : i32
        %rem3A_159 = arith.constant 8 : i32
        %rem3A_160 = arith.remsi %rem3A_158, %rem3A_159 : i32
        %add3A_161 = arith.constant 96 : i32
        %add3A_162 = arith.addi %mul3A_45, %add3A_161 : i32
        %get3A = arith.index_cast %add3A_162 : i32 to index
        %get3A_163 = tpu.vector_load %arg9[%get3A] {strides = array<i32>} : memref<16032xi32, #tpu.memory_space<vmem>>, vector<16xi32>,
        %dma_start3A_164 = arith.constant 0 : i32
        %dma_start3A_165 = arith.constant 0 : i32
        %dma_start3A_166 = tpu.memref_slice %arg11[%rem3A_160, %dma_start3A_164, %dma_start3A_165] : memref<8x16x128xf32, #tpu.memory_space<vmem>> -> memref<1x16x128xf32, #tpu.memory_space<vmem>>
        %dma_start3A_167 = tpu.memref_squeeze %dma_start3A_166 : memref<1x16x128xf32, #tpu.memory_space<vmem>> -> memref<16x128xf32, #tpu.memory_space<vmem>>
        %dma_start3A_168 = arith.constant 0 : i32
        %dma_start3A_169 = arith.constant 0 : i32
        %dma_start3A_170 = tpu.memref_slice %arg2[%dma_start3A_168, %dma_start3A_169] : memref<10000x128xf32, #tpu.memory_space<hbm>> -> memref<10000x128xf32, #tpu.memory_space<hbm>>
        %dma_start3A_171 = tpu.memref_slice %arg12[%rem3A_160] : memref<8x!tpu.dma_semaphore, #tpu.memory_space<semaphore_mem>> -> memref<1x!tpu.dma_semaphore, #tpu.memory_space<semaphore_mem>>
        %dma_start3A_172 = tpu.memref_squeeze %dma_start3A_171 : memref<1x!tpu.dma_semaphore, #tpu.memory_space<semaphore_mem>> -> memref<!tpu.dma_semaphore, #tpu.memory_space<semaphore_mem>>
        tpu.enqueue_indirect_dma source(%dma_start3A_170 : memref<10000x128xf32, #tpu.memory_space<hbm>>) target(%dma_start3A_167 : memref<16x128xf32, #tpu.memory_space<vmem>>) offsets(%get3A_163 : vector<16xi32>) semaphore(%dma_start3A_172 : memref<!tpu.dma_semaphore, #tpu.memory_space<semaphore_mem>>)
      } else {
      }
      %gt3A_141 = arith.constant 7 : i32
      %gt3A_142 = arith.cmpi sgt, %select_n3A, %gt3A_141 : i32
      %convert_element_type3A_143 = arith.extui %gt3A_142 : i1 to i32
      %cond3A_144 = arith.constant 0 : i32
      %cond3A_145 = arith.cmpi ne, %convert_element_type3A_143, %cond3A_144 : i32
      scf.if %cond3A_145 {
        %rem3A_158 = arith.constant 7 : i32
        %rem3A_159 = arith.constant 8 : i32
        %rem3A_160 = arith.remsi %rem3A_158, %rem3A_159 : i32
        %add3A_161 = arith.constant 112 : i32
        %add3A_162 = arith.addi %mul3A_45, %add3A_161 : i32
        %get3A = arith.index_cast %add3A_162 : i32 to index
        %get3A_163 = tpu.vector_load %arg9[%get3A] {strides = array<i32>} : memref<16032xi32, #tpu.memory_space<vmem>>, vector<16xi32>,
        %dma_start3A_164 = arith.constant 0 : i32
        %dma_start3A_165 = arith.constant 0 : i32
        %dma_start3A_166 = tpu.memref_slice %arg11[%rem3A_160, %dma_start3A_164, %dma_start3A_165] : memref<8x16x128xf32, #tpu.memory_space<vmem>> -> memref<1x16x128xf32, #tpu.memory_space<vmem>>
        %dma_start3A_167 = tpu.memref_squeeze %dma_start3A_166 : memref<1x16x128xf32, #tpu.memory_space<vmem>> -> memref<16x128xf32, #tpu.memory_space<vmem>>
        %dma_start3A_168 = arith.constant 0 : i32
        %dma_start3A_169 = arith.constant 0 : i32
        %dma_start3A_170 = tpu.memref_slice %arg2[%dma_start3A_168, %dma_start3A_169] : memref<10000x128xf32, #tpu.memory_space<hbm>> -> memref<10000x128xf32, #tpu.memory_space<hbm>>
        %dma_start3A_171 = tpu.memref_slice %arg12[%rem3A_160] : memref<8x!tpu.dma_semaphore, #tpu.memory_space<semaphore_mem>> -> memref<1x!tpu.dma_semaphore, #tpu.memory_space<semaphore_mem>>
        %dma_start3A_172 = tpu.memref_squeeze %dma_start3A_171 : memref<1x!tpu.dma_semaphore, #tpu.memory_space<semaphore_mem>> -> memref<!tpu.dma_semaphore, #tpu.memory_space<semaphore_mem>>
        tpu.enqueue_indirect_dma source(%dma_start3A_170 : memref<10000x128xf32, #tpu.memory_space<hbm>>) target(%dma_start3A_167 : memref<16x128xf32, #tpu.memory_space<vmem>>) offsets(%get3A_163 : vector<16xi32>) semaphore(%dma_start3A_172 : memref<!tpu.dma_semaphore, #tpu.memory_space<semaphore_mem>>)
      } else {
      }
      %while3A = arith.constant 0 : i32
      %while3A_146 = arith.constant 0 : i32
      %while3A_147 = arith.subi %select_n3A, %while3A : i32
      %while3A_148 = arith.addi %while3A, %while3A_147 : i32
      %while3A_149 = arith.constant 1 : i32
      %while3A_150 = arith.divsi %while3A_147, %while3A_149 : i32
      %while3A_151 = arith.muli %while3A_150, %while3A_149 : i32
      %while3A_152 = arith.addi %while3A, %while3A_151 : i32
      %while3A_153 = arith.constant 1 : i32
      %while3A_154 = scf.for %while3A_158 = %while3A to %while3A_152 step %while3A_153 iter_args(%while3A_159 = %while3A_146) -> (i32)  : i32 {
        %rem3A_160 = arith.constant 8 : i32
        %rem3A_161 = arith.remsi %while3A_158, %rem3A_160 : i32
        %mul3A_162 = arith.constant 16 : i32
        %mul3A_163 = arith.muli %while3A_158, %mul3A_162 : i32
        %add3A_164 = arith.addi %mul3A_45, %mul3A_163 : i32
        %get3A = arith.index_cast %add3A_164 : i32 to index
        %get3A_165 = tpu.vector_load %arg10[%get3A] {strides = array<i32>} : memref<16032xi32, #tpu.memory_space<vmem>>, vector<16xi32>,
        %dma_wait3A_166 = arith.constant 0 : i32
        %dma_wait3A_167 = arith.constant 0 : i32
        %dma_wait3A_168 = tpu.memref_slice %arg11[%rem3A_161, %dma_wait3A_166, %dma_wait3A_167] : memref<8x16x128xf32, #tpu.memory_space<vmem>> -> memref<1x16x128xf32, #tpu.memory_space<vmem>>
        %dma_wait3A_169 = tpu.memref_squeeze %dma_wait3A_168 : memref<1x16x128xf32, #tpu.memory_space<vmem>> -> memref<16x128xf32, #tpu.memory_space<vmem>>
        %dma_wait3A_170 = arith.constant 0 : i32
        %dma_wait3A_171 = arith.constant 0 : i32
        %dma_wait3A_172 = tpu.memref_slice %arg2[%dma_wait3A_170, %dma_wait3A_171] : memref<10000x128xf32, #tpu.memory_space<hbm>> -> memref<16x128xf32, #tpu.memory_space<hbm>>
        %dma_wait3A_173 = tpu.memref_slice %arg12[%rem3A_161] : memref<8x!tpu.dma_semaphore, #tpu.memory_space<semaphore_mem>> -> memref<1x!tpu.dma_semaphore, #tpu.memory_space<semaphore_mem>>
        %dma_wait3A_174 = tpu.memref_squeeze %dma_wait3A_173 : memref<1x!tpu.dma_semaphore, #tpu.memory_space<semaphore_mem>> -> memref<!tpu.dma_semaphore, #tpu.memory_space<semaphore_mem>>
        %dma_wait3A_175 = arith.constant 0 : i32
        %dma_wait3A_176 = arith.constant 0 : i32
        %dma_wait3A_177 = tpu.memref_slice %arg11[%rem3A_161, %dma_wait3A_175, %dma_wait3A_176] : memref<8x16x128xf32, #tpu.memory_space<vmem>> -> memref<1x16x128xf32, #tpu.memory_space<vmem>>
        %dma_wait3A_178 = tpu.memref_squeeze %dma_wait3A_177 : memref<1x16x128xf32, #tpu.memory_space<vmem>> -> memref<16x128xf32, #tpu.memory_space<vmem>>
        %dma_wait3A_179 = arith.constant 0 : i32
        %dma_wait3A_180 = arith.constant 0 : i32
        %dma_wait3A_181 = tpu.memref_slice %arg2[%dma_wait3A_179, %dma_wait3A_180] : memref<10000x128xf32, #tpu.memory_space<hbm>> -> memref<16x128xf32, #tpu.memory_space<hbm>>
        tpu.wait_dma2 semaphore(%dma_wait3A_174 : memref<!tpu.dma_semaphore, #tpu.memory_space<semaphore_mem>>) src(%dma_wait3A_181 : memref<16x128xf32, #tpu.memory_space<hbm>>) dst(%dma_wait3A_178 : memref<16x128xf32, #tpu.memory_space<vmem>>)
        %slice3A = vector.extract_strided_slice %get3A_165 {offsets = [0], sizes = [1], strides = [1]} : vector<16xi32> to vector<1xi32>
        %squeeze3A = vector.extract %slice3A[0] : i32 from vector<1xi32>
        %mul3A_182 = arith.constant 128 : i32
        %mul3A_183 = arith.muli %squeeze3A, %mul3A_182 : i32
        %add3A_184 = arith.constant 0 : i32
        %add3A_185 = arith.addi %mul3A_183, %add3A_184 : i32
        %get3A_186 = arith.index_cast %add3A_185 : i32 to index
        %get3A_187 = tpu.vector_load %arg6[%get3A_186] {strides = array<i32>} : memref<40192xf32, #tpu.memory_space<vmem>>, vector<16xf32>,
        %get3A_188 = arith.constant 0 : i32
        %get3A_189 = arith.index_cast %rem3A_161 : i32 to index
        %get3A_190 = arith.index_cast %get3A_188 : i32 to index
        %get3A_191 = arith.constant 0 : index
        %get3A_192 = tpu.vector_load %arg11[%get3A_189, %get3A_190, %get3A_191] {strides = array<i32>} : memref<8x16x128xf32, #tpu.memory_space<vmem>>, vector<16xf32>,
        %max3A = arith.maximumf %get3A_187, %get3A_192 : vector<16xf32>
        %add3A_193 = arith.constant 0 : i32
        %add3A_194 = arith.addi %mul3A_183, %add3A_193 : i32
        %swap3A_195 = arith.index_cast %add3A_194 : i32 to index
        %swap3A_196 = tpu.vector_load %arg6[%swap3A_195] {strides = array<i32>} : memref<40192xf32, #tpu.memory_space<vmem>>, vector<16xf32>,
        tpu.vector_store %arg6[%swap3A_195], %max3A {strides = array<i32>} : memref<40192xf32, #tpu.memory_space<vmem>>, vector<16xf32>,
        %add3A_197 = arith.constant 16 : i32
        %add3A_198 = arith.addi %mul3A_183, %add3A_197 : i32
        %get3A_199 = arith.index_cast %add3A_198 : i32 to index
        %get3A_200 = tpu.vector_load %arg6[%get3A_199] {strides = array<i32>} : memref<40192xf32, #tpu.memory_space<vmem>>, vector<16xf32>,
        %get3A_201 = arith.constant 0 : i32
        %get3A_202 = arith.index_cast %rem3A_161 : i32 to index
        %get3A_203 = arith.index_cast %get3A_201 : i32 to index
        %get3A_204 = arith.constant 16 : index
        %get3A_205 = tpu.vector_load %arg11[%get3A_202, %get3A_203, %get3A_204] {strides = array<i32>} : memref<8x16x128xf32, #tpu.memory_space<vmem>>, vector<16xf32>,
        %max3A_206 = arith.maximumf %get3A_200, %get3A_205 : vector<16xf32>
        %add3A_207 = arith.constant 16 : i32
        %add3A_208 = arith.addi %mul3A_183, %add3A_207 : i32
        %swap3A_209 = arith.index_cast %add3A_208 : i32 to index
        %swap3A_210 = tpu.vector_load %arg6[%swap3A_209] {strides = array<i32>} : memref<40192xf32, #tpu.memory_space<vmem>>, vector<16xf32>,
        tpu.vector_store %arg6[%swap3A_209], %max3A_206 {strides = array<i32>} : memref<40192xf32, #tpu.memory_space<vmem>>, vector<16xf32>,
        %add3A_211 = arith.constant 32 : i32
        %add3A_212 = arith.addi %mul3A_183, %add3A_211 : i32
        %get3A_213 = arith.index_cast %add3A_212 : i32 to index
        %get3A_214 = tpu.vector_load %arg6[%get3A_213] {strides = array<i32>} : memref<40192xf32, #tpu.memory_space<vmem>>, vector<16xf32>,
        %get3A_215 = arith.constant 0 : i32
        %get3A_216 = arith.index_cast %rem3A_161 : i32 to index
        %get3A_217 = arith.index_cast %get3A_215 : i32 to index
        %get3A_218 = arith.constant 32 : index
        %get3A_219 = tpu.vector_load %arg11[%get3A_216, %get3A_217, %get3A_218] {strides = array<i32>} : memref<8x16x128xf32, #tpu.memory_space<vmem>>, vector<16xf32>,
        %max3A_220 = arith.maximumf %get3A_214, %get3A_219 : vector<16xf32>
        %add3A_221 = arith.constant 32 : i32
        %add3A_222 = arith.addi %mul3A_183, %add3A_221 : i32
        %swap3A_223 = arith.index_cast %add3A_222 : i32 to index
        %swap3A_224 = tpu.vector_load %arg6[%swap3A_223] {strides = array<i32>} : memref<40192xf32, #tpu.memory_space<vmem>>, vector<16xf32>,
        tpu.vector_store %arg6[%swap3A_223], %max3A_220 {strides = array<i32>} : memref<40192xf32, #tpu.memory_space<vmem>>, vector<16xf32>,
        %add3A_225 = arith.constant 48 : i32
        %add3A_226 = arith.addi %mul3A_183, %add3A_225 : i32
        %get3A_227 = arith.index_cast %add3A_226 : i32 to index
        %get3A_228 = tpu.vector_load %arg6[%get3A_227] {strides = array<i32>} : memref<40192xf32, #tpu.memory_space<vmem>>, vector<16xf32>,
        %get3A_229 = arith.constant 0 : i32
        %get3A_230 = arith.index_cast %rem3A_161 : i32 to index
        %get3A_231 = arith.index_cast %get3A_229 : i32 to index
        %get3A_232 = arith.constant 48 : index
        %get3A_233 = tpu.vector_load %arg11[%get3A_230, %get3A_231, %get3A_232] {strides = array<i32>} : memref<8x16x128xf32, #tpu.memory_space<vmem>>, vector<16xf32>,
        %max3A_234 = arith.maximumf %get3A_228, %get3A_233 : vector<16xf32>
        %add3A_235 = arith.constant 48 : i32
        %add3A_236 = arith.addi %mul3A_183, %add3A_235 : i32
        %swap3A_237 = arith.index_cast %add3A_236 : i32 to index
        %swap3A_238 = tpu.vector_load %arg6[%swap3A_237] {strides = array<i32>} : memref<40192xf32, #tpu.memory_space<vmem>>, vector<16xf32>,
        tpu.vector_store %arg6[%swap3A_237], %max3A_234 {strides = array<i32>} : memref<40192xf32, #tpu.memory_space<vmem>>, vector<16xf32>,
        %add3A_239 = arith.constant 64 : i32
        %add3A_240 = arith.addi %mul3A_183, %add3A_239 : i32
        %get3A_241 = arith.index_cast %add3A_240 : i32 to index
        %get3A_242 = tpu.vector_load %arg6[%get3A_241] {strides = array<i32>} : memref<40192xf32, #tpu.memory_space<vmem>>, vector<16xf32>,
        %get3A_243 = arith.constant 0 : i32
        %get3A_244 = arith.index_cast %rem3A_161 : i32 to index
        %get3A_245 = arith.index_cast %get3A_243 : i32 to index
        %get3A_246 = arith.constant 64 : index
        %get3A_247 = tpu.vector_load %arg11[%get3A_244, %get3A_245, %get3A_246] {strides = array<i32>} : memref<8x16x128xf32, #tpu.memory_space<vmem>>, vector<16xf32>,
        %max3A_248 = arith.maximumf %get3A_242, %get3A_247 : vector<16xf32>
        %add3A_249 = arith.constant 64 : i32
        %add3A_250 = arith.addi %mul3A_183, %add3A_249 : i32
        %swap3A_251 = arith.index_cast %add3A_250 : i32 to index
        %swap3A_252 = tpu.vector_load %arg6[%swap3A_251] {strides = array<i32>} : memref<40192xf32, #tpu.memory_space<vmem>>, vector<16xf32>,
        tpu.vector_store %arg6[%swap3A_251], %max3A_248 {strides = array<i32>} : memref<40192xf32, #tpu.memory_space<vmem>>, vector<16xf32>,
        %add3A_253 = arith.constant 80 : i32
        %add3A_254 = arith.addi %mul3A_183, %add3A_253 : i32
        %get3A_255 = arith.index_cast %add3A_254 : i32 to index
        %get3A_256 = tpu.vector_load %arg6[%get3A_255] {strides = array<i32>} : memref<40192xf32, #tpu.memory_space<vmem>>, vector<16xf32>,
        %get3A_257 = arith.constant 0 : i32
        %get3A_258 = arith.index_cast %rem3A_161 : i32 to index
        %get3A_259 = arith.index_cast %get3A_257 : i32 to index
        %get3A_260 = arith.constant 80 : index
        %get3A_261 = tpu.vector_load %arg11[%get3A_258, %get3A_259, %get3A_260] {strides = array<i32>} : memref<8x16x128xf32, #tpu.memory_space<vmem>>, vector<16xf32>,
        %max3A_262 = arith.maximumf %get3A_256, %get3A_261 : vector<16xf32>
        %add3A_263 = arith.constant 80 : i32
        %add3A_264 = arith.addi %mul3A_183, %add3A_263 : i32
        %swap3A_265 = arith.index_cast %add3A_264 : i32 to index
        %swap3A_266 = tpu.vector_load %arg6[%swap3A_265] {strides = array<i32>} : memref<40192xf32, #tpu.memory_space<vmem>>, vector<16xf32>,
        tpu.vector_store %arg6[%swap3A_265], %max3A_262 {strides = array<i32>} : memref<40192xf32, #tpu.memory_space<vmem>>, vector<16xf32>,
        %add3A_267 = arith.constant 96 : i32
        %add3A_268 = arith.addi %mul3A_183, %add3A_267 : i32
        %get3A_269 = arith.index_cast %add3A_268 : i32 to index
        %get3A_270 = tpu.vector_load %arg6[%get3A_269] {strides = array<i32>} : memref<40192xf32, #tpu.memory_space<vmem>>, vector<16xf32>,
        %get3A_271 = arith.constant 0 : i32
        %get3A_272 = arith.index_cast %rem3A_161 : i32 to index
        %get3A_273 = arith.index_cast %get3A_271 : i32 to index
        %get3A_274 = arith.constant 96 : index
        %get3A_275 = tpu.vector_load %arg11[%get3A_272, %get3A_273, %get3A_274] {strides = array<i32>} : memref<8x16x128xf32, #tpu.memory_space<vmem>>, vector<16xf32>,
        %max3A_276 = arith.maximumf %get3A_270, %get3A_275 : vector<16xf32>
        %add3A_277 = arith.constant 96 : i32
        %add3A_278 = arith.addi %mul3A_183, %add3A_277 : i32
        %swap3A_279 = arith.index_cast %add3A_278 : i32 to index
        %swap3A_280 = tpu.vector_load %arg6[%swap3A_279] {strides = array<i32>} : memref<40192xf32, #tpu.memory_space<vmem>>, vector<16xf32>,
        tpu.vector_store %arg6[%swap3A_279], %max3A_276 {strides = array<i32>} : memref<40192xf32, #tpu.memory_space<vmem>>, vector<16xf32>,
        %add3A_281 = arith.constant 112 : i32
        %add3A_282 = arith.addi %mul3A_183, %add3A_281 : i32
        %get3A_283 = arith.index_cast %add3A_282 : i32 to index
        %get3A_284 = tpu.vector_load %arg6[%get3A_283] {strides = array<i32>} : memref<40192xf32, #tpu.memory_space<vmem>>, vector<16xf32>,
        %get3A_285 = arith.constant 0 : i32
        %get3A_286 = arith.index_cast %rem3A_161 : i32 to index
        %get3A_287 = arith.index_cast %get3A_285 : i32 to index
        %get3A_288 = arith.constant 112 : index
        %get3A_289 = tpu.vector_load %arg11[%get3A_286, %get3A_287, %get3A_288] {strides = array<i32>} : memref<8x16x128xf32, #tpu.memory_space<vmem>>, vector<16xf32>,
        %max3A_290 = arith.maximumf %get3A_284, %get3A_289 : vector<16xf32>
        %add3A_291 = arith.constant 112 : i32
        %add3A_292 = arith.addi %mul3A_183, %add3A_291 : i32
        %swap3A_293 = arith.index_cast %add3A_292 : i32 to index
        %swap3A_294 = tpu.vector_load %arg6[%swap3A_293] {strides = array<i32>} : memref<40192xf32, #tpu.memory_space<vmem>>, vector<16xf32>,
        tpu.vector_store %arg6[%swap3A_293], %max3A_290 {strides = array<i32>} : memref<40192xf32, #tpu.memory_space<vmem>>, vector<16xf32>,
        %slice3A_295 = vector.extract_strided_slice %get3A_165 {offsets = [1], sizes = [1], strides = [1]} : vector<16xi32> to vector<1xi32>
        %squeeze3A_296 = vector.extract %slice3A_295[0] : i32 from vector<1xi32>
        %mul3A_297 = arith.constant 128 : i32
        %mul3A_298 = arith.muli %squeeze3A_296, %mul3A_297 : i32
        %add3A_299 = arith.constant 0 : i32
        %add3A_300 = arith.addi %mul3A_298, %add3A_299 : i32
        %get3A_301 = arith.index_cast %add3A_300 : i32 to index
        %get3A_302 = tpu.vector_load %arg6[%get3A_301] {strides = array<i32>} : memref<40192xf32, #tpu.memory_space<vmem>>, vector<16xf32>,
        %get3A_303 = arith.constant 1 : i32
        %get3A_304 = arith.index_cast %rem3A_161 : i32 to index
        %get3A_305 = arith.index_cast %get3A_303 : i32 to index
        %get3A_306 = arith.constant 0 : index
        %get3A_307 = tpu.vector_load %arg11[%get3A_304, %get3A_305, %get3A_306] {strides = array<i32>} : memref<8x16x128xf32, #tpu.memory_space<vmem>>, vector<16xf32>,
        %max3A_308 = arith.maximumf %get3A_302, %get3A_307 : vector<16xf32>
        %add3A_309 = arith.constant 0 : i32
        %add3A_310 = arith.addi %mul3A_298, %add3A_309 : i32
        %swap3A_311 = arith.index_cast %add3A_310 : i32 to index
        %swap3A_312 = tpu.vector_load %arg6[%swap3A_311] {strides = array<i32>} : memref<40192xf32, #tpu.memory_space<vmem>>, vector<16xf32>,
        tpu.vector_store %arg6[%swap3A_311], %max3A_308 {strides = array<i32>} : memref<40192xf32, #tpu.memory_space<vmem>>, vector<16xf32>,
        %add3A_313 = arith.constant 16 : i32
        %add3A_314 = arith.addi %mul3A_298, %add3A_313 : i32
        %get3A_315 = arith.index_cast %add3A_314 : i32 to index
        %get3A_316 = tpu.vector_load %arg6[%get3A_315] {strides = array<i32>} : memref<40192xf32, #tpu.memory_space<vmem>>, vector<16xf32>,
        %get3A_317 = arith.constant 1 : i32
        %get3A_318 = arith.index_cast %rem3A_161 : i32 to index
        %get3A_319 = arith.index_cast %get3A_317 : i32 to index
        %get3A_320 = arith.constant 16 : index
        %get3A_321 = tpu.vector_load %arg11[%get3A_318, %get3A_319, %get3A_320] {strides = array<i32>} : memref<8x16x128xf32, #tpu.memory_space<vmem>>, vector<16xf32>,
        %max3A_322 = arith.maximumf %get3A_316, %get3A_321 : vector<16xf32>
        %add3A_323 = arith.constant 16 : i32
        %add3A_324 = arith.addi %mul3A_298, %add3A_323 : i32
        %swap3A_325 = arith.index_cast %add3A_324 : i32 to index
        %swap3A_326 = tpu.vector_load %arg6[%swap3A_325] {strides = array<i32>} : memref<40192xf32, #tpu.memory_space<vmem>>, vector<16xf32>,
        tpu.vector_store %arg6[%swap3A_325], %max3A_322 {strides = array<i32>} : memref<40192xf32, #tpu.memory_space<vmem>>, vector<16xf32>,
        %add3A_327 = arith.constant 32 : i32
        %add3A_328 = arith.addi %mul3A_298, %add3A_327 : i32
        %get3A_329 = arith.index_cast %add3A_328 : i32 to index
        %get3A_330 = tpu.vector_load %arg6[%get3A_329] {strides = array<i32>} : memref<40192xf32, #tpu.memory_space<vmem>>, vector<16xf32>,
        %get3A_331 = arith.constant 1 : i32
        %get3A_332 = arith.index_cast %rem3A_161 : i32 to index
        %get3A_333 = arith.index_cast %get3A_331 : i32 to index
        %get3A_334 = arith.constant 32 : index
        %get3A_335 = tpu.vector_load %arg11[%get3A_332, %get3A_333, %get3A_334] {strides = array<i32>} : memref<8x16x128xf32, #tpu.memory_space<vmem>>, vector<16xf32>,
        %max3A_336 = arith.maximumf %get3A_330, %get3A_335 : vector<16xf32>
        %add3A_337 = arith.constant 32 : i32
        %add3A_338 = arith.addi %mul3A_298, %add3A_337 : i32
        %swap3A_339 = arith.index_cast %add3A_338 : i32 to index
        %swap3A_340 = tpu.vector_load %arg6[%swap3A_339] {strides = array<i32>} : memref<40192xf32, #tpu.memory_space<vmem>>, vector<16xf32>,
        tpu.vector_store %arg6[%swap3A_339], %max3A_336 {strides = array<i32>} : memref<40192xf32, #tpu.memory_space<vmem>>, vector<16xf32>,
        %add3A_341 = arith.constant 48 : i32
        %add3A_342 = arith.addi %mul3A_298, %add3A_341 : i32
        %get3A_343 = arith.index_cast %add3A_342 : i32 to index
        %get3A_344 = tpu.vector_load %arg6[%get3A_343] {strides = array<i32>} : memref<40192xf32, #tpu.memory_space<vmem>>, vector<16xf32>,
        %get3A_345 = arith.constant 1 : i32
        %get3A_346 = arith.index_cast %rem3A_161 : i32 to index
        %get3A_347 = arith.index_cast %get3A_345 : i32 to index
        %get3A_348 = arith.constant 48 : index
        %get3A_349 = tpu.vector_load %arg11[%get3A_346, %get3A_347, %get3A_348] {strides = array<i32>} : memref<8x16x128xf32, #tpu.memory_space<vmem>>, vector<16xf32>,
        %max3A_350 = arith.maximumf %get3A_344, %get3A_349 : vector<16xf32>
        %add3A_351 = arith.constant 48 : i32
        %add3A_352 = arith.addi %mul3A_298, %add3A_351 : i32
        %swap3A_353 = arith.index_cast %add3A_352 : i32 to index
        %swap3A_354 = tpu.vector_load %arg6[%swap3A_353] {strides = array<i32>} : memref<40192xf32, #tpu.memory_space<vmem>>, vector<16xf32>,
        tpu.vector_store %arg6[%swap3A_353], %max3A_350 {strides = array<i32>} : memref<40192xf32, #tpu.memory_space<vmem>>, vector<16xf32>,
        %add3A_355 = arith.constant 64 : i32
        %add3A_356 = arith.addi %mul3A_298, %add3A_355 : i32
        %get3A_357 = arith.index_cast %add3A_356 : i32 to index
        %get3A_358 = tpu.vector_load %arg6[%get3A_357] {strides = array<i32>} : memref<40192xf32, #tpu.memory_space<vmem>>, vector<16xf32>,
        %get3A_359 = arith.constant 1 : i32
        %get3A_360 = arith.index_cast %rem3A_161 : i32 to index
        %get3A_361 = arith.index_cast %get3A_359 : i32 to index
        %get3A_362 = arith.constant 64 : index
        %get3A_363 = tpu.vector_load %arg11[%get3A_360, %get3A_361, %get3A_362] {strides = array<i32>} : memref<8x16x128xf32, #tpu.memory_space<vmem>>, vector<16xf32>,
        %max3A_364 = arith.maximumf %get3A_358, %get3A_363 : vector<16xf32>
        %add3A_365 = arith.constant 64 : i32
        %add3A_366 = arith.addi %mul3A_298, %add3A_365 : i32
        %swap3A_367 = arith.index_cast %add3A_366 : i32 to index
        %swap3A_368 = tpu.vector_load %arg6[%swap3A_367] {strides = array<i32>} : memref<40192xf32, #tpu.memory_space<vmem>>, vector<16xf32>,
        tpu.vector_store %arg6[%swap3A_367], %max3A_364 {strides = array<i32>} : memref<40192xf32, #tpu.memory_space<vmem>>, vector<16xf32>,
        %add3A_369 = arith.constant 80 : i32
        %add3A_370 = arith.addi %mul3A_298, %add3A_369 : i32
        %get3A_371 = arith.index_cast %add3A_370 : i32 to index
        %get3A_372 = tpu.vector_load %arg6[%get3A_371] {strides = array<i32>} : memref<40192xf32, #tpu.memory_space<vmem>>, vector<16xf32>,
        %get3A_373 = arith.constant 1 : i32
        %get3A_374 = arith.index_cast %rem3A_161 : i32 to index
        %get3A_375 = arith.index_cast %get3A_373 : i32 to index
        %get3A_376 = arith.constant 80 : index
        %get3A_377 = tpu.vector_load %arg11[%get3A_374, %get3A_375, %get3A_376] {strides = array<i32>} : memref<8x16x128xf32, #tpu.memory_space<vmem>>, vector<16xf32>,
        %max3A_378 = arith.maximumf %get3A_372, %get3A_377 : vector<16xf32>
        %add3A_379 = arith.constant 80 : i32
        %add3A_380 = arith.addi %mul3A_298, %add3A_379 : i32
        %swap3A_381 = arith.index_cast %add3A_380 : i32 to index
        %swap3A_382 = tpu.vector_load %arg6[%swap3A_381] {strides = array<i32>} : memref<40192xf32, #tpu.memory_space<vmem>>, vector<16xf32>,
        tpu.vector_store %arg6[%swap3A_381], %max3A_378 {strides = array<i32>} : memref<40192xf32, #tpu.memory_space<vmem>>, vector<16xf32>,
        %add3A_383 = arith.constant 96 : i32
        %add3A_384 = arith.addi %mul3A_298, %add3A_383 : i32
        %get3A_385 = arith.index_cast %add3A_384 : i32 to index
        %get3A_386 = tpu.vector_load %arg6[%get3A_385] {strides = array<i32>} : memref<40192xf32, #tpu.memory_space<vmem>>, vector<16xf32>,
        %get3A_387 = arith.constant 1 : i32
        %get3A_388 = arith.index_cast %rem3A_161 : i32 to index
        %get3A_389 = arith.index_cast %get3A_387 : i32 to index
        %get3A_390 = arith.constant 96 : index
        %get3A_391 = tpu.vector_load %arg11[%get3A_388, %get3A_389, %get3A_390] {strides = array<i32>} : memref<8x16x128xf32, #tpu.memory_space<vmem>>, vector<16xf32>,
        %max3A_392 = arith.maximumf %get3A_386, %get3A_391 : vector<16xf32>
        %add3A_393 = arith.constant 96 : i32
        %add3A_394 = arith.addi %mul3A_298, %add3A_393 : i32
        %swap3A_395 = arith.index_cast %add3A_394 : i32 to index
        %swap3A_396 = tpu.vector_load %arg6[%swap3A_395] {strides = array<i32>} : memref<40192xf32, #tpu.memory_space<vmem>>, vector<16xf32>,
        tpu.vector_store %arg6[%swap3A_395], %max3A_392 {strides = array<i32>} : memref<40192xf32, #tpu.memory_space<vmem>>, vector<16xf32>,
        %add3A_397 = arith.constant 112 : i32
        %add3A_398 = arith.addi %mul3A_298, %add3A_397 : i32
        %get3A_399 = arith.index_cast %add3A_398 : i32 to index
        %get3A_400 = tpu.vector_load %arg6[%get3A_399] {strides = array<i32>} : memref<40192xf32, #tpu.memory_space<vmem>>, vector<16xf32>,
        %get3A_401 = arith.constant 1 : i32
        %get3A_402 = arith.index_cast %rem3A_161 : i32 to index
        %get3A_403 = arith.index_cast %get3A_401 : i32 to index
        %get3A_404 = arith.constant 112 : index
        %get3A_405 = tpu.vector_load %arg11[%get3A_402, %get3A_403, %get3A_404] {strides = array<i32>} : memref<8x16x128xf32, #tpu.memory_space<vmem>>, vector<16xf32>,
        %max3A_406 = arith.maximumf %get3A_400, %get3A_405 : vector<16xf32>
        %add3A_407 = arith.constant 112 : i32
        %add3A_408 = arith.addi %mul3A_298, %add3A_407 : i32
        %swap3A_409 = arith.index_cast %add3A_408 : i32 to index
        %swap3A_410 = tpu.vector_load %arg6[%swap3A_409] {strides = array<i32>} : memref<40192xf32, #tpu.memory_space<vmem>>, vector<16xf32>,
        tpu.vector_store %arg6[%swap3A_409], %max3A_406 {strides = array<i32>} : memref<40192xf32, #tpu.memory_space<vmem>>, vector<16xf32>,
        %slice3A_411 = vector.extract_strided_slice %get3A_165 {offsets = [2], sizes = [1], strides = [1]} : vector<16xi32> to vector<1xi32>
        %squeeze3A_412 = vector.extract %slice3A_411[0] : i32 from vector<1xi32>
        %mul3A_413 = arith.constant 128 : i32
        %mul3A_414 = arith.muli %squeeze3A_412, %mul3A_413 : i32
        %add3A_415 = arith.constant 0 : i32
        %add3A_416 = arith.addi %mul3A_414, %add3A_415 : i32
        %get3A_417 = arith.index_cast %add3A_416 : i32 to index
        %get3A_418 = tpu.vector_load %arg6[%get3A_417] {strides = array<i32>} : memref<40192xf32, #tpu.memory_space<vmem>>, vector<16xf32>,
        %get3A_419 = arith.constant 2 : i32
        %get3A_420 = arith.index_cast %rem3A_161 : i32 to index
        %get3A_421 = arith.index_cast %get3A_419 : i32 to index
        %get3A_422 = arith.constant 0 : index
        %get3A_423 = tpu.vector_load %arg11[%get3A_420, %get3A_421, %get3A_422] {strides = array<i32>} : memref<8x16x128xf32, #tpu.memory_space<vmem>>, vector<16xf32>,
        %max3A_424 = arith.maximumf %get3A_418, %get3A_423 : vector<16xf32>
        %add3A_425 = arith.constant 0 : i32
        %add3A_426 = arith.addi %mul3A_414, %add3A_425 : i32
        %swap3A_427 = arith.index_cast %add3A_426 : i32 to index
        %swap3A_428 = tpu.vector_load %arg6[%swap3A_427] {strides = array<i32>} : memref<40192xf32, #tpu.memory_space<vmem>>, vector<16xf32>,
        tpu.vector_store %arg6[%swap3A_427], %max3A_424 {strides = array<i32>} : memref<40192xf32, #tpu.memory_space<vmem>>, vector<16xf32>,
        %add3A_429 = arith.constant 16 : i32
        %add3A_430 = arith.addi %mul3A_414, %add3A_429 : i32
        %get3A_431 = arith.index_cast %add3A_430 : i32 to index
        %get3A_432 = tpu.vector_load %arg6[%get3A_431] {strides = array<i32>} : memref<40192xf32, #tpu.memory_space<vmem>>, vector<16xf32>,
        %get3A_433 = arith.constant 2 : i32
        %get3A_434 = arith.index_cast %rem3A_161 : i32 to index
        %get3A_435 = arith.index_cast %get3A_433 : i32 to index
        %get3A_436 = arith.constant 16 : index
        %get3A_437 = tpu.vector_load %arg11[%get3A_434, %get3A_435, %get3A_436] {strides = array<i32>} : memref<8x16x128xf32, #tpu.memory_space<vmem>>, vector<16xf32>,
        %max3A_438 = arith.maximumf %get3A_432, %get3A_437 : vector<16xf32>
        %add3A_439 = arith.constant 16 : i32
        %add3A_440 = arith.addi %mul3A_414, %add3A_439 : i32
        %swap3A_441 = arith.index_cast %add3A_440 : i32 to index
        %swap3A_442 = tpu.vector_load %arg6[%swap3A_441] {strides = array<i32>} : memref<40192xf32, #tpu.memory_space<vmem>>, vector<16xf32>,
        tpu.vector_store %arg6[%swap3A_441], %max3A_438 {strides = array<i32>} : memref<40192xf32, #tpu.memory_space<vmem>>, vector<16xf32>,
        %add3A_443 = arith.constant 32 : i32
        %add3A_444 = arith.addi %mul3A_414, %add3A_443 : i32
        %get3A_445 = arith.index_cast %add3A_444 : i32 to index
        %get3A_446 = tpu.vector_load %arg6[%get3A_445] {strides = array<i32>} : memref<40192xf32, #tpu.memory_space<vmem>>, vector<16xf32>,
        %get3A_447 = arith.constant 2 : i32
        %get3A_448 = arith.index_cast %rem3A_161 : i32 to index
        %get3A_449 = arith.index_cast %get3A_447 : i32 to index
        %get3A_450 = arith.constant 32 : index
        %get3A_451 = tpu.vector_load %arg11[%get3A_448, %get3A_449, %get3A_450] {strides = array<i32>} : memref<8x16x128xf32, #tpu.memory_space<vmem>>, vector<16xf32>,
        %max3A_452 = arith.maximumf %get3A_446, %get3A_451 : vector<16xf32>
        %add3A_453 = arith.constant 32 : i32
        %add3A_454 = arith.addi %mul3A_414, %add3A_453 : i32
        %swap3A_455 = arith.index_cast %add3A_454 : i32 to index
        %swap3A_456 = tpu.vector_load %arg6[%swap3A_455] {strides = array<i32>} : memref<40192xf32, #tpu.memory_space<vmem>>, vector<16xf32>,
        tpu.vector_store %arg6[%swap3A_455], %max3A_452 {strides = array<i32>} : memref<40192xf32, #tpu.memory_space<vmem>>, vector<16xf32>,
        %add3A_457 = arith.constant 48 : i32
        %add3A_458 = arith.addi %mul3A_414, %add3A_457 : i32
        %get3A_459 = arith.index_cast %add3A_458 : i32 to index
        %get3A_460 = tpu.vector_load %arg6[%get3A_459] {strides = array<i32>} : memref<40192xf32, #tpu.memory_space<vmem>>, vector<16xf32>,
        %get3A_461 = arith.constant 2 : i32
        %get3A_462 = arith.index_cast %rem3A_161 : i32 to index
        %get3A_463 = arith.index_cast %get3A_461 : i32 to index
        %get3A_464 = arith.constant 48 : index
        %get3A_465 = tpu.vector_load %arg11[%get3A_462, %get3A_463, %get3A_464] {strides = array<i32>} : memref<8x16x128xf32, #tpu.memory_space<vmem>>, vector<16xf32>,
        %max3A_466 = arith.maximumf %get3A_460, %get3A_465 : vector<16xf32>
        %add3A_467 = arith.constant 48 : i32
        %add3A_468 = arith.addi %mul3A_414, %add3A_467 : i32
        %swap3A_469 = arith.index_cast %add3A_468 : i32 to index
        %swap3A_470 = tpu.vector_load %arg6[%swap3A_469] {strides = array<i32>} : memref<40192xf32, #tpu.memory_space<vmem>>, vector<16xf32>,
        tpu.vector_store %arg6[%swap3A_469], %max3A_466 {strides = array<i32>} : memref<40192xf32, #tpu.memory_space<vmem>>, vector<16xf32>,
        %add3A_471 = arith.constant 64 : i32
        %add3A_472 = arith.addi %mul3A_414, %add3A_471 : i32
        %get3A_473 = arith.index_cast %add3A_472 : i32 to index
        %get3A_474 = tpu.vector_load %arg6[%get3A_473] {strides = array<i32>} : memref<40192xf32, #tpu.memory_space<vmem>>, vector<16xf32>,
        %get3A_475 = arith.constant 2 : i32
        %get3A_476 = arith.index_cast %rem3A_161 : i32 to index
        %get3A_477 = arith.index_cast %get3A_475 : i32 to index
        %get3A_478 = arith.constant 64 : index
        %get3A_479 = tpu.vector_load %arg11[%get3A_476, %get3A_477, %get3A_478] {strides = array<i32>} : memref<8x16x128xf32, #tpu.memory_space<vmem>>, vector<16xf32>,
        %max3A_480 = arith.maximumf %get3A_474, %get3A_479 : vector<16xf32>
        %add3A_481 = arith.constant 64 : i32
        %add3A_482 = arith.addi %mul3A_414, %add3A_481 : i32
        %swap3A_483 = arith.index_cast %add3A_482 : i32 to index
        %swap3A_484 = tpu.vector_load %arg6[%swap3A_483] {strides = array<i32>} : memref<40192xf32, #tpu.memory_space<vmem>>, vector<16xf32>,
        tpu.vector_store %arg6[%swap3A_483], %max3A_480 {strides = array<i32>} : memref<40192xf32, #tpu.memory_space<vmem>>, vector<16xf32>,
        %add3A_485 = arith.constant 80 : i32
        %add3A_486 = arith.addi %mul3A_414, %add3A_485 : i32
        %get3A_487 = arith.index_cast %add3A_486 : i32 to index
        %get3A_488 = tpu.vector_load %arg6[%get3A_487] {strides = array<i32>} : memref<40192xf32, #tpu.memory_space<vmem>>, vector<16xf32>,
        %get3A_489 = arith.constant 2 : i32
        %get3A_490 = arith.index_cast %rem3A_161 : i32 to index
        %get3A_491 = arith.index_cast %get3A_489 : i32 to index
        %get3A_492 = arith.constant 80 : index
        %get3A_493 = tpu.vector_load %arg11[%get3A_490, %get3A_491, %get3A_492] {strides = array<i32>} : memref<8x16x128xf32, #tpu.memory_space<vmem>>, vector<16xf32>,
        %max3A_494 = arith.maximumf %get3A_488, %get3A_493 : vector<16xf32>
        %add3A_495 = arith.constant 80 : i32
        %add3A_496 = arith.addi %mul3A_414, %add3A_495 : i32
        %swap3A_497 = arith.index_cast %add3A_496 : i32 to index
        %swap3A_498 = tpu.vector_load %arg6[%swap3A_497] {strides = array<i32>} : memref<40192xf32, #tpu.memory_space<vmem>>, vector<16xf32>,
        tpu.vector_store %arg6[%swap3A_497], %max3A_494 {strides = array<i32>} : memref<40192xf32, #tpu.memory_space<vmem>>, vector<16xf32>,
        %add3A_499 = arith.constant 96 : i32
        %add3A_500 = arith.addi %mul3A_414, %add3A_499 : i32
        %get3A_501 = arith.index_cast %add3A_500 : i32 to index
        %get3A_502 = tpu.vector_load %arg6[%get3A_501] {strides = array<i32>} : memref<40192xf32, #tpu.memory_space<vmem>>, vector<16xf32>,
        %get3A_503 = arith.constant 2 : i32
        %get3A_504 = arith.index_cast %rem3A_161 : i32 to index
        %get3A_505 = arith.index_cast %get3A_503 : i32 to index
        %get3A_506 = arith.constant 96 : index
        %get3A_507 = tpu.vector_load %arg11[%get3A_504, %get3A_505, %get3A_506] {strides = array<i32>} : memref<8x16x128xf32, #tpu.memory_space<vmem>>, vector<16xf32>,
        %max3A_508 = arith.maximumf %get3A_502, %get3A_507 : vector<16xf32>
        %add3A_509 = arith.constant 96 : i32
        %add3A_510 = arith.addi %mul3A_414, %add3A_509 : i32
        %swap3A_511 = arith.index_cast %add3A_510 : i32 to index
        %swap3A_512 = tpu.vector_load %arg6[%swap3A_511] {strides = array<i32>} : memref<40192xf32, #tpu.memory_space<vmem>>, vector<16xf32>,
        tpu.vector_store %arg6[%swap3A_511], %max3A_508 {strides = array<i32>} : memref<40192xf32, #tpu.memory_space<vmem>>, vector<16xf32>,
        %add3A_513 = arith.constant 112 : i32
        %add3A_514 = arith.addi %mul3A_414, %add3A_513 : i32
        %get3A_515 = arith.index_cast %add3A_514 : i32 to index
        %get3A_516 = tpu.vector_load %arg6[%get3A_515] {strides = array<i32>} : memref<40192xf32, #tpu.memory_space<vmem>>, vector<16xf32>,
        %get3A_517 = arith.constant 2 : i32
        %get3A_518 = arith.index_cast %rem3A_161 : i32 to index
        %get3A_519 = arith.index_cast %get3A_517 : i32 to index
        %get3A_520 = arith.constant 112 : index
        %get3A_521 = tpu.vector_load %arg11[%get3A_518, %get3A_519, %get3A_520] {strides = array<i32>} : memref<8x16x128xf32, #tpu.memory_space<vmem>>, vector<16xf32>,
        %max3A_522 = arith.maximumf %get3A_516, %get3A_521 : vector<16xf32>
        %add3A_523 = arith.constant 112 : i32
        %add3A_524 = arith.addi %mul3A_414, %add3A_523 : i32
        %swap3A_525 = arith.index_cast %add3A_524 : i32 to index
        %swap3A_526 = tpu.vector_load %arg6[%swap3A_525] {strides = array<i32>} : memref<40192xf32, #tpu.memory_space<vmem>>, vector<16xf32>,
        tpu.vector_store %arg6[%swap3A_525], %max3A_522 {strides = array<i32>} : memref<40192xf32, #tpu.memory_space<vmem>>, vector<16xf32>,
        %slice3A_527 = vector.extract_strided_slice %get3A_165 {offsets = [3], sizes = [1], strides = [1]} : vector<16xi32> to vector<1xi32>
        %squeeze3A_528 = vector.extract %slice3A_527[0] : i32 from vector<1xi32>
        %mul3A_529 = arith.constant 128 : i32
        %mul3A_530 = arith.muli %squeeze3A_528, %mul3A_529 : i32
        %add3A_531 = arith.constant 0 : i32
        %add3A_532 = arith.addi %mul3A_530, %add3A_531 : i32
        %get3A_533 = arith.index_cast %add3A_532 : i32 to index
        %get3A_534 = tpu.vector_load %arg6[%get3A_533] {strides = array<i32>} : memref<40192xf32, #tpu.memory_space<vmem>>, vector<16xf32>,
        %get3A_535 = arith.constant 3 : i32
        %get3A_536 = arith.index_cast %rem3A_161 : i32 to index
        %get3A_537 = arith.index_cast %get3A_535 : i32 to index
        %get3A_538 = arith.constant 0 : index
        %get3A_539 = tpu.vector_load %arg11[%get3A_536, %get3A_537, %get3A_538] {strides = array<i32>} : memref<8x16x128xf32, #tpu.memory_space<vmem>>, vector<16xf32>,
        %max3A_540 = arith.maximumf %get3A_534, %get3A_539 : vector<16xf32>
        %add3A_541 = arith.constant 0 : i32
        %add3A_542 = arith.addi %mul3A_530, %add3A_541 : i32
        %swap3A_543 = arith.index_cast %add3A_542 : i32 to index
        %swap3A_544 = tpu.vector_load %arg6[%swap3A_543] {strides = array<i32>} : memref<40192xf32, #tpu.memory_space<vmem>>, vector<16xf32>,
        tpu.vector_store %arg6[%swap3A_543], %max3A_540 {strides = array<i32>} : memref<40192xf32, #tpu.memory_space<vmem>>, vector<16xf32>,
        %add3A_545 = arith.constant 16 : i32
        %add3A_546 = arith.addi %mul3A_530, %add3A_545 : i32
        %get3A_547 = arith.index_cast %add3A_546 : i32 to index
        %get3A_548 = tpu.vector_load %arg6[%get3A_547] {strides = array<i32>} : memref<40192xf32, #tpu.memory_space<vmem>>, vector<16xf32>,
        %get3A_549 = arith.constant 3 : i32
        %get3A_550 = arith.index_cast %rem3A_161 : i32 to index
        %get3A_551 = arith.index_cast %get3A_549 : i32 to index
        %get3A_552 = arith.constant 16 : index
        %get3A_553 = tpu.vector_load %arg11[%get3A_550, %get3A_551, %get3A_552] {strides = array<i32>} : memref<8x16x128xf32, #tpu.memory_space<vmem>>, vector<16xf32>,
        %max3A_554 = arith.maximumf %get3A_548, %get3A_553 : vector<16xf32>
        %add3A_555 = arith.constant 16 : i32
        %add3A_556 = arith.addi %mul3A_530, %add3A_555 : i32
        %swap3A_557 = arith.index_cast %add3A_556 : i32 to index
        %swap3A_558 = tpu.vector_load %arg6[%swap3A_557] {strides = array<i32>} : memref<40192xf32, #tpu.memory_space<vmem>>, vector<16xf32>,
        tpu.vector_store %arg6[%swap3A_557], %max3A_554 {strides = array<i32>} : memref<40192xf32, #tpu.memory_space<vmem>>, vector<16xf32>,
        %add3A_559 = arith.constant 32 : i32
        %add3A_560 = arith.addi %mul3A_530, %add3A_559 : i32
        %get3A_561 = arith.index_cast %add3A_560 : i32 to index
        %get3A_562 = tpu.vector_load %arg6[%get3A_561] {strides = array<i32>} : memref<40192xf32, #tpu.memory_space<vmem>>, vector<16xf32>,
        %get3A_563 = arith.constant 3 : i32
        %get3A_564 = arith.index_cast %rem3A_161 : i32 to index
        %get3A_565 = arith.index_cast %get3A_563 : i32 to index
        %get3A_566 = arith.constant 32 : index
        %get3A_567 = tpu.vector_load %arg11[%get3A_564, %get3A_565, %get3A_566] {strides = array<i32>} : memref<8x16x128xf32, #tpu.memory_space<vmem>>, vector<16xf32>,
        %max3A_568 = arith.maximumf %get3A_562, %get3A_567 : vector<16xf32>
        %add3A_569 = arith.constant 32 : i32
        %add3A_570 = arith.addi %mul3A_530, %add3A_569 : i32
        %swap3A_571 = arith.index_cast %add3A_570 : i32 to index
        %swap3A_572 = tpu.vector_load %arg6[%swap3A_571] {strides = array<i32>} : memref<40192xf32, #tpu.memory_space<vmem>>, vector<16xf32>,
        tpu.vector_store %arg6[%swap3A_571], %max3A_568 {strides = array<i32>} : memref<40192xf32, #tpu.memory_space<vmem>>, vector<16xf32>,
        %add3A_573 = arith.constant 48 : i32
        %add3A_574 = arith.addi %mul3A_530, %add3A_573 : i32
        %get3A_575 = arith.index_cast %add3A_574 : i32 to index
        %get3A_576 = tpu.vector_load %arg6[%get3A_575] {strides = array<i32>} : memref<40192xf32, #tpu.memory_space<vmem>>, vector<16xf32>,
        %get3A_577 = arith.constant 3 : i32
        %get3A_578 = arith.index_cast %rem3A_161 : i32 to index
        %get3A_579 = arith.index_cast %get3A_577 : i32 to index
        %get3A_580 = arith.constant 48 : index
        %get3A_581 = tpu.vector_load %arg11[%get3A_578, %get3A_579, %get3A_580] {strides = array<i32>} : memref<8x16x128xf32, #tpu.memory_space<vmem>>, vector<16xf32>,
        %max3A_582 = arith.maximumf %get3A_576, %get3A_581 : vector<16xf32>
        %add3A_583 = arith.constant 48 : i32
        %add3A_584 = arith.addi %mul3A_530, %add3A_583 : i32
        %swap3A_585 = arith.index_cast %add3A_584 : i32 to index
        %swap3A_586 = tpu.vector_load %arg6[%swap3A_585] {strides = array<i32>} : memref<40192xf32, #tpu.memory_space<vmem>>, vector<16xf32>,
        tpu.vector_store %arg6[%swap3A_585], %max3A_582 {strides = array<i32>} : memref<40192xf32, #tpu.memory_space<vmem>>, vector<16xf32>,
        %add3A_587 = arith.constant 64 : i32
        %add3A_588 = arith.addi %mul3A_530, %add3A_587 : i32
        %get3A_589 = arith.index_cast %add3A_588 : i32 to index
        %get3A_590 = tpu.vector_load %arg6[%get3A_589] {strides = array<i32>} : memref<40192xf32, #tpu.memory_space<vmem>>, vector<16xf32>,
        %get3A_591 = arith.constant 3 : i32
        %get3A_592 = arith.index_cast %rem3A_161 : i32 to index
        %get3A_593 = arith.index_cast %get3A_591 : i32 to index
        %get3A_594 = arith.constant 64 : index
        %get3A_595 = tpu.vector_load %arg11[%get3A_592, %get3A_593, %get3A_594] {strides = array<i32>} : memref<8x16x128xf32, #tpu.memory_space<vmem>>, vector<16xf32>,
        %max3A_596 = arith.maximumf %get3A_590, %get3A_595 : vector<16xf32>
        %add3A_597 = arith.constant 64 : i32
        %add3A_598 = arith.addi %mul3A_530, %add3A_597 : i32
        %swap3A_599 = arith.index_cast %add3A_598 : i32 to index
        %swap3A_600 = tpu.vector_load %arg6[%swap3A_599] {strides = array<i32>} : memref<40192xf32, #tpu.memory_space<vmem>>, vector<16xf32>,
        tpu.vector_store %arg6[%swap3A_599], %max3A_596 {strides = array<i32>} : memref<40192xf32, #tpu.memory_space<vmem>>, vector<16xf32>,
        %add3A_601 = arith.constant 80 : i32
        %add3A_602 = arith.addi %mul3A_530, %add3A_601 : i32
        %get3A_603 = arith.index_cast %add3A_602 : i32 to index
        %get3A_604 = tpu.vector_load %arg6[%get3A_603] {strides = array<i32>} : memref<40192xf32, #tpu.memory_space<vmem>>, vector<16xf32>,
        %get3A_605 = arith.constant 3 : i32
        %get3A_606 = arith.index_cast %rem3A_161 : i32 to index
        %get3A_607 = arith.index_cast %get3A_605 : i32 to index
        %get3A_608 = arith.constant 80 : index
        %get3A_609 = tpu.vector_load %arg11[%get3A_606, %get3A_607, %get3A_608] {strides = array<i32>} : memref<8x16x128xf32, #tpu.memory_space<vmem>>, vector<16xf32>,
        %max3A_610 = arith.maximumf %get3A_604, %get3A_609 : vector<16xf32>
        %add3A_611 = arith.constant 80 : i32
        %add3A_612 = arith.addi %mul3A_530, %add3A_611 : i32
        %swap3A_613 = arith.index_cast %add3A_612 : i32 to index
        %swap3A_614 = tpu.vector_load %arg6[%swap3A_613] {strides = array<i32>} : memref<40192xf32, #tpu.memory_space<vmem>>, vector<16xf32>,
        tpu.vector_store %arg6[%swap3A_613], %max3A_610 {strides = array<i32>} : memref<40192xf32, #tpu.memory_space<vmem>>, vector<16xf32>,
        %add3A_615 = arith.constant 96 : i32
        %add3A_616 = arith.addi %mul3A_530, %add3A_615 : i32
        %get3A_617 = arith.index_cast %add3A_616 : i32 to index
        %get3A_618 = tpu.vector_load %arg6[%get3A_617] {strides = array<i32>} : memref<40192xf32, #tpu.memory_space<vmem>>, vector<16xf32>,
        %get3A_619 = arith.constant 3 : i32
        %get3A_620 = arith.index_cast %rem3A_161 : i32 to index
        %get3A_621 = arith.index_cast %get3A_619 : i32 to index
        %get3A_622 = arith.constant 96 : index
        %get3A_623 = tpu.vector_load %arg11[%get3A_620, %get3A_621, %get3A_622] {strides = array<i32>} : memref<8x16x128xf32, #tpu.memory_space<vmem>>, vector<16xf32>,
        %max3A_624 = arith.maximumf %get3A_618, %get3A_623 : vector<16xf32>
        %add3A_625 = arith.constant 96 : i32
        %add3A_626 = arith.addi %mul3A_530, %add3A_625 : i32
        %swap3A_627 = arith.index_cast %add3A_626 : i32 to index
        %swap3A_628 = tpu.vector_load %arg6[%swap3A_627] {strides = array<i32>} : memref<40192xf32, #tpu.memory_space<vmem>>, vector<16xf32>,
        tpu.vector_store %arg6[%swap3A_627], %max3A_624 {strides = array<i32>} : memref<40192xf32, #tpu.memory_space<vmem>>, vector<16xf32>,
        %add3A_629 = arith.constant 112 : i32
        %add3A_630 = arith.addi %mul3A_530, %add3A_629 : i32
        %get3A_631 = arith.index_cast %add3A_630 : i32 to index
        %get3A_632 = tpu.vector_load %arg6[%get3A_631] {strides = array<i32>} : memref<40192xf32, #tpu.memory_space<vmem>>, vector<16xf32>,
        %get3A_633 = arith.constant 3 : i32
        %get3A_634 = arith.index_cast %rem3A_161 : i32 to index
        %get3A_635 = arith.index_cast %get3A_633 : i32 to index
        %get3A_636 = arith.constant 112 : index
        %get3A_637 = tpu.vector_load %arg11[%get3A_634, %get3A_635, %get3A_636] {strides = array<i32>} : memref<8x16x128xf32, #tpu.memory_space<vmem>>, vector<16xf32>,
        %max3A_638 = arith.maximumf %get3A_632, %get3A_637 : vector<16xf32>
        %add3A_639 = arith.constant 112 : i32
        %add3A_640 = arith.addi %mul3A_530, %add3A_639 : i32
        %swap3A_641 = arith.index_cast %add3A_640 : i32 to index
        %swap3A_642 = tpu.vector_load %arg6[%swap3A_641] {strides = array<i32>} : memref<40192xf32, #tpu.memory_space<vmem>>, vector<16xf32>,
        tpu.vector_store %arg6[%swap3A_641], %max3A_638 {strides = array<i32>} : memref<40192xf32, #tpu.memory_space<vmem>>, vector<16xf32>,
        %slice3A_643 = vector.extract_strided_slice %get3A_165 {offsets = [4], sizes = [1], strides = [1]} : vector<16xi32> to vector<1xi32>
        %squeeze3A_644 = vector.extract %slice3A_643[0] : i32 from vector<1xi32>
        %mul3A_645 = arith.constant 128 : i32
        %mul3A_646 = arith.muli %squeeze3A_644, %mul3A_645 : i32
        %add3A_647 = arith.constant 0 : i32
        %add3A_648 = arith.addi %mul3A_646, %add3A_647 : i32
        %get3A_649 = arith.index_cast %add3A_648 : i32 to index
        %get3A_650 = tpu.vector_load %arg6[%get3A_649] {strides = array<i32>} : memref<40192xf32, #tpu.memory_space<vmem>>, vector<16xf32>,
        %get3A_651 = arith.constant 4 : i32
        %get3A_652 = arith.index_cast %rem3A_161 : i32 to index
        %get3A_653 = arith.index_cast %get3A_651 : i32 to index
        %get3A_654 = arith.constant 0 : index
        %get3A_655 = tpu.vector_load %arg11[%get3A_652, %get3A_653, %get3A_654] {strides = array<i32>} : memref<8x16x128xf32, #tpu.memory_space<vmem>>, vector<16xf32>,
        %max3A_656 = arith.maximumf %get3A_650, %get3A_655 : vector<16xf32>
        %add3A_657 = arith.constant 0 : i32
        %add3A_658 = arith.addi %mul3A_646, %add3A_657 : i32
        %swap3A_659 = arith.index_cast %add3A_658 : i32 to index
        %swap3A_660 = tpu.vector_load %arg6[%swap3A_659] {strides = array<i32>} : memref<40192xf32, #tpu.memory_space<vmem>>, vector<16xf32>,
        tpu.vector_store %arg6[%swap3A_659], %max3A_656 {strides = array<i32>} : memref<40192xf32, #tpu.memory_space<vmem>>, vector<16xf32>,
        %add3A_661 = arith.constant 16 : i32
        %add3A_662 = arith.addi %mul3A_646, %add3A_661 : i32
        %get3A_663 = arith.index_cast %add3A_662 : i32 to index
        %get3A_664 = tpu.vector_load %arg6[%get3A_663] {strides = array<i32>} : memref<40192xf32, #tpu.memory_space<vmem>>, vector<16xf32>,
        %get3A_665 = arith.constant 4 : i32
        %get3A_666 = arith.index_cast %rem3A_161 : i32 to index
        %get3A_667 = arith.index_cast %get3A_665 : i32 to index
        %get3A_668 = arith.constant 16 : index
        %get3A_669 = tpu.vector_load %arg11[%get3A_666, %get3A_667, %get3A_668] {strides = array<i32>} : memref<8x16x128xf32, #tpu.memory_space<vmem>>, vector<16xf32>,
        %max3A_670 = arith.maximumf %get3A_664, %get3A_669 : vector<16xf32>
        %add3A_671 = arith.constant 16 : i32
        %add3A_672 = arith.addi %mul3A_646, %add3A_671 : i32
        %swap3A_673 = arith.index_cast %add3A_672 : i32 to index
        %swap3A_674 = tpu.vector_load %arg6[%swap3A_673] {strides = array<i32>} : memref<40192xf32, #tpu.memory_space<vmem>>, vector<16xf32>,
        tpu.vector_store %arg6[%swap3A_673], %max3A_670 {strides = array<i32>} : memref<40192xf32, #tpu.memory_space<vmem>>, vector<16xf32>,
        %add3A_675 = arith.constant 32 : i32
        %add3A_676 = arith.addi %mul3A_646, %add3A_675 : i32
        %get3A_677 = arith.index_cast %add3A_676 : i32 to index
        %get3A_678 = tpu.vector_load %arg6[%get3A_677] {strides = array<i32>} : memref<40192xf32, #tpu.memory_space<vmem>>, vector<16xf32>,
        %get3A_679 = arith.constant 4 : i32
        %get3A_680 = arith.index_cast %rem3A_161 : i32 to index
        %get3A_681 = arith.index_cast %get3A_679 : i32 to index
        %get3A_682 = arith.constant 32 : index
        %get3A_683 = tpu.vector_load %arg11[%get3A_680, %get3A_681, %get3A_682] {strides = array<i32>} : memref<8x16x128xf32, #tpu.memory_space<vmem>>, vector<16xf32>,
        %max3A_684 = arith.maximumf %get3A_678, %get3A_683 : vector<16xf32>
        %add3A_685 = arith.constant 32 : i32
        %add3A_686 = arith.addi %mul3A_646, %add3A_685 : i32
        %swap3A_687 = arith.index_cast %add3A_686 : i32 to index
        %swap3A_688 = tpu.vector_load %arg6[%swap3A_687] {strides = array<i32>} : memref<40192xf32, #tpu.memory_space<vmem>>, vector<16xf32>,
        tpu.vector_store %arg6[%swap3A_687], %max3A_684 {strides = array<i32>} : memref<40192xf32, #tpu.memory_space<vmem>>, vector<16xf32>,
        %add3A_689 = arith.constant 48 : i32
        %add3A_690 = arith.addi %mul3A_646, %add3A_689 : i32
        %get3A_691 = arith.index_cast %add3A_690 : i32 to index
        %get3A_692 = tpu.vector_load %arg6[%get3A_691] {strides = array<i32>} : memref<40192xf32, #tpu.memory_space<vmem>>, vector<16xf32>,
        %get3A_693 = arith.constant 4 : i32
        %get3A_694 = arith.index_cast %rem3A_161 : i32 to index
        %get3A_695 = arith.index_cast %get3A_693 : i32 to index
        %get3A_696 = arith.constant 48 : index
        %get3A_697 = tpu.vector_load %arg11[%get3A_694, %get3A_695, %get3A_696] {strides = array<i32>} : memref<8x16x128xf32, #tpu.memory_space<vmem>>, vector<16xf32>,
        %max3A_698 = arith.maximumf %get3A_692, %get3A_697 : vector<16xf32>
        %add3A_699 = arith.constant 48 : i32
        %add3A_700 = arith.addi %mul3A_646, %add3A_699 : i32
        %swap3A_701 = arith.index_cast %add3A_700 : i32 to index
        %swap3A_702 = tpu.vector_load %arg6[%swap3A_701] {strides = array<i32>} : memref<40192xf32, #tpu.memory_space<vmem>>, vector<16xf32>,
        tpu.vector_store %arg6[%swap3A_701], %max3A_698 {strides = array<i32>} : memref<40192xf32, #tpu.memory_space<vmem>>, vector<16xf32>,
        %add3A_703 = arith.constant 64 : i32
        %add3A_704 = arith.addi %mul3A_646, %add3A_703 : i32
        %get3A_705 = arith.index_cast %add3A_704 : i32 to index
        %get3A_706 = tpu.vector_load %arg6[%get3A_705] {strides = array<i32>} : memref<40192xf32, #tpu.memory_space<vmem>>, vector<16xf32>,
        %get3A_707 = arith.constant 4 : i32
        %get3A_708 = arith.index_cast %rem3A_161 : i32 to index
        %get3A_709 = arith.index_cast %get3A_707 : i32 to index
        %get3A_710 = arith.constant 64 : index
        %get3A_711 = tpu.vector_load %arg11[%get3A_708, %get3A_709, %get3A_710] {strides = array<i32>} : memref<8x16x128xf32, #tpu.memory_space<vmem>>, vector<16xf32>,
        %max3A_712 = arith.maximumf %get3A_706, %get3A_711 : vector<16xf32>
        %add3A_713 = arith.constant 64 : i32
        %add3A_714 = arith.addi %mul3A_646, %add3A_713 : i32
        %swap3A_715 = arith.index_cast %add3A_714 : i32 to index
        %swap3A_716 = tpu.vector_load %arg6[%swap3A_715] {strides = array<i32>} : memref<40192xf32, #tpu.memory_space<vmem>>, vector<16xf32>,
        tpu.vector_store %arg6[%swap3A_715], %max3A_712 {strides = array<i32>} : memref<40192xf32, #tpu.memory_space<vmem>>, vector<16xf32>,
        %add3A_717 = arith.constant 80 : i32
        %add3A_718 = arith.addi %mul3A_646, %add3A_717 : i32
        %get3A_719 = arith.index_cast %add3A_718 : i32 to index
        %get3A_720 = tpu.vector_load %arg6[%get3A_719] {strides = array<i32>} : memref<40192xf32, #tpu.memory_space<vmem>>, vector<16xf32>,
        %get3A_721 = arith.constant 4 : i32
        %get3A_722 = arith.index_cast %rem3A_161 : i32 to index
        %get3A_723 = arith.index_cast %get3A_721 : i32 to index
        %get3A_724 = arith.constant 80 : index
        %get3A_725 = tpu.vector_load %arg11[%get3A_722, %get3A_723, %get3A_724] {strides = array<i32>} : memref<8x16x128xf32, #tpu.memory_space<vmem>>, vector<16xf32>,
        %max3A_726 = arith.maximumf %get3A_720, %get3A_725 : vector<16xf32>
        %add3A_727 = arith.constant 80 : i32
        %add3A_728 = arith.addi %mul3A_646, %add3A_727 : i32
        %swap3A_729 = arith.index_cast %add3A_728 : i32 to index
        %swap3A_730 = tpu.vector_load %arg6[%swap3A_729] {strides = array<i32>} : memref<40192xf32, #tpu.memory_space<vmem>>, vector<16xf32>,
        tpu.vector_store %arg6[%swap3A_729], %max3A_726 {strides = array<i32>} : memref<40192xf32, #tpu.memory_space<vmem>>, vector<16xf32>,
        %add3A_731 = arith.constant 96 : i32
        %add3A_732 = arith.addi %mul3A_646, %add3A_731 : i32
        %get3A_733 = arith.index_cast %add3A_732 : i32 to index
        %get3A_734 = tpu.vector_load %arg6[%get3A_733] {strides = array<i32>} : memref<40192xf32, #tpu.memory_space<vmem>>, vector<16xf32>,
        %get3A_735 = arith.constant 4 : i32
        %get3A_736 = arith.index_cast %rem3A_161 : i32 to index
        %get3A_737 = arith.index_cast %get3A_735 : i32 to index
        %get3A_738 = arith.constant 96 : index
        %get3A_739 = tpu.vector_load %arg11[%get3A_736, %get3A_737, %get3A_738] {strides = array<i32>} : memref<8x16x128xf32, #tpu.memory_space<vmem>>, vector<16xf32>,
        %max3A_740 = arith.maximumf %get3A_734, %get3A_739 : vector<16xf32>
        %add3A_741 = arith.constant 96 : i32
        %add3A_742 = arith.addi %mul3A_646, %add3A_741 : i32
        %swap3A_743 = arith.index_cast %add3A_742 : i32 to index
        %swap3A_744 = tpu.vector_load %arg6[%swap3A_743] {strides = array<i32>} : memref<40192xf32, #tpu.memory_space<vmem>>, vector<16xf32>,
        tpu.vector_store %arg6[%swap3A_743], %max3A_740 {strides = array<i32>} : memref<40192xf32, #tpu.memory_space<vmem>>, vector<16xf32>,
        %add3A_745 = arith.constant 112 : i32
        %add3A_746 = arith.addi %mul3A_646, %add3A_745 : i32
        %get3A_747 = arith.index_cast %add3A_746 : i32 to index
        %get3A_748 = tpu.vector_load %arg6[%get3A_747] {strides = array<i32>} : memref<40192xf32, #tpu.memory_space<vmem>>, vector<16xf32>,
        %get3A_749 = arith.constant 4 : i32
        %get3A_750 = arith.index_cast %rem3A_161 : i32 to index
        %get3A_751 = arith.index_cast %get3A_749 : i32 to index
        %get3A_752 = arith.constant 112 : index
        %get3A_753 = tpu.vector_load %arg11[%get3A_750, %get3A_751, %get3A_752] {strides = array<i32>} : memref<8x16x128xf32, #tpu.memory_space<vmem>>, vector<16xf32>,
        %max3A_754 = arith.maximumf %get3A_748, %get3A_753 : vector<16xf32>
        %add3A_755 = arith.constant 112 : i32
        %add3A_756 = arith.addi %mul3A_646, %add3A_755 : i32
        %swap3A_757 = arith.index_cast %add3A_756 : i32 to index
        %swap3A_758 = tpu.vector_load %arg6[%swap3A_757] {strides = array<i32>} : memref<40192xf32, #tpu.memory_space<vmem>>, vector<16xf32>,
        tpu.vector_store %arg6[%swap3A_757], %max3A_754 {strides = array<i32>} : memref<40192xf32, #tpu.memory_space<vmem>>, vector<16xf32>,
        %slice3A_759 = vector.extract_strided_slice %get3A_165 {offsets = [5], sizes = [1], strides = [1]} : vector<16xi32> to vector<1xi32>
        %squeeze3A_760 = vector.extract %slice3A_759[0] : i32 from vector<1xi32>
        %mul3A_761 = arith.constant 128 : i32
        %mul3A_762 = arith.muli %squeeze3A_760, %mul3A_761 : i32
        %add3A_763 = arith.constant 0 : i32
        %add3A_764 = arith.addi %mul3A_762, %add3A_763 : i32
        %get3A_765 = arith.index_cast %add3A_764 : i32 to index
        %get3A_766 = tpu.vector_load %arg6[%get3A_765] {strides = array<i32>} : memref<40192xf32, #tpu.memory_space<vmem>>, vector<16xf32>,
        %get3A_767 = arith.constant 5 : i32
        %get3A_768 = arith.index_cast %rem3A_161 : i32 to index
        %get3A_769 = arith.index_cast %get3A_767 : i32 to index
        %get3A_770 = arith.constant 0 : index
        %get3A_771 = tpu.vector_load %arg11[%get3A_768, %get3A_769, %get3A_770] {strides = array<i32>} : memref<8x16x128xf32, #tpu.memory_space<vmem>>, vector<16xf32>,
        %max3A_772 = arith.maximumf %get3A_766, %get3A_771 : vector<16xf32>
        %add3A_773 = arith.constant 0 : i32
        %add3A_774 = arith.addi %mul3A_762, %add3A_773 : i32
        %swap3A_775 = arith.index_cast %add3A_774 : i32 to index
        %swap3A_776 = tpu.vector_load %arg6[%swap3A_775] {strides = array<i32>} : memref<40192xf32, #tpu.memory_space<vmem>>, vector<16xf32>,
        tpu.vector_store %arg6[%swap3A_775], %max3A_772 {strides = array<i32>} : memref<40192xf32, #tpu.memory_space<vmem>>, vector<16xf32>,
        %add3A_777 = arith.constant 16 : i32
        %add3A_778 = arith.addi %mul3A_762, %add3A_777 : i32
        %get3A_779 = arith.index_cast %add3A_778 : i32 to index
        %get3A_780 = tpu.vector_load %arg6[%get3A_779] {strides = array<i32>} : memref<40192xf32, #tpu.memory_space<vmem>>, vector<16xf32>,
        %get3A_781 = arith.constant 5 : i32
        %get3A_782 = arith.index_cast %rem3A_161 : i32 to index
        %get3A_783 = arith.index_cast %get3A_781 : i32 to index
        %get3A_784 = arith.constant 16 : index
        %get3A_785 = tpu.vector_load %arg11[%get3A_782, %get3A_783, %get3A_784] {strides = array<i32>} : memref<8x16x128xf32, #tpu.memory_space<vmem>>, vector<16xf32>,
        %max3A_786 = arith.maximumf %get3A_780, %get3A_785 : vector<16xf32>
        %add3A_787 = arith.constant 16 : i32
        %add3A_788 = arith.addi %mul3A_762, %add3A_787 : i32
        %swap3A_789 = arith.index_cast %add3A_788 : i32 to index
        %swap3A_790 = tpu.vector_load %arg6[%swap3A_789] {strides = array<i32>} : memref<40192xf32, #tpu.memory_space<vmem>>, vector<16xf32>,
        tpu.vector_store %arg6[%swap3A_789], %max3A_786 {strides = array<i32>} : memref<40192xf32, #tpu.memory_space<vmem>>, vector<16xf32>,
        %add3A_791 = arith.constant 32 : i32
        %add3A_792 = arith.addi %mul3A_762, %add3A_791 : i32
        %get3A_793 = arith.index_cast %add3A_792 : i32 to index
        %get3A_794 = tpu.vector_load %arg6[%get3A_793] {strides = array<i32>} : memref<40192xf32, #tpu.memory_space<vmem>>, vector<16xf32>,
        %get3A_795 = arith.constant 5 : i32
        %get3A_796 = arith.index_cast %rem3A_161 : i32 to index
        %get3A_797 = arith.index_cast %get3A_795 : i32 to index
        %get3A_798 = arith.constant 32 : index
        %get3A_799 = tpu.vector_load %arg11[%get3A_796, %get3A_797, %get3A_798] {strides = array<i32>} : memref<8x16x128xf32, #tpu.memory_space<vmem>>, vector<16xf32>,
        %max3A_800 = arith.maximumf %get3A_794, %get3A_799 : vector<16xf32>
        %add3A_801 = arith.constant 32 : i32
        %add3A_802 = arith.addi %mul3A_762, %add3A_801 : i32
        %swap3A_803 = arith.index_cast %add3A_802 : i32 to index
        %swap3A_804 = tpu.vector_load %arg6[%swap3A_803] {strides = array<i32>} : memref<40192xf32, #tpu.memory_space<vmem>>, vector<16xf32>,
        tpu.vector_store %arg6[%swap3A_803], %max3A_800 {strides = array<i32>} : memref<40192xf32, #tpu.memory_space<vmem>>, vector<16xf32>,
        %add3A_805 = arith.constant 48 : i32
        %add3A_806 = arith.addi %mul3A_762, %add3A_805 : i32
        %get3A_807 = arith.index_cast %add3A_806 : i32 to index
        %get3A_808 = tpu.vector_load %arg6[%get3A_807] {strides = array<i32>} : memref<40192xf32, #tpu.memory_space<vmem>>, vector<16xf32>,
        %get3A_809 = arith.constant 5 : i32
        %get3A_810 = arith.index_cast %rem3A_161 : i32 to index
        %get3A_811 = arith.index_cast %get3A_809 : i32 to index
        %get3A_812 = arith.constant 48 : index
        %get3A_813 = tpu.vector_load %arg11[%get3A_810, %get3A_811, %get3A_812] {strides = array<i32>} : memref<8x16x128xf32, #tpu.memory_space<vmem>>, vector<16xf32>,
        %max3A_814 = arith.maximumf %get3A_808, %get3A_813 : vector<16xf32>
        %add3A_815 = arith.constant 48 : i32
        %add3A_816 = arith.addi %mul3A_762, %add3A_815 : i32
        %swap3A_817 = arith.index_cast %add3A_816 : i32 to index
        %swap3A_818 = tpu.vector_load %arg6[%swap3A_817] {strides = array<i32>} : memref<40192xf32, #tpu.memory_space<vmem>>, vector<16xf32>,
        tpu.vector_store %arg6[%swap3A_817], %max3A_814 {strides = array<i32>} : memref<40192xf32, #tpu.memory_space<vmem>>, vector<16xf32>,
        %add3A_819 = arith.constant 64 : i32
        %add3A_820 = arith.addi %mul3A_762, %add3A_819 : i32
        %get3A_821 = arith.index_cast %add3A_820 : i32 to index
        %get3A_822 = tpu.vector_load %arg6[%get3A_821] {strides = array<i32>} : memref<40192xf32, #tpu.memory_space<vmem>>, vector<16xf32>,
        %get3A_823 = arith.constant 5 : i32
        %get3A_824 = arith.index_cast %rem3A_161 : i32 to index
        %get3A_825 = arith.index_cast %get3A_823 : i32 to index
        %get3A_826 = arith.constant 64 : index
        %get3A_827 = tpu.vector_load %arg11[%get3A_824, %get3A_825, %get3A_826] {strides = array<i32>} : memref<8x16x128xf32, #tpu.memory_space<vmem>>, vector<16xf32>,
        %max3A_828 = arith.maximumf %get3A_822, %get3A_827 : vector<16xf32>
        %add3A_829 = arith.constant 64 : i32
        %add3A_830 = arith.addi %mul3A_762, %add3A_829 : i32
        %swap3A_831 = arith.index_cast %add3A_830 : i32 to index
        %swap3A_832 = tpu.vector_load %arg6[%swap3A_831] {strides = array<i32>} : memref<40192xf32, #tpu.memory_space<vmem>>, vector<16xf32>,
        tpu.vector_store %arg6[%swap3A_831], %max3A_828 {strides = array<i32>} : memref<40192xf32, #tpu.memory_space<vmem>>, vector<16xf32>,
        %add3A_833 = arith.constant 80 : i32
        %add3A_834 = arith.addi %mul3A_762, %add3A_833 : i32
        %get3A_835 = arith.index_cast %add3A_834 : i32 to index
        %get3A_836 = tpu.vector_load %arg6[%get3A_835] {strides = array<i32>} : memref<40192xf32, #tpu.memory_space<vmem>>, vector<16xf32>,
        %get3A_837 = arith.constant 5 : i32
        %get3A_838 = arith.index_cast %rem3A_161 : i32 to index
        %get3A_839 = arith.index_cast %get3A_837 : i32 to index
        %get3A_840 = arith.constant 80 : index
        %get3A_841 = tpu.vector_load %arg11[%get3A_838, %get3A_839, %get3A_840] {strides = array<i32>} : memref<8x16x128xf32, #tpu.memory_space<vmem>>, vector<16xf32>,
        %max3A_842 = arith.maximumf %get3A_836, %get3A_841 : vector<16xf32>
        %add3A_843 = arith.constant 80 : i32
        %add3A_844 = arith.addi %mul3A_762, %add3A_843 : i32
        %swap3A_845 = arith.index_cast %add3A_844 : i32 to index
        %swap3A_846 = tpu.vector_load %arg6[%swap3A_845] {strides = array<i32>} : memref<40192xf32, #tpu.memory_space<vmem>>, vector<16xf32>,
        tpu.vector_store %arg6[%swap3A_845], %max3A_842 {strides = array<i32>} : memref<40192xf32, #tpu.memory_space<vmem>>, vector<16xf32>,
        %add3A_847 = arith.constant 96 : i32
        %add3A_848 = arith.addi %mul3A_762, %add3A_847 : i32
        %get3A_849 = arith.index_cast %add3A_848 : i32 to index
        %get3A_850 = tpu.vector_load %arg6[%get3A_849] {strides = array<i32>} : memref<40192xf32, #tpu.memory_space<vmem>>, vector<16xf32>,
        %get3A_851 = arith.constant 5 : i32
        %get3A_852 = arith.index_cast %rem3A_161 : i32 to index
        %get3A_853 = arith.index_cast %get3A_851 : i32 to index
        %get3A_854 = arith.constant 96 : index
        %get3A_855 = tpu.vector_load %arg11[%get3A_852, %get3A_853, %get3A_854] {strides = array<i32>} : memref<8x16x128xf32, #tpu.memory_space<vmem>>, vector<16xf32>,
        %max3A_856 = arith.maximumf %get3A_850, %get3A_855 : vector<16xf32>
        %add3A_857 = arith.constant 96 : i32
        %add3A_858 = arith.addi %mul3A_762, %add3A_857 : i32
        %swap3A_859 = arith.index_cast %add3A_858 : i32 to index
        %swap3A_860 = tpu.vector_load %arg6[%swap3A_859] {strides = array<i32>} : memref<40192xf32, #tpu.memory_space<vmem>>, vector<16xf32>,
        tpu.vector_store %arg6[%swap3A_859], %max3A_856 {strides = array<i32>} : memref<40192xf32, #tpu.memory_space<vmem>>, vector<16xf32>,
        %add3A_861 = arith.constant 112 : i32
        %add3A_862 = arith.addi %mul3A_762, %add3A_861 : i32
        %get3A_863 = arith.index_cast %add3A_862 : i32 to index
        %get3A_864 = tpu.vector_load %arg6[%get3A_863] {strides = array<i32>} : memref<40192xf32, #tpu.memory_space<vmem>>, vector<16xf32>,
        %get3A_865 = arith.constant 5 : i32
        %get3A_866 = arith.index_cast %rem3A_161 : i32 to index
        %get3A_867 = arith.index_cast %get3A_865 : i32 to index
        %get3A_868 = arith.constant 112 : index
        %get3A_869 = tpu.vector_load %arg11[%get3A_866, %get3A_867, %get3A_868] {strides = array<i32>} : memref<8x16x128xf32, #tpu.memory_space<vmem>>, vector<16xf32>,
        %max3A_870 = arith.maximumf %get3A_864, %get3A_869 : vector<16xf32>
        %add3A_871 = arith.constant 112 : i32
        %add3A_872 = arith.addi %mul3A_762, %add3A_871 : i32
        %swap3A_873 = arith.index_cast %add3A_872 : i32 to index
        %swap3A_874 = tpu.vector_load %arg6[%swap3A_873] {strides = array<i32>} : memref<40192xf32, #tpu.memory_space<vmem>>, vector<16xf32>,
        tpu.vector_store %arg6[%swap3A_873], %max3A_870 {strides = array<i32>} : memref<40192xf32, #tpu.memory_space<vmem>>, vector<16xf32>,
        %slice3A_875 = vector.extract_strided_slice %get3A_165 {offsets = [6], sizes = [1], strides = [1]} : vector<16xi32> to vector<1xi32>
        %squeeze3A_876 = vector.extract %slice3A_875[0] : i32 from vector<1xi32>
        %mul3A_877 = arith.constant 128 : i32
        %mul3A_878 = arith.muli %squeeze3A_876, %mul3A_877 : i32
        %add3A_879 = arith.constant 0 : i32
        %add3A_880 = arith.addi %mul3A_878, %add3A_879 : i32
        %get3A_881 = arith.index_cast %add3A_880 : i32 to index
        %get3A_882 = tpu.vector_load %arg6[%get3A_881] {strides = array<i32>} : memref<40192xf32, #tpu.memory_space<vmem>>, vector<16xf32>,
        %get3A_883 = arith.constant 6 : i32
        %get3A_884 = arith.index_cast %rem3A_161 : i32 to index
        %get3A_885 = arith.index_cast %get3A_883 : i32 to index
        %get3A_886 = arith.constant 0 : index
        %get3A_887 = tpu.vector_load %arg11[%get3A_884, %get3A_885, %get3A_886] {strides = array<i32>} : memref<8x16x128xf32, #tpu.memory_space<vmem>>, vector<16xf32>,
        %max3A_888 = arith.maximumf %get3A_882, %get3A_887 : vector<16xf32>
        %add3A_889 = arith.constant 0 : i32
        %add3A_890 = arith.addi %mul3A_878, %add3A_889 : i32
        %swap3A_891 = arith.index_cast %add3A_890 : i32 to index
        %swap3A_892 = tpu.vector_load %arg6[%swap3A_891] {strides = array<i32>} : memref<40192xf32, #tpu.memory_space<vmem>>, vector<16xf32>,
        tpu.vector_store %arg6[%swap3A_891], %max3A_888 {strides = array<i32>} : memref<40192xf32, #tpu.memory_space<vmem>>, vector<16xf32>,
        %add3A_893 = arith.constant 16 : i32
        %add3A_894 = arith.addi %mul3A_878, %add3A_893 : i32
        %get3A_895 = arith.index_cast %add3A_894 : i32 to index
        %get3A_896 = tpu.vector_load %arg6[%get3A_895] {strides = array<i32>} : memref<40192xf32, #tpu.memory_space<vmem>>, vector<16xf32>,
        %get3A_897 = arith.constant 6 : i32
        %get3A_898 = arith.index_cast %rem3A_161 : i32 to index
        %get3A_899 = arith.index_cast %get3A_897 : i32 to index
        %get3A_900 = arith.constant 16 : index
        %get3A_901 = tpu.vector_load %arg11[%get3A_898, %get3A_899, %get3A_900] {strides = array<i32>} : memref<8x16x128xf32, #tpu.memory_space<vmem>>, vector<16xf32>,
        %max3A_902 = arith.maximumf %get3A_896, %get3A_901 : vector<16xf32>
        %add3A_903 = arith.constant 16 : i32
        %add3A_904 = arith.addi %mul3A_878, %add3A_903 : i32
        %swap3A_905 = arith.index_cast %add3A_904 : i32 to index
        %swap3A_906 = tpu.vector_load %arg6[%swap3A_905] {strides = array<i32>} : memref<40192xf32, #tpu.memory_space<vmem>>, vector<16xf32>,
        tpu.vector_store %arg6[%swap3A_905], %max3A_902 {strides = array<i32>} : memref<40192xf32, #tpu.memory_space<vmem>>, vector<16xf32>,
        %add3A_907 = arith.constant 32 : i32
        %add3A_908 = arith.addi %mul3A_878, %add3A_907 : i32
        %get3A_909 = arith.index_cast %add3A_908 : i32 to index
        %get3A_910 = tpu.vector_load %arg6[%get3A_909] {strides = array<i32>} : memref<40192xf32, #tpu.memory_space<vmem>>, vector<16xf32>,
        %get3A_911 = arith.constant 6 : i32
        %get3A_912 = arith.index_cast %rem3A_161 : i32 to index
        %get3A_913 = arith.index_cast %get3A_911 : i32 to index
        %get3A_914 = arith.constant 32 : index
        %get3A_915 = tpu.vector_load %arg11[%get3A_912, %get3A_913, %get3A_914] {strides = array<i32>} : memref<8x16x128xf32, #tpu.memory_space<vmem>>, vector<16xf32>,
        %max3A_916 = arith.maximumf %get3A_910, %get3A_915 : vector<16xf32>
        %add3A_917 = arith.constant 32 : i32
        %add3A_918 = arith.addi %mul3A_878, %add3A_917 : i32
        %swap3A_919 = arith.index_cast %add3A_918 : i32 to index
        %swap3A_920 = tpu.vector_load %arg6[%swap3A_919] {strides = array<i32>} : memref<40192xf32, #tpu.memory_space<vmem>>, vector<16xf32>,
        tpu.vector_store %arg6[%swap3A_919], %max3A_916 {strides = array<i32>} : memref<40192xf32, #tpu.memory_space<vmem>>, vector<16xf32>,
        %add3A_921 = arith.constant 48 : i32
        %add3A_922 = arith.addi %mul3A_878, %add3A_921 : i32
        %get3A_923 = arith.index_cast %add3A_922 : i32 to index
        %get3A_924 = tpu.vector_load %arg6[%get3A_923] {strides = array<i32>} : memref<40192xf32, #tpu.memory_space<vmem>>, vector<16xf32>,
        %get3A_925 = arith.constant 6 : i32
        %get3A_926 = arith.index_cast %rem3A_161 : i32 to index
        %get3A_927 = arith.index_cast %get3A_925 : i32 to index
        %get3A_928 = arith.constant 48 : index
        %get3A_929 = tpu.vector_load %arg11[%get3A_926, %get3A_927, %get3A_928] {strides = array<i32>} : memref<8x16x128xf32, #tpu.memory_space<vmem>>, vector<16xf32>,
        %max3A_930 = arith.maximumf %get3A_924, %get3A_929 : vector<16xf32>
        %add3A_931 = arith.constant 48 : i32
        %add3A_932 = arith.addi %mul3A_878, %add3A_931 : i32
        %swap3A_933 = arith.index_cast %add3A_932 : i32 to index
        %swap3A_934 = tpu.vector_load %arg6[%swap3A_933] {strides = array<i32>} : memref<40192xf32, #tpu.memory_space<vmem>>, vector<16xf32>,
        tpu.vector_store %arg6[%swap3A_933], %max3A_930 {strides = array<i32>} : memref<40192xf32, #tpu.memory_space<vmem>>, vector<16xf32>,
        %add3A_935 = arith.constant 64 : i32
        %add3A_936 = arith.addi %mul3A_878, %add3A_935 : i32
        %get3A_937 = arith.index_cast %add3A_936 : i32 to index
        %get3A_938 = tpu.vector_load %arg6[%get3A_937] {strides = array<i32>} : memref<40192xf32, #tpu.memory_space<vmem>>, vector<16xf32>,
        %get3A_939 = arith.constant 6 : i32
        %get3A_940 = arith.index_cast %rem3A_161 : i32 to index
        %get3A_941 = arith.index_cast %get3A_939 : i32 to index
        %get3A_942 = arith.constant 64 : index
        %get3A_943 = tpu.vector_load %arg11[%get3A_940, %get3A_941, %get3A_942] {strides = array<i32>} : memref<8x16x128xf32, #tpu.memory_space<vmem>>, vector<16xf32>,
        %max3A_944 = arith.maximumf %get3A_938, %get3A_943 : vector<16xf32>
        %add3A_945 = arith.constant 64 : i32
        %add3A_946 = arith.addi %mul3A_878, %add3A_945 : i32
        %swap3A_947 = arith.index_cast %add3A_946 : i32 to index
        %swap3A_948 = tpu.vector_load %arg6[%swap3A_947] {strides = array<i32>} : memref<40192xf32, #tpu.memory_space<vmem>>, vector<16xf32>,
        tpu.vector_store %arg6[%swap3A_947], %max3A_944 {strides = array<i32>} : memref<40192xf32, #tpu.memory_space<vmem>>, vector<16xf32>,
        %add3A_949 = arith.constant 80 : i32
        %add3A_950 = arith.addi %mul3A_878, %add3A_949 : i32
        %get3A_951 = arith.index_cast %add3A_950 : i32 to index
        %get3A_952 = tpu.vector_load %arg6[%get3A_951] {strides = array<i32>} : memref<40192xf32, #tpu.memory_space<vmem>>, vector<16xf32>,
        %get3A_953 = arith.constant 6 : i32
        %get3A_954 = arith.index_cast %rem3A_161 : i32 to index
        %get3A_955 = arith.index_cast %get3A_953 : i32 to index
        %get3A_956 = arith.constant 80 : index
        %get3A_957 = tpu.vector_load %arg11[%get3A_954, %get3A_955, %get3A_956] {strides = array<i32>} : memref<8x16x128xf32, #tpu.memory_space<vmem>>, vector<16xf32>,
        %max3A_958 = arith.maximumf %get3A_952, %get3A_957 : vector<16xf32>
        %add3A_959 = arith.constant 80 : i32
        %add3A_960 = arith.addi %mul3A_878, %add3A_959 : i32
        %swap3A_961 = arith.index_cast %add3A_960 : i32 to index
        %swap3A_962 = tpu.vector_load %arg6[%swap3A_961] {strides = array<i32>} : memref<40192xf32, #tpu.memory_space<vmem>>, vector<16xf32>,
        tpu.vector_store %arg6[%swap3A_961], %max3A_958 {strides = array<i32>} : memref<40192xf32, #tpu.memory_space<vmem>>, vector<16xf32>,
        %add3A_963 = arith.constant 96 : i32
        %add3A_964 = arith.addi %mul3A_878, %add3A_963 : i32
        %get3A_965 = arith.index_cast %add3A_964 : i32 to index
        %get3A_966 = tpu.vector_load %arg6[%get3A_965] {strides = array<i32>} : memref<40192xf32, #tpu.memory_space<vmem>>, vector<16xf32>,
        %get3A_967 = arith.constant 6 : i32
        %get3A_968 = arith.index_cast %rem3A_161 : i32 to index
        %get3A_969 = arith.index_cast %get3A_967 : i32 to index
        %get3A_970 = arith.constant 96 : index
        %get3A_971 = tpu.vector_load %arg11[%get3A_968, %get3A_969, %get3A_970] {strides = array<i32>} : memref<8x16x128xf32, #tpu.memory_space<vmem>>, vector<16xf32>,
        %max3A_972 = arith.maximumf %get3A_966, %get3A_971 : vector<16xf32>
        %add3A_973 = arith.constant 96 : i32
        %add3A_974 = arith.addi %mul3A_878, %add3A_973 : i32
        %swap3A_975 = arith.index_cast %add3A_974 : i32 to index
        %swap3A_976 = tpu.vector_load %arg6[%swap3A_975] {strides = array<i32>} : memref<40192xf32, #tpu.memory_space<vmem>>, vector<16xf32>,
        tpu.vector_store %arg6[%swap3A_975], %max3A_972 {strides = array<i32>} : memref<40192xf32, #tpu.memory_space<vmem>>, vector<16xf32>,
        %add3A_977 = arith.constant 112 : i32
        %add3A_978 = arith.addi %mul3A_878, %add3A_977 : i32
        %get3A_979 = arith.index_cast %add3A_978 : i32 to index
        %get3A_980 = tpu.vector_load %arg6[%get3A_979] {strides = array<i32>} : memref<40192xf32, #tpu.memory_space<vmem>>, vector<16xf32>,
        %get3A_981 = arith.constant 6 : i32
        %get3A_982 = arith.index_cast %rem3A_161 : i32 to index
        %get3A_983 = arith.index_cast %get3A_981 : i32 to index
        %get3A_984 = arith.constant 112 : index
        %get3A_985 = tpu.vector_load %arg11[%get3A_982, %get3A_983, %get3A_984] {strides = array<i32>} : memref<8x16x128xf32, #tpu.memory_space<vmem>>, vector<16xf32>,
        %max3A_986 = arith.maximumf %get3A_980, %get3A_985 : vector<16xf32>
        %add3A_987 = arith.constant 112 : i32
        %add3A_988 = arith.addi %mul3A_878, %add3A_987 : i32
        %swap3A_989 = arith.index_cast %add3A_988 : i32 to index
        %swap3A_990 = tpu.vector_load %arg6[%swap3A_989] {strides = array<i32>} : memref<40192xf32, #tpu.memory_space<vmem>>, vector<16xf32>,
        tpu.vector_store %arg6[%swap3A_989], %max3A_986 {strides = array<i32>} : memref<40192xf32, #tpu.memory_space<vmem>>, vector<16xf32>,
        %slice3A_991 = vector.extract_strided_slice %get3A_165 {offsets = [7], sizes = [1], strides = [1]} : vector<16xi32> to vector<1xi32>
        %squeeze3A_992 = vector.extract %slice3A_991[0] : i32 from vector<1xi32>
        %mul3A_993 = arith.constant 128 : i32
        %mul3A_994 = arith.muli %squeeze3A_992, %mul3A_993 : i32
        %add3A_995 = arith.constant 0 : i32
        %add3A_996 = arith.addi %mul3A_994, %add3A_995 : i32
        %get3A_997 = arith.index_cast %add3A_996 : i32 to index
        %get3A_998 = tpu.vector_load %arg6[%get3A_997] {strides = array<i32>} : memref<40192xf32, #tpu.memory_space<vmem>>, vector<16xf32>,
        %get3A_999 = arith.constant 7 : i32
        %get3A_1000 = arith.index_cast %rem3A_161 : i32 to index
        %get3A_1001 = arith.index_cast %get3A_999 : i32 to index
        %get3A_1002 = arith.constant 0 : index
        %get3A_1003 = tpu.vector_load %arg11[%get3A_1000, %get3A_1001, %get3A_1002] {strides = array<i32>} : memref<8x16x128xf32, #tpu.memory_space<vmem>>, vector<16xf32>,
        %max3A_1004 = arith.maximumf %get3A_998, %get3A_1003 : vector<16xf32>
        %add3A_1005 = arith.constant 0 : i32
        %add3A_1006 = arith.addi %mul3A_994, %add3A_1005 : i32
        %swap3A_1007 = arith.index_cast %add3A_1006 : i32 to index
        %swap3A_1008 = tpu.vector_load %arg6[%swap3A_1007] {strides = array<i32>} : memref<40192xf32, #tpu.memory_space<vmem>>, vector<16xf32>,
        tpu.vector_store %arg6[%swap3A_1007], %max3A_1004 {strides = array<i32>} : memref<40192xf32, #tpu.memory_space<vmem>>, vector<16xf32>,
        %add3A_1009 = arith.constant 16 : i32
        %add3A_1010 = arith.addi %mul3A_994, %add3A_1009 : i32
        %get3A_1011 = arith.index_cast %add3A_1010 : i32 to index
        %get3A_1012 = tpu.vector_load %arg6[%get3A_1011] {strides = array<i32>} : memref<40192xf32, #tpu.memory_space<vmem>>, vector<16xf32>,
        %get3A_1013 = arith.constant 7 : i32
        %get3A_1014 = arith.index_cast %rem3A_161 : i32 to index
        %get3A_1015 = arith.index_cast %get3A_1013 : i32 to index
        %get3A_1016 = arith.constant 16 : index
        %get3A_1017 = tpu.vector_load %arg11[%get3A_1014, %get3A_1015, %get3A_1016] {strides = array<i32>} : memref<8x16x128xf32, #tpu.memory_space<vmem>>, vector<16xf32>,
        %max3A_1018 = arith.maximumf %get3A_1012, %get3A_1017 : vector<16xf32>
        %add3A_1019 = arith.constant 16 : i32
        %add3A_1020 = arith.addi %mul3A_994, %add3A_1019 : i32
        %swap3A_1021 = arith.index_cast %add3A_1020 : i32 to index
        %swap3A_1022 = tpu.vector_load %arg6[%swap3A_1021] {strides = array<i32>} : memref<40192xf32, #tpu.memory_space<vmem>>, vector<16xf32>,
        tpu.vector_store %arg6[%swap3A_1021], %max3A_1018 {strides = array<i32>} : memref<40192xf32, #tpu.memory_space<vmem>>, vector<16xf32>,
        %add3A_1023 = arith.constant 32 : i32
        %add3A_1024 = arith.addi %mul3A_994, %add3A_1023 : i32
        %get3A_1025 = arith.index_cast %add3A_1024 : i32 to index
        %get3A_1026 = tpu.vector_load %arg6[%get3A_1025] {strides = array<i32>} : memref<40192xf32, #tpu.memory_space<vmem>>, vector<16xf32>,
        %get3A_1027 = arith.constant 7 : i32
        %get3A_1028 = arith.index_cast %rem3A_161 : i32 to index
        %get3A_1029 = arith.index_cast %get3A_1027 : i32 to index
        %get3A_1030 = arith.constant 32 : index
        %get3A_1031 = tpu.vector_load %arg11[%get3A_1028, %get3A_1029, %get3A_1030] {strides = array<i32>} : memref<8x16x128xf32, #tpu.memory_space<vmem>>, vector<16xf32>,
        %max3A_1032 = arith.maximumf %get3A_1026, %get3A_1031 : vector<16xf32>
        %add3A_1033 = arith.constant 32 : i32
        %add3A_1034 = arith.addi %mul3A_994, %add3A_1033 : i32
        %swap3A_1035 = arith.index_cast %add3A_1034 : i32 to index
        %swap3A_1036 = tpu.vector_load %arg6[%swap3A_1035] {strides = array<i32>} : memref<40192xf32, #tpu.memory_space<vmem>>, vector<16xf32>,
        tpu.vector_store %arg6[%swap3A_1035], %max3A_1032 {strides = array<i32>} : memref<40192xf32, #tpu.memory_space<vmem>>, vector<16xf32>,
        %add3A_1037 = arith.constant 48 : i32
        %add3A_1038 = arith.addi %mul3A_994, %add3A_1037 : i32
        %get3A_1039 = arith.index_cast %add3A_1038 : i32 to index
        %get3A_1040 = tpu.vector_load %arg6[%get3A_1039] {strides = array<i32>} : memref<40192xf32, #tpu.memory_space<vmem>>, vector<16xf32>,
        %get3A_1041 = arith.constant 7 : i32
        %get3A_1042 = arith.index_cast %rem3A_161 : i32 to index
        %get3A_1043 = arith.index_cast %get3A_1041 : i32 to index
        %get3A_1044 = arith.constant 48 : index
        %get3A_1045 = tpu.vector_load %arg11[%get3A_1042, %get3A_1043, %get3A_1044] {strides = array<i32>} : memref<8x16x128xf32, #tpu.memory_space<vmem>>, vector<16xf32>,
        %max3A_1046 = arith.maximumf %get3A_1040, %get3A_1045 : vector<16xf32>
        %add3A_1047 = arith.constant 48 : i32
        %add3A_1048 = arith.addi %mul3A_994, %add3A_1047 : i32
        %swap3A_1049 = arith.index_cast %add3A_1048 : i32 to index
        %swap3A_1050 = tpu.vector_load %arg6[%swap3A_1049] {strides = array<i32>} : memref<40192xf32, #tpu.memory_space<vmem>>, vector<16xf32>,
        tpu.vector_store %arg6[%swap3A_1049], %max3A_1046 {strides = array<i32>} : memref<40192xf32, #tpu.memory_space<vmem>>, vector<16xf32>,
        %add3A_1051 = arith.constant 64 : i32
        %add3A_1052 = arith.addi %mul3A_994, %add3A_1051 : i32
        %get3A_1053 = arith.index_cast %add3A_1052 : i32 to index
        %get3A_1054 = tpu.vector_load %arg6[%get3A_1053] {strides = array<i32>} : memref<40192xf32, #tpu.memory_space<vmem>>, vector<16xf32>,
        %get3A_1055 = arith.constant 7 : i32
        %get3A_1056 = arith.index_cast %rem3A_161 : i32 to index
        %get3A_1057 = arith.index_cast %get3A_1055 : i32 to index
        %get3A_1058 = arith.constant 64 : index
        %get3A_1059 = tpu.vector_load %arg11[%get3A_1056, %get3A_1057, %get3A_1058] {strides = array<i32>} : memref<8x16x128xf32, #tpu.memory_space<vmem>>, vector<16xf32>,
        %max3A_1060 = arith.maximumf %get3A_1054, %get3A_1059 : vector<16xf32>
        %add3A_1061 = arith.constant 64 : i32
        %add3A_1062 = arith.addi %mul3A_994, %add3A_1061 : i32
        %swap3A_1063 = arith.index_cast %add3A_1062 : i32 to index
        %swap3A_1064 = tpu.vector_load %arg6[%swap3A_1063] {strides = array<i32>} : memref<40192xf32, #tpu.memory_space<vmem>>, vector<16xf32>,
        tpu.vector_store %arg6[%swap3A_1063], %max3A_1060 {strides = array<i32>} : memref<40192xf32, #tpu.memory_space<vmem>>, vector<16xf32>,
        %add3A_1065 = arith.constant 80 : i32
        %add3A_1066 = arith.addi %mul3A_994, %add3A_1065 : i32
        %get3A_1067 = arith.index_cast %add3A_1066 : i32 to index
        %get3A_1068 = tpu.vector_load %arg6[%get3A_1067] {strides = array<i32>} : memref<40192xf32, #tpu.memory_space<vmem>>, vector<16xf32>,
        %get3A_1069 = arith.constant 7 : i32
        %get3A_1070 = arith.index_cast %rem3A_161 : i32 to index
        %get3A_1071 = arith.index_cast %get3A_1069 : i32 to index
        %get3A_1072 = arith.constant 80 : index
        %get3A_1073 = tpu.vector_load %arg11[%get3A_1070, %get3A_1071, %get3A_1072] {strides = array<i32>} : memref<8x16x128xf32, #tpu.memory_space<vmem>>, vector<16xf32>,
        %max3A_1074 = arith.maximumf %get3A_1068, %get3A_1073 : vector<16xf32>
        %add3A_1075 = arith.constant 80 : i32
        %add3A_1076 = arith.addi %mul3A_994, %add3A_1075 : i32
        %swap3A_1077 = arith.index_cast %add3A_1076 : i32 to index
        %swap3A_1078 = tpu.vector_load %arg6[%swap3A_1077] {strides = array<i32>} : memref<40192xf32, #tpu.memory_space<vmem>>, vector<16xf32>,
        tpu.vector_store %arg6[%swap3A_1077], %max3A_1074 {strides = array<i32>} : memref<40192xf32, #tpu.memory_space<vmem>>, vector<16xf32>,
        %add3A_1079 = arith.constant 96 : i32
        %add3A_1080 = arith.addi %mul3A_994, %add3A_1079 : i32
        %get3A_1081 = arith.index_cast %add3A_1080 : i32 to index
        %get3A_1082 = tpu.vector_load %arg6[%get3A_1081] {strides = array<i32>} : memref<40192xf32, #tpu.memory_space<vmem>>, vector<16xf32>,
        %get3A_1083 = arith.constant 7 : i32
        %get3A_1084 = arith.index_cast %rem3A_161 : i32 to index
        %get3A_1085 = arith.index_cast %get3A_1083 : i32 to index
        %get3A_1086 = arith.constant 96 : index
        %get3A_1087 = tpu.vector_load %arg11[%get3A_1084, %get3A_1085, %get3A_1086] {strides = array<i32>} : memref<8x16x128xf32, #tpu.memory_space<vmem>>, vector<16xf32>,
        %max3A_1088 = arith.maximumf %get3A_1082, %get3A_1087 : vector<16xf32>
        %add3A_1089 = arith.constant 96 : i32
        %add3A_1090 = arith.addi %mul3A_994, %add3A_1089 : i32
        %swap3A_1091 = arith.index_cast %add3A_1090 : i32 to index
        %swap3A_1092 = tpu.vector_load %arg6[%swap3A_1091] {strides = array<i32>} : memref<40192xf32, #tpu.memory_space<vmem>>, vector<16xf32>,
        tpu.vector_store %arg6[%swap3A_1091], %max3A_1088 {strides = array<i32>} : memref<40192xf32, #tpu.memory_space<vmem>>, vector<16xf32>,
        %add3A_1093 = arith.constant 112 : i32
        %add3A_1094 = arith.addi %mul3A_994, %add3A_1093 : i32
        %get3A_1095 = arith.index_cast %add3A_1094 : i32 to index
        %get3A_1096 = tpu.vector_load %arg6[%get3A_1095] {strides = array<i32>} : memref<40192xf32, #tpu.memory_space<vmem>>, vector<16xf32>,
        %get3A_1097 = arith.constant 7 : i32
        %get3A_1098 = arith.index_cast %rem3A_161 : i32 to index
        %get3A_1099 = arith.index_cast %get3A_1097 : i32 to index
        %get3A_1100 = arith.constant 112 : index
        %get3A_1101 = tpu.vector_load %arg11[%get3A_1098, %get3A_1099, %get3A_1100] {strides = array<i32>} : memref<8x16x128xf32, #tpu.memory_space<vmem>>, vector<16xf32>,
        %max3A_1102 = arith.maximumf %get3A_1096, %get3A_1101 : vector<16xf32>
        %add3A_1103 = arith.constant 112 : i32
        %add3A_1104 = arith.addi %mul3A_994, %add3A_1103 : i32
        %swap3A_1105 = arith.index_cast %add3A_1104 : i32 to index
        %swap3A_1106 = tpu.vector_load %arg6[%swap3A_1105] {strides = array<i32>} : memref<40192xf32, #tpu.memory_space<vmem>>, vector<16xf32>,
        tpu.vector_store %arg6[%swap3A_1105], %max3A_1102 {strides = array<i32>} : memref<40192xf32, #tpu.memory_space<vmem>>, vector<16xf32>,
        %slice3A_1107 = vector.extract_strided_slice %get3A_165 {offsets = [8], sizes = [1], strides = [1]} : vector<16xi32> to vector<1xi32>
        %squeeze3A_1108 = vector.extract %slice3A_1107[0] : i32 from vector<1xi32>
        %mul3A_1109 = arith.constant 128 : i32
        %mul3A_1110 = arith.muli %squeeze3A_1108, %mul3A_1109 : i32
        %add3A_1111 = arith.constant 0 : i32
        %add3A_1112 = arith.addi %mul3A_1110, %add3A_1111 : i32
        %get3A_1113 = arith.index_cast %add3A_1112 : i32 to index
        %get3A_1114 = tpu.vector_load %arg6[%get3A_1113] {strides = array<i32>} : memref<40192xf32, #tpu.memory_space<vmem>>, vector<16xf32>,
        %get3A_1115 = arith.constant 8 : i32
        %get3A_1116 = arith.index_cast %rem3A_161 : i32 to index
        %get3A_1117 = arith.index_cast %get3A_1115 : i32 to index
        %get3A_1118 = arith.constant 0 : index
        %get3A_1119 = tpu.vector_load %arg11[%get3A_1116, %get3A_1117, %get3A_1118] {strides = array<i32>} : memref<8x16x128xf32, #tpu.memory_space<vmem>>, vector<16xf32>,
        %max3A_1120 = arith.maximumf %get3A_1114, %get3A_1119 : vector<16xf32>
        %add3A_1121 = arith.constant 0 : i32
        %add3A_1122 = arith.addi %mul3A_1110, %add3A_1121 : i32
        %swap3A_1123 = arith.index_cast %add3A_1122 : i32 to index
        %swap3A_1124 = tpu.vector_load %arg6[%swap3A_1123] {strides = array<i32>} : memref<40192xf32, #tpu.memory_space<vmem>>, vector<16xf32>,
        tpu.vector_store %arg6[%swap3A_1123], %max3A_1120 {strides = array<i32>} : memref<40192xf32, #tpu.memory_space<vmem>>, vector<16xf32>,
        %add3A_1125 = arith.constant 16 : i32
        %add3A_1126 = arith.addi %mul3A_1110, %add3A_1125 : i32
        %get3A_1127 = arith.index_cast %add3A_1126 : i32 to index
        %get3A_1128 = tpu.vector_load %arg6[%get3A_1127] {strides = array<i32>} : memref<40192xf32, #tpu.memory_space<vmem>>, vector<16xf32>,
        %get3A_1129 = arith.constant 8 : i32
        %get3A_1130 = arith.index_cast %rem3A_161 : i32 to index
        %get3A_1131 = arith.index_cast %get3A_1129 : i32 to index
        %get3A_1132 = arith.constant 16 : index
        %get3A_1133 = tpu.vector_load %arg11[%get3A_1130, %get3A_1131, %get3A_1132] {strides = array<i32>} : memref<8x16x128xf32, #tpu.memory_space<vmem>>, vector<16xf32>,
        %max3A_1134 = arith.maximumf %get3A_1128, %get3A_1133 : vector<16xf32>
        %add3A_1135 = arith.constant 16 : i32
        %add3A_1136 = arith.addi %mul3A_1110, %add3A_1135 : i32
        %swap3A_1137 = arith.index_cast %add3A_1136 : i32 to index
        %swap3A_1138 = tpu.vector_load %arg6[%swap3A_1137] {strides = array<i32>} : memref<40192xf32, #tpu.memory_space<vmem>>, vector<16xf32>,
        tpu.vector_store %arg6[%swap3A_1137], %max3A_1134 {strides = array<i32>} : memref<40192xf32, #tpu.memory_space<vmem>>, vector<16xf32>,
        %add3A_1139 = arith.constant 32 : i32
        %add3A_1140 = arith.addi %mul3A_1110, %add3A_1139 : i32
        %get3A_1141 = arith.index_cast %add3A_1140 : i32 to index
        %get3A_1142 = tpu.vector_load %arg6[%get3A_1141] {strides = array<i32>} : memref<40192xf32, #tpu.memory_space<vmem>>, vector<16xf32>,
        %get3A_1143 = arith.constant 8 : i32
        %get3A_1144 = arith.index_cast %rem3A_161 : i32 to index
        %get3A_1145 = arith.index_cast %get3A_1143 : i32 to index
        %get3A_1146 = arith.constant 32 : index
        %get3A_1147 = tpu.vector_load %arg11[%get3A_1144, %get3A_1145, %get3A_1146] {strides = array<i32>} : memref<8x16x128xf32, #tpu.memory_space<vmem>>, vector<16xf32>,
        %max3A_1148 = arith.maximumf %get3A_1142, %get3A_1147 : vector<16xf32>
        %add3A_1149 = arith.constant 32 : i32
        %add3A_1150 = arith.addi %mul3A_1110, %add3A_1149 : i32
        %swap3A_1151 = arith.index_cast %add3A_1150 : i32 to index
        %swap3A_1152 = tpu.vector_load %arg6[%swap3A_1151] {strides = array<i32>} : memref<40192xf32, #tpu.memory_space<vmem>>, vector<16xf32>,
        tpu.vector_store %arg6[%swap3A_1151], %max3A_1148 {strides = array<i32>} : memref<40192xf32, #tpu.memory_space<vmem>>, vector<16xf32>,
        %add3A_1153 = arith.constant 48 : i32
        %add3A_1154 = arith.addi %mul3A_1110, %add3A_1153 : i32
        %get3A_1155 = arith.index_cast %add3A_1154 : i32 to index
        %get3A_1156 = tpu.vector_load %arg6[%get3A_1155] {strides = array<i32>} : memref<40192xf32, #tpu.memory_space<vmem>>, vector<16xf32>,
        %get3A_1157 = arith.constant 8 : i32
        %get3A_1158 = arith.index_cast %rem3A_161 : i32 to index
        %get3A_1159 = arith.index_cast %get3A_1157 : i32 to index
        %get3A_1160 = arith.constant 48 : index
        %get3A_1161 = tpu.vector_load %arg11[%get3A_1158, %get3A_1159, %get3A_1160] {strides = array<i32>} : memref<8x16x128xf32, #tpu.memory_space<vmem>>, vector<16xf32>,
        %max3A_1162 = arith.maximumf %get3A_1156, %get3A_1161 : vector<16xf32>
        %add3A_1163 = arith.constant 48 : i32
        %add3A_1164 = arith.addi %mul3A_1110, %add3A_1163 : i32
        %swap3A_1165 = arith.index_cast %add3A_1164 : i32 to index
        %swap3A_1166 = tpu.vector_load %arg6[%swap3A_1165] {strides = array<i32>} : memref<40192xf32, #tpu.memory_space<vmem>>, vector<16xf32>,
        tpu.vector_store %arg6[%swap3A_1165], %max3A_1162 {strides = array<i32>} : memref<40192xf32, #tpu.memory_space<vmem>>, vector<16xf32>,
        %add3A_1167 = arith.constant 64 : i32
        %add3A_1168 = arith.addi %mul3A_1110, %add3A_1167 : i32
        %get3A_1169 = arith.index_cast %add3A_1168 : i32 to index
        %get3A_1170 = tpu.vector_load %arg6[%get3A_1169] {strides = array<i32>} : memref<40192xf32, #tpu.memory_space<vmem>>, vector<16xf32>,
        %get3A_1171 = arith.constant 8 : i32
        %get3A_1172 = arith.index_cast %rem3A_161 : i32 to index
        %get3A_1173 = arith.index_cast %get3A_1171 : i32 to index
        %get3A_1174 = arith.constant 64 : index
        %get3A_1175 = tpu.vector_load %arg11[%get3A_1172, %get3A_1173, %get3A_1174] {strides = array<i32>} : memref<8x16x128xf32, #tpu.memory_space<vmem>>, vector<16xf32>,
        %max3A_1176 = arith.maximumf %get3A_1170, %get3A_1175 : vector<16xf32>
        %add3A_1177 = arith.constant 64 : i32
        %add3A_1178 = arith.addi %mul3A_1110, %add3A_1177 : i32
        %swap3A_1179 = arith.index_cast %add3A_1178 : i32 to index
        %swap3A_1180 = tpu.vector_load %arg6[%swap3A_1179] {strides = array<i32>} : memref<40192xf32, #tpu.memory_space<vmem>>, vector<16xf32>,
        tpu.vector_store %arg6[%swap3A_1179], %max3A_1176 {strides = array<i32>} : memref<40192xf32, #tpu.memory_space<vmem>>, vector<16xf32>,
        %add3A_1181 = arith.constant 80 : i32
        %add3A_1182 = arith.addi %mul3A_1110, %add3A_1181 : i32
        %get3A_1183 = arith.index_cast %add3A_1182 : i32 to index
        %get3A_1184 = tpu.vector_load %arg6[%get3A_1183] {strides = array<i32>} : memref<40192xf32, #tpu.memory_space<vmem>>, vector<16xf32>,
        %get3A_1185 = arith.constant 8 : i32
        %get3A_1186 = arith.index_cast %rem3A_161 : i32 to index
        %get3A_1187 = arith.index_cast %get3A_1185 : i32 to index
        %get3A_1188 = arith.constant 80 : index
        %get3A_1189 = tpu.vector_load %arg11[%get3A_1186, %get3A_1187, %get3A_1188] {strides = array<i32>} : memref<8x16x128xf32, #tpu.memory_space<vmem>>, vector<16xf32>,
        %max3A_1190 = arith.maximumf %get3A_1184, %get3A_1189 : vector<16xf32>
        %add3A_1191 = arith.constant 80 : i32
        %add3A_1192 = arith.addi %mul3A_1110, %add3A_1191 : i32
        %swap3A_1193 = arith.index_cast %add3A_1192 : i32 to index
        %swap3A_1194 = tpu.vector_load %arg6[%swap3A_1193] {strides = array<i32>} : memref<40192xf32, #tpu.memory_space<vmem>>, vector<16xf32>,
        tpu.vector_store %arg6[%swap3A_1193], %max3A_1190 {strides = array<i32>} : memref<40192xf32, #tpu.memory_space<vmem>>, vector<16xf32>,
        %add3A_1195 = arith.constant 96 : i32
        %add3A_1196 = arith.addi %mul3A_1110, %add3A_1195 : i32
        %get3A_1197 = arith.index_cast %add3A_1196 : i32 to index
        %get3A_1198 = tpu.vector_load %arg6[%get3A_1197] {strides = array<i32>} : memref<40192xf32, #tpu.memory_space<vmem>>, vector<16xf32>,
        %get3A_1199 = arith.constant 8 : i32
        %get3A_1200 = arith.index_cast %rem3A_161 : i32 to index
        %get3A_1201 = arith.index_cast %get3A_1199 : i32 to index
        %get3A_1202 = arith.constant 96 : index
        %get3A_1203 = tpu.vector_load %arg11[%get3A_1200, %get3A_1201, %get3A_1202] {strides = array<i32>} : memref<8x16x128xf32, #tpu.memory_space<vmem>>, vector<16xf32>,
        %max3A_1204 = arith.maximumf %get3A_1198, %get3A_1203 : vector<16xf32>
        %add3A_1205 = arith.constant 96 : i32
        %add3A_1206 = arith.addi %mul3A_1110, %add3A_1205 : i32
        %swap3A_1207 = arith.index_cast %add3A_1206 : i32 to index
        %swap3A_1208 = tpu.vector_load %arg6[%swap3A_1207] {strides = array<i32>} : memref<40192xf32, #tpu.memory_space<vmem>>, vector<16xf32>,
        tpu.vector_store %arg6[%swap3A_1207], %max3A_1204 {strides = array<i32>} : memref<40192xf32, #tpu.memory_space<vmem>>, vector<16xf32>,
        %add3A_1209 = arith.constant 112 : i32
        %add3A_1210 = arith.addi %mul3A_1110, %add3A_1209 : i32
        %get3A_1211 = arith.index_cast %add3A_1210 : i32 to index
        %get3A_1212 = tpu.vector_load %arg6[%get3A_1211] {strides = array<i32>} : memref<40192xf32, #tpu.memory_space<vmem>>, vector<16xf32>,
        %get3A_1213 = arith.constant 8 : i32
        %get3A_1214 = arith.index_cast %rem3A_161 : i32 to index
        %get3A_1215 = arith.index_cast %get3A_1213 : i32 to index
        %get3A_1216 = arith.constant 112 : index
        %get3A_1217 = tpu.vector_load %arg11[%get3A_1214, %get3A_1215, %get3A_1216] {strides = array<i32>} : memref<8x16x128xf32, #tpu.memory_space<vmem>>, vector<16xf32>,
        %max3A_1218 = arith.maximumf %get3A_1212, %get3A_1217 : vector<16xf32>
        %add3A_1219 = arith.constant 112 : i32
        %add3A_1220 = arith.addi %mul3A_1110, %add3A_1219 : i32
        %swap3A_1221 = arith.index_cast %add3A_1220 : i32 to index
        %swap3A_1222 = tpu.vector_load %arg6[%swap3A_1221] {strides = array<i32>} : memref<40192xf32, #tpu.memory_space<vmem>>, vector<16xf32>,
        tpu.vector_store %arg6[%swap3A_1221], %max3A_1218 {strides = array<i32>} : memref<40192xf32, #tpu.memory_space<vmem>>, vector<16xf32>,
        %slice3A_1223 = vector.extract_strided_slice %get3A_165 {offsets = [9], sizes = [1], strides = [1]} : vector<16xi32> to vector<1xi32>
        %squeeze3A_1224 = vector.extract %slice3A_1223[0] : i32 from vector<1xi32>
        %mul3A_1225 = arith.constant 128 : i32
        %mul3A_1226 = arith.muli %squeeze3A_1224, %mul3A_1225 : i32
        %add3A_1227 = arith.constant 0 : i32
        %add3A_1228 = arith.addi %mul3A_1226, %add3A_1227 : i32
        %get3A_1229 = arith.index_cast %add3A_1228 : i32 to index
        %get3A_1230 = tpu.vector_load %arg6[%get3A_1229] {strides = array<i32>} : memref<40192xf32, #tpu.memory_space<vmem>>, vector<16xf32>,
        %get3A_1231 = arith.constant 9 : i32
        %get3A_1232 = arith.index_cast %rem3A_161 : i32 to index
        %get3A_1233 = arith.index_cast %get3A_1231 : i32 to index
        %get3A_1234 = arith.constant 0 : index
        %get3A_1235 = tpu.vector_load %arg11[%get3A_1232, %get3A_1233, %get3A_1234] {strides = array<i32>} : memref<8x16x128xf32, #tpu.memory_space<vmem>>, vector<16xf32>,
        %max3A_1236 = arith.maximumf %get3A_1230, %get3A_1235 : vector<16xf32>
        %add3A_1237 = arith.constant 0 : i32
        %add3A_1238 = arith.addi %mul3A_1226, %add3A_1237 : i32
        %swap3A_1239 = arith.index_cast %add3A_1238 : i32 to index
        %swap3A_1240 = tpu.vector_load %arg6[%swap3A_1239] {strides = array<i32>} : memref<40192xf32, #tpu.memory_space<vmem>>, vector<16xf32>,
        tpu.vector_store %arg6[%swap3A_1239], %max3A_1236 {strides = array<i32>} : memref<40192xf32, #tpu.memory_space<vmem>>, vector<16xf32>,
        %add3A_1241 = arith.constant 16 : i32
        %add3A_1242 = arith.addi %mul3A_1226, %add3A_1241 : i32
        %get3A_1243 = arith.index_cast %add3A_1242 : i32 to index
        %get3A_1244 = tpu.vector_load %arg6[%get3A_1243] {strides = array<i32>} : memref<40192xf32, #tpu.memory_space<vmem>>, vector<16xf32>,
        %get3A_1245 = arith.constant 9 : i32
        %get3A_1246 = arith.index_cast %rem3A_161 : i32 to index
        %get3A_1247 = arith.index_cast %get3A_1245 : i32 to index
        %get3A_1248 = arith.constant 16 : index
        %get3A_1249 = tpu.vector_load %arg11[%get3A_1246, %get3A_1247, %get3A_1248] {strides = array<i32>} : memref<8x16x128xf32, #tpu.memory_space<vmem>>, vector<16xf32>,
        %max3A_1250 = arith.maximumf %get3A_1244, %get3A_1249 : vector<16xf32>
        %add3A_1251 = arith.constant 16 : i32
        %add3A_1252 = arith.addi %mul3A_1226, %add3A_1251 : i32
        %swap3A_1253 = arith.index_cast %add3A_1252 : i32 to index
        %swap3A_1254 = tpu.vector_load %arg6[%swap3A_1253] {strides = array<i32>} : memref<40192xf32, #tpu.memory_space<vmem>>, vector<16xf32>,
        tpu.vector_store %arg6[%swap3A_1253], %max3A_1250 {strides = array<i32>} : memref<40192xf32, #tpu.memory_space<vmem>>, vector<16xf32>,
        %add3A_1255 = arith.constant 32 : i32
        %add3A_1256 = arith.addi %mul3A_1226, %add3A_1255 : i32
        %get3A_1257 = arith.index_cast %add3A_1256 : i32 to index
        %get3A_1258 = tpu.vector_load %arg6[%get3A_1257] {strides = array<i32>} : memref<40192xf32, #tpu.memory_space<vmem>>, vector<16xf32>,
        %get3A_1259 = arith.constant 9 : i32
        %get3A_1260 = arith.index_cast %rem3A_161 : i32 to index
        %get3A_1261 = arith.index_cast %get3A_1259 : i32 to index
        %get3A_1262 = arith.constant 32 : index
        %get3A_1263 = tpu.vector_load %arg11[%get3A_1260, %get3A_1261, %get3A_1262] {strides = array<i32>} : memref<8x16x128xf32, #tpu.memory_space<vmem>>, vector<16xf32>,
        %max3A_1264 = arith.maximumf %get3A_1258, %get3A_1263 : vector<16xf32>
        %add3A_1265 = arith.constant 32 : i32
        %add3A_1266 = arith.addi %mul3A_1226, %add3A_1265 : i32
        %swap3A_1267 = arith.index_cast %add3A_1266 : i32 to index
        %swap3A_1268 = tpu.vector_load %arg6[%swap3A_1267] {strides = array<i32>} : memref<40192xf32, #tpu.memory_space<vmem>>, vector<16xf32>,
        tpu.vector_store %arg6[%swap3A_1267], %max3A_1264 {strides = array<i32>} : memref<40192xf32, #tpu.memory_space<vmem>>, vector<16xf32>,
        %add3A_1269 = arith.constant 48 : i32
        %add3A_1270 = arith.addi %mul3A_1226, %add3A_1269 : i32
        %get3A_1271 = arith.index_cast %add3A_1270 : i32 to index
        %get3A_1272 = tpu.vector_load %arg6[%get3A_1271] {strides = array<i32>} : memref<40192xf32, #tpu.memory_space<vmem>>, vector<16xf32>,
        %get3A_1273 = arith.constant 9 : i32
        %get3A_1274 = arith.index_cast %rem3A_161 : i32 to index
        %get3A_1275 = arith.index_cast %get3A_1273 : i32 to index
        %get3A_1276 = arith.constant 48 : index
        %get3A_1277 = tpu.vector_load %arg11[%get3A_1274, %get3A_1275, %get3A_1276] {strides = array<i32>} : memref<8x16x128xf32, #tpu.memory_space<vmem>>, vector<16xf32>,
        %max3A_1278 = arith.maximumf %get3A_1272, %get3A_1277 : vector<16xf32>
        %add3A_1279 = arith.constant 48 : i32
        %add3A_1280 = arith.addi %mul3A_1226, %add3A_1279 : i32
        %swap3A_1281 = arith.index_cast %add3A_1280 : i32 to index
        %swap3A_1282 = tpu.vector_load %arg6[%swap3A_1281] {strides = array<i32>} : memref<40192xf32, #tpu.memory_space<vmem>>, vector<16xf32>,
        tpu.vector_store %arg6[%swap3A_1281], %max3A_1278 {strides = array<i32>} : memref<40192xf32, #tpu.memory_space<vmem>>, vector<16xf32>,
        %add3A_1283 = arith.constant 64 : i32
        %add3A_1284 = arith.addi %mul3A_1226, %add3A_1283 : i32
        %get3A_1285 = arith.index_cast %add3A_1284 : i32 to index
        %get3A_1286 = tpu.vector_load %arg6[%get3A_1285] {strides = array<i32>} : memref<40192xf32, #tpu.memory_space<vmem>>, vector<16xf32>,
        %get3A_1287 = arith.constant 9 : i32
        %get3A_1288 = arith.index_cast %rem3A_161 : i32 to index
        %get3A_1289 = arith.index_cast %get3A_1287 : i32 to index
        %get3A_1290 = arith.constant 64 : index
        %get3A_1291 = tpu.vector_load %arg11[%get3A_1288, %get3A_1289, %get3A_1290] {strides = array<i32>} : memref<8x16x128xf32, #tpu.memory_space<vmem>>, vector<16xf32>,
        %max3A_1292 = arith.maximumf %get3A_1286, %get3A_1291 : vector<16xf32>
        %add3A_1293 = arith.constant 64 : i32
        %add3A_1294 = arith.addi %mul3A_1226, %add3A_1293 : i32
        %swap3A_1295 = arith.index_cast %add3A_1294 : i32 to index
        %swap3A_1296 = tpu.vector_load %arg6[%swap3A_1295] {strides = array<i32>} : memref<40192xf32, #tpu.memory_space<vmem>>, vector<16xf32>,
        tpu.vector_store %arg6[%swap3A_1295], %max3A_1292 {strides = array<i32>} : memref<40192xf32, #tpu.memory_space<vmem>>, vector<16xf32>,
        %add3A_1297 = arith.constant 80 : i32
        %add3A_1298 = arith.addi %mul3A_1226, %add3A_1297 : i32
        %get3A_1299 = arith.index_cast %add3A_1298 : i32 to index
        %get3A_1300 = tpu.vector_load %arg6[%get3A_1299] {strides = array<i32>} : memref<40192xf32, #tpu.memory_space<vmem>>, vector<16xf32>,
        %get3A_1301 = arith.constant 9 : i32
        %get3A_1302 = arith.index_cast %rem3A_161 : i32 to index
        %get3A_1303 = arith.index_cast %get3A_1301 : i32 to index
        %get3A_1304 = arith.constant 80 : index
        %get3A_1305 = tpu.vector_load %arg11[%get3A_1302, %get3A_1303, %get3A_1304] {strides = array<i32>} : memref<8x16x128xf32, #tpu.memory_space<vmem>>, vector<16xf32>,
        %max3A_1306 = arith.maximumf %get3A_1300, %get3A_1305 : vector<16xf32>
        %add3A_1307 = arith.constant 80 : i32
        %add3A_1308 = arith.addi %mul3A_1226, %add3A_1307 : i32
        %swap3A_1309 = arith.index_cast %add3A_1308 : i32 to index
        %swap3A_1310 = tpu.vector_load %arg6[%swap3A_1309] {strides = array<i32>} : memref<40192xf32, #tpu.memory_space<vmem>>, vector<16xf32>,
        tpu.vector_store %arg6[%swap3A_1309], %max3A_1306 {strides = array<i32>} : memref<40192xf32, #tpu.memory_space<vmem>>, vector<16xf32>,
        %add3A_1311 = arith.constant 96 : i32
        %add3A_1312 = arith.addi %mul3A_1226, %add3A_1311 : i32
        %get3A_1313 = arith.index_cast %add3A_1312 : i32 to index
        %get3A_1314 = tpu.vector_load %arg6[%get3A_1313] {strides = array<i32>} : memref<40192xf32, #tpu.memory_space<vmem>>, vector<16xf32>,
        %get3A_1315 = arith.constant 9 : i32
        %get3A_1316 = arith.index_cast %rem3A_161 : i32 to index
        %get3A_1317 = arith.index_cast %get3A_1315 : i32 to index
        %get3A_1318 = arith.constant 96 : index
        %get3A_1319 = tpu.vector_load %arg11[%get3A_1316, %get3A_1317, %get3A_1318] {strides = array<i32>} : memref<8x16x128xf32, #tpu.memory_space<vmem>>, vector<16xf32>,
        %max3A_1320 = arith.maximumf %get3A_1314, %get3A_1319 : vector<16xf32>
        %add3A_1321 = arith.constant 96 : i32
        %add3A_1322 = arith.addi %mul3A_1226, %add3A_1321 : i32
        %swap3A_1323 = arith.index_cast %add3A_1322 : i32 to index
        %swap3A_1324 = tpu.vector_load %arg6[%swap3A_1323] {strides = array<i32>} : memref<40192xf32, #tpu.memory_space<vmem>>, vector<16xf32>,
        tpu.vector_store %arg6[%swap3A_1323], %max3A_1320 {strides = array<i32>} : memref<40192xf32, #tpu.memory_space<vmem>>, vector<16xf32>,
        %add3A_1325 = arith.constant 112 : i32
        %add3A_1326 = arith.addi %mul3A_1226, %add3A_1325 : i32
        %get3A_1327 = arith.index_cast %add3A_1326 : i32 to index
        %get3A_1328 = tpu.vector_load %arg6[%get3A_1327] {strides = array<i32>} : memref<40192xf32, #tpu.memory_space<vmem>>, vector<16xf32>,
        %get3A_1329 = arith.constant 9 : i32
        %get3A_1330 = arith.index_cast %rem3A_161 : i32 to index
        %get3A_1331 = arith.index_cast %get3A_1329 : i32 to index
        %get3A_1332 = arith.constant 112 : index
        %get3A_1333 = tpu.vector_load %arg11[%get3A_1330, %get3A_1331, %get3A_1332] {strides = array<i32>} : memref<8x16x128xf32, #tpu.memory_space<vmem>>, vector<16xf32>,
        %max3A_1334 = arith.maximumf %get3A_1328, %get3A_1333 : vector<16xf32>
        %add3A_1335 = arith.constant 112 : i32
        %add3A_1336 = arith.addi %mul3A_1226, %add3A_1335 : i32
        %swap3A_1337 = arith.index_cast %add3A_1336 : i32 to index
        %swap3A_1338 = tpu.vector_load %arg6[%swap3A_1337] {strides = array<i32>} : memref<40192xf32, #tpu.memory_space<vmem>>, vector<16xf32>,
        tpu.vector_store %arg6[%swap3A_1337], %max3A_1334 {strides = array<i32>} : memref<40192xf32, #tpu.memory_space<vmem>>, vector<16xf32>,
        %slice3A_1339 = vector.extract_strided_slice %get3A_165 {offsets = [10], sizes = [1], strides = [1]} : vector<16xi32> to vector<1xi32>
        %squeeze3A_1340 = vector.extract %slice3A_1339[0] : i32 from vector<1xi32>
        %mul3A_1341 = arith.constant 128 : i32
        %mul3A_1342 = arith.muli %squeeze3A_1340, %mul3A_1341 : i32
        %add3A_1343 = arith.constant 0 : i32
        %add3A_1344 = arith.addi %mul3A_1342, %add3A_1343 : i32
        %get3A_1345 = arith.index_cast %add3A_1344 : i32 to index
        %get3A_1346 = tpu.vector_load %arg6[%get3A_1345] {strides = array<i32>} : memref<40192xf32, #tpu.memory_space<vmem>>, vector<16xf32>,
        %get3A_1347 = arith.constant 10 : i32
        %get3A_1348 = arith.index_cast %rem3A_161 : i32 to index
        %get3A_1349 = arith.index_cast %get3A_1347 : i32 to index
        %get3A_1350 = arith.constant 0 : index
        %get3A_1351 = tpu.vector_load %arg11[%get3A_1348, %get3A_1349, %get3A_1350] {strides = array<i32>} : memref<8x16x128xf32, #tpu.memory_space<vmem>>, vector<16xf32>,
        %max3A_1352 = arith.maximumf %get3A_1346, %get3A_1351 : vector<16xf32>
        %add3A_1353 = arith.constant 0 : i32
        %add3A_1354 = arith.addi %mul3A_1342, %add3A_1353 : i32
        %swap3A_1355 = arith.index_cast %add3A_1354 : i32 to index
        %swap3A_1356 = tpu.vector_load %arg6[%swap3A_1355] {strides = array<i32>} : memref<40192xf32, #tpu.memory_space<vmem>>, vector<16xf32>,
        tpu.vector_store %arg6[%swap3A_1355], %max3A_1352 {strides = array<i32>} : memref<40192xf32, #tpu.memory_space<vmem>>, vector<16xf32>,
        %add3A_1357 = arith.constant 16 : i32
        %add3A_1358 = arith.addi %mul3A_1342, %add3A_1357 : i32
        %get3A_1359 = arith.index_cast %add3A_1358 : i32 to index
        %get3A_1360 = tpu.vector_load %arg6[%get3A_1359] {strides = array<i32>} : memref<40192xf32, #tpu.memory_space<vmem>>, vector<16xf32>,
        %get3A_1361 = arith.constant 10 : i32
        %get3A_1362 = arith.index_cast %rem3A_161 : i32 to index
        %get3A_1363 = arith.index_cast %get3A_1361 : i32 to index
        %get3A_1364 = arith.constant 16 : index
        %get3A_1365 = tpu.vector_load %arg11[%get3A_1362, %get3A_1363, %get3A_1364] {strides = array<i32>} : memref<8x16x128xf32, #tpu.memory_space<vmem>>, vector<16xf32>,
        %max3A_1366 = arith.maximumf %get3A_1360, %get3A_1365 : vector<16xf32>
        %add3A_1367 = arith.constant 16 : i32
        %add3A_1368 = arith.addi %mul3A_1342, %add3A_1367 : i32
        %swap3A_1369 = arith.index_cast %add3A_1368 : i32 to index
        %swap3A_1370 = tpu.vector_load %arg6[%swap3A_1369] {strides = array<i32>} : memref<40192xf32, #tpu.memory_space<vmem>>, vector<16xf32>,
        tpu.vector_store %arg6[%swap3A_1369], %max3A_1366 {strides = array<i32>} : memref<40192xf32, #tpu.memory_space<vmem>>, vector<16xf32>,
        %add3A_1371 = arith.constant 32 : i32
        %add3A_1372 = arith.addi %mul3A_1342, %add3A_1371 : i32
        %get3A_1373 = arith.index_cast %add3A_1372 : i32 to index
        %get3A_1374 = tpu.vector_load %arg6[%get3A_1373] {strides = array<i32>} : memref<40192xf32, #tpu.memory_space<vmem>>, vector<16xf32>,
        %get3A_1375 = arith.constant 10 : i32
        %get3A_1376 = arith.index_cast %rem3A_161 : i32 to index
        %get3A_1377 = arith.index_cast %get3A_1375 : i32 to index
        %get3A_1378 = arith.constant 32 : index
        %get3A_1379 = tpu.vector_load %arg11[%get3A_1376, %get3A_1377, %get3A_1378] {strides = array<i32>} : memref<8x16x128xf32, #tpu.memory_space<vmem>>, vector<16xf32>,
        %max3A_1380 = arith.maximumf %get3A_1374, %get3A_1379 : vector<16xf32>
        %add3A_1381 = arith.constant 32 : i32
        %add3A_1382 = arith.addi %mul3A_1342, %add3A_1381 : i32
        %swap3A_1383 = arith.index_cast %add3A_1382 : i32 to index
        %swap3A_1384 = tpu.vector_load %arg6[%swap3A_1383] {strides = array<i32>} : memref<40192xf32, #tpu.memory_space<vmem>>, vector<16xf32>,
        tpu.vector_store %arg6[%swap3A_1383], %max3A_1380 {strides = array<i32>} : memref<40192xf32, #tpu.memory_space<vmem>>, vector<16xf32>,
        %add3A_1385 = arith.constant 48 : i32
        %add3A_1386 = arith.addi %mul3A_1342, %add3A_1385 : i32
        %get3A_1387 = arith.index_cast %add3A_1386 : i32 to index
        %get3A_1388 = tpu.vector_load %arg6[%get3A_1387] {strides = array<i32>} : memref<40192xf32, #tpu.memory_space<vmem>>, vector<16xf32>,
        %get3A_1389 = arith.constant 10 : i32
        %get3A_1390 = arith.index_cast %rem3A_161 : i32 to index
        %get3A_1391 = arith.index_cast %get3A_1389 : i32 to index
        %get3A_1392 = arith.constant 48 : index
        %get3A_1393 = tpu.vector_load %arg11[%get3A_1390, %get3A_1391, %get3A_1392] {strides = array<i32>} : memref<8x16x128xf32, #tpu.memory_space<vmem>>, vector<16xf32>,
        %max3A_1394 = arith.maximumf %get3A_1388, %get3A_1393 : vector<16xf32>
        %add3A_1395 = arith.constant 48 : i32
        %add3A_1396 = arith.addi %mul3A_1342, %add3A_1395 : i32
        %swap3A_1397 = arith.index_cast %add3A_1396 : i32 to index
        %swap3A_1398 = tpu.vector_load %arg6[%swap3A_1397] {strides = array<i32>} : memref<40192xf32, #tpu.memory_space<vmem>>, vector<16xf32>,
        tpu.vector_store %arg6[%swap3A_1397], %max3A_1394 {strides = array<i32>} : memref<40192xf32, #tpu.memory_space<vmem>>, vector<16xf32>,
        %add3A_1399 = arith.constant 64 : i32
        %add3A_1400 = arith.addi %mul3A_1342, %add3A_1399 : i32
        %get3A_1401 = arith.index_cast %add3A_1400 : i32 to index
        %get3A_1402 = tpu.vector_load %arg6[%get3A_1401] {strides = array<i32>} : memref<40192xf32, #tpu.memory_space<vmem>>, vector<16xf32>,
        %get3A_1403 = arith.constant 10 : i32
        %get3A_1404 = arith.index_cast %rem3A_161 : i32 to index
        %get3A_1405 = arith.index_cast %get3A_1403 : i32 to index
        %get3A_1406 = arith.constant 64 : index
        %get3A_1407 = tpu.vector_load %arg11[%get3A_1404, %get3A_1405, %get3A_1406] {strides = array<i32>} : memref<8x16x128xf32, #tpu.memory_space<vmem>>, vector<16xf32>,
        %max3A_1408 = arith.maximumf %get3A_1402, %get3A_1407 : vector<16xf32>
        %add3A_1409 = arith.constant 64 : i32
        %add3A_1410 = arith.addi %mul3A_1342, %add3A_1409 : i32
        %swap3A_1411 = arith.index_cast %add3A_1410 : i32 to index
        %swap3A_1412 = tpu.vector_load %arg6[%swap3A_1411] {strides = array<i32>} : memref<40192xf32, #tpu.memory_space<vmem>>, vector<16xf32>,
        tpu.vector_store %arg6[%swap3A_1411], %max3A_1408 {strides = array<i32>} : memref<40192xf32, #tpu.memory_space<vmem>>, vector<16xf32>,
        %add3A_1413 = arith.constant 80 : i32
        %add3A_1414 = arith.addi %mul3A_1342, %add3A_1413 : i32
        %get3A_1415 = arith.index_cast %add3A_1414 : i32 to index
        %get3A_1416 = tpu.vector_load %arg6[%get3A_1415] {strides = array<i32>} : memref<40192xf32, #tpu.memory_space<vmem>>, vector<16xf32>,
        %get3A_1417 = arith.constant 10 : i32
        %get3A_1418 = arith.index_cast %rem3A_161 : i32 to index
        %get3A_1419 = arith.index_cast %get3A_1417 : i32 to index
        %get3A_1420 = arith.constant 80 : index
        %get3A_1421 = tpu.vector_load %arg11[%get3A_1418, %get3A_1419, %get3A_1420] {strides = array<i32>} : memref<8x16x128xf32, #tpu.memory_space<vmem>>, vector<16xf32>,
        %max3A_1422 = arith.maximumf %get3A_1416, %get3A_1421 : vector<16xf32>
        %add3A_1423 = arith.constant 80 : i32
        %add3A_1424 = arith.addi %mul3A_1342, %add3A_1423 : i32
        %swap3A_1425 = arith.index_cast %add3A_1424 : i32 to index
        %swap3A_1426 = tpu.vector_load %arg6[%swap3A_1425] {strides = array<i32>} : memref<40192xf32, #tpu.memory_space<vmem>>, vector<16xf32>,
        tpu.vector_store %arg6[%swap3A_1425], %max3A_1422 {strides = array<i32>} : memref<40192xf32, #tpu.memory_space<vmem>>, vector<16xf32>,
        %add3A_1427 = arith.constant 96 : i32
        %add3A_1428 = arith.addi %mul3A_1342, %add3A_1427 : i32
        %get3A_1429 = arith.index_cast %add3A_1428 : i32 to index
        %get3A_1430 = tpu.vector_load %arg6[%get3A_1429] {strides = array<i32>} : memref<40192xf32, #tpu.memory_space<vmem>>, vector<16xf32>,
        %get3A_1431 = arith.constant 10 : i32
        %get3A_1432 = arith.index_cast %rem3A_161 : i32 to index
        %get3A_1433 = arith.index_cast %get3A_1431 : i32 to index
        %get3A_1434 = arith.constant 96 : index
        %get3A_1435 = tpu.vector_load %arg11[%get3A_1432, %get3A_1433, %get3A_1434] {strides = array<i32>} : memref<8x16x128xf32, #tpu.memory_space<vmem>>, vector<16xf32>,
        %max3A_1436 = arith.maximumf %get3A_1430, %get3A_1435 : vector<16xf32>
        %add3A_1437 = arith.constant 96 : i32
        %add3A_1438 = arith.addi %mul3A_1342, %add3A_1437 : i32
        %swap3A_1439 = arith.index_cast %add3A_1438 : i32 to index
        %swap3A_1440 = tpu.vector_load %arg6[%swap3A_1439] {strides = array<i32>} : memref<40192xf32, #tpu.memory_space<vmem>>, vector<16xf32>,
        tpu.vector_store %arg6[%swap3A_1439], %max3A_1436 {strides = array<i32>} : memref<40192xf32, #tpu.memory_space<vmem>>, vector<16xf32>,
        %add3A_1441 = arith.constant 112 : i32
        %add3A_1442 = arith.addi %mul3A_1342, %add3A_1441 : i32
        %get3A_1443 = arith.index_cast %add3A_1442 : i32 to index
        %get3A_1444 = tpu.vector_load %arg6[%get3A_1443] {strides = array<i32>} : memref<40192xf32, #tpu.memory_space<vmem>>, vector<16xf32>,
        %get3A_1445 = arith.constant 10 : i32
        %get3A_1446 = arith.index_cast %rem3A_161 : i32 to index
        %get3A_1447 = arith.index_cast %get3A_1445 : i32 to index
        %get3A_1448 = arith.constant 112 : index
        %get3A_1449 = tpu.vector_load %arg11[%get3A_1446, %get3A_1447, %get3A_1448] {strides = array<i32>} : memref<8x16x128xf32, #tpu.memory_space<vmem>>, vector<16xf32>,
        %max3A_1450 = arith.maximumf %get3A_1444, %get3A_1449 : vector<16xf32>
        %add3A_1451 = arith.constant 112 : i32
        %add3A_1452 = arith.addi %mul3A_1342, %add3A_1451 : i32
        %swap3A_1453 = arith.index_cast %add3A_1452 : i32 to index
        %swap3A_1454 = tpu.vector_load %arg6[%swap3A_1453] {strides = array<i32>} : memref<40192xf32, #tpu.memory_space<vmem>>, vector<16xf32>,
        tpu.vector_store %arg6[%swap3A_1453], %max3A_1450 {strides = array<i32>} : memref<40192xf32, #tpu.memory_space<vmem>>, vector<16xf32>,
        %slice3A_1455 = vector.extract_strided_slice %get3A_165 {offsets = [11], sizes = [1], strides = [1]} : vector<16xi32> to vector<1xi32>
        %squeeze3A_1456 = vector.extract %slice3A_1455[0] : i32 from vector<1xi32>
        %mul3A_1457 = arith.constant 128 : i32
        %mul3A_1458 = arith.muli %squeeze3A_1456, %mul3A_1457 : i32
        %add3A_1459 = arith.constant 0 : i32
        %add3A_1460 = arith.addi %mul3A_1458, %add3A_1459 : i32
        %get3A_1461 = arith.index_cast %add3A_1460 : i32 to index
        %get3A_1462 = tpu.vector_load %arg6[%get3A_1461] {strides = array<i32>} : memref<40192xf32, #tpu.memory_space<vmem>>, vector<16xf32>,
        %get3A_1463 = arith.constant 11 : i32
        %get3A_1464 = arith.index_cast %rem3A_161 : i32 to index
        %get3A_1465 = arith.index_cast %get3A_1463 : i32 to index
        %get3A_1466 = arith.constant 0 : index
        %get3A_1467 = tpu.vector_load %arg11[%get3A_1464, %get3A_1465, %get3A_1466] {strides = array<i32>} : memref<8x16x128xf32, #tpu.memory_space<vmem>>, vector<16xf32>,
        %max3A_1468 = arith.maximumf %get3A_1462, %get3A_1467 : vector<16xf32>
        %add3A_1469 = arith.constant 0 : i32
        %add3A_1470 = arith.addi %mul3A_1458, %add3A_1469 : i32
        %swap3A_1471 = arith.index_cast %add3A_1470 : i32 to index
        %swap3A_1472 = tpu.vector_load %arg6[%swap3A_1471] {strides = array<i32>} : memref<40192xf32, #tpu.memory_space<vmem>>, vector<16xf32>,
        tpu.vector_store %arg6[%swap3A_1471], %max3A_1468 {strides = array<i32>} : memref<40192xf32, #tpu.memory_space<vmem>>, vector<16xf32>,
        %add3A_1473 = arith.constant 16 : i32
        %add3A_1474 = arith.addi %mul3A_1458, %add3A_1473 : i32
        %get3A_1475 = arith.index_cast %add3A_1474 : i32 to index
        %get3A_1476 = tpu.vector_load %arg6[%get3A_1475] {strides = array<i32>} : memref<40192xf32, #tpu.memory_space<vmem>>, vector<16xf32>,
        %get3A_1477 = arith.constant 11 : i32
        %get3A_1478 = arith.index_cast %rem3A_161 : i32 to index
        %get3A_1479 = arith.index_cast %get3A_1477 : i32 to index
        %get3A_1480 = arith.constant 16 : index
        %get3A_1481 = tpu.vector_load %arg11[%get3A_1478, %get3A_1479, %get3A_1480] {strides = array<i32>} : memref<8x16x128xf32, #tpu.memory_space<vmem>>, vector<16xf32>,
        %max3A_1482 = arith.maximumf %get3A_1476, %get3A_1481 : vector<16xf32>
        %add3A_1483 = arith.constant 16 : i32
        %add3A_1484 = arith.addi %mul3A_1458, %add3A_1483 : i32
        %swap3A_1485 = arith.index_cast %add3A_1484 : i32 to index
        %swap3A_1486 = tpu.vector_load %arg6[%swap3A_1485] {strides = array<i32>} : memref<40192xf32, #tpu.memory_space<vmem>>, vector<16xf32>,
        tpu.vector_store %arg6[%swap3A_1485], %max3A_1482 {strides = array<i32>} : memref<40192xf32, #tpu.memory_space<vmem>>, vector<16xf32>,
        %add3A_1487 = arith.constant 32 : i32
        %add3A_1488 = arith.addi %mul3A_1458, %add3A_1487 : i32
        %get3A_1489 = arith.index_cast %add3A_1488 : i32 to index
        %get3A_1490 = tpu.vector_load %arg6[%get3A_1489] {strides = array<i32>} : memref<40192xf32, #tpu.memory_space<vmem>>, vector<16xf32>,
        %get3A_1491 = arith.constant 11 : i32
        %get3A_1492 = arith.index_cast %rem3A_161 : i32 to index
        %get3A_1493 = arith.index_cast %get3A_1491 : i32 to index
        %get3A_1494 = arith.constant 32 : index
        %get3A_1495 = tpu.vector_load %arg11[%get3A_1492, %get3A_1493, %get3A_1494] {strides = array<i32>} : memref<8x16x128xf32, #tpu.memory_space<vmem>>, vector<16xf32>,
        %max3A_1496 = arith.maximumf %get3A_1490, %get3A_1495 : vector<16xf32>
        %add3A_1497 = arith.constant 32 : i32
        %add3A_1498 = arith.addi %mul3A_1458, %add3A_1497 : i32
        %swap3A_1499 = arith.index_cast %add3A_1498 : i32 to index
        %swap3A_1500 = tpu.vector_load %arg6[%swap3A_1499] {strides = array<i32>} : memref<40192xf32, #tpu.memory_space<vmem>>, vector<16xf32>,
        tpu.vector_store %arg6[%swap3A_1499], %max3A_1496 {strides = array<i32>} : memref<40192xf32, #tpu.memory_space<vmem>>, vector<16xf32>,
        %add3A_1501 = arith.constant 48 : i32
        %add3A_1502 = arith.addi %mul3A_1458, %add3A_1501 : i32
        %get3A_1503 = arith.index_cast %add3A_1502 : i32 to index
        %get3A_1504 = tpu.vector_load %arg6[%get3A_1503] {strides = array<i32>} : memref<40192xf32, #tpu.memory_space<vmem>>, vector<16xf32>,
        %get3A_1505 = arith.constant 11 : i32
        %get3A_1506 = arith.index_cast %rem3A_161 : i32 to index
        %get3A_1507 = arith.index_cast %get3A_1505 : i32 to index
        %get3A_1508 = arith.constant 48 : index
        %get3A_1509 = tpu.vector_load %arg11[%get3A_1506, %get3A_1507, %get3A_1508] {strides = array<i32>} : memref<8x16x128xf32, #tpu.memory_space<vmem>>, vector<16xf32>,
        %max3A_1510 = arith.maximumf %get3A_1504, %get3A_1509 : vector<16xf32>
        %add3A_1511 = arith.constant 48 : i32
        %add3A_1512 = arith.addi %mul3A_1458, %add3A_1511 : i32
        %swap3A_1513 = arith.index_cast %add3A_1512 : i32 to index
        %swap3A_1514 = tpu.vector_load %arg6[%swap3A_1513] {strides = array<i32>} : memref<40192xf32, #tpu.memory_space<vmem>>, vector<16xf32>,
        tpu.vector_store %arg6[%swap3A_1513], %max3A_1510 {strides = array<i32>} : memref<40192xf32, #tpu.memory_space<vmem>>, vector<16xf32>,
        %add3A_1515 = arith.constant 64 : i32
        %add3A_1516 = arith.addi %mul3A_1458, %add3A_1515 : i32
        %get3A_1517 = arith.index_cast %add3A_1516 : i32 to index
        %get3A_1518 = tpu.vector_load %arg6[%get3A_1517] {strides = array<i32>} : memref<40192xf32, #tpu.memory_space<vmem>>, vector<16xf32>,
        %get3A_1519 = arith.constant 11 : i32
        %get3A_1520 = arith.index_cast %rem3A_161 : i32 to index
        %get3A_1521 = arith.index_cast %get3A_1519 : i32 to index
        %get3A_1522 = arith.constant 64 : index
        %get3A_1523 = tpu.vector_load %arg11[%get3A_1520, %get3A_1521, %get3A_1522] {strides = array<i32>} : memref<8x16x128xf32, #tpu.memory_space<vmem>>, vector<16xf32>,
        %max3A_1524 = arith.maximumf %get3A_1518, %get3A_1523 : vector<16xf32>
        %add3A_1525 = arith.constant 64 : i32
        %add3A_1526 = arith.addi %mul3A_1458, %add3A_1525 : i32
        %swap3A_1527 = arith.index_cast %add3A_1526 : i32 to index
        %swap3A_1528 = tpu.vector_load %arg6[%swap3A_1527] {strides = array<i32>} : memref<40192xf32, #tpu.memory_space<vmem>>, vector<16xf32>,
        tpu.vector_store %arg6[%swap3A_1527], %max3A_1524 {strides = array<i32>} : memref<40192xf32, #tpu.memory_space<vmem>>, vector<16xf32>,
        %add3A_1529 = arith.constant 80 : i32
        %add3A_1530 = arith.addi %mul3A_1458, %add3A_1529 : i32
        %get3A_1531 = arith.index_cast %add3A_1530 : i32 to index
        %get3A_1532 = tpu.vector_load %arg6[%get3A_1531] {strides = array<i32>} : memref<40192xf32, #tpu.memory_space<vmem>>, vector<16xf32>,
        %get3A_1533 = arith.constant 11 : i32
        %get3A_1534 = arith.index_cast %rem3A_161 : i32 to index
        %get3A_1535 = arith.index_cast %get3A_1533 : i32 to index
        %get3A_1536 = arith.constant 80 : index
        %get3A_1537 = tpu.vector_load %arg11[%get3A_1534, %get3A_1535, %get3A_1536] {strides = array<i32>} : memref<8x16x128xf32, #tpu.memory_space<vmem>>, vector<16xf32>,
        %max3A_1538 = arith.maximumf %get3A_1532, %get3A_1537 : vector<16xf32>
        %add3A_1539 = arith.constant 80 : i32
        %add3A_1540 = arith.addi %mul3A_1458, %add3A_1539 : i32
        %swap3A_1541 = arith.index_cast %add3A_1540 : i32 to index
        %swap3A_1542 = tpu.vector_load %arg6[%swap3A_1541] {strides = array<i32>} : memref<40192xf32, #tpu.memory_space<vmem>>, vector<16xf32>,
        tpu.vector_store %arg6[%swap3A_1541], %max3A_1538 {strides = array<i32>} : memref<40192xf32, #tpu.memory_space<vmem>>, vector<16xf32>,
        %add3A_1543 = arith.constant 96 : i32
        %add3A_1544 = arith.addi %mul3A_1458, %add3A_1543 : i32
        %get3A_1545 = arith.index_cast %add3A_1544 : i32 to index
        %get3A_1546 = tpu.vector_load %arg6[%get3A_1545] {strides = array<i32>} : memref<40192xf32, #tpu.memory_space<vmem>>, vector<16xf32>,
        %get3A_1547 = arith.constant 11 : i32
        %get3A_1548 = arith.index_cast %rem3A_161 : i32 to index
        %get3A_1549 = arith.index_cast %get3A_1547 : i32 to index
        %get3A_1550 = arith.constant 96 : index
        %get3A_1551 = tpu.vector_load %arg11[%get3A_1548, %get3A_1549, %get3A_1550] {strides = array<i32>} : memref<8x16x128xf32, #tpu.memory_space<vmem>>, vector<16xf32>,
        %max3A_1552 = arith.maximumf %get3A_1546, %get3A_1551 : vector<16xf32>
        %add3A_1553 = arith.constant 96 : i32
        %add3A_1554 = arith.addi %mul3A_1458, %add3A_1553 : i32
        %swap3A_1555 = arith.index_cast %add3A_1554 : i32 to index
        %swap3A_1556 = tpu.vector_load %arg6[%swap3A_1555] {strides = array<i32>} : memref<40192xf32, #tpu.memory_space<vmem>>, vector<16xf32>,
        tpu.vector_store %arg6[%swap3A_1555], %max3A_1552 {strides = array<i32>} : memref<40192xf32, #tpu.memory_space<vmem>>, vector<16xf32>,
        %add3A_1557 = arith.constant 112 : i32
        %add3A_1558 = arith.addi %mul3A_1458, %add3A_1557 : i32
        %get3A_1559 = arith.index_cast %add3A_1558 : i32 to index
        %get3A_1560 = tpu.vector_load %arg6[%get3A_1559] {strides = array<i32>} : memref<40192xf32, #tpu.memory_space<vmem>>, vector<16xf32>,
        %get3A_1561 = arith.constant 11 : i32
        %get3A_1562 = arith.index_cast %rem3A_161 : i32 to index
        %get3A_1563 = arith.index_cast %get3A_1561 : i32 to index
        %get3A_1564 = arith.constant 112 : index
        %get3A_1565 = tpu.vector_load %arg11[%get3A_1562, %get3A_1563, %get3A_1564] {strides = array<i32>} : memref<8x16x128xf32, #tpu.memory_space<vmem>>, vector<16xf32>,
        %max3A_1566 = arith.maximumf %get3A_1560, %get3A_1565 : vector<16xf32>
        %add3A_1567 = arith.constant 112 : i32
        %add3A_1568 = arith.addi %mul3A_1458, %add3A_1567 : i32
        %swap3A_1569 = arith.index_cast %add3A_1568 : i32 to index
        %swap3A_1570 = tpu.vector_load %arg6[%swap3A_1569] {strides = array<i32>} : memref<40192xf32, #tpu.memory_space<vmem>>, vector<16xf32>,
        tpu.vector_store %arg6[%swap3A_1569], %max3A_1566 {strides = array<i32>} : memref<40192xf32, #tpu.memory_space<vmem>>, vector<16xf32>,
        %slice3A_1571 = vector.extract_strided_slice %get3A_165 {offsets = [12], sizes = [1], strides = [1]} : vector<16xi32> to vector<1xi32>
        %squeeze3A_1572 = vector.extract %slice3A_1571[0] : i32 from vector<1xi32>
        %mul3A_1573 = arith.constant 128 : i32
        %mul3A_1574 = arith.muli %squeeze3A_1572, %mul3A_1573 : i32
        %add3A_1575 = arith.constant 0 : i32
        %add3A_1576 = arith.addi %mul3A_1574, %add3A_1575 : i32
        %get3A_1577 = arith.index_cast %add3A_1576 : i32 to index
        %get3A_1578 = tpu.vector_load %arg6[%get3A_1577] {strides = array<i32>} : memref<40192xf32, #tpu.memory_space<vmem>>, vector<16xf32>,
        %get3A_1579 = arith.constant 12 : i32
        %get3A_1580 = arith.index_cast %rem3A_161 : i32 to index
        %get3A_1581 = arith.index_cast %get3A_1579 : i32 to index
        %get3A_1582 = arith.constant 0 : index
        %get3A_1583 = tpu.vector_load %arg11[%get3A_1580, %get3A_1581, %get3A_1582] {strides = array<i32>} : memref<8x16x128xf32, #tpu.memory_space<vmem>>, vector<16xf32>,
        %max3A_1584 = arith.maximumf %get3A_1578, %get3A_1583 : vector<16xf32>
        %add3A_1585 = arith.constant 0 : i32
        %add3A_1586 = arith.addi %mul3A_1574, %add3A_1585 : i32
        %swap3A_1587 = arith.index_cast %add3A_1586 : i32 to index
        %swap3A_1588 = tpu.vector_load %arg6[%swap3A_1587] {strides = array<i32>} : memref<40192xf32, #tpu.memory_space<vmem>>, vector<16xf32>,
        tpu.vector_store %arg6[%swap3A_1587], %max3A_1584 {strides = array<i32>} : memref<40192xf32, #tpu.memory_space<vmem>>, vector<16xf32>,
        %add3A_1589 = arith.constant 16 : i32
        %add3A_1590 = arith.addi %mul3A_1574, %add3A_1589 : i32
        %get3A_1591 = arith.index_cast %add3A_1590 : i32 to index
        %get3A_1592 = tpu.vector_load %arg6[%get3A_1591] {strides = array<i32>} : memref<40192xf32, #tpu.memory_space<vmem>>, vector<16xf32>,
        %get3A_1593 = arith.constant 12 : i32
        %get3A_1594 = arith.index_cast %rem3A_161 : i32 to index
        %get3A_1595 = arith.index_cast %get3A_1593 : i32 to index
        %get3A_1596 = arith.constant 16 : index
        %get3A_1597 = tpu.vector_load %arg11[%get3A_1594, %get3A_1595, %get3A_1596] {strides = array<i32>} : memref<8x16x128xf32, #tpu.memory_space<vmem>>, vector<16xf32>,
        %max3A_1598 = arith.maximumf %get3A_1592, %get3A_1597 : vector<16xf32>
        %add3A_1599 = arith.constant 16 : i32
        %add3A_1600 = arith.addi %mul3A_1574, %add3A_1599 : i32
        %swap3A_1601 = arith.index_cast %add3A_1600 : i32 to index
        %swap3A_1602 = tpu.vector_load %arg6[%swap3A_1601] {strides = array<i32>} : memref<40192xf32, #tpu.memory_space<vmem>>, vector<16xf32>,
        tpu.vector_store %arg6[%swap3A_1601], %max3A_1598 {strides = array<i32>} : memref<40192xf32, #tpu.memory_space<vmem>>, vector<16xf32>,
        %add3A_1603 = arith.constant 32 : i32
        %add3A_1604 = arith.addi %mul3A_1574, %add3A_1603 : i32
        %get3A_1605 = arith.index_cast %add3A_1604 : i32 to index
        %get3A_1606 = tpu.vector_load %arg6[%get3A_1605] {strides = array<i32>} : memref<40192xf32, #tpu.memory_space<vmem>>, vector<16xf32>,
        %get3A_1607 = arith.constant 12 : i32
        %get3A_1608 = arith.index_cast %rem3A_161 : i32 to index
        %get3A_1609 = arith.index_cast %get3A_1607 : i32 to index
        %get3A_1610 = arith.constant 32 : index
        %get3A_1611 = tpu.vector_load %arg11[%get3A_1608, %get3A_1609, %get3A_1610] {strides = array<i32>} : memref<8x16x128xf32, #tpu.memory_space<vmem>>, vector<16xf32>,
        %max3A_1612 = arith.maximumf %get3A_1606, %get3A_1611 : vector<16xf32>
        %add3A_1613 = arith.constant 32 : i32
        %add3A_1614 = arith.addi %mul3A_1574, %add3A_1613 : i32
        %swap3A_1615 = arith.index_cast %add3A_1614 : i32 to index
        %swap3A_1616 = tpu.vector_load %arg6[%swap3A_1615] {strides = array<i32>} : memref<40192xf32, #tpu.memory_space<vmem>>, vector<16xf32>,
        tpu.vector_store %arg6[%swap3A_1615], %max3A_1612 {strides = array<i32>} : memref<40192xf32, #tpu.memory_space<vmem>>, vector<16xf32>,
        %add3A_1617 = arith.constant 48 : i32
        %add3A_1618 = arith.addi %mul3A_1574, %add3A_1617 : i32
        %get3A_1619 = arith.index_cast %add3A_1618 : i32 to index
        %get3A_1620 = tpu.vector_load %arg6[%get3A_1619] {strides = array<i32>} : memref<40192xf32, #tpu.memory_space<vmem>>, vector<16xf32>,
        %get3A_1621 = arith.constant 12 : i32
        %get3A_1622 = arith.index_cast %rem3A_161 : i32 to index
        %get3A_1623 = arith.index_cast %get3A_1621 : i32 to index
        %get3A_1624 = arith.constant 48 : index
        %get3A_1625 = tpu.vector_load %arg11[%get3A_1622, %get3A_1623, %get3A_1624] {strides = array<i32>} : memref<8x16x128xf32, #tpu.memory_space<vmem>>, vector<16xf32>,
        %max3A_1626 = arith.maximumf %get3A_1620, %get3A_1625 : vector<16xf32>
        %add3A_1627 = arith.constant 48 : i32
        %add3A_1628 = arith.addi %mul3A_1574, %add3A_1627 : i32
        %swap3A_1629 = arith.index_cast %add3A_1628 : i32 to index
        %swap3A_1630 = tpu.vector_load %arg6[%swap3A_1629] {strides = array<i32>} : memref<40192xf32, #tpu.memory_space<vmem>>, vector<16xf32>,
        tpu.vector_store %arg6[%swap3A_1629], %max3A_1626 {strides = array<i32>} : memref<40192xf32, #tpu.memory_space<vmem>>, vector<16xf32>,
        %add3A_1631 = arith.constant 64 : i32
        %add3A_1632 = arith.addi %mul3A_1574, %add3A_1631 : i32
        %get3A_1633 = arith.index_cast %add3A_1632 : i32 to index
        %get3A_1634 = tpu.vector_load %arg6[%get3A_1633] {strides = array<i32>} : memref<40192xf32, #tpu.memory_space<vmem>>, vector<16xf32>,
        %get3A_1635 = arith.constant 12 : i32
        %get3A_1636 = arith.index_cast %rem3A_161 : i32 to index
        %get3A_1637 = arith.index_cast %get3A_1635 : i32 to index
        %get3A_1638 = arith.constant 64 : index
        %get3A_1639 = tpu.vector_load %arg11[%get3A_1636, %get3A_1637, %get3A_1638] {strides = array<i32>} : memref<8x16x128xf32, #tpu.memory_space<vmem>>, vector<16xf32>,
        %max3A_1640 = arith.maximumf %get3A_1634, %get3A_1639 : vector<16xf32>
        %add3A_1641 = arith.constant 64 : i32
        %add3A_1642 = arith.addi %mul3A_1574, %add3A_1641 : i32
        %swap3A_1643 = arith.index_cast %add3A_1642 : i32 to index
        %swap3A_1644 = tpu.vector_load %arg6[%swap3A_1643] {strides = array<i32>} : memref<40192xf32, #tpu.memory_space<vmem>>, vector<16xf32>,
        tpu.vector_store %arg6[%swap3A_1643], %max3A_1640 {strides = array<i32>} : memref<40192xf32, #tpu.memory_space<vmem>>, vector<16xf32>,
        %add3A_1645 = arith.constant 80 : i32
        %add3A_1646 = arith.addi %mul3A_1574, %add3A_1645 : i32
        %get3A_1647 = arith.index_cast %add3A_1646 : i32 to index
        %get3A_1648 = tpu.vector_load %arg6[%get3A_1647] {strides = array<i32>} : memref<40192xf32, #tpu.memory_space<vmem>>, vector<16xf32>,
        %get3A_1649 = arith.constant 12 : i32
        %get3A_1650 = arith.index_cast %rem3A_161 : i32 to index
        %get3A_1651 = arith.index_cast %get3A_1649 : i32 to index
        %get3A_1652 = arith.constant 80 : index
        %get3A_1653 = tpu.vector_load %arg11[%get3A_1650, %get3A_1651, %get3A_1652] {strides = array<i32>} : memref<8x16x128xf32, #tpu.memory_space<vmem>>, vector<16xf32>,
        %max3A_1654 = arith.maximumf %get3A_1648, %get3A_1653 : vector<16xf32>
        %add3A_1655 = arith.constant 80 : i32
        %add3A_1656 = arith.addi %mul3A_1574, %add3A_1655 : i32
        %swap3A_1657 = arith.index_cast %add3A_1656 : i32 to index
        %swap3A_1658 = tpu.vector_load %arg6[%swap3A_1657] {strides = array<i32>} : memref<40192xf32, #tpu.memory_space<vmem>>, vector<16xf32>,
        tpu.vector_store %arg6[%swap3A_1657], %max3A_1654 {strides = array<i32>} : memref<40192xf32, #tpu.memory_space<vmem>>, vector<16xf32>,
        %add3A_1659 = arith.constant 96 : i32
        %add3A_1660 = arith.addi %mul3A_1574, %add3A_1659 : i32
        %get3A_1661 = arith.index_cast %add3A_1660 : i32 to index
        %get3A_1662 = tpu.vector_load %arg6[%get3A_1661] {strides = array<i32>} : memref<40192xf32, #tpu.memory_space<vmem>>, vector<16xf32>,
        %get3A_1663 = arith.constant 12 : i32
        %get3A_1664 = arith.index_cast %rem3A_161 : i32 to index
        %get3A_1665 = arith.index_cast %get3A_1663 : i32 to index
        %get3A_1666 = arith.constant 96 : index
        %get3A_1667 = tpu.vector_load %arg11[%get3A_1664, %get3A_1665, %get3A_1666] {strides = array<i32>} : memref<8x16x128xf32, #tpu.memory_space<vmem>>, vector<16xf32>,
        %max3A_1668 = arith.maximumf %get3A_1662, %get3A_1667 : vector<16xf32>
        %add3A_1669 = arith.constant 96 : i32
        %add3A_1670 = arith.addi %mul3A_1574, %add3A_1669 : i32
        %swap3A_1671 = arith.index_cast %add3A_1670 : i32 to index
        %swap3A_1672 = tpu.vector_load %arg6[%swap3A_1671] {strides = array<i32>} : memref<40192xf32, #tpu.memory_space<vmem>>, vector<16xf32>,
        tpu.vector_store %arg6[%swap3A_1671], %max3A_1668 {strides = array<i32>} : memref<40192xf32, #tpu.memory_space<vmem>>, vector<16xf32>,
        %add3A_1673 = arith.constant 112 : i32
        %add3A_1674 = arith.addi %mul3A_1574, %add3A_1673 : i32
        %get3A_1675 = arith.index_cast %add3A_1674 : i32 to index
        %get3A_1676 = tpu.vector_load %arg6[%get3A_1675] {strides = array<i32>} : memref<40192xf32, #tpu.memory_space<vmem>>, vector<16xf32>,
        %get3A_1677 = arith.constant 12 : i32
        %get3A_1678 = arith.index_cast %rem3A_161 : i32 to index
        %get3A_1679 = arith.index_cast %get3A_1677 : i32 to index
        %get3A_1680 = arith.constant 112 : index
        %get3A_1681 = tpu.vector_load %arg11[%get3A_1678, %get3A_1679, %get3A_1680] {strides = array<i32>} : memref<8x16x128xf32, #tpu.memory_space<vmem>>, vector<16xf32>,
        %max3A_1682 = arith.maximumf %get3A_1676, %get3A_1681 : vector<16xf32>
        %add3A_1683 = arith.constant 112 : i32
        %add3A_1684 = arith.addi %mul3A_1574, %add3A_1683 : i32
        %swap3A_1685 = arith.index_cast %add3A_1684 : i32 to index
        %swap3A_1686 = tpu.vector_load %arg6[%swap3A_1685] {strides = array<i32>} : memref<40192xf32, #tpu.memory_space<vmem>>, vector<16xf32>,
        tpu.vector_store %arg6[%swap3A_1685], %max3A_1682 {strides = array<i32>} : memref<40192xf32, #tpu.memory_space<vmem>>, vector<16xf32>,
        %slice3A_1687 = vector.extract_strided_slice %get3A_165 {offsets = [13], sizes = [1], strides = [1]} : vector<16xi32> to vector<1xi32>
        %squeeze3A_1688 = vector.extract %slice3A_1687[0] : i32 from vector<1xi32>
        %mul3A_1689 = arith.constant 128 : i32
        %mul3A_1690 = arith.muli %squeeze3A_1688, %mul3A_1689 : i32
        %add3A_1691 = arith.constant 0 : i32
        %add3A_1692 = arith.addi %mul3A_1690, %add3A_1691 : i32
        %get3A_1693 = arith.index_cast %add3A_1692 : i32 to index
        %get3A_1694 = tpu.vector_load %arg6[%get3A_1693] {strides = array<i32>} : memref<40192xf32, #tpu.memory_space<vmem>>, vector<16xf32>,
        %get3A_1695 = arith.constant 13 : i32
        %get3A_1696 = arith.index_cast %rem3A_161 : i32 to index
        %get3A_1697 = arith.index_cast %get3A_1695 : i32 to index
        %get3A_1698 = arith.constant 0 : index
        %get3A_1699 = tpu.vector_load %arg11[%get3A_1696, %get3A_1697, %get3A_1698] {strides = array<i32>} : memref<8x16x128xf32, #tpu.memory_space<vmem>>, vector<16xf32>,
        %max3A_1700 = arith.maximumf %get3A_1694, %get3A_1699 : vector<16xf32>
        %add3A_1701 = arith.constant 0 : i32
        %add3A_1702 = arith.addi %mul3A_1690, %add3A_1701 : i32
        %swap3A_1703 = arith.index_cast %add3A_1702 : i32 to index
        %swap3A_1704 = tpu.vector_load %arg6[%swap3A_1703] {strides = array<i32>} : memref<40192xf32, #tpu.memory_space<vmem>>, vector<16xf32>,
        tpu.vector_store %arg6[%swap3A_1703], %max3A_1700 {strides = array<i32>} : memref<40192xf32, #tpu.memory_space<vmem>>, vector<16xf32>,
        %add3A_1705 = arith.constant 16 : i32
        %add3A_1706 = arith.addi %mul3A_1690, %add3A_1705 : i32
        %get3A_1707 = arith.index_cast %add3A_1706 : i32 to index
        %get3A_1708 = tpu.vector_load %arg6[%get3A_1707] {strides = array<i32>} : memref<40192xf32, #tpu.memory_space<vmem>>, vector<16xf32>,
        %get3A_1709 = arith.constant 13 : i32
        %get3A_1710 = arith.index_cast %rem3A_161 : i32 to index
        %get3A_1711 = arith.index_cast %get3A_1709 : i32 to index
        %get3A_1712 = arith.constant 16 : index
        %get3A_1713 = tpu.vector_load %arg11[%get3A_1710, %get3A_1711, %get3A_1712] {strides = array<i32>} : memref<8x16x128xf32, #tpu.memory_space<vmem>>, vector<16xf32>,
        %max3A_1714 = arith.maximumf %get3A_1708, %get3A_1713 : vector<16xf32>
        %add3A_1715 = arith.constant 16 : i32
        %add3A_1716 = arith.addi %mul3A_1690, %add3A_1715 : i32
        %swap3A_1717 = arith.index_cast %add3A_1716 : i32 to index
        %swap3A_1718 = tpu.vector_load %arg6[%swap3A_1717] {strides = array<i32>} : memref<40192xf32, #tpu.memory_space<vmem>>, vector<16xf32>,
        tpu.vector_store %arg6[%swap3A_1717], %max3A_1714 {strides = array<i32>} : memref<40192xf32, #tpu.memory_space<vmem>>, vector<16xf32>,
        %add3A_1719 = arith.constant 32 : i32
        %add3A_1720 = arith.addi %mul3A_1690, %add3A_1719 : i32
        %get3A_1721 = arith.index_cast %add3A_1720 : i32 to index
        %get3A_1722 = tpu.vector_load %arg6[%get3A_1721] {strides = array<i32>} : memref<40192xf32, #tpu.memory_space<vmem>>, vector<16xf32>,
        %get3A_1723 = arith.constant 13 : i32
        %get3A_1724 = arith.index_cast %rem3A_161 : i32 to index
        %get3A_1725 = arith.index_cast %get3A_1723 : i32 to index
        %get3A_1726 = arith.constant 32 : index
        %get3A_1727 = tpu.vector_load %arg11[%get3A_1724, %get3A_1725, %get3A_1726] {strides = array<i32>} : memref<8x16x128xf32, #tpu.memory_space<vmem>>, vector<16xf32>,
        %max3A_1728 = arith.maximumf %get3A_1722, %get3A_1727 : vector<16xf32>
        %add3A_1729 = arith.constant 32 : i32
        %add3A_1730 = arith.addi %mul3A_1690, %add3A_1729 : i32
        %swap3A_1731 = arith.index_cast %add3A_1730 : i32 to index
        %swap3A_1732 = tpu.vector_load %arg6[%swap3A_1731] {strides = array<i32>} : memref<40192xf32, #tpu.memory_space<vmem>>, vector<16xf32>,
        tpu.vector_store %arg6[%swap3A_1731], %max3A_1728 {strides = array<i32>} : memref<40192xf32, #tpu.memory_space<vmem>>, vector<16xf32>,
        %add3A_1733 = arith.constant 48 : i32
        %add3A_1734 = arith.addi %mul3A_1690, %add3A_1733 : i32
        %get3A_1735 = arith.index_cast %add3A_1734 : i32 to index
        %get3A_1736 = tpu.vector_load %arg6[%get3A_1735] {strides = array<i32>} : memref<40192xf32, #tpu.memory_space<vmem>>, vector<16xf32>,
        %get3A_1737 = arith.constant 13 : i32
        %get3A_1738 = arith.index_cast %rem3A_161 : i32 to index
        %get3A_1739 = arith.index_cast %get3A_1737 : i32 to index
        %get3A_1740 = arith.constant 48 : index
        %get3A_1741 = tpu.vector_load %arg11[%get3A_1738, %get3A_1739, %get3A_1740] {strides = array<i32>} : memref<8x16x128xf32, #tpu.memory_space<vmem>>, vector<16xf32>,
        %max3A_1742 = arith.maximumf %get3A_1736, %get3A_1741 : vector<16xf32>
        %add3A_1743 = arith.constant 48 : i32
        %add3A_1744 = arith.addi %mul3A_1690, %add3A_1743 : i32
        %swap3A_1745 = arith.index_cast %add3A_1744 : i32 to index
        %swap3A_1746 = tpu.vector_load %arg6[%swap3A_1745] {strides = array<i32>} : memref<40192xf32, #tpu.memory_space<vmem>>, vector<16xf32>,
        tpu.vector_store %arg6[%swap3A_1745], %max3A_1742 {strides = array<i32>} : memref<40192xf32, #tpu.memory_space<vmem>>, vector<16xf32>,
        %add3A_1747 = arith.constant 64 : i32
        %add3A_1748 = arith.addi %mul3A_1690, %add3A_1747 : i32
        %get3A_1749 = arith.index_cast %add3A_1748 : i32 to index
        %get3A_1750 = tpu.vector_load %arg6[%get3A_1749] {strides = array<i32>} : memref<40192xf32, #tpu.memory_space<vmem>>, vector<16xf32>,
        %get3A_1751 = arith.constant 13 : i32
        %get3A_1752 = arith.index_cast %rem3A_161 : i32 to index
        %get3A_1753 = arith.index_cast %get3A_1751 : i32 to index
        %get3A_1754 = arith.constant 64 : index
        %get3A_1755 = tpu.vector_load %arg11[%get3A_1752, %get3A_1753, %get3A_1754] {strides = array<i32>} : memref<8x16x128xf32, #tpu.memory_space<vmem>>, vector<16xf32>,
        %max3A_1756 = arith.maximumf %get3A_1750, %get3A_1755 : vector<16xf32>
        %add3A_1757 = arith.constant 64 : i32
        %add3A_1758 = arith.addi %mul3A_1690, %add3A_1757 : i32
        %swap3A_1759 = arith.index_cast %add3A_1758 : i32 to index
        %swap3A_1760 = tpu.vector_load %arg6[%swap3A_1759] {strides = array<i32>} : memref<40192xf32, #tpu.memory_space<vmem>>, vector<16xf32>,
        tpu.vector_store %arg6[%swap3A_1759], %max3A_1756 {strides = array<i32>} : memref<40192xf32, #tpu.memory_space<vmem>>, vector<16xf32>,
        %add3A_1761 = arith.constant 80 : i32
        %add3A_1762 = arith.addi %mul3A_1690, %add3A_1761 : i32
        %get3A_1763 = arith.index_cast %add3A_1762 : i32 to index
        %get3A_1764 = tpu.vector_load %arg6[%get3A_1763] {strides = array<i32>} : memref<40192xf32, #tpu.memory_space<vmem>>, vector<16xf32>,
        %get3A_1765 = arith.constant 13 : i32
        %get3A_1766 = arith.index_cast %rem3A_161 : i32 to index
        %get3A_1767 = arith.index_cast %get3A_1765 : i32 to index
        %get3A_1768 = arith.constant 80 : index
        %get3A_1769 = tpu.vector_load %arg11[%get3A_1766, %get3A_1767, %get3A_1768] {strides = array<i32>} : memref<8x16x128xf32, #tpu.memory_space<vmem>>, vector<16xf32>,
        %max3A_1770 = arith.maximumf %get3A_1764, %get3A_1769 : vector<16xf32>
        %add3A_1771 = arith.constant 80 : i32
        %add3A_1772 = arith.addi %mul3A_1690, %add3A_1771 : i32
        %swap3A_1773 = arith.index_cast %add3A_1772 : i32 to index
        %swap3A_1774 = tpu.vector_load %arg6[%swap3A_1773] {strides = array<i32>} : memref<40192xf32, #tpu.memory_space<vmem>>, vector<16xf32>,
        tpu.vector_store %arg6[%swap3A_1773], %max3A_1770 {strides = array<i32>} : memref<40192xf32, #tpu.memory_space<vmem>>, vector<16xf32>,
        %add3A_1775 = arith.constant 96 : i32
        %add3A_1776 = arith.addi %mul3A_1690, %add3A_1775 : i32
        %get3A_1777 = arith.index_cast %add3A_1776 : i32 to index
        %get3A_1778 = tpu.vector_load %arg6[%get3A_1777] {strides = array<i32>} : memref<40192xf32, #tpu.memory_space<vmem>>, vector<16xf32>,
        %get3A_1779 = arith.constant 13 : i32
        %get3A_1780 = arith.index_cast %rem3A_161 : i32 to index
        %get3A_1781 = arith.index_cast %get3A_1779 : i32 to index
        %get3A_1782 = arith.constant 96 : index
        %get3A_1783 = tpu.vector_load %arg11[%get3A_1780, %get3A_1781, %get3A_1782] {strides = array<i32>} : memref<8x16x128xf32, #tpu.memory_space<vmem>>, vector<16xf32>,
        %max3A_1784 = arith.maximumf %get3A_1778, %get3A_1783 : vector<16xf32>
        %add3A_1785 = arith.constant 96 : i32
        %add3A_1786 = arith.addi %mul3A_1690, %add3A_1785 : i32
        %swap3A_1787 = arith.index_cast %add3A_1786 : i32 to index
        %swap3A_1788 = tpu.vector_load %arg6[%swap3A_1787] {strides = array<i32>} : memref<40192xf32, #tpu.memory_space<vmem>>, vector<16xf32>,
        tpu.vector_store %arg6[%swap3A_1787], %max3A_1784 {strides = array<i32>} : memref<40192xf32, #tpu.memory_space<vmem>>, vector<16xf32>,
        %add3A_1789 = arith.constant 112 : i32
        %add3A_1790 = arith.addi %mul3A_1690, %add3A_1789 : i32
        %get3A_1791 = arith.index_cast %add3A_1790 : i32 to index
        %get3A_1792 = tpu.vector_load %arg6[%get3A_1791] {strides = array<i32>} : memref<40192xf32, #tpu.memory_space<vmem>>, vector<16xf32>,
        %get3A_1793 = arith.constant 13 : i32
        %get3A_1794 = arith.index_cast %rem3A_161 : i32 to index
        %get3A_1795 = arith.index_cast %get3A_1793 : i32 to index
        %get3A_1796 = arith.constant 112 : index
        %get3A_1797 = tpu.vector_load %arg11[%get3A_1794, %get3A_1795, %get3A_1796] {strides = array<i32>} : memref<8x16x128xf32, #tpu.memory_space<vmem>>, vector<16xf32>,
        %max3A_1798 = arith.maximumf %get3A_1792, %get3A_1797 : vector<16xf32>
        %add3A_1799 = arith.constant 112 : i32
        %add3A_1800 = arith.addi %mul3A_1690, %add3A_1799 : i32
        %swap3A_1801 = arith.index_cast %add3A_1800 : i32 to index
        %swap3A_1802 = tpu.vector_load %arg6[%swap3A_1801] {strides = array<i32>} : memref<40192xf32, #tpu.memory_space<vmem>>, vector<16xf32>,
        tpu.vector_store %arg6[%swap3A_1801], %max3A_1798 {strides = array<i32>} : memref<40192xf32, #tpu.memory_space<vmem>>, vector<16xf32>,
        %slice3A_1803 = vector.extract_strided_slice %get3A_165 {offsets = [14], sizes = [1], strides = [1]} : vector<16xi32> to vector<1xi32>
        %squeeze3A_1804 = vector.extract %slice3A_1803[0] : i32 from vector<1xi32>
        %mul3A_1805 = arith.constant 128 : i32
        %mul3A_1806 = arith.muli %squeeze3A_1804, %mul3A_1805 : i32
        %add3A_1807 = arith.constant 0 : i32
        %add3A_1808 = arith.addi %mul3A_1806, %add3A_1807 : i32
        %get3A_1809 = arith.index_cast %add3A_1808 : i32 to index
        %get3A_1810 = tpu.vector_load %arg6[%get3A_1809] {strides = array<i32>} : memref<40192xf32, #tpu.memory_space<vmem>>, vector<16xf32>,
        %get3A_1811 = arith.constant 14 : i32
        %get3A_1812 = arith.index_cast %rem3A_161 : i32 to index
        %get3A_1813 = arith.index_cast %get3A_1811 : i32 to index
        %get3A_1814 = arith.constant 0 : index
        %get3A_1815 = tpu.vector_load %arg11[%get3A_1812, %get3A_1813, %get3A_1814] {strides = array<i32>} : memref<8x16x128xf32, #tpu.memory_space<vmem>>, vector<16xf32>,
        %max3A_1816 = arith.maximumf %get3A_1810, %get3A_1815 : vector<16xf32>
        %add3A_1817 = arith.constant 0 : i32
        %add3A_1818 = arith.addi %mul3A_1806, %add3A_1817 : i32
        %swap3A_1819 = arith.index_cast %add3A_1818 : i32 to index
        %swap3A_1820 = tpu.vector_load %arg6[%swap3A_1819] {strides = array<i32>} : memref<40192xf32, #tpu.memory_space<vmem>>, vector<16xf32>,
        tpu.vector_store %arg6[%swap3A_1819], %max3A_1816 {strides = array<i32>} : memref<40192xf32, #tpu.memory_space<vmem>>, vector<16xf32>,
        %add3A_1821 = arith.constant 16 : i32
        %add3A_1822 = arith.addi %mul3A_1806, %add3A_1821 : i32
        %get3A_1823 = arith.index_cast %add3A_1822 : i32 to index
        %get3A_1824 = tpu.vector_load %arg6[%get3A_1823] {strides = array<i32>} : memref<40192xf32, #tpu.memory_space<vmem>>, vector<16xf32>,
        %get3A_1825 = arith.constant 14 : i32
        %get3A_1826 = arith.index_cast %rem3A_161 : i32 to index
        %get3A_1827 = arith.index_cast %get3A_1825 : i32 to index
        %get3A_1828 = arith.constant 16 : index
        %get3A_1829 = tpu.vector_load %arg11[%get3A_1826, %get3A_1827, %get3A_1828] {strides = array<i32>} : memref<8x16x128xf32, #tpu.memory_space<vmem>>, vector<16xf32>,
        %max3A_1830 = arith.maximumf %get3A_1824, %get3A_1829 : vector<16xf32>
        %add3A_1831 = arith.constant 16 : i32
        %add3A_1832 = arith.addi %mul3A_1806, %add3A_1831 : i32
        %swap3A_1833 = arith.index_cast %add3A_1832 : i32 to index
        %swap3A_1834 = tpu.vector_load %arg6[%swap3A_1833] {strides = array<i32>} : memref<40192xf32, #tpu.memory_space<vmem>>, vector<16xf32>,
        tpu.vector_store %arg6[%swap3A_1833], %max3A_1830 {strides = array<i32>} : memref<40192xf32, #tpu.memory_space<vmem>>, vector<16xf32>,
        %add3A_1835 = arith.constant 32 : i32
        %add3A_1836 = arith.addi %mul3A_1806, %add3A_1835 : i32
        %get3A_1837 = arith.index_cast %add3A_1836 : i32 to index
        %get3A_1838 = tpu.vector_load %arg6[%get3A_1837] {strides = array<i32>} : memref<40192xf32, #tpu.memory_space<vmem>>, vector<16xf32>,
        %get3A_1839 = arith.constant 14 : i32
        %get3A_1840 = arith.index_cast %rem3A_161 : i32 to index
        %get3A_1841 = arith.index_cast %get3A_1839 : i32 to index
        %get3A_1842 = arith.constant 32 : index
        %get3A_1843 = tpu.vector_load %arg11[%get3A_1840, %get3A_1841, %get3A_1842] {strides = array<i32>} : memref<8x16x128xf32, #tpu.memory_space<vmem>>, vector<16xf32>,
        %max3A_1844 = arith.maximumf %get3A_1838, %get3A_1843 : vector<16xf32>
        %add3A_1845 = arith.constant 32 : i32
        %add3A_1846 = arith.addi %mul3A_1806, %add3A_1845 : i32
        %swap3A_1847 = arith.index_cast %add3A_1846 : i32 to index
        %swap3A_1848 = tpu.vector_load %arg6[%swap3A_1847] {strides = array<i32>} : memref<40192xf32, #tpu.memory_space<vmem>>, vector<16xf32>,
        tpu.vector_store %arg6[%swap3A_1847], %max3A_1844 {strides = array<i32>} : memref<40192xf32, #tpu.memory_space<vmem>>, vector<16xf32>,
        %add3A_1849 = arith.constant 48 : i32
        %add3A_1850 = arith.addi %mul3A_1806, %add3A_1849 : i32
        %get3A_1851 = arith.index_cast %add3A_1850 : i32 to index
        %get3A_1852 = tpu.vector_load %arg6[%get3A_1851] {strides = array<i32>} : memref<40192xf32, #tpu.memory_space<vmem>>, vector<16xf32>,
        %get3A_1853 = arith.constant 14 : i32
        %get3A_1854 = arith.index_cast %rem3A_161 : i32 to index
        %get3A_1855 = arith.index_cast %get3A_1853 : i32 to index
        %get3A_1856 = arith.constant 48 : index
        %get3A_1857 = tpu.vector_load %arg11[%get3A_1854, %get3A_1855, %get3A_1856] {strides = array<i32>} : memref<8x16x128xf32, #tpu.memory_space<vmem>>, vector<16xf32>,
        %max3A_1858 = arith.maximumf %get3A_1852, %get3A_1857 : vector<16xf32>
        %add3A_1859 = arith.constant 48 : i32
        %add3A_1860 = arith.addi %mul3A_1806, %add3A_1859 : i32
        %swap3A_1861 = arith.index_cast %add3A_1860 : i32 to index
        %swap3A_1862 = tpu.vector_load %arg6[%swap3A_1861] {strides = array<i32>} : memref<40192xf32, #tpu.memory_space<vmem>>, vector<16xf32>,
        tpu.vector_store %arg6[%swap3A_1861], %max3A_1858 {strides = array<i32>} : memref<40192xf32, #tpu.memory_space<vmem>>, vector<16xf32>,
        %add3A_1863 = arith.constant 64 : i32
        %add3A_1864 = arith.addi %mul3A_1806, %add3A_1863 : i32
        %get3A_1865 = arith.index_cast %add3A_1864 : i32 to index
        %get3A_1866 = tpu.vector_load %arg6[%get3A_1865] {strides = array<i32>} : memref<40192xf32, #tpu.memory_space<vmem>>, vector<16xf32>,
        %get3A_1867 = arith.constant 14 : i32
        %get3A_1868 = arith.index_cast %rem3A_161 : i32 to index
        %get3A_1869 = arith.index_cast %get3A_1867 : i32 to index
        %get3A_1870 = arith.constant 64 : index
        %get3A_1871 = tpu.vector_load %arg11[%get3A_1868, %get3A_1869, %get3A_1870] {strides = array<i32>} : memref<8x16x128xf32, #tpu.memory_space<vmem>>, vector<16xf32>,
        %max3A_1872 = arith.maximumf %get3A_1866, %get3A_1871 : vector<16xf32>
        %add3A_1873 = arith.constant 64 : i32
        %add3A_1874 = arith.addi %mul3A_1806, %add3A_1873 : i32
        %swap3A_1875 = arith.index_cast %add3A_1874 : i32 to index
        %swap3A_1876 = tpu.vector_load %arg6[%swap3A_1875] {strides = array<i32>} : memref<40192xf32, #tpu.memory_space<vmem>>, vector<16xf32>,
        tpu.vector_store %arg6[%swap3A_1875], %max3A_1872 {strides = array<i32>} : memref<40192xf32, #tpu.memory_space<vmem>>, vector<16xf32>,
        %add3A_1877 = arith.constant 80 : i32
        %add3A_1878 = arith.addi %mul3A_1806, %add3A_1877 : i32
        %get3A_1879 = arith.index_cast %add3A_1878 : i32 to index
        %get3A_1880 = tpu.vector_load %arg6[%get3A_1879] {strides = array<i32>} : memref<40192xf32, #tpu.memory_space<vmem>>, vector<16xf32>,
        %get3A_1881 = arith.constant 14 : i32
        %get3A_1882 = arith.index_cast %rem3A_161 : i32 to index
        %get3A_1883 = arith.index_cast %get3A_1881 : i32 to index
        %get3A_1884 = arith.constant 80 : index
        %get3A_1885 = tpu.vector_load %arg11[%get3A_1882, %get3A_1883, %get3A_1884] {strides = array<i32>} : memref<8x16x128xf32, #tpu.memory_space<vmem>>, vector<16xf32>,
        %max3A_1886 = arith.maximumf %get3A_1880, %get3A_1885 : vector<16xf32>
        %add3A_1887 = arith.constant 80 : i32
        %add3A_1888 = arith.addi %mul3A_1806, %add3A_1887 : i32
        %swap3A_1889 = arith.index_cast %add3A_1888 : i32 to index
        %swap3A_1890 = tpu.vector_load %arg6[%swap3A_1889] {strides = array<i32>} : memref<40192xf32, #tpu.memory_space<vmem>>, vector<16xf32>,
        tpu.vector_store %arg6[%swap3A_1889], %max3A_1886 {strides = array<i32>} : memref<40192xf32, #tpu.memory_space<vmem>>, vector<16xf32>,
        %add3A_1891 = arith.constant 96 : i32
        %add3A_1892 = arith.addi %mul3A_1806, %add3A_1891 : i32
        %get3A_1893 = arith.index_cast %add3A_1892 : i32 to index
        %get3A_1894 = tpu.vector_load %arg6[%get3A_1893] {strides = array<i32>} : memref<40192xf32, #tpu.memory_space<vmem>>, vector<16xf32>,
        %get3A_1895 = arith.constant 14 : i32
        %get3A_1896 = arith.index_cast %rem3A_161 : i32 to index
        %get3A_1897 = arith.index_cast %get3A_1895 : i32 to index
        %get3A_1898 = arith.constant 96 : index
        %get3A_1899 = tpu.vector_load %arg11[%get3A_1896, %get3A_1897, %get3A_1898] {strides = array<i32>} : memref<8x16x128xf32, #tpu.memory_space<vmem>>, vector<16xf32>,
        %max3A_1900 = arith.maximumf %get3A_1894, %get3A_1899 : vector<16xf32>
        %add3A_1901 = arith.constant 96 : i32
        %add3A_1902 = arith.addi %mul3A_1806, %add3A_1901 : i32
        %swap3A_1903 = arith.index_cast %add3A_1902 : i32 to index
        %swap3A_1904 = tpu.vector_load %arg6[%swap3A_1903] {strides = array<i32>} : memref<40192xf32, #tpu.memory_space<vmem>>, vector<16xf32>,
        tpu.vector_store %arg6[%swap3A_1903], %max3A_1900 {strides = array<i32>} : memref<40192xf32, #tpu.memory_space<vmem>>, vector<16xf32>,
        %add3A_1905 = arith.constant 112 : i32
        %add3A_1906 = arith.addi %mul3A_1806, %add3A_1905 : i32
        %get3A_1907 = arith.index_cast %add3A_1906 : i32 to index
        %get3A_1908 = tpu.vector_load %arg6[%get3A_1907] {strides = array<i32>} : memref<40192xf32, #tpu.memory_space<vmem>>, vector<16xf32>,
        %get3A_1909 = arith.constant 14 : i32
        %get3A_1910 = arith.index_cast %rem3A_161 : i32 to index
        %get3A_1911 = arith.index_cast %get3A_1909 : i32 to index
        %get3A_1912 = arith.constant 112 : index
        %get3A_1913 = tpu.vector_load %arg11[%get3A_1910, %get3A_1911, %get3A_1912] {strides = array<i32>} : memref<8x16x128xf32, #tpu.memory_space<vmem>>, vector<16xf32>,
        %max3A_1914 = arith.maximumf %get3A_1908, %get3A_1913 : vector<16xf32>
        %add3A_1915 = arith.constant 112 : i32
        %add3A_1916 = arith.addi %mul3A_1806, %add3A_1915 : i32
        %swap3A_1917 = arith.index_cast %add3A_1916 : i32 to index
        %swap3A_1918 = tpu.vector_load %arg6[%swap3A_1917] {strides = array<i32>} : memref<40192xf32, #tpu.memory_space<vmem>>, vector<16xf32>,
        tpu.vector_store %arg6[%swap3A_1917], %max3A_1914 {strides = array<i32>} : memref<40192xf32, #tpu.memory_space<vmem>>, vector<16xf32>,
        %slice3A_1919 = vector.extract_strided_slice %get3A_165 {offsets = [15], sizes = [1], strides = [1]} : vector<16xi32> to vector<1xi32>
        %squeeze3A_1920 = vector.extract %slice3A_1919[0] : i32 from vector<1xi32>
        %mul3A_1921 = arith.constant 128 : i32
        %mul3A_1922 = arith.muli %squeeze3A_1920, %mul3A_1921 : i32
        %add3A_1923 = arith.constant 0 : i32
        %add3A_1924 = arith.addi %mul3A_1922, %add3A_1923 : i32
        %get3A_1925 = arith.index_cast %add3A_1924 : i32 to index
        %get3A_1926 = tpu.vector_load %arg6[%get3A_1925] {strides = array<i32>} : memref<40192xf32, #tpu.memory_space<vmem>>, vector<16xf32>,
        %get3A_1927 = arith.constant 15 : i32
        %get3A_1928 = arith.index_cast %rem3A_161 : i32 to index
        %get3A_1929 = arith.index_cast %get3A_1927 : i32 to index
        %get3A_1930 = arith.constant 0 : index
        %get3A_1931 = tpu.vector_load %arg11[%get3A_1928, %get3A_1929, %get3A_1930] {strides = array<i32>} : memref<8x16x128xf32, #tpu.memory_space<vmem>>, vector<16xf32>,
        %max3A_1932 = arith.maximumf %get3A_1926, %get3A_1931 : vector<16xf32>
        %add3A_1933 = arith.constant 0 : i32
        %add3A_1934 = arith.addi %mul3A_1922, %add3A_1933 : i32
        %swap3A_1935 = arith.index_cast %add3A_1934 : i32 to index
        %swap3A_1936 = tpu.vector_load %arg6[%swap3A_1935] {strides = array<i32>} : memref<40192xf32, #tpu.memory_space<vmem>>, vector<16xf32>,
        tpu.vector_store %arg6[%swap3A_1935], %max3A_1932 {strides = array<i32>} : memref<40192xf32, #tpu.memory_space<vmem>>, vector<16xf32>,
        %add3A_1937 = arith.constant 16 : i32
        %add3A_1938 = arith.addi %mul3A_1922, %add3A_1937 : i32
        %get3A_1939 = arith.index_cast %add3A_1938 : i32 to index
        %get3A_1940 = tpu.vector_load %arg6[%get3A_1939] {strides = array<i32>} : memref<40192xf32, #tpu.memory_space<vmem>>, vector<16xf32>,
        %get3A_1941 = arith.constant 15 : i32
        %get3A_1942 = arith.index_cast %rem3A_161 : i32 to index
        %get3A_1943 = arith.index_cast %get3A_1941 : i32 to index
        %get3A_1944 = arith.constant 16 : index
        %get3A_1945 = tpu.vector_load %arg11[%get3A_1942, %get3A_1943, %get3A_1944] {strides = array<i32>} : memref<8x16x128xf32, #tpu.memory_space<vmem>>, vector<16xf32>,
        %max3A_1946 = arith.maximumf %get3A_1940, %get3A_1945 : vector<16xf32>
        %add3A_1947 = arith.constant 16 : i32
        %add3A_1948 = arith.addi %mul3A_1922, %add3A_1947 : i32
        %swap3A_1949 = arith.index_cast %add3A_1948 : i32 to index
        %swap3A_1950 = tpu.vector_load %arg6[%swap3A_1949] {strides = array<i32>} : memref<40192xf32, #tpu.memory_space<vmem>>, vector<16xf32>,
        tpu.vector_store %arg6[%swap3A_1949], %max3A_1946 {strides = array<i32>} : memref<40192xf32, #tpu.memory_space<vmem>>, vector<16xf32>,
        %add3A_1951 = arith.constant 32 : i32
        %add3A_1952 = arith.addi %mul3A_1922, %add3A_1951 : i32
        %get3A_1953 = arith.index_cast %add3A_1952 : i32 to index
        %get3A_1954 = tpu.vector_load %arg6[%get3A_1953] {strides = array<i32>} : memref<40192xf32, #tpu.memory_space<vmem>>, vector<16xf32>,
        %get3A_1955 = arith.constant 15 : i32
        %get3A_1956 = arith.index_cast %rem3A_161 : i32 to index
        %get3A_1957 = arith.index_cast %get3A_1955 : i32 to index
        %get3A_1958 = arith.constant 32 : index
        %get3A_1959 = tpu.vector_load %arg11[%get3A_1956, %get3A_1957, %get3A_1958] {strides = array<i32>} : memref<8x16x128xf32, #tpu.memory_space<vmem>>, vector<16xf32>,
        %max3A_1960 = arith.maximumf %get3A_1954, %get3A_1959 : vector<16xf32>
        %add3A_1961 = arith.constant 32 : i32
        %add3A_1962 = arith.addi %mul3A_1922, %add3A_1961 : i32
        %swap3A_1963 = arith.index_cast %add3A_1962 : i32 to index
        %swap3A_1964 = tpu.vector_load %arg6[%swap3A_1963] {strides = array<i32>} : memref<40192xf32, #tpu.memory_space<vmem>>, vector<16xf32>,
        tpu.vector_store %arg6[%swap3A_1963], %max3A_1960 {strides = array<i32>} : memref<40192xf32, #tpu.memory_space<vmem>>, vector<16xf32>,
        %add3A_1965 = arith.constant 48 : i32
        %add3A_1966 = arith.addi %mul3A_1922, %add3A_1965 : i32
        %get3A_1967 = arith.index_cast %add3A_1966 : i32 to index
        %get3A_1968 = tpu.vector_load %arg6[%get3A_1967] {strides = array<i32>} : memref<40192xf32, #tpu.memory_space<vmem>>, vector<16xf32>,
        %get3A_1969 = arith.constant 15 : i32
        %get3A_1970 = arith.index_cast %rem3A_161 : i32 to index
        %get3A_1971 = arith.index_cast %get3A_1969 : i32 to index
        %get3A_1972 = arith.constant 48 : index
        %get3A_1973 = tpu.vector_load %arg11[%get3A_1970, %get3A_1971, %get3A_1972] {strides = array<i32>} : memref<8x16x128xf32, #tpu.memory_space<vmem>>, vector<16xf32>,
        %max3A_1974 = arith.maximumf %get3A_1968, %get3A_1973 : vector<16xf32>
        %add3A_1975 = arith.constant 48 : i32
        %add3A_1976 = arith.addi %mul3A_1922, %add3A_1975 : i32
        %swap3A_1977 = arith.index_cast %add3A_1976 : i32 to index
        %swap3A_1978 = tpu.vector_load %arg6[%swap3A_1977] {strides = array<i32>} : memref<40192xf32, #tpu.memory_space<vmem>>, vector<16xf32>,
        tpu.vector_store %arg6[%swap3A_1977], %max3A_1974 {strides = array<i32>} : memref<40192xf32, #tpu.memory_space<vmem>>, vector<16xf32>,
        %add3A_1979 = arith.constant 64 : i32
        %add3A_1980 = arith.addi %mul3A_1922, %add3A_1979 : i32
        %get3A_1981 = arith.index_cast %add3A_1980 : i32 to index
        %get3A_1982 = tpu.vector_load %arg6[%get3A_1981] {strides = array<i32>} : memref<40192xf32, #tpu.memory_space<vmem>>, vector<16xf32>,
        %get3A_1983 = arith.constant 15 : i32
        %get3A_1984 = arith.index_cast %rem3A_161 : i32 to index
        %get3A_1985 = arith.index_cast %get3A_1983 : i32 to index
        %get3A_1986 = arith.constant 64 : index
        %get3A_1987 = tpu.vector_load %arg11[%get3A_1984, %get3A_1985, %get3A_1986] {strides = array<i32>} : memref<8x16x128xf32, #tpu.memory_space<vmem>>, vector<16xf32>,
        %max3A_1988 = arith.maximumf %get3A_1982, %get3A_1987 : vector<16xf32>
        %add3A_1989 = arith.constant 64 : i32
        %add3A_1990 = arith.addi %mul3A_1922, %add3A_1989 : i32
        %swap3A_1991 = arith.index_cast %add3A_1990 : i32 to index
        %swap3A_1992 = tpu.vector_load %arg6[%swap3A_1991] {strides = array<i32>} : memref<40192xf32, #tpu.memory_space<vmem>>, vector<16xf32>,
        tpu.vector_store %arg6[%swap3A_1991], %max3A_1988 {strides = array<i32>} : memref<40192xf32, #tpu.memory_space<vmem>>, vector<16xf32>,
        %add3A_1993 = arith.constant 80 : i32
        %add3A_1994 = arith.addi %mul3A_1922, %add3A_1993 : i32
        %get3A_1995 = arith.index_cast %add3A_1994 : i32 to index
        %get3A_1996 = tpu.vector_load %arg6[%get3A_1995] {strides = array<i32>} : memref<40192xf32, #tpu.memory_space<vmem>>, vector<16xf32>,
        %get3A_1997 = arith.constant 15 : i32
        %get3A_1998 = arith.index_cast %rem3A_161 : i32 to index
        %get3A_1999 = arith.index_cast %get3A_1997 : i32 to index
        %get3A_2000 = arith.constant 80 : index
        %get3A_2001 = tpu.vector_load %arg11[%get3A_1998, %get3A_1999, %get3A_2000] {strides = array<i32>} : memref<8x16x128xf32, #tpu.memory_space<vmem>>, vector<16xf32>,
        %max3A_2002 = arith.maximumf %get3A_1996, %get3A_2001 : vector<16xf32>
        %add3A_2003 = arith.constant 80 : i32
        %add3A_2004 = arith.addi %mul3A_1922, %add3A_2003 : i32
        %swap3A_2005 = arith.index_cast %add3A_2004 : i32 to index
        %swap3A_2006 = tpu.vector_load %arg6[%swap3A_2005] {strides = array<i32>} : memref<40192xf32, #tpu.memory_space<vmem>>, vector<16xf32>,
        tpu.vector_store %arg6[%swap3A_2005], %max3A_2002 {strides = array<i32>} : memref<40192xf32, #tpu.memory_space<vmem>>, vector<16xf32>,
        %add3A_2007 = arith.constant 96 : i32
        %add3A_2008 = arith.addi %mul3A_1922, %add3A_2007 : i32
        %get3A_2009 = arith.index_cast %add3A_2008 : i32 to index
        %get3A_2010 = tpu.vector_load %arg6[%get3A_2009] {strides = array<i32>} : memref<40192xf32, #tpu.memory_space<vmem>>, vector<16xf32>,
        %get3A_2011 = arith.constant 15 : i32
        %get3A_2012 = arith.index_cast %rem3A_161 : i32 to index
        %get3A_2013 = arith.index_cast %get3A_2011 : i32 to index
        %get3A_2014 = arith.constant 96 : index
        %get3A_2015 = tpu.vector_load %arg11[%get3A_2012, %get3A_2013, %get3A_2014] {strides = array<i32>} : memref<8x16x128xf32, #tpu.memory_space<vmem>>, vector<16xf32>,
        %max3A_2016 = arith.maximumf %get3A_2010, %get3A_2015 : vector<16xf32>
        %add3A_2017 = arith.constant 96 : i32
        %add3A_2018 = arith.addi %mul3A_1922, %add3A_2017 : i32
        %swap3A_2019 = arith.index_cast %add3A_2018 : i32 to index
        %swap3A_2020 = tpu.vector_load %arg6[%swap3A_2019] {strides = array<i32>} : memref<40192xf32, #tpu.memory_space<vmem>>, vector<16xf32>,
        tpu.vector_store %arg6[%swap3A_2019], %max3A_2016 {strides = array<i32>} : memref<40192xf32, #tpu.memory_space<vmem>>, vector<16xf32>,
        %add3A_2021 = arith.constant 112 : i32
        %add3A_2022 = arith.addi %mul3A_1922, %add3A_2021 : i32
        %get3A_2023 = arith.index_cast %add3A_2022 : i32 to index
        %get3A_2024 = tpu.vector_load %arg6[%get3A_2023] {strides = array<i32>} : memref<40192xf32, #tpu.memory_space<vmem>>, vector<16xf32>,
        %get3A_2025 = arith.constant 15 : i32
        %get3A_2026 = arith.index_cast %rem3A_161 : i32 to index
        %get3A_2027 = arith.index_cast %get3A_2025 : i32 to index
        %get3A_2028 = arith.constant 112 : index
        %get3A_2029 = tpu.vector_load %arg11[%get3A_2026, %get3A_2027, %get3A_2028] {strides = array<i32>} : memref<8x16x128xf32, #tpu.memory_space<vmem>>, vector<16xf32>,
        %max3A_2030 = arith.maximumf %get3A_2024, %get3A_2029 : vector<16xf32>
        %add3A_2031 = arith.constant 112 : i32
        %add3A_2032 = arith.addi %mul3A_1922, %add3A_2031 : i32
        %swap3A_2033 = arith.index_cast %add3A_2032 : i32 to index
        %swap3A_2034 = tpu.vector_load %arg6[%swap3A_2033] {strides = array<i32>} : memref<40192xf32, #tpu.memory_space<vmem>>, vector<16xf32>,
        tpu.vector_store %arg6[%swap3A_2033], %max3A_2030 {strides = array<i32>} : memref<40192xf32, #tpu.memory_space<vmem>>, vector<16xf32>,
        %add3A_2035 = arith.constant 8 : i32
        %add3A_2036 = arith.addi %while3A_158, %add3A_2035 : i32
        %lt3A_2037 = arith.cmpi slt, %add3A_2036, %select_n3A : i32
        %convert_element_type3A_2038 = arith.extui %lt3A_2037 : i1 to i32
        %cond3A_2039 = arith.constant 0 : i32
        %cond3A_2040 = arith.cmpi ne, %convert_element_type3A_2038, %cond3A_2039 : i32
        scf.if %cond3A_2040 {
          %add3A_2042 = arith.constant 8 : i32
          %add3A_2043 = arith.addi %while3A_158, %add3A_2042 : i32
          %rem3A_2044 = arith.constant 8 : i32
          %rem3A_2045 = arith.remsi %add3A_2043, %rem3A_2044 : i32
          %mul3A_2046 = arith.constant 16 : i32
          %mul3A_2047 = arith.muli %add3A_2043, %mul3A_2046 : i32
          %add3A_2048 = arith.addi %mul3A_45, %mul3A_2047 : i32
          %get3A_2049 = arith.index_cast %add3A_2048 : i32 to index
          %get3A_2050 = tpu.vector_load %arg9[%get3A_2049] {strides = array<i32>} : memref<16032xi32, #tpu.memory_space<vmem>>, vector<16xi32>,
          %dma_start3A_2051 = arith.constant 0 : i32
          %dma_start3A_2052 = arith.constant 0 : i32
          %dma_start3A_2053 = tpu.memref_slice %arg11[%rem3A_2045, %dma_start3A_2051, %dma_start3A_2052] : memref<8x16x128xf32, #tpu.memory_space<vmem>> -> memref<1x16x128xf32, #tpu.memory_space<vmem>>
          %dma_start3A_2054 = tpu.memref_squeeze %dma_start3A_2053 : memref<1x16x128xf32, #tpu.memory_space<vmem>> -> memref<16x128xf32, #tpu.memory_space<vmem>>
          %dma_start3A_2055 = arith.constant 0 : i32
          %dma_start3A_2056 = arith.constant 0 : i32
          %dma_start3A_2057 = tpu.memref_slice %arg2[%dma_start3A_2055, %dma_start3A_2056] : memref<10000x128xf32, #tpu.memory_space<hbm>> -> memref<10000x128xf32, #tpu.memory_space<hbm>>
          %dma_start3A_2058 = tpu.memref_slice %arg12[%rem3A_2045] : memref<8x!tpu.dma_semaphore, #tpu.memory_space<semaphore_mem>> -> memref<1x!tpu.dma_semaphore, #tpu.memory_space<semaphore_mem>>
          %dma_start3A_2059 = tpu.memref_squeeze %dma_start3A_2058 : memref<1x!tpu.dma_semaphore, #tpu.memory_space<semaphore_mem>> -> memref<!tpu.dma_semaphore, #tpu.memory_space<semaphore_mem>>
          tpu.enqueue_indirect_dma source(%dma_start3A_2057 : memref<10000x128xf32, #tpu.memory_space<hbm>>) target(%dma_start3A_2054 : memref<16x128xf32, #tpu.memory_space<vmem>>) offsets(%get3A_2050 : vector<16xi32>) semaphore(%dma_start3A_2059 : memref<!tpu.dma_semaphore, #tpu.memory_space<semaphore_mem>>)
        } else {
        }
        %while3A_2041 = arith.constant 0 : i32
        scf.yield %while3A_2041 : i32
      }
      %while3A_155 = arith.constant 1 : i32
      %while3A_156 = scf.for %while3A_158 = %while3A_152 to %while3A_148 step %while3A_155 iter_args(%while3A_159 = %while3A_154) -> (i32)  : i32 {
        %rem3A_160 = arith.constant 8 : i32
        %rem3A_161 = arith.remsi %while3A_158, %rem3A_160 : i32
        %mul3A_162 = arith.constant 16 : i32
        %mul3A_163 = arith.muli %while3A_158, %mul3A_162 : i32
        %add3A_164 = arith.addi %mul3A_45, %mul3A_163 : i32
        %get3A = arith.index_cast %add3A_164 : i32 to index
        %get3A_165 = tpu.vector_load %arg10[%get3A] {strides = array<i32>} : memref<16032xi32, #tpu.memory_space<vmem>>, vector<16xi32>,
        %dma_wait3A_166 = arith.constant 0 : i32
        %dma_wait3A_167 = arith.constant 0 : i32
        %dma_wait3A_168 = tpu.memref_slice %arg11[%rem3A_161, %dma_wait3A_166, %dma_wait3A_167] : memref<8x16x128xf32, #tpu.memory_space<vmem>> -> memref<1x16x128xf32, #tpu.memory_space<vmem>>
        %dma_wait3A_169 = tpu.memref_squeeze %dma_wait3A_168 : memref<1x16x128xf32, #tpu.memory_space<vmem>> -> memref<16x128xf32, #tpu.memory_space<vmem>>
        %dma_wait3A_170 = arith.constant 0 : i32
        %dma_wait3A_171 = arith.constant 0 : i32
        %dma_wait3A_172 = tpu.memref_slice %arg2[%dma_wait3A_170, %dma_wait3A_171] : memref<10000x128xf32, #tpu.memory_space<hbm>> -> memref<16x128xf32, #tpu.memory_space<hbm>>
        %dma_wait3A_173 = tpu.memref_slice %arg12[%rem3A_161] : memref<8x!tpu.dma_semaphore, #tpu.memory_space<semaphore_mem>> -> memref<1x!tpu.dma_semaphore, #tpu.memory_space<semaphore_mem>>
        %dma_wait3A_174 = tpu.memref_squeeze %dma_wait3A_173 : memref<1x!tpu.dma_semaphore, #tpu.memory_space<semaphore_mem>> -> memref<!tpu.dma_semaphore, #tpu.memory_space<semaphore_mem>>
        %dma_wait3A_175 = arith.constant 0 : i32
        %dma_wait3A_176 = arith.constant 0 : i32
        %dma_wait3A_177 = tpu.memref_slice %arg11[%rem3A_161, %dma_wait3A_175, %dma_wait3A_176] : memref<8x16x128xf32, #tpu.memory_space<vmem>> -> memref<1x16x128xf32, #tpu.memory_space<vmem>>
        %dma_wait3A_178 = tpu.memref_squeeze %dma_wait3A_177 : memref<1x16x128xf32, #tpu.memory_space<vmem>> -> memref<16x128xf32, #tpu.memory_space<vmem>>
        %dma_wait3A_179 = arith.constant 0 : i32
        %dma_wait3A_180 = arith.constant 0 : i32
        %dma_wait3A_181 = tpu.memref_slice %arg2[%dma_wait3A_179, %dma_wait3A_180] : memref<10000x128xf32, #tpu.memory_space<hbm>> -> memref<16x128xf32, #tpu.memory_space<hbm>>
        tpu.wait_dma2 semaphore(%dma_wait3A_174 : memref<!tpu.dma_semaphore, #tpu.memory_space<semaphore_mem>>) src(%dma_wait3A_181 : memref<16x128xf32, #tpu.memory_space<hbm>>) dst(%dma_wait3A_178 : memref<16x128xf32, #tpu.memory_space<vmem>>)
        %slice3A = vector.extract_strided_slice %get3A_165 {offsets = [0], sizes = [1], strides = [1]} : vector<16xi32> to vector<1xi32>
        %squeeze3A = vector.extract %slice3A[0] : i32 from vector<1xi32>
        %mul3A_182 = arith.constant 128 : i32
        %mul3A_183 = arith.muli %squeeze3A, %mul3A_182 : i32
        %add3A_184 = arith.constant 0 : i32
        %add3A_185 = arith.addi %mul3A_183, %add3A_184 : i32
        %get3A_186 = arith.index_cast %add3A_185 : i32 to index
        %get3A_187 = tpu.vector_load %arg6[%get3A_186] {strides = array<i32>} : memref<40192xf32, #tpu.memory_space<vmem>>, vector<16xf32>,
        %get3A_188 = arith.constant 0 : i32
        %get3A_189 = arith.index_cast %rem3A_161 : i32 to index
        %get3A_190 = arith.index_cast %get3A_188 : i32 to index
        %get3A_191 = arith.constant 0 : index
        %get3A_192 = tpu.vector_load %arg11[%get3A_189, %get3A_190, %get3A_191] {strides = array<i32>} : memref<8x16x128xf32, #tpu.memory_space<vmem>>, vector<16xf32>,
        %max3A = arith.maximumf %get3A_187, %get3A_192 : vector<16xf32>
        %add3A_193 = arith.constant 0 : i32
        %add3A_194 = arith.addi %mul3A_183, %add3A_193 : i32
        %swap3A_195 = arith.index_cast %add3A_194 : i32 to index
        %swap3A_196 = tpu.vector_load %arg6[%swap3A_195] {strides = array<i32>} : memref<40192xf32, #tpu.memory_space<vmem>>, vector<16xf32>,
        tpu.vector_store %arg6[%swap3A_195], %max3A {strides = array<i32>} : memref<40192xf32, #tpu.memory_space<vmem>>, vector<16xf32>,
        %add3A_197 = arith.constant 16 : i32
        %add3A_198 = arith.addi %mul3A_183, %add3A_197 : i32
        %get3A_199 = arith.index_cast %add3A_198 : i32 to index
        %get3A_200 = tpu.vector_load %arg6[%get3A_199] {strides = array<i32>} : memref<40192xf32, #tpu.memory_space<vmem>>, vector<16xf32>,
        %get3A_201 = arith.constant 0 : i32
        %get3A_202 = arith.index_cast %rem3A_161 : i32 to index
        %get3A_203 = arith.index_cast %get3A_201 : i32 to index
        %get3A_204 = arith.constant 16 : index
        %get3A_205 = tpu.vector_load %arg11[%get3A_202, %get3A_203, %get3A_204] {strides = array<i32>} : memref<8x16x128xf32, #tpu.memory_space<vmem>>, vector<16xf32>,
        %max3A_206 = arith.maximumf %get3A_200, %get3A_205 : vector<16xf32>
        %add3A_207 = arith.constant 16 : i32
        %add3A_208 = arith.addi %mul3A_183, %add3A_207 : i32
        %swap3A_209 = arith.index_cast %add3A_208 : i32 to index
        %swap3A_210 = tpu.vector_load %arg6[%swap3A_209] {strides = array<i32>} : memref<40192xf32, #tpu.memory_space<vmem>>, vector<16xf32>,
        tpu.vector_store %arg6[%swap3A_209], %max3A_206 {strides = array<i32>} : memref<40192xf32, #tpu.memory_space<vmem>>, vector<16xf32>,
        %add3A_211 = arith.constant 32 : i32
        %add3A_212 = arith.addi %mul3A_183, %add3A_211 : i32
        %get3A_213 = arith.index_cast %add3A_212 : i32 to index
        %get3A_214 = tpu.vector_load %arg6[%get3A_213] {strides = array<i32>} : memref<40192xf32, #tpu.memory_space<vmem>>, vector<16xf32>,
        %get3A_215 = arith.constant 0 : i32
        %get3A_216 = arith.index_cast %rem3A_161 : i32 to index
        %get3A_217 = arith.index_cast %get3A_215 : i32 to index
        %get3A_218 = arith.constant 32 : index
        %get3A_219 = tpu.vector_load %arg11[%get3A_216, %get3A_217, %get3A_218] {strides = array<i32>} : memref<8x16x128xf32, #tpu.memory_space<vmem>>, vector<16xf32>,
        %max3A_220 = arith.maximumf %get3A_214, %get3A_219 : vector<16xf32>
        %add3A_221 = arith.constant 32 : i32
        %add3A_222 = arith.addi %mul3A_183, %add3A_221 : i32
        %swap3A_223 = arith.index_cast %add3A_222 : i32 to index
        %swap3A_224 = tpu.vector_load %arg6[%swap3A_223] {strides = array<i32>} : memref<40192xf32, #tpu.memory_space<vmem>>, vector<16xf32>,
        tpu.vector_store %arg6[%swap3A_223], %max3A_220 {strides = array<i32>} : memref<40192xf32, #tpu.memory_space<vmem>>, vector<16xf32>,
        %add3A_225 = arith.constant 48 : i32
        %add3A_226 = arith.addi %mul3A_183, %add3A_225 : i32
        %get3A_227 = arith.index_cast %add3A_226 : i32 to index
        %get3A_228 = tpu.vector_load %arg6[%get3A_227] {strides = array<i32>} : memref<40192xf32, #tpu.memory_space<vmem>>, vector<16xf32>,
        %get3A_229 = arith.constant 0 : i32
        %get3A_230 = arith.index_cast %rem3A_161 : i32 to index
        %get3A_231 = arith.index_cast %get3A_229 : i32 to index
        %get3A_232 = arith.constant 48 : index
        %get3A_233 = tpu.vector_load %arg11[%get3A_230, %get3A_231, %get3A_232] {strides = array<i32>} : memref<8x16x128xf32, #tpu.memory_space<vmem>>, vector<16xf32>,
        %max3A_234 = arith.maximumf %get3A_228, %get3A_233 : vector<16xf32>
        %add3A_235 = arith.constant 48 : i32
        %add3A_236 = arith.addi %mul3A_183, %add3A_235 : i32
        %swap3A_237 = arith.index_cast %add3A_236 : i32 to index
        %swap3A_238 = tpu.vector_load %arg6[%swap3A_237] {strides = array<i32>} : memref<40192xf32, #tpu.memory_space<vmem>>, vector<16xf32>,
        tpu.vector_store %arg6[%swap3A_237], %max3A_234 {strides = array<i32>} : memref<40192xf32, #tpu.memory_space<vmem>>, vector<16xf32>,
        %add3A_239 = arith.constant 64 : i32
        %add3A_240 = arith.addi %mul3A_183, %add3A_239 : i32
        %get3A_241 = arith.index_cast %add3A_240 : i32 to index
        %get3A_242 = tpu.vector_load %arg6[%get3A_241] {strides = array<i32>} : memref<40192xf32, #tpu.memory_space<vmem>>, vector<16xf32>,
        %get3A_243 = arith.constant 0 : i32
        %get3A_244 = arith.index_cast %rem3A_161 : i32 to index
        %get3A_245 = arith.index_cast %get3A_243 : i32 to index
        %get3A_246 = arith.constant 64 : index
        %get3A_247 = tpu.vector_load %arg11[%get3A_244, %get3A_245, %get3A_246] {strides = array<i32>} : memref<8x16x128xf32, #tpu.memory_space<vmem>>, vector<16xf32>,
        %max3A_248 = arith.maximumf %get3A_242, %get3A_247 : vector<16xf32>
        %add3A_249 = arith.constant 64 : i32
        %add3A_250 = arith.addi %mul3A_183, %add3A_249 : i32
        %swap3A_251 = arith.index_cast %add3A_250 : i32 to index
        %swap3A_252 = tpu.vector_load %arg6[%swap3A_251] {strides = array<i32>} : memref<40192xf32, #tpu.memory_space<vmem>>, vector<16xf32>,
        tpu.vector_store %arg6[%swap3A_251], %max3A_248 {strides = array<i32>} : memref<40192xf32, #tpu.memory_space<vmem>>, vector<16xf32>,
        %add3A_253 = arith.constant 80 : i32
        %add3A_254 = arith.addi %mul3A_183, %add3A_253 : i32
        %get3A_255 = arith.index_cast %add3A_254 : i32 to index
        %get3A_256 = tpu.vector_load %arg6[%get3A_255] {strides = array<i32>} : memref<40192xf32, #tpu.memory_space<vmem>>, vector<16xf32>,
        %get3A_257 = arith.constant 0 : i32
        %get3A_258 = arith.index_cast %rem3A_161 : i32 to index
        %get3A_259 = arith.index_cast %get3A_257 : i32 to index
        %get3A_260 = arith.constant 80 : index
        %get3A_261 = tpu.vector_load %arg11[%get3A_258, %get3A_259, %get3A_260] {strides = array<i32>} : memref<8x16x128xf32, #tpu.memory_space<vmem>>, vector<16xf32>,
        %max3A_262 = arith.maximumf %get3A_256, %get3A_261 : vector<16xf32>
        %add3A_263 = arith.constant 80 : i32
        %add3A_264 = arith.addi %mul3A_183, %add3A_263 : i32
        %swap3A_265 = arith.index_cast %add3A_264 : i32 to index
        %swap3A_266 = tpu.vector_load %arg6[%swap3A_265] {strides = array<i32>} : memref<40192xf32, #tpu.memory_space<vmem>>, vector<16xf32>,
        tpu.vector_store %arg6[%swap3A_265], %max3A_262 {strides = array<i32>} : memref<40192xf32, #tpu.memory_space<vmem>>, vector<16xf32>,
        %add3A_267 = arith.constant 96 : i32
        %add3A_268 = arith.addi %mul3A_183, %add3A_267 : i32
        %get3A_269 = arith.index_cast %add3A_268 : i32 to index
        %get3A_270 = tpu.vector_load %arg6[%get3A_269] {strides = array<i32>} : memref<40192xf32, #tpu.memory_space<vmem>>, vector<16xf32>,
        %get3A_271 = arith.constant 0 : i32
        %get3A_272 = arith.index_cast %rem3A_161 : i32 to index
        %get3A_273 = arith.index_cast %get3A_271 : i32 to index
        %get3A_274 = arith.constant 96 : index
        %get3A_275 = tpu.vector_load %arg11[%get3A_272, %get3A_273, %get3A_274] {strides = array<i32>} : memref<8x16x128xf32, #tpu.memory_space<vmem>>, vector<16xf32>,
        %max3A_276 = arith.maximumf %get3A_270, %get3A_275 : vector<16xf32>
        %add3A_277 = arith.constant 96 : i32
        %add3A_278 = arith.addi %mul3A_183, %add3A_277 : i32
        %swap3A_279 = arith.index_cast %add3A_278 : i32 to index
        %swap3A_280 = tpu.vector_load %arg6[%swap3A_279] {strides = array<i32>} : memref<40192xf32, #tpu.memory_space<vmem>>, vector<16xf32>,
        tpu.vector_store %arg6[%swap3A_279], %max3A_276 {strides = array<i32>} : memref<40192xf32, #tpu.memory_space<vmem>>, vector<16xf32>,
        %add3A_281 = arith.constant 112 : i32
        %add3A_282 = arith.addi %mul3A_183, %add3A_281 : i32
        %get3A_283 = arith.index_cast %add3A_282 : i32 to index
        %get3A_284 = tpu.vector_load %arg6[%get3A_283] {strides = array<i32>} : memref<40192xf32, #tpu.memory_space<vmem>>, vector<16xf32>,
        %get3A_285 = arith.constant 0 : i32
        %get3A_286 = arith.index_cast %rem3A_161 : i32 to index
        %get3A_287 = arith.index_cast %get3A_285 : i32 to index
        %get3A_288 = arith.constant 112 : index
        %get3A_289 = tpu.vector_load %arg11[%get3A_286, %get3A_287, %get3A_288] {strides = array<i32>} : memref<8x16x128xf32, #tpu.memory_space<vmem>>, vector<16xf32>,
        %max3A_290 = arith.maximumf %get3A_284, %get3A_289 : vector<16xf32>
        %add3A_291 = arith.constant 112 : i32
        %add3A_292 = arith.addi %mul3A_183, %add3A_291 : i32
        %swap3A_293 = arith.index_cast %add3A_292 : i32 to index
        %swap3A_294 = tpu.vector_load %arg6[%swap3A_293] {strides = array<i32>} : memref<40192xf32, #tpu.memory_space<vmem>>, vector<16xf32>,
        tpu.vector_store %arg6[%swap3A_293], %max3A_290 {strides = array<i32>} : memref<40192xf32, #tpu.memory_space<vmem>>, vector<16xf32>,
        %slice3A_295 = vector.extract_strided_slice %get3A_165 {offsets = [1], sizes = [1], strides = [1]} : vector<16xi32> to vector<1xi32>
        %squeeze3A_296 = vector.extract %slice3A_295[0] : i32 from vector<1xi32>
        %mul3A_297 = arith.constant 128 : i32
        %mul3A_298 = arith.muli %squeeze3A_296, %mul3A_297 : i32
        %add3A_299 = arith.constant 0 : i32
        %add3A_300 = arith.addi %mul3A_298, %add3A_299 : i32
        %get3A_301 = arith.index_cast %add3A_300 : i32 to index
        %get3A_302 = tpu.vector_load %arg6[%get3A_301] {strides = array<i32>} : memref<40192xf32, #tpu.memory_space<vmem>>, vector<16xf32>,
        %get3A_303 = arith.constant 1 : i32
        %get3A_304 = arith.index_cast %rem3A_161 : i32 to index
        %get3A_305 = arith.index_cast %get3A_303 : i32 to index
        %get3A_306 = arith.constant 0 : index
        %get3A_307 = tpu.vector_load %arg11[%get3A_304, %get3A_305, %get3A_306] {strides = array<i32>} : memref<8x16x128xf32, #tpu.memory_space<vmem>>, vector<16xf32>,
        %max3A_308 = arith.maximumf %get3A_302, %get3A_307 : vector<16xf32>
        %add3A_309 = arith.constant 0 : i32
        %add3A_310 = arith.addi %mul3A_298, %add3A_309 : i32
        %swap3A_311 = arith.index_cast %add3A_310 : i32 to index
        %swap3A_312 = tpu.vector_load %arg6[%swap3A_311] {strides = array<i32>} : memref<40192xf32, #tpu.memory_space<vmem>>, vector<16xf32>,
        tpu.vector_store %arg6[%swap3A_311], %max3A_308 {strides = array<i32>} : memref<40192xf32, #tpu.memory_space<vmem>>, vector<16xf32>,
        %add3A_313 = arith.constant 16 : i32
        %add3A_314 = arith.addi %mul3A_298, %add3A_313 : i32
        %get3A_315 = arith.index_cast %add3A_314 : i32 to index
        %get3A_316 = tpu.vector_load %arg6[%get3A_315] {strides = array<i32>} : memref<40192xf32, #tpu.memory_space<vmem>>, vector<16xf32>,
        %get3A_317 = arith.constant 1 : i32
        %get3A_318 = arith.index_cast %rem3A_161 : i32 to index
        %get3A_319 = arith.index_cast %get3A_317 : i32 to index
        %get3A_320 = arith.constant 16 : index
        %get3A_321 = tpu.vector_load %arg11[%get3A_318, %get3A_319, %get3A_320] {strides = array<i32>} : memref<8x16x128xf32, #tpu.memory_space<vmem>>, vector<16xf32>,
        %max3A_322 = arith.maximumf %get3A_316, %get3A_321 : vector<16xf32>
        %add3A_323 = arith.constant 16 : i32
        %add3A_324 = arith.addi %mul3A_298, %add3A_323 : i32
        %swap3A_325 = arith.index_cast %add3A_324 : i32 to index
        %swap3A_326 = tpu.vector_load %arg6[%swap3A_325] {strides = array<i32>} : memref<40192xf32, #tpu.memory_space<vmem>>, vector<16xf32>,
        tpu.vector_store %arg6[%swap3A_325], %max3A_322 {strides = array<i32>} : memref<40192xf32, #tpu.memory_space<vmem>>, vector<16xf32>,
        %add3A_327 = arith.constant 32 : i32
        %add3A_328 = arith.addi %mul3A_298, %add3A_327 : i32
        %get3A_329 = arith.index_cast %add3A_328 : i32 to index
        %get3A_330 = tpu.vector_load %arg6[%get3A_329] {strides = array<i32>} : memref<40192xf32, #tpu.memory_space<vmem>>, vector<16xf32>,
        %get3A_331 = arith.constant 1 : i32
        %get3A_332 = arith.index_cast %rem3A_161 : i32 to index
        %get3A_333 = arith.index_cast %get3A_331 : i32 to index
        %get3A_334 = arith.constant 32 : index
        %get3A_335 = tpu.vector_load %arg11[%get3A_332, %get3A_333, %get3A_334] {strides = array<i32>} : memref<8x16x128xf32, #tpu.memory_space<vmem>>, vector<16xf32>,
        %max3A_336 = arith.maximumf %get3A_330, %get3A_335 : vector<16xf32>
        %add3A_337 = arith.constant 32 : i32
        %add3A_338 = arith.addi %mul3A_298, %add3A_337 : i32
        %swap3A_339 = arith.index_cast %add3A_338 : i32 to index
        %swap3A_340 = tpu.vector_load %arg6[%swap3A_339] {strides = array<i32>} : memref<40192xf32, #tpu.memory_space<vmem>>, vector<16xf32>,
        tpu.vector_store %arg6[%swap3A_339], %max3A_336 {strides = array<i32>} : memref<40192xf32, #tpu.memory_space<vmem>>, vector<16xf32>,
        %add3A_341 = arith.constant 48 : i32
        %add3A_342 = arith.addi %mul3A_298, %add3A_341 : i32
        %get3A_343 = arith.index_cast %add3A_342 : i32 to index
        %get3A_344 = tpu.vector_load %arg6[%get3A_343] {strides = array<i32>} : memref<40192xf32, #tpu.memory_space<vmem>>, vector<16xf32>,
        %get3A_345 = arith.constant 1 : i32
        %get3A_346 = arith.index_cast %rem3A_161 : i32 to index
        %get3A_347 = arith.index_cast %get3A_345 : i32 to index
        %get3A_348 = arith.constant 48 : index
        %get3A_349 = tpu.vector_load %arg11[%get3A_346, %get3A_347, %get3A_348] {strides = array<i32>} : memref<8x16x128xf32, #tpu.memory_space<vmem>>, vector<16xf32>,
        %max3A_350 = arith.maximumf %get3A_344, %get3A_349 : vector<16xf32>
        %add3A_351 = arith.constant 48 : i32
        %add3A_352 = arith.addi %mul3A_298, %add3A_351 : i32
        %swap3A_353 = arith.index_cast %add3A_352 : i32 to index
        %swap3A_354 = tpu.vector_load %arg6[%swap3A_353] {strides = array<i32>} : memref<40192xf32, #tpu.memory_space<vmem>>, vector<16xf32>,
        tpu.vector_store %arg6[%swap3A_353], %max3A_350 {strides = array<i32>} : memref<40192xf32, #tpu.memory_space<vmem>>, vector<16xf32>,
        %add3A_355 = arith.constant 64 : i32
        %add3A_356 = arith.addi %mul3A_298, %add3A_355 : i32
        %get3A_357 = arith.index_cast %add3A_356 : i32 to index
        %get3A_358 = tpu.vector_load %arg6[%get3A_357] {strides = array<i32>} : memref<40192xf32, #tpu.memory_space<vmem>>, vector<16xf32>,
        %get3A_359 = arith.constant 1 : i32
        %get3A_360 = arith.index_cast %rem3A_161 : i32 to index
        %get3A_361 = arith.index_cast %get3A_359 : i32 to index
        %get3A_362 = arith.constant 64 : index
        %get3A_363 = tpu.vector_load %arg11[%get3A_360, %get3A_361, %get3A_362] {strides = array<i32>} : memref<8x16x128xf32, #tpu.memory_space<vmem>>, vector<16xf32>,
        %max3A_364 = arith.maximumf %get3A_358, %get3A_363 : vector<16xf32>
        %add3A_365 = arith.constant 64 : i32
        %add3A_366 = arith.addi %mul3A_298, %add3A_365 : i32
        %swap3A_367 = arith.index_cast %add3A_366 : i32 to index
        %swap3A_368 = tpu.vector_load %arg6[%swap3A_367] {strides = array<i32>} : memref<40192xf32, #tpu.memory_space<vmem>>, vector<16xf32>,
        tpu.vector_store %arg6[%swap3A_367], %max3A_364 {strides = array<i32>} : memref<40192xf32, #tpu.memory_space<vmem>>, vector<16xf32>,
        %add3A_369 = arith.constant 80 : i32
        %add3A_370 = arith.addi %mul3A_298, %add3A_369 : i32
        %get3A_371 = arith.index_cast %add3A_370 : i32 to index
        %get3A_372 = tpu.vector_load %arg6[%get3A_371] {strides = array<i32>} : memref<40192xf32, #tpu.memory_space<vmem>>, vector<16xf32>,
        %get3A_373 = arith.constant 1 : i32
        %get3A_374 = arith.index_cast %rem3A_161 : i32 to index
        %get3A_375 = arith.index_cast %get3A_373 : i32 to index
        %get3A_376 = arith.constant 80 : index
        %get3A_377 = tpu.vector_load %arg11[%get3A_374, %get3A_375, %get3A_376] {strides = array<i32>} : memref<8x16x128xf32, #tpu.memory_space<vmem>>, vector<16xf32>,
        %max3A_378 = arith.maximumf %get3A_372, %get3A_377 : vector<16xf32>
        %add3A_379 = arith.constant 80 : i32
        %add3A_380 = arith.addi %mul3A_298, %add3A_379 : i32
        %swap3A_381 = arith.index_cast %add3A_380 : i32 to index
        %swap3A_382 = tpu.vector_load %arg6[%swap3A_381] {strides = array<i32>} : memref<40192xf32, #tpu.memory_space<vmem>>, vector<16xf32>,
        tpu.vector_store %arg6[%swap3A_381], %max3A_378 {strides = array<i32>} : memref<40192xf32, #tpu.memory_space<vmem>>, vector<16xf32>,
        %add3A_383 = arith.constant 96 : i32
        %add3A_384 = arith.addi %mul3A_298, %add3A_383 : i32
        %get3A_385 = arith.index_cast %add3A_384 : i32 to index
        %get3A_386 = tpu.vector_load %arg6[%get3A_385] {strides = array<i32>} : memref<40192xf32, #tpu.memory_space<vmem>>, vector<16xf32>,
        %get3A_387 = arith.constant 1 : i32
        %get3A_388 = arith.index_cast %rem3A_161 : i32 to index
        %get3A_389 = arith.index_cast %get3A_387 : i32 to index
        %get3A_390 = arith.constant 96 : index
        %get3A_391 = tpu.vector_load %arg11[%get3A_388, %get3A_389, %get3A_390] {strides = array<i32>} : memref<8x16x128xf32, #tpu.memory_space<vmem>>, vector<16xf32>,
        %max3A_392 = arith.maximumf %get3A_386, %get3A_391 : vector<16xf32>
        %add3A_393 = arith.constant 96 : i32
        %add3A_394 = arith.addi %mul3A_298, %add3A_393 : i32
        %swap3A_395 = arith.index_cast %add3A_394 : i32 to index
        %swap3A_396 = tpu.vector_load %arg6[%swap3A_395] {strides = array<i32>} : memref<40192xf32, #tpu.memory_space<vmem>>, vector<16xf32>,
        tpu.vector_store %arg6[%swap3A_395], %max3A_392 {strides = array<i32>} : memref<40192xf32, #tpu.memory_space<vmem>>, vector<16xf32>,
        %add3A_397 = arith.constant 112 : i32
        %add3A_398 = arith.addi %mul3A_298, %add3A_397 : i32
        %get3A_399 = arith.index_cast %add3A_398 : i32 to index
        %get3A_400 = tpu.vector_load %arg6[%get3A_399] {strides = array<i32>} : memref<40192xf32, #tpu.memory_space<vmem>>, vector<16xf32>,
        %get3A_401 = arith.constant 1 : i32
        %get3A_402 = arith.index_cast %rem3A_161 : i32 to index
        %get3A_403 = arith.index_cast %get3A_401 : i32 to index
        %get3A_404 = arith.constant 112 : index
        %get3A_405 = tpu.vector_load %arg11[%get3A_402, %get3A_403, %get3A_404] {strides = array<i32>} : memref<8x16x128xf32, #tpu.memory_space<vmem>>, vector<16xf32>,
        %max3A_406 = arith.maximumf %get3A_400, %get3A_405 : vector<16xf32>
        %add3A_407 = arith.constant 112 : i32
        %add3A_408 = arith.addi %mul3A_298, %add3A_407 : i32
        %swap3A_409 = arith.index_cast %add3A_408 : i32 to index
        %swap3A_410 = tpu.vector_load %arg6[%swap3A_409] {strides = array<i32>} : memref<40192xf32, #tpu.memory_space<vmem>>, vector<16xf32>,
        tpu.vector_store %arg6[%swap3A_409], %max3A_406 {strides = array<i32>} : memref<40192xf32, #tpu.memory_space<vmem>>, vector<16xf32>,
        %slice3A_411 = vector.extract_strided_slice %get3A_165 {offsets = [2], sizes = [1], strides = [1]} : vector<16xi32> to vector<1xi32>
        %squeeze3A_412 = vector.extract %slice3A_411[0] : i32 from vector<1xi32>
        %mul3A_413 = arith.constant 128 : i32
        %mul3A_414 = arith.muli %squeeze3A_412, %mul3A_413 : i32
        %add3A_415 = arith.constant 0 : i32
        %add3A_416 = arith.addi %mul3A_414, %add3A_415 : i32
        %get3A_417 = arith.index_cast %add3A_416 : i32 to index
        %get3A_418 = tpu.vector_load %arg6[%get3A_417] {strides = array<i32>} : memref<40192xf32, #tpu.memory_space<vmem>>, vector<16xf32>,
        %get3A_419 = arith.constant 2 : i32
        %get3A_420 = arith.index_cast %rem3A_161 : i32 to index
        %get3A_421 = arith.index_cast %get3A_419 : i32 to index
        %get3A_422 = arith.constant 0 : index
        %get3A_423 = tpu.vector_load %arg11[%get3A_420, %get3A_421, %get3A_422] {strides = array<i32>} : memref<8x16x128xf32, #tpu.memory_space<vmem>>, vector<16xf32>,
        %max3A_424 = arith.maximumf %get3A_418, %get3A_423 : vector<16xf32>
        %add3A_425 = arith.constant 0 : i32
        %add3A_426 = arith.addi %mul3A_414, %add3A_425 : i32
        %swap3A_427 = arith.index_cast %add3A_426 : i32 to index
        %swap3A_428 = tpu.vector_load %arg6[%swap3A_427] {strides = array<i32>} : memref<40192xf32, #tpu.memory_space<vmem>>, vector<16xf32>,
        tpu.vector_store %arg6[%swap3A_427], %max3A_424 {strides = array<i32>} : memref<40192xf32, #tpu.memory_space<vmem>>, vector<16xf32>,
        %add3A_429 = arith.constant 16 : i32
        %add3A_430 = arith.addi %mul3A_414, %add3A_429 : i32
        %get3A_431 = arith.index_cast %add3A_430 : i32 to index
        %get3A_432 = tpu.vector_load %arg6[%get3A_431] {strides = array<i32>} : memref<40192xf32, #tpu.memory_space<vmem>>, vector<16xf32>,
        %get3A_433 = arith.constant 2 : i32
        %get3A_434 = arith.index_cast %rem3A_161 : i32 to index
        %get3A_435 = arith.index_cast %get3A_433 : i32 to index
        %get3A_436 = arith.constant 16 : index
        %get3A_437 = tpu.vector_load %arg11[%get3A_434, %get3A_435, %get3A_436] {strides = array<i32>} : memref<8x16x128xf32, #tpu.memory_space<vmem>>, vector<16xf32>,
        %max3A_438 = arith.maximumf %get3A_432, %get3A_437 : vector<16xf32>
        %add3A_439 = arith.constant 16 : i32
        %add3A_440 = arith.addi %mul3A_414, %add3A_439 : i32
        %swap3A_441 = arith.index_cast %add3A_440 : i32 to index
        %swap3A_442 = tpu.vector_load %arg6[%swap3A_441] {strides = array<i32>} : memref<40192xf32, #tpu.memory_space<vmem>>, vector<16xf32>,
        tpu.vector_store %arg6[%swap3A_441], %max3A_438 {strides = array<i32>} : memref<40192xf32, #tpu.memory_space<vmem>>, vector<16xf32>,
        %add3A_443 = arith.constant 32 : i32
        %add3A_444 = arith.addi %mul3A_414, %add3A_443 : i32
        %get3A_445 = arith.index_cast %add3A_444 : i32 to index
        %get3A_446 = tpu.vector_load %arg6[%get3A_445] {strides = array<i32>} : memref<40192xf32, #tpu.memory_space<vmem>>, vector<16xf32>,
        %get3A_447 = arith.constant 2 : i32
        %get3A_448 = arith.index_cast %rem3A_161 : i32 to index
        %get3A_449 = arith.index_cast %get3A_447 : i32 to index
        %get3A_450 = arith.constant 32 : index
        %get3A_451 = tpu.vector_load %arg11[%get3A_448, %get3A_449, %get3A_450] {strides = array<i32>} : memref<8x16x128xf32, #tpu.memory_space<vmem>>, vector<16xf32>,
        %max3A_452 = arith.maximumf %get3A_446, %get3A_451 : vector<16xf32>
        %add3A_453 = arith.constant 32 : i32
        %add3A_454 = arith.addi %mul3A_414, %add3A_453 : i32
        %swap3A_455 = arith.index_cast %add3A_454 : i32 to index
        %swap3A_456 = tpu.vector_load %arg6[%swap3A_455] {strides = array<i32>} : memref<40192xf32, #tpu.memory_space<vmem>>, vector<16xf32>,
        tpu.vector_store %arg6[%swap3A_455], %max3A_452 {strides = array<i32>} : memref<40192xf32, #tpu.memory_space<vmem>>, vector<16xf32>,
        %add3A_457 = arith.constant 48 : i32
        %add3A_458 = arith.addi %mul3A_414, %add3A_457 : i32
        %get3A_459 = arith.index_cast %add3A_458 : i32 to index
        %get3A_460 = tpu.vector_load %arg6[%get3A_459] {strides = array<i32>} : memref<40192xf32, #tpu.memory_space<vmem>>, vector<16xf32>,
        %get3A_461 = arith.constant 2 : i32
        %get3A_462 = arith.index_cast %rem3A_161 : i32 to index
        %get3A_463 = arith.index_cast %get3A_461 : i32 to index
        %get3A_464 = arith.constant 48 : index
        %get3A_465 = tpu.vector_load %arg11[%get3A_462, %get3A_463, %get3A_464] {strides = array<i32>} : memref<8x16x128xf32, #tpu.memory_space<vmem>>, vector<16xf32>,
        %max3A_466 = arith.maximumf %get3A_460, %get3A_465 : vector<16xf32>
        %add3A_467 = arith.constant 48 : i32
        %add3A_468 = arith.addi %mul3A_414, %add3A_467 : i32
        %swap3A_469 = arith.index_cast %add3A_468 : i32 to index
        %swap3A_470 = tpu.vector_load %arg6[%swap3A_469] {strides = array<i32>} : memref<40192xf32, #tpu.memory_space<vmem>>, vector<16xf32>,
        tpu.vector_store %arg6[%swap3A_469], %max3A_466 {strides = array<i32>} : memref<40192xf32, #tpu.memory_space<vmem>>, vector<16xf32>,
        %add3A_471 = arith.constant 64 : i32
        %add3A_472 = arith.addi %mul3A_414, %add3A_471 : i32
        %get3A_473 = arith.index_cast %add3A_472 : i32 to index
        %get3A_474 = tpu.vector_load %arg6[%get3A_473] {strides = array<i32>} : memref<40192xf32, #tpu.memory_space<vmem>>, vector<16xf32>,
        %get3A_475 = arith.constant 2 : i32
        %get3A_476 = arith.index_cast %rem3A_161 : i32 to index
        %get3A_477 = arith.index_cast %get3A_475 : i32 to index
        %get3A_478 = arith.constant 64 : index
        %get3A_479 = tpu.vector_load %arg11[%get3A_476, %get3A_477, %get3A_478] {strides = array<i32>} : memref<8x16x128xf32, #tpu.memory_space<vmem>>, vector<16xf32>,
        %max3A_480 = arith.maximumf %get3A_474, %get3A_479 : vector<16xf32>
        %add3A_481 = arith.constant 64 : i32
        %add3A_482 = arith.addi %mul3A_414, %add3A_481 : i32
        %swap3A_483 = arith.index_cast %add3A_482 : i32 to index
        %swap3A_484 = tpu.vector_load %arg6[%swap3A_483] {strides = array<i32>} : memref<40192xf32, #tpu.memory_space<vmem>>, vector<16xf32>,
        tpu.vector_store %arg6[%swap3A_483], %max3A_480 {strides = array<i32>} : memref<40192xf32, #tpu.memory_space<vmem>>, vector<16xf32>,
        %add3A_485 = arith.constant 80 : i32
        %add3A_486 = arith.addi %mul3A_414, %add3A_485 : i32
        %get3A_487 = arith.index_cast %add3A_486 : i32 to index
        %get3A_488 = tpu.vector_load %arg6[%get3A_487] {strides = array<i32>} : memref<40192xf32, #tpu.memory_space<vmem>>, vector<16xf32>,
        %get3A_489 = arith.constant 2 : i32
        %get3A_490 = arith.index_cast %rem3A_161 : i32 to index
        %get3A_491 = arith.index_cast %get3A_489 : i32 to index
        %get3A_492 = arith.constant 80 : index
        %get3A_493 = tpu.vector_load %arg11[%get3A_490, %get3A_491, %get3A_492] {strides = array<i32>} : memref<8x16x128xf32, #tpu.memory_space<vmem>>, vector<16xf32>,
        %max3A_494 = arith.maximumf %get3A_488, %get3A_493 : vector<16xf32>
        %add3A_495 = arith.constant 80 : i32
        %add3A_496 = arith.addi %mul3A_414, %add3A_495 : i32
        %swap3A_497 = arith.index_cast %add3A_496 : i32 to index
        %swap3A_498 = tpu.vector_load %arg6[%swap3A_497] {strides = array<i32>} : memref<40192xf32, #tpu.memory_space<vmem>>, vector<16xf32>,
        tpu.vector_store %arg6[%swap3A_497], %max3A_494 {strides = array<i32>} : memref<40192xf32, #tpu.memory_space<vmem>>, vector<16xf32>,
        %add3A_499 = arith.constant 96 : i32
        %add3A_500 = arith.addi %mul3A_414, %add3A_499 : i32
        %get3A_501 = arith.index_cast %add3A_500 : i32 to index
        %get3A_502 = tpu.vector_load %arg6[%get3A_501] {strides = array<i32>} : memref<40192xf32, #tpu.memory_space<vmem>>, vector<16xf32>,
        %get3A_503 = arith.constant 2 : i32
        %get3A_504 = arith.index_cast %rem3A_161 : i32 to index
        %get3A_505 = arith.index_cast %get3A_503 : i32 to index
        %get3A_506 = arith.constant 96 : index
        %get3A_507 = tpu.vector_load %arg11[%get3A_504, %get3A_505, %get3A_506] {strides = array<i32>} : memref<8x16x128xf32, #tpu.memory_space<vmem>>, vector<16xf32>,
        %max3A_508 = arith.maximumf %get3A_502, %get3A_507 : vector<16xf32>
        %add3A_509 = arith.constant 96 : i32
        %add3A_510 = arith.addi %mul3A_414, %add3A_509 : i32
        %swap3A_511 = arith.index_cast %add3A_510 : i32 to index
        %swap3A_512 = tpu.vector_load %arg6[%swap3A_511] {strides = array<i32>} : memref<40192xf32, #tpu.memory_space<vmem>>, vector<16xf32>,
        tpu.vector_store %arg6[%swap3A_511], %max3A_508 {strides = array<i32>} : memref<40192xf32, #tpu.memory_space<vmem>>, vector<16xf32>,
        %add3A_513 = arith.constant 112 : i32
        %add3A_514 = arith.addi %mul3A_414, %add3A_513 : i32
        %get3A_515 = arith.index_cast %add3A_514 : i32 to index
        %get3A_516 = tpu.vector_load %arg6[%get3A_515] {strides = array<i32>} : memref<40192xf32, #tpu.memory_space<vmem>>, vector<16xf32>,
        %get3A_517 = arith.constant 2 : i32
        %get3A_518 = arith.index_cast %rem3A_161 : i32 to index
        %get3A_519 = arith.index_cast %get3A_517 : i32 to index
        %get3A_520 = arith.constant 112 : index
        %get3A_521 = tpu.vector_load %arg11[%get3A_518, %get3A_519, %get3A_520] {strides = array<i32>} : memref<8x16x128xf32, #tpu.memory_space<vmem>>, vector<16xf32>,
        %max3A_522 = arith.maximumf %get3A_516, %get3A_521 : vector<16xf32>
        %add3A_523 = arith.constant 112 : i32
        %add3A_524 = arith.addi %mul3A_414, %add3A_523 : i32
        %swap3A_525 = arith.index_cast %add3A_524 : i32 to index
        %swap3A_526 = tpu.vector_load %arg6[%swap3A_525] {strides = array<i32>} : memref<40192xf32, #tpu.memory_space<vmem>>, vector<16xf32>,
        tpu.vector_store %arg6[%swap3A_525], %max3A_522 {strides = array<i32>} : memref<40192xf32, #tpu.memory_space<vmem>>, vector<16xf32>,
        %slice3A_527 = vector.extract_strided_slice %get3A_165 {offsets = [3], sizes = [1], strides = [1]} : vector<16xi32> to vector<1xi32>
        %squeeze3A_528 = vector.extract %slice3A_527[0] : i32 from vector<1xi32>
        %mul3A_529 = arith.constant 128 : i32
        %mul3A_530 = arith.muli %squeeze3A_528, %mul3A_529 : i32
        %add3A_531 = arith.constant 0 : i32
        %add3A_532 = arith.addi %mul3A_530, %add3A_531 : i32
        %get3A_533 = arith.index_cast %add3A_532 : i32 to index
        %get3A_534 = tpu.vector_load %arg6[%get3A_533] {strides = array<i32>} : memref<40192xf32, #tpu.memory_space<vmem>>, vector<16xf32>,
        %get3A_535 = arith.constant 3 : i32
        %get3A_536 = arith.index_cast %rem3A_161 : i32 to index
        %get3A_537 = arith.index_cast %get3A_535 : i32 to index
        %get3A_538 = arith.constant 0 : index
        %get3A_539 = tpu.vector_load %arg11[%get3A_536, %get3A_537, %get3A_538] {strides = array<i32>} : memref<8x16x128xf32, #tpu.memory_space<vmem>>, vector<16xf32>,
        %max3A_540 = arith.maximumf %get3A_534, %get3A_539 : vector<16xf32>
        %add3A_541 = arith.constant 0 : i32
        %add3A_542 = arith.addi %mul3A_530, %add3A_541 : i32
        %swap3A_543 = arith.index_cast %add3A_542 : i32 to index
        %swap3A_544 = tpu.vector_load %arg6[%swap3A_543] {strides = array<i32>} : memref<40192xf32, #tpu.memory_space<vmem>>, vector<16xf32>,
        tpu.vector_store %arg6[%swap3A_543], %max3A_540 {strides = array<i32>} : memref<40192xf32, #tpu.memory_space<vmem>>, vector<16xf32>,
        %add3A_545 = arith.constant 16 : i32
        %add3A_546 = arith.addi %mul3A_530, %add3A_545 : i32
        %get3A_547 = arith.index_cast %add3A_546 : i32 to index
        %get3A_548 = tpu.vector_load %arg6[%get3A_547] {strides = array<i32>} : memref<40192xf32, #tpu.memory_space<vmem>>, vector<16xf32>,
        %get3A_549 = arith.constant 3 : i32
        %get3A_550 = arith.index_cast %rem3A_161 : i32 to index
        %get3A_551 = arith.index_cast %get3A_549 : i32 to index
        %get3A_552 = arith.constant 16 : index
        %get3A_553 = tpu.vector_load %arg11[%get3A_550, %get3A_551, %get3A_552] {strides = array<i32>} : memref<8x16x128xf32, #tpu.memory_space<vmem>>, vector<16xf32>,
        %max3A_554 = arith.maximumf %get3A_548, %get3A_553 : vector<16xf32>
        %add3A_555 = arith.constant 16 : i32
        %add3A_556 = arith.addi %mul3A_530, %add3A_555 : i32
        %swap3A_557 = arith.index_cast %add3A_556 : i32 to index
        %swap3A_558 = tpu.vector_load %arg6[%swap3A_557] {strides = array<i32>} : memref<40192xf32, #tpu.memory_space<vmem>>, vector<16xf32>,
        tpu.vector_store %arg6[%swap3A_557], %max3A_554 {strides = array<i32>} : memref<40192xf32, #tpu.memory_space<vmem>>, vector<16xf32>,
        %add3A_559 = arith.constant 32 : i32
        %add3A_560 = arith.addi %mul3A_530, %add3A_559 : i32
        %get3A_561 = arith.index_cast %add3A_560 : i32 to index
        %get3A_562 = tpu.vector_load %arg6[%get3A_561] {strides = array<i32>} : memref<40192xf32, #tpu.memory_space<vmem>>, vector<16xf32>,
        %get3A_563 = arith.constant 3 : i32
        %get3A_564 = arith.index_cast %rem3A_161 : i32 to index
        %get3A_565 = arith.index_cast %get3A_563 : i32 to index
        %get3A_566 = arith.constant 32 : index
        %get3A_567 = tpu.vector_load %arg11[%get3A_564, %get3A_565, %get3A_566] {strides = array<i32>} : memref<8x16x128xf32, #tpu.memory_space<vmem>>, vector<16xf32>,
        %max3A_568 = arith.maximumf %get3A_562, %get3A_567 : vector<16xf32>
        %add3A_569 = arith.constant 32 : i32
        %add3A_570 = arith.addi %mul3A_530, %add3A_569 : i32
        %swap3A_571 = arith.index_cast %add3A_570 : i32 to index
        %swap3A_572 = tpu.vector_load %arg6[%swap3A_571] {strides = array<i32>} : memref<40192xf32, #tpu.memory_space<vmem>>, vector<16xf32>,
        tpu.vector_store %arg6[%swap3A_571], %max3A_568 {strides = array<i32>} : memref<40192xf32, #tpu.memory_space<vmem>>, vector<16xf32>,
        %add3A_573 = arith.constant 48 : i32
        %add3A_574 = arith.addi %mul3A_530, %add3A_573 : i32
        %get3A_575 = arith.index_cast %add3A_574 : i32 to index
        %get3A_576 = tpu.vector_load %arg6[%get3A_575] {strides = array<i32>} : memref<40192xf32, #tpu.memory_space<vmem>>, vector<16xf32>,
        %get3A_577 = arith.constant 3 : i32
        %get3A_578 = arith.index_cast %rem3A_161 : i32 to index
        %get3A_579 = arith.index_cast %get3A_577 : i32 to index
        %get3A_580 = arith.constant 48 : index
        %get3A_581 = tpu.vector_load %arg11[%get3A_578, %get3A_579, %get3A_580] {strides = array<i32>} : memref<8x16x128xf32, #tpu.memory_space<vmem>>, vector<16xf32>,
        %max3A_582 = arith.maximumf %get3A_576, %get3A_581 : vector<16xf32>
        %add3A_583 = arith.constant 48 : i32
        %add3A_584 = arith.addi %mul3A_530, %add3A_583 : i32
        %swap3A_585 = arith.index_cast %add3A_584 : i32 to index
        %swap3A_586 = tpu.vector_load %arg6[%swap3A_585] {strides = array<i32>} : memref<40192xf32, #tpu.memory_space<vmem>>, vector<16xf32>,
        tpu.vector_store %arg6[%swap3A_585], %max3A_582 {strides = array<i32>} : memref<40192xf32, #tpu.memory_space<vmem>>, vector<16xf32>,
        %add3A_587 = arith.constant 64 : i32
        %add3A_588 = arith.addi %mul3A_530, %add3A_587 : i32
        %get3A_589 = arith.index_cast %add3A_588 : i32 to index
        %get3A_590 = tpu.vector_load %arg6[%get3A_589] {strides = array<i32>} : memref<40192xf32, #tpu.memory_space<vmem>>, vector<16xf32>,
        %get3A_591 = arith.constant 3 : i32
        %get3A_592 = arith.index_cast %rem3A_161 : i32 to index
        %get3A_593 = arith.index_cast %get3A_591 : i32 to index
        %get3A_594 = arith.constant 64 : index
        %get3A_595 = tpu.vector_load %arg11[%get3A_592, %get3A_593, %get3A_594] {strides = array<i32>} : memref<8x16x128xf32, #tpu.memory_space<vmem>>, vector<16xf32>,
        %max3A_596 = arith.maximumf %get3A_590, %get3A_595 : vector<16xf32>
        %add3A_597 = arith.constant 64 : i32
        %add3A_598 = arith.addi %mul3A_530, %add3A_597 : i32
        %swap3A_599 = arith.index_cast %add3A_598 : i32 to index
        %swap3A_600 = tpu.vector_load %arg6[%swap3A_599] {strides = array<i32>} : memref<40192xf32, #tpu.memory_space<vmem>>, vector<16xf32>,
        tpu.vector_store %arg6[%swap3A_599], %max3A_596 {strides = array<i32>} : memref<40192xf32, #tpu.memory_space<vmem>>, vector<16xf32>,
        %add3A_601 = arith.constant 80 : i32
        %add3A_602 = arith.addi %mul3A_530, %add3A_601 : i32
        %get3A_603 = arith.index_cast %add3A_602 : i32 to index
        %get3A_604 = tpu.vector_load %arg6[%get3A_603] {strides = array<i32>} : memref<40192xf32, #tpu.memory_space<vmem>>, vector<16xf32>,
        %get3A_605 = arith.constant 3 : i32
        %get3A_606 = arith.index_cast %rem3A_161 : i32 to index
        %get3A_607 = arith.index_cast %get3A_605 : i32 to index
        %get3A_608 = arith.constant 80 : index
        %get3A_609 = tpu.vector_load %arg11[%get3A_606, %get3A_607, %get3A_608] {strides = array<i32>} : memref<8x16x128xf32, #tpu.memory_space<vmem>>, vector<16xf32>,
        %max3A_610 = arith.maximumf %get3A_604, %get3A_609 : vector<16xf32>
        %add3A_611 = arith.constant 80 : i32
        %add3A_612 = arith.addi %mul3A_530, %add3A_611 : i32
        %swap3A_613 = arith.index_cast %add3A_612 : i32 to index
        %swap3A_614 = tpu.vector_load %arg6[%swap3A_613] {strides = array<i32>} : memref<40192xf32, #tpu.memory_space<vmem>>, vector<16xf32>,
        tpu.vector_store %arg6[%swap3A_613], %max3A_610 {strides = array<i32>} : memref<40192xf32, #tpu.memory_space<vmem>>, vector<16xf32>,
        %add3A_615 = arith.constant 96 : i32
        %add3A_616 = arith.addi %mul3A_530, %add3A_615 : i32
        %get3A_617 = arith.index_cast %add3A_616 : i32 to index
        %get3A_618 = tpu.vector_load %arg6[%get3A_617] {strides = array<i32>} : memref<40192xf32, #tpu.memory_space<vmem>>, vector<16xf32>,
        %get3A_619 = arith.constant 3 : i32
        %get3A_620 = arith.index_cast %rem3A_161 : i32 to index
        %get3A_621 = arith.index_cast %get3A_619 : i32 to index
        %get3A_622 = arith.constant 96 : index
        %get3A_623 = tpu.vector_load %arg11[%get3A_620, %get3A_621, %get3A_622] {strides = array<i32>} : memref<8x16x128xf32, #tpu.memory_space<vmem>>, vector<16xf32>,
        %max3A_624 = arith.maximumf %get3A_618, %get3A_623 : vector<16xf32>
        %add3A_625 = arith.constant 96 : i32
        %add3A_626 = arith.addi %mul3A_530, %add3A_625 : i32
        %swap3A_627 = arith.index_cast %add3A_626 : i32 to index
        %swap3A_628 = tpu.vector_load %arg6[%swap3A_627] {strides = array<i32>} : memref<40192xf32, #tpu.memory_space<vmem>>, vector<16xf32>,
        tpu.vector_store %arg6[%swap3A_627], %max3A_624 {strides = array<i32>} : memref<40192xf32, #tpu.memory_space<vmem>>, vector<16xf32>,
        %add3A_629 = arith.constant 112 : i32
        %add3A_630 = arith.addi %mul3A_530, %add3A_629 : i32
        %get3A_631 = arith.index_cast %add3A_630 : i32 to index
        %get3A_632 = tpu.vector_load %arg6[%get3A_631] {strides = array<i32>} : memref<40192xf32, #tpu.memory_space<vmem>>, vector<16xf32>,
        %get3A_633 = arith.constant 3 : i32
        %get3A_634 = arith.index_cast %rem3A_161 : i32 to index
        %get3A_635 = arith.index_cast %get3A_633 : i32 to index
        %get3A_636 = arith.constant 112 : index
        %get3A_637 = tpu.vector_load %arg11[%get3A_634, %get3A_635, %get3A_636] {strides = array<i32>} : memref<8x16x128xf32, #tpu.memory_space<vmem>>, vector<16xf32>,
        %max3A_638 = arith.maximumf %get3A_632, %get3A_637 : vector<16xf32>
        %add3A_639 = arith.constant 112 : i32
        %add3A_640 = arith.addi %mul3A_530, %add3A_639 : i32
        %swap3A_641 = arith.index_cast %add3A_640 : i32 to index
        %swap3A_642 = tpu.vector_load %arg6[%swap3A_641] {strides = array<i32>} : memref<40192xf32, #tpu.memory_space<vmem>>, vector<16xf32>,
        tpu.vector_store %arg6[%swap3A_641], %max3A_638 {strides = array<i32>} : memref<40192xf32, #tpu.memory_space<vmem>>, vector<16xf32>,
        %slice3A_643 = vector.extract_strided_slice %get3A_165 {offsets = [4], sizes = [1], strides = [1]} : vector<16xi32> to vector<1xi32>
        %squeeze3A_644 = vector.extract %slice3A_643[0] : i32 from vector<1xi32>
        %mul3A_645 = arith.constant 128 : i32
        %mul3A_646 = arith.muli %squeeze3A_644, %mul3A_645 : i32
        %add3A_647 = arith.constant 0 : i32
        %add3A_648 = arith.addi %mul3A_646, %add3A_647 : i32
        %get3A_649 = arith.index_cast %add3A_648 : i32 to index
        %get3A_650 = tpu.vector_load %arg6[%get3A_649] {strides = array<i32>} : memref<40192xf32, #tpu.memory_space<vmem>>, vector<16xf32>,
        %get3A_651 = arith.constant 4 : i32
        %get3A_652 = arith.index_cast %rem3A_161 : i32 to index
        %get3A_653 = arith.index_cast %get3A_651 : i32 to index
        %get3A_654 = arith.constant 0 : index
        %get3A_655 = tpu.vector_load %arg11[%get3A_652, %get3A_653, %get3A_654] {strides = array<i32>} : memref<8x16x128xf32, #tpu.memory_space<vmem>>, vector<16xf32>,
        %max3A_656 = arith.maximumf %get3A_650, %get3A_655 : vector<16xf32>
        %add3A_657 = arith.constant 0 : i32
        %add3A_658 = arith.addi %mul3A_646, %add3A_657 : i32
        %swap3A_659 = arith.index_cast %add3A_658 : i32 to index
        %swap3A_660 = tpu.vector_load %arg6[%swap3A_659] {strides = array<i32>} : memref<40192xf32, #tpu.memory_space<vmem>>, vector<16xf32>,
        tpu.vector_store %arg6[%swap3A_659], %max3A_656 {strides = array<i32>} : memref<40192xf32, #tpu.memory_space<vmem>>, vector<16xf32>,
        %add3A_661 = arith.constant 16 : i32
        %add3A_662 = arith.addi %mul3A_646, %add3A_661 : i32
        %get3A_663 = arith.index_cast %add3A_662 : i32 to index
        %get3A_664 = tpu.vector_load %arg6[%get3A_663] {strides = array<i32>} : memref<40192xf32, #tpu.memory_space<vmem>>, vector<16xf32>,
        %get3A_665 = arith.constant 4 : i32
        %get3A_666 = arith.index_cast %rem3A_161 : i32 to index
        %get3A_667 = arith.index_cast %get3A_665 : i32 to index
        %get3A_668 = arith.constant 16 : index
        %get3A_669 = tpu.vector_load %arg11[%get3A_666, %get3A_667, %get3A_668] {strides = array<i32>} : memref<8x16x128xf32, #tpu.memory_space<vmem>>, vector<16xf32>,
        %max3A_670 = arith.maximumf %get3A_664, %get3A_669 : vector<16xf32>
        %add3A_671 = arith.constant 16 : i32
        %add3A_672 = arith.addi %mul3A_646, %add3A_671 : i32
        %swap3A_673 = arith.index_cast %add3A_672 : i32 to index
        %swap3A_674 = tpu.vector_load %arg6[%swap3A_673] {strides = array<i32>} : memref<40192xf32, #tpu.memory_space<vmem>>, vector<16xf32>,
        tpu.vector_store %arg6[%swap3A_673], %max3A_670 {strides = array<i32>} : memref<40192xf32, #tpu.memory_space<vmem>>, vector<16xf32>,
        %add3A_675 = arith.constant 32 : i32
        %add3A_676 = arith.addi %mul3A_646, %add3A_675 : i32
        %get3A_677 = arith.index_cast %add3A_676 : i32 to index
        %get3A_678 = tpu.vector_load %arg6[%get3A_677] {strides = array<i32>} : memref<40192xf32, #tpu.memory_space<vmem>>, vector<16xf32>,
        %get3A_679 = arith.constant 4 : i32
        %get3A_680 = arith.index_cast %rem3A_161 : i32 to index
        %get3A_681 = arith.index_cast %get3A_679 : i32 to index
        %get3A_682 = arith.constant 32 : index
        %get3A_683 = tpu.vector_load %arg11[%get3A_680, %get3A_681, %get3A_682] {strides = array<i32>} : memref<8x16x128xf32, #tpu.memory_space<vmem>>, vector<16xf32>,
        %max3A_684 = arith.maximumf %get3A_678, %get3A_683 : vector<16xf32>
        %add3A_685 = arith.constant 32 : i32
        %add3A_686 = arith.addi %mul3A_646, %add3A_685 : i32
        %swap3A_687 = arith.index_cast %add3A_686 : i32 to index
        %swap3A_688 = tpu.vector_load %arg6[%swap3A_687] {strides = array<i32>} : memref<40192xf32, #tpu.memory_space<vmem>>, vector<16xf32>,
        tpu.vector_store %arg6[%swap3A_687], %max3A_684 {strides = array<i32>} : memref<40192xf32, #tpu.memory_space<vmem>>, vector<16xf32>,
        %add3A_689 = arith.constant 48 : i32
        %add3A_690 = arith.addi %mul3A_646, %add3A_689 : i32
        %get3A_691 = arith.index_cast %add3A_690 : i32 to index
        %get3A_692 = tpu.vector_load %arg6[%get3A_691] {strides = array<i32>} : memref<40192xf32, #tpu.memory_space<vmem>>, vector<16xf32>,
        %get3A_693 = arith.constant 4 : i32
        %get3A_694 = arith.index_cast %rem3A_161 : i32 to index
        %get3A_695 = arith.index_cast %get3A_693 : i32 to index
        %get3A_696 = arith.constant 48 : index
        %get3A_697 = tpu.vector_load %arg11[%get3A_694, %get3A_695, %get3A_696] {strides = array<i32>} : memref<8x16x128xf32, #tpu.memory_space<vmem>>, vector<16xf32>,
        %max3A_698 = arith.maximumf %get3A_692, %get3A_697 : vector<16xf32>
        %add3A_699 = arith.constant 48 : i32
        %add3A_700 = arith.addi %mul3A_646, %add3A_699 : i32
        %swap3A_701 = arith.index_cast %add3A_700 : i32 to index
        %swap3A_702 = tpu.vector_load %arg6[%swap3A_701] {strides = array<i32>} : memref<40192xf32, #tpu.memory_space<vmem>>, vector<16xf32>,
        tpu.vector_store %arg6[%swap3A_701], %max3A_698 {strides = array<i32>} : memref<40192xf32, #tpu.memory_space<vmem>>, vector<16xf32>,
        %add3A_703 = arith.constant 64 : i32
        %add3A_704 = arith.addi %mul3A_646, %add3A_703 : i32
        %get3A_705 = arith.index_cast %add3A_704 : i32 to index
        %get3A_706 = tpu.vector_load %arg6[%get3A_705] {strides = array<i32>} : memref<40192xf32, #tpu.memory_space<vmem>>, vector<16xf32>,
        %get3A_707 = arith.constant 4 : i32
        %get3A_708 = arith.index_cast %rem3A_161 : i32 to index
        %get3A_709 = arith.index_cast %get3A_707 : i32 to index
        %get3A_710 = arith.constant 64 : index
        %get3A_711 = tpu.vector_load %arg11[%get3A_708, %get3A_709, %get3A_710] {strides = array<i32>} : memref<8x16x128xf32, #tpu.memory_space<vmem>>, vector<16xf32>,
        %max3A_712 = arith.maximumf %get3A_706, %get3A_711 : vector<16xf32>
        %add3A_713 = arith.constant 64 : i32
        %add3A_714 = arith.addi %mul3A_646, %add3A_713 : i32
        %swap3A_715 = arith.index_cast %add3A_714 : i32 to index
        %swap3A_716 = tpu.vector_load %arg6[%swap3A_715] {strides = array<i32>} : memref<40192xf32, #tpu.memory_space<vmem>>, vector<16xf32>,
        tpu.vector_store %arg6[%swap3A_715], %max3A_712 {strides = array<i32>} : memref<40192xf32, #tpu.memory_space<vmem>>, vector<16xf32>,
        %add3A_717 = arith.constant 80 : i32
        %add3A_718 = arith.addi %mul3A_646, %add3A_717 : i32
        %get3A_719 = arith.index_cast %add3A_718 : i32 to index
        %get3A_720 = tpu.vector_load %arg6[%get3A_719] {strides = array<i32>} : memref<40192xf32, #tpu.memory_space<vmem>>, vector<16xf32>,
        %get3A_721 = arith.constant 4 : i32
        %get3A_722 = arith.index_cast %rem3A_161 : i32 to index
        %get3A_723 = arith.index_cast %get3A_721 : i32 to index
        %get3A_724 = arith.constant 80 : index
        %get3A_725 = tpu.vector_load %arg11[%get3A_722, %get3A_723, %get3A_724] {strides = array<i32>} : memref<8x16x128xf32, #tpu.memory_space<vmem>>, vector<16xf32>,
        %max3A_726 = arith.maximumf %get3A_720, %get3A_725 : vector<16xf32>
        %add3A_727 = arith.constant 80 : i32
        %add3A_728 = arith.addi %mul3A_646, %add3A_727 : i32
        %swap3A_729 = arith.index_cast %add3A_728 : i32 to index
        %swap3A_730 = tpu.vector_load %arg6[%swap3A_729] {strides = array<i32>} : memref<40192xf32, #tpu.memory_space<vmem>>, vector<16xf32>,
        tpu.vector_store %arg6[%swap3A_729], %max3A_726 {strides = array<i32>} : memref<40192xf32, #tpu.memory_space<vmem>>, vector<16xf32>,
        %add3A_731 = arith.constant 96 : i32
        %add3A_732 = arith.addi %mul3A_646, %add3A_731 : i32
        %get3A_733 = arith.index_cast %add3A_732 : i32 to index
        %get3A_734 = tpu.vector_load %arg6[%get3A_733] {strides = array<i32>} : memref<40192xf32, #tpu.memory_space<vmem>>, vector<16xf32>,
        %get3A_735 = arith.constant 4 : i32
        %get3A_736 = arith.index_cast %rem3A_161 : i32 to index
        %get3A_737 = arith.index_cast %get3A_735 : i32 to index
        %get3A_738 = arith.constant 96 : index
        %get3A_739 = tpu.vector_load %arg11[%get3A_736, %get3A_737, %get3A_738] {strides = array<i32>} : memref<8x16x128xf32, #tpu.memory_space<vmem>>, vector<16xf32>,
        %max3A_740 = arith.maximumf %get3A_734, %get3A_739 : vector<16xf32>
        %add3A_741 = arith.constant 96 : i32
        %add3A_742 = arith.addi %mul3A_646, %add3A_741 : i32
        %swap3A_743 = arith.index_cast %add3A_742 : i32 to index
        %swap3A_744 = tpu.vector_load %arg6[%swap3A_743] {strides = array<i32>} : memref<40192xf32, #tpu.memory_space<vmem>>, vector<16xf32>,
        tpu.vector_store %arg6[%swap3A_743], %max3A_740 {strides = array<i32>} : memref<40192xf32, #tpu.memory_space<vmem>>, vector<16xf32>,
        %add3A_745 = arith.constant 112 : i32
        %add3A_746 = arith.addi %mul3A_646, %add3A_745 : i32
        %get3A_747 = arith.index_cast %add3A_746 : i32 to index
        %get3A_748 = tpu.vector_load %arg6[%get3A_747] {strides = array<i32>} : memref<40192xf32, #tpu.memory_space<vmem>>, vector<16xf32>,
        %get3A_749 = arith.constant 4 : i32
        %get3A_750 = arith.index_cast %rem3A_161 : i32 to index
        %get3A_751 = arith.index_cast %get3A_749 : i32 to index
        %get3A_752 = arith.constant 112 : index
        %get3A_753 = tpu.vector_load %arg11[%get3A_750, %get3A_751, %get3A_752] {strides = array<i32>} : memref<8x16x128xf32, #tpu.memory_space<vmem>>, vector<16xf32>,
        %max3A_754 = arith.maximumf %get3A_748, %get3A_753 : vector<16xf32>
        %add3A_755 = arith.constant 112 : i32
        %add3A_756 = arith.addi %mul3A_646, %add3A_755 : i32
        %swap3A_757 = arith.index_cast %add3A_756 : i32 to index
        %swap3A_758 = tpu.vector_load %arg6[%swap3A_757] {strides = array<i32>} : memref<40192xf32, #tpu.memory_space<vmem>>, vector<16xf32>,
        tpu.vector_store %arg6[%swap3A_757], %max3A_754 {strides = array<i32>} : memref<40192xf32, #tpu.memory_space<vmem>>, vector<16xf32>,
        %slice3A_759 = vector.extract_strided_slice %get3A_165 {offsets = [5], sizes = [1], strides = [1]} : vector<16xi32> to vector<1xi32>
        %squeeze3A_760 = vector.extract %slice3A_759[0] : i32 from vector<1xi32>
        %mul3A_761 = arith.constant 128 : i32
        %mul3A_762 = arith.muli %squeeze3A_760, %mul3A_761 : i32
        %add3A_763 = arith.constant 0 : i32
        %add3A_764 = arith.addi %mul3A_762, %add3A_763 : i32
        %get3A_765 = arith.index_cast %add3A_764 : i32 to index
        %get3A_766 = tpu.vector_load %arg6[%get3A_765] {strides = array<i32>} : memref<40192xf32, #tpu.memory_space<vmem>>, vector<16xf32>,
        %get3A_767 = arith.constant 5 : i32
        %get3A_768 = arith.index_cast %rem3A_161 : i32 to index
        %get3A_769 = arith.index_cast %get3A_767 : i32 to index
        %get3A_770 = arith.constant 0 : index
        %get3A_771 = tpu.vector_load %arg11[%get3A_768, %get3A_769, %get3A_770] {strides = array<i32>} : memref<8x16x128xf32, #tpu.memory_space<vmem>>, vector<16xf32>,
        %max3A_772 = arith.maximumf %get3A_766, %get3A_771 : vector<16xf32>
        %add3A_773 = arith.constant 0 : i32
        %add3A_774 = arith.addi %mul3A_762, %add3A_773 : i32
        %swap3A_775 = arith.index_cast %add3A_774 : i32 to index
        %swap3A_776 = tpu.vector_load %arg6[%swap3A_775] {strides = array<i32>} : memref<40192xf32, #tpu.memory_space<vmem>>, vector<16xf32>,
        tpu.vector_store %arg6[%swap3A_775], %max3A_772 {strides = array<i32>} : memref<40192xf32, #tpu.memory_space<vmem>>, vector<16xf32>,
        %add3A_777 = arith.constant 16 : i32
        %add3A_778 = arith.addi %mul3A_762, %add3A_777 : i32
        %get3A_779 = arith.index_cast %add3A_778 : i32 to index
        %get3A_780 = tpu.vector_load %arg6[%get3A_779] {strides = array<i32>} : memref<40192xf32, #tpu.memory_space<vmem>>, vector<16xf32>,
        %get3A_781 = arith.constant 5 : i32
        %get3A_782 = arith.index_cast %rem3A_161 : i32 to index
        %get3A_783 = arith.index_cast %get3A_781 : i32 to index
        %get3A_784 = arith.constant 16 : index
        %get3A_785 = tpu.vector_load %arg11[%get3A_782, %get3A_783, %get3A_784] {strides = array<i32>} : memref<8x16x128xf32, #tpu.memory_space<vmem>>, vector<16xf32>,
        %max3A_786 = arith.maximumf %get3A_780, %get3A_785 : vector<16xf32>
        %add3A_787 = arith.constant 16 : i32
        %add3A_788 = arith.addi %mul3A_762, %add3A_787 : i32
        %swap3A_789 = arith.index_cast %add3A_788 : i32 to index
        %swap3A_790 = tpu.vector_load %arg6[%swap3A_789] {strides = array<i32>} : memref<40192xf32, #tpu.memory_space<vmem>>, vector<16xf32>,
        tpu.vector_store %arg6[%swap3A_789], %max3A_786 {strides = array<i32>} : memref<40192xf32, #tpu.memory_space<vmem>>, vector<16xf32>,
        %add3A_791 = arith.constant 32 : i32
        %add3A_792 = arith.addi %mul3A_762, %add3A_791 : i32
        %get3A_793 = arith.index_cast %add3A_792 : i32 to index
        %get3A_794 = tpu.vector_load %arg6[%get3A_793] {strides = array<i32>} : memref<40192xf32, #tpu.memory_space<vmem>>, vector<16xf32>,
        %get3A_795 = arith.constant 5 : i32
        %get3A_796 = arith.index_cast %rem3A_161 : i32 to index
        %get3A_797 = arith.index_cast %get3A_795 : i32 to index
        %get3A_798 = arith.constant 32 : index
        %get3A_799 = tpu.vector_load %arg11[%get3A_796, %get3A_797, %get3A_798] {strides = array<i32>} : memref<8x16x128xf32, #tpu.memory_space<vmem>>, vector<16xf32>,
        %max3A_800 = arith.maximumf %get3A_794, %get3A_799 : vector<16xf32>
        %add3A_801 = arith.constant 32 : i32
        %add3A_802 = arith.addi %mul3A_762, %add3A_801 : i32
        %swap3A_803 = arith.index_cast %add3A_802 : i32 to index
        %swap3A_804 = tpu.vector_load %arg6[%swap3A_803] {strides = array<i32>} : memref<40192xf32, #tpu.memory_space<vmem>>, vector<16xf32>,
        tpu.vector_store %arg6[%swap3A_803], %max3A_800 {strides = array<i32>} : memref<40192xf32, #tpu.memory_space<vmem>>, vector<16xf32>,
        %add3A_805 = arith.constant 48 : i32
        %add3A_806 = arith.addi %mul3A_762, %add3A_805 : i32
        %get3A_807 = arith.index_cast %add3A_806 : i32 to index
        %get3A_808 = tpu.vector_load %arg6[%get3A_807] {strides = array<i32>} : memref<40192xf32, #tpu.memory_space<vmem>>, vector<16xf32>,
        %get3A_809 = arith.constant 5 : i32
        %get3A_810 = arith.index_cast %rem3A_161 : i32 to index
        %get3A_811 = arith.index_cast %get3A_809 : i32 to index
        %get3A_812 = arith.constant 48 : index
        %get3A_813 = tpu.vector_load %arg11[%get3A_810, %get3A_811, %get3A_812] {strides = array<i32>} : memref<8x16x128xf32, #tpu.memory_space<vmem>>, vector<16xf32>,
        %max3A_814 = arith.maximumf %get3A_808, %get3A_813 : vector<16xf32>
        %add3A_815 = arith.constant 48 : i32
        %add3A_816 = arith.addi %mul3A_762, %add3A_815 : i32
        %swap3A_817 = arith.index_cast %add3A_816 : i32 to index
        %swap3A_818 = tpu.vector_load %arg6[%swap3A_817] {strides = array<i32>} : memref<40192xf32, #tpu.memory_space<vmem>>, vector<16xf32>,
        tpu.vector_store %arg6[%swap3A_817], %max3A_814 {strides = array<i32>} : memref<40192xf32, #tpu.memory_space<vmem>>, vector<16xf32>,
        %add3A_819 = arith.constant 64 : i32
        %add3A_820 = arith.addi %mul3A_762, %add3A_819 : i32
        %get3A_821 = arith.index_cast %add3A_820 : i32 to index
        %get3A_822 = tpu.vector_load %arg6[%get3A_821] {strides = array<i32>} : memref<40192xf32, #tpu.memory_space<vmem>>, vector<16xf32>,
        %get3A_823 = arith.constant 5 : i32
        %get3A_824 = arith.index_cast %rem3A_161 : i32 to index
        %get3A_825 = arith.index_cast %get3A_823 : i32 to index
        %get3A_826 = arith.constant 64 : index
        %get3A_827 = tpu.vector_load %arg11[%get3A_824, %get3A_825, %get3A_826] {strides = array<i32>} : memref<8x16x128xf32, #tpu.memory_space<vmem>>, vector<16xf32>,
        %max3A_828 = arith.maximumf %get3A_822, %get3A_827 : vector<16xf32>
        %add3A_829 = arith.constant 64 : i32
        %add3A_830 = arith.addi %mul3A_762, %add3A_829 : i32
        %swap3A_831 = arith.index_cast %add3A_830 : i32 to index
        %swap3A_832 = tpu.vector_load %arg6[%swap3A_831] {strides = array<i32>} : memref<40192xf32, #tpu.memory_space<vmem>>, vector<16xf32>,
        tpu.vector_store %arg6[%swap3A_831], %max3A_828 {strides = array<i32>} : memref<40192xf32, #tpu.memory_space<vmem>>, vector<16xf32>,
        %add3A_833 = arith.constant 80 : i32
        %add3A_834 = arith.addi %mul3A_762, %add3A_833 : i32
        %get3A_835 = arith.index_cast %add3A_834 : i32 to index
        %get3A_836 = tpu.vector_load %arg6[%get3A_835] {strides = array<i32>} : memref<40192xf32, #tpu.memory_space<vmem>>, vector<16xf32>,
        %get3A_837 = arith.constant 5 : i32
        %get3A_838 = arith.index_cast %rem3A_161 : i32 to index
        %get3A_839 = arith.index_cast %get3A_837 : i32 to index
        %get3A_840 = arith.constant 80 : index
        %get3A_841 = tpu.vector_load %arg11[%get3A_838, %get3A_839, %get3A_840] {strides = array<i32>} : memref<8x16x128xf32, #tpu.memory_space<vmem>>, vector<16xf32>,
        %max3A_842 = arith.maximumf %get3A_836, %get3A_841 : vector<16xf32>
        %add3A_843 = arith.constant 80 : i32
        %add3A_844 = arith.addi %mul3A_762, %add3A_843 : i32
        %swap3A_845 = arith.index_cast %add3A_844 : i32 to index
        %swap3A_846 = tpu.vector_load %arg6[%swap3A_845] {strides = array<i32>} : memref<40192xf32, #tpu.memory_space<vmem>>, vector<16xf32>,
        tpu.vector_store %arg6[%swap3A_845], %max3A_842 {strides = array<i32>} : memref<40192xf32, #tpu.memory_space<vmem>>, vector<16xf32>,
        %add3A_847 = arith.constant 96 : i32
        %add3A_848 = arith.addi %mul3A_762, %add3A_847 : i32
        %get3A_849 = arith.index_cast %add3A_848 : i32 to index
        %get3A_850 = tpu.vector_load %arg6[%get3A_849] {strides = array<i32>} : memref<40192xf32, #tpu.memory_space<vmem>>, vector<16xf32>,
        %get3A_851 = arith.constant 5 : i32
        %get3A_852 = arith.index_cast %rem3A_161 : i32 to index
        %get3A_853 = arith.index_cast %get3A_851 : i32 to index
        %get3A_854 = arith.constant 96 : index
        %get3A_855 = tpu.vector_load %arg11[%get3A_852, %get3A_853, %get3A_854] {strides = array<i32>} : memref<8x16x128xf32, #tpu.memory_space<vmem>>, vector<16xf32>,
        %max3A_856 = arith.maximumf %get3A_850, %get3A_855 : vector<16xf32>
        %add3A_857 = arith.constant 96 : i32
        %add3A_858 = arith.addi %mul3A_762, %add3A_857 : i32
        %swap3A_859 = arith.index_cast %add3A_858 : i32 to index
        %swap3A_860 = tpu.vector_load %arg6[%swap3A_859] {strides = array<i32>} : memref<40192xf32, #tpu.memory_space<vmem>>, vector<16xf32>,
        tpu.vector_store %arg6[%swap3A_859], %max3A_856 {strides = array<i32>} : memref<40192xf32, #tpu.memory_space<vmem>>, vector<16xf32>,
        %add3A_861 = arith.constant 112 : i32
        %add3A_862 = arith.addi %mul3A_762, %add3A_861 : i32
        %get3A_863 = arith.index_cast %add3A_862 : i32 to index
        %get3A_864 = tpu.vector_load %arg6[%get3A_863] {strides = array<i32>} : memref<40192xf32, #tpu.memory_space<vmem>>, vector<16xf32>,
        %get3A_865 = arith.constant 5 : i32
        %get3A_866 = arith.index_cast %rem3A_161 : i32 to index
        %get3A_867 = arith.index_cast %get3A_865 : i32 to index
        %get3A_868 = arith.constant 112 : index
        %get3A_869 = tpu.vector_load %arg11[%get3A_866, %get3A_867, %get3A_868] {strides = array<i32>} : memref<8x16x128xf32, #tpu.memory_space<vmem>>, vector<16xf32>,
        %max3A_870 = arith.maximumf %get3A_864, %get3A_869 : vector<16xf32>
        %add3A_871 = arith.constant 112 : i32
        %add3A_872 = arith.addi %mul3A_762, %add3A_871 : i32
        %swap3A_873 = arith.index_cast %add3A_872 : i32 to index
        %swap3A_874 = tpu.vector_load %arg6[%swap3A_873] {strides = array<i32>} : memref<40192xf32, #tpu.memory_space<vmem>>, vector<16xf32>,
        tpu.vector_store %arg6[%swap3A_873], %max3A_870 {strides = array<i32>} : memref<40192xf32, #tpu.memory_space<vmem>>, vector<16xf32>,
        %slice3A_875 = vector.extract_strided_slice %get3A_165 {offsets = [6], sizes = [1], strides = [1]} : vector<16xi32> to vector<1xi32>
        %squeeze3A_876 = vector.extract %slice3A_875[0] : i32 from vector<1xi32>
        %mul3A_877 = arith.constant 128 : i32
        %mul3A_878 = arith.muli %squeeze3A_876, %mul3A_877 : i32
        %add3A_879 = arith.constant 0 : i32
        %add3A_880 = arith.addi %mul3A_878, %add3A_879 : i32
        %get3A_881 = arith.index_cast %add3A_880 : i32 to index
        %get3A_882 = tpu.vector_load %arg6[%get3A_881] {strides = array<i32>} : memref<40192xf32, #tpu.memory_space<vmem>>, vector<16xf32>,
        %get3A_883 = arith.constant 6 : i32
        %get3A_884 = arith.index_cast %rem3A_161 : i32 to index
        %get3A_885 = arith.index_cast %get3A_883 : i32 to index
        %get3A_886 = arith.constant 0 : index
        %get3A_887 = tpu.vector_load %arg11[%get3A_884, %get3A_885, %get3A_886] {strides = array<i32>} : memref<8x16x128xf32, #tpu.memory_space<vmem>>, vector<16xf32>,
        %max3A_888 = arith.maximumf %get3A_882, %get3A_887 : vector<16xf32>
        %add3A_889 = arith.constant 0 : i32
        %add3A_890 = arith.addi %mul3A_878, %add3A_889 : i32
        %swap3A_891 = arith.index_cast %add3A_890 : i32 to index
        %swap3A_892 = tpu.vector_load %arg6[%swap3A_891] {strides = array<i32>} : memref<40192xf32, #tpu.memory_space<vmem>>, vector<16xf32>,
        tpu.vector_store %arg6[%swap3A_891], %max3A_888 {strides = array<i32>} : memref<40192xf32, #tpu.memory_space<vmem>>, vector<16xf32>,
        %add3A_893 = arith.constant 16 : i32
        %add3A_894 = arith.addi %mul3A_878, %add3A_893 : i32
        %get3A_895 = arith.index_cast %add3A_894 : i32 to index
        %get3A_896 = tpu.vector_load %arg6[%get3A_895] {strides = array<i32>} : memref<40192xf32, #tpu.memory_space<vmem>>, vector<16xf32>,
        %get3A_897 = arith.constant 6 : i32
        %get3A_898 = arith.index_cast %rem3A_161 : i32 to index
        %get3A_899 = arith.index_cast %get3A_897 : i32 to index
        %get3A_900 = arith.constant 16 : index
        %get3A_901 = tpu.vector_load %arg11[%get3A_898, %get3A_899, %get3A_900] {strides = array<i32>} : memref<8x16x128xf32, #tpu.memory_space<vmem>>, vector<16xf32>,
        %max3A_902 = arith.maximumf %get3A_896, %get3A_901 : vector<16xf32>
        %add3A_903 = arith.constant 16 : i32
        %add3A_904 = arith.addi %mul3A_878, %add3A_903 : i32
        %swap3A_905 = arith.index_cast %add3A_904 : i32 to index
        %swap3A_906 = tpu.vector_load %arg6[%swap3A_905] {strides = array<i32>} : memref<40192xf32, #tpu.memory_space<vmem>>, vector<16xf32>,
        tpu.vector_store %arg6[%swap3A_905], %max3A_902 {strides = array<i32>} : memref<40192xf32, #tpu.memory_space<vmem>>, vector<16xf32>,
        %add3A_907 = arith.constant 32 : i32
        %add3A_908 = arith.addi %mul3A_878, %add3A_907 : i32
        %get3A_909 = arith.index_cast %add3A_908 : i32 to index
        %get3A_910 = tpu.vector_load %arg6[%get3A_909] {strides = array<i32>} : memref<40192xf32, #tpu.memory_space<vmem>>, vector<16xf32>,
        %get3A_911 = arith.constant 6 : i32
        %get3A_912 = arith.index_cast %rem3A_161 : i32 to index
        %get3A_913 = arith.index_cast %get3A_911 : i32 to index
        %get3A_914 = arith.constant 32 : index
        %get3A_915 = tpu.vector_load %arg11[%get3A_912, %get3A_913, %get3A_914] {strides = array<i32>} : memref<8x16x128xf32, #tpu.memory_space<vmem>>, vector<16xf32>,
        %max3A_916 = arith.maximumf %get3A_910, %get3A_915 : vector<16xf32>
        %add3A_917 = arith.constant 32 : i32
        %add3A_918 = arith.addi %mul3A_878, %add3A_917 : i32
        %swap3A_919 = arith.index_cast %add3A_918 : i32 to index
        %swap3A_920 = tpu.vector_load %arg6[%swap3A_919] {strides = array<i32>} : memref<40192xf32, #tpu.memory_space<vmem>>, vector<16xf32>,
        tpu.vector_store %arg6[%swap3A_919], %max3A_916 {strides = array<i32>} : memref<40192xf32, #tpu.memory_space<vmem>>, vector<16xf32>,
        %add3A_921 = arith.constant 48 : i32
        %add3A_922 = arith.addi %mul3A_878, %add3A_921 : i32
        %get3A_923 = arith.index_cast %add3A_922 : i32 to index
        %get3A_924 = tpu.vector_load %arg6[%get3A_923] {strides = array<i32>} : memref<40192xf32, #tpu.memory_space<vmem>>, vector<16xf32>,
        %get3A_925 = arith.constant 6 : i32
        %get3A_926 = arith.index_cast %rem3A_161 : i32 to index
        %get3A_927 = arith.index_cast %get3A_925 : i32 to index
        %get3A_928 = arith.constant 48 : index
        %get3A_929 = tpu.vector_load %arg11[%get3A_926, %get3A_927, %get3A_928] {strides = array<i32>} : memref<8x16x128xf32, #tpu.memory_space<vmem>>, vector<16xf32>,
        %max3A_930 = arith.maximumf %get3A_924, %get3A_929 : vector<16xf32>
        %add3A_931 = arith.constant 48 : i32
        %add3A_932 = arith.addi %mul3A_878, %add3A_931 : i32
        %swap3A_933 = arith.index_cast %add3A_932 : i32 to index
        %swap3A_934 = tpu.vector_load %arg6[%swap3A_933] {strides = array<i32>} : memref<40192xf32, #tpu.memory_space<vmem>>, vector<16xf32>,
        tpu.vector_store %arg6[%swap3A_933], %max3A_930 {strides = array<i32>} : memref<40192xf32, #tpu.memory_space<vmem>>, vector<16xf32>,
        %add3A_935 = arith.constant 64 : i32
        %add3A_936 = arith.addi %mul3A_878, %add3A_935 : i32
        %get3A_937 = arith.index_cast %add3A_936 : i32 to index
        %get3A_938 = tpu.vector_load %arg6[%get3A_937] {strides = array<i32>} : memref<40192xf32, #tpu.memory_space<vmem>>, vector<16xf32>,
        %get3A_939 = arith.constant 6 : i32
        %get3A_940 = arith.index_cast %rem3A_161 : i32 to index
        %get3A_941 = arith.index_cast %get3A_939 : i32 to index
        %get3A_942 = arith.constant 64 : index
        %get3A_943 = tpu.vector_load %arg11[%get3A_940, %get3A_941, %get3A_942] {strides = array<i32>} : memref<8x16x128xf32, #tpu.memory_space<vmem>>, vector<16xf32>,
        %max3A_944 = arith.maximumf %get3A_938, %get3A_943 : vector<16xf32>
        %add3A_945 = arith.constant 64 : i32
        %add3A_946 = arith.addi %mul3A_878, %add3A_945 : i32
        %swap3A_947 = arith.index_cast %add3A_946 : i32 to index
        %swap3A_948 = tpu.vector_load %arg6[%swap3A_947] {strides = array<i32>} : memref<40192xf32, #tpu.memory_space<vmem>>, vector<16xf32>,
        tpu.vector_store %arg6[%swap3A_947], %max3A_944 {strides = array<i32>} : memref<40192xf32, #tpu.memory_space<vmem>>, vector<16xf32>,
        %add3A_949 = arith.constant 80 : i32
        %add3A_950 = arith.addi %mul3A_878, %add3A_949 : i32
        %get3A_951 = arith.index_cast %add3A_950 : i32 to index
        %get3A_952 = tpu.vector_load %arg6[%get3A_951] {strides = array<i32>} : memref<40192xf32, #tpu.memory_space<vmem>>, vector<16xf32>,
        %get3A_953 = arith.constant 6 : i32
        %get3A_954 = arith.index_cast %rem3A_161 : i32 to index
        %get3A_955 = arith.index_cast %get3A_953 : i32 to index
        %get3A_956 = arith.constant 80 : index
        %get3A_957 = tpu.vector_load %arg11[%get3A_954, %get3A_955, %get3A_956] {strides = array<i32>} : memref<8x16x128xf32, #tpu.memory_space<vmem>>, vector<16xf32>,
        %max3A_958 = arith.maximumf %get3A_952, %get3A_957 : vector<16xf32>
        %add3A_959 = arith.constant 80 : i32
        %add3A_960 = arith.addi %mul3A_878, %add3A_959 : i32
        %swap3A_961 = arith.index_cast %add3A_960 : i32 to index
        %swap3A_962 = tpu.vector_load %arg6[%swap3A_961] {strides = array<i32>} : memref<40192xf32, #tpu.memory_space<vmem>>, vector<16xf32>,
        tpu.vector_store %arg6[%swap3A_961], %max3A_958 {strides = array<i32>} : memref<40192xf32, #tpu.memory_space<vmem>>, vector<16xf32>,
        %add3A_963 = arith.constant 96 : i32
        %add3A_964 = arith.addi %mul3A_878, %add3A_963 : i32
        %get3A_965 = arith.index_cast %add3A_964 : i32 to index
        %get3A_966 = tpu.vector_load %arg6[%get3A_965] {strides = array<i32>} : memref<40192xf32, #tpu.memory_space<vmem>>, vector<16xf32>,
        %get3A_967 = arith.constant 6 : i32
        %get3A_968 = arith.index_cast %rem3A_161 : i32 to index
        %get3A_969 = arith.index_cast %get3A_967 : i32 to index
        %get3A_970 = arith.constant 96 : index
        %get3A_971 = tpu.vector_load %arg11[%get3A_968, %get3A_969, %get3A_970] {strides = array<i32>} : memref<8x16x128xf32, #tpu.memory_space<vmem>>, vector<16xf32>,
        %max3A_972 = arith.maximumf %get3A_966, %get3A_971 : vector<16xf32>
        %add3A_973 = arith.constant 96 : i32
        %add3A_974 = arith.addi %mul3A_878, %add3A_973 : i32
        %swap3A_975 = arith.index_cast %add3A_974 : i32 to index
        %swap3A_976 = tpu.vector_load %arg6[%swap3A_975] {strides = array<i32>} : memref<40192xf32, #tpu.memory_space<vmem>>, vector<16xf32>,
        tpu.vector_store %arg6[%swap3A_975], %max3A_972 {strides = array<i32>} : memref<40192xf32, #tpu.memory_space<vmem>>, vector<16xf32>,
        %add3A_977 = arith.constant 112 : i32
        %add3A_978 = arith.addi %mul3A_878, %add3A_977 : i32
        %get3A_979 = arith.index_cast %add3A_978 : i32 to index
        %get3A_980 = tpu.vector_load %arg6[%get3A_979] {strides = array<i32>} : memref<40192xf32, #tpu.memory_space<vmem>>, vector<16xf32>,
        %get3A_981 = arith.constant 6 : i32
        %get3A_982 = arith.index_cast %rem3A_161 : i32 to index
        %get3A_983 = arith.index_cast %get3A_981 : i32 to index
        %get3A_984 = arith.constant 112 : index
        %get3A_985 = tpu.vector_load %arg11[%get3A_982, %get3A_983, %get3A_984] {strides = array<i32>} : memref<8x16x128xf32, #tpu.memory_space<vmem>>, vector<16xf32>,
        %max3A_986 = arith.maximumf %get3A_980, %get3A_985 : vector<16xf32>
        %add3A_987 = arith.constant 112 : i32
        %add3A_988 = arith.addi %mul3A_878, %add3A_987 : i32
        %swap3A_989 = arith.index_cast %add3A_988 : i32 to index
        %swap3A_990 = tpu.vector_load %arg6[%swap3A_989] {strides = array<i32>} : memref<40192xf32, #tpu.memory_space<vmem>>, vector<16xf32>,
        tpu.vector_store %arg6[%swap3A_989], %max3A_986 {strides = array<i32>} : memref<40192xf32, #tpu.memory_space<vmem>>, vector<16xf32>,
        %slice3A_991 = vector.extract_strided_slice %get3A_165 {offsets = [7], sizes = [1], strides = [1]} : vector<16xi32> to vector<1xi32>
        %squeeze3A_992 = vector.extract %slice3A_991[0] : i32 from vector<1xi32>
        %mul3A_993 = arith.constant 128 : i32
        %mul3A_994 = arith.muli %squeeze3A_992, %mul3A_993 : i32
        %add3A_995 = arith.constant 0 : i32
        %add3A_996 = arith.addi %mul3A_994, %add3A_995 : i32
        %get3A_997 = arith.index_cast %add3A_996 : i32 to index
        %get3A_998 = tpu.vector_load %arg6[%get3A_997] {strides = array<i32>} : memref<40192xf32, #tpu.memory_space<vmem>>, vector<16xf32>,
        %get3A_999 = arith.constant 7 : i32
        %get3A_1000 = arith.index_cast %rem3A_161 : i32 to index
        %get3A_1001 = arith.index_cast %get3A_999 : i32 to index
        %get3A_1002 = arith.constant 0 : index
        %get3A_1003 = tpu.vector_load %arg11[%get3A_1000, %get3A_1001, %get3A_1002] {strides = array<i32>} : memref<8x16x128xf32, #tpu.memory_space<vmem>>, vector<16xf32>,
        %max3A_1004 = arith.maximumf %get3A_998, %get3A_1003 : vector<16xf32>
        %add3A_1005 = arith.constant 0 : i32
        %add3A_1006 = arith.addi %mul3A_994, %add3A_1005 : i32
        %swap3A_1007 = arith.index_cast %add3A_1006 : i32 to index
        %swap3A_1008 = tpu.vector_load %arg6[%swap3A_1007] {strides = array<i32>} : memref<40192xf32, #tpu.memory_space<vmem>>, vector<16xf32>,
        tpu.vector_store %arg6[%swap3A_1007], %max3A_1004 {strides = array<i32>} : memref<40192xf32, #tpu.memory_space<vmem>>, vector<16xf32>,
        %add3A_1009 = arith.constant 16 : i32
        %add3A_1010 = arith.addi %mul3A_994, %add3A_1009 : i32
        %get3A_1011 = arith.index_cast %add3A_1010 : i32 to index
        %get3A_1012 = tpu.vector_load %arg6[%get3A_1011] {strides = array<i32>} : memref<40192xf32, #tpu.memory_space<vmem>>, vector<16xf32>,
        %get3A_1013 = arith.constant 7 : i32
        %get3A_1014 = arith.index_cast %rem3A_161 : i32 to index
        %get3A_1015 = arith.index_cast %get3A_1013 : i32 to index
        %get3A_1016 = arith.constant 16 : index
        %get3A_1017 = tpu.vector_load %arg11[%get3A_1014, %get3A_1015, %get3A_1016] {strides = array<i32>} : memref<8x16x128xf32, #tpu.memory_space<vmem>>, vector<16xf32>,
        %max3A_1018 = arith.maximumf %get3A_1012, %get3A_1017 : vector<16xf32>
        %add3A_1019 = arith.constant 16 : i32
        %add3A_1020 = arith.addi %mul3A_994, %add3A_1019 : i32
        %swap3A_1021 = arith.index_cast %add3A_1020 : i32 to index
        %swap3A_1022 = tpu.vector_load %arg6[%swap3A_1021] {strides = array<i32>} : memref<40192xf32, #tpu.memory_space<vmem>>, vector<16xf32>,
        tpu.vector_store %arg6[%swap3A_1021], %max3A_1018 {strides = array<i32>} : memref<40192xf32, #tpu.memory_space<vmem>>, vector<16xf32>,
        %add3A_1023 = arith.constant 32 : i32
        %add3A_1024 = arith.addi %mul3A_994, %add3A_1023 : i32
        %get3A_1025 = arith.index_cast %add3A_1024 : i32 to index
        %get3A_1026 = tpu.vector_load %arg6[%get3A_1025] {strides = array<i32>} : memref<40192xf32, #tpu.memory_space<vmem>>, vector<16xf32>,
        %get3A_1027 = arith.constant 7 : i32
        %get3A_1028 = arith.index_cast %rem3A_161 : i32 to index
        %get3A_1029 = arith.index_cast %get3A_1027 : i32 to index
        %get3A_1030 = arith.constant 32 : index
        %get3A_1031 = tpu.vector_load %arg11[%get3A_1028, %get3A_1029, %get3A_1030] {strides = array<i32>} : memref<8x16x128xf32, #tpu.memory_space<vmem>>, vector<16xf32>,
        %max3A_1032 = arith.maximumf %get3A_1026, %get3A_1031 : vector<16xf32>
        %add3A_1033 = arith.constant 32 : i32
        %add3A_1034 = arith.addi %mul3A_994, %add3A_1033 : i32
        %swap3A_1035 = arith.index_cast %add3A_1034 : i32 to index
        %swap3A_1036 = tpu.vector_load %arg6[%swap3A_1035] {strides = array<i32>} : memref<40192xf32, #tpu.memory_space<vmem>>, vector<16xf32>,
        tpu.vector_store %arg6[%swap3A_1035], %max3A_1032 {strides = array<i32>} : memref<40192xf32, #tpu.memory_space<vmem>>, vector<16xf32>,
        %add3A_1037 = arith.constant 48 : i32
        %add3A_1038 = arith.addi %mul3A_994, %add3A_1037 : i32
        %get3A_1039 = arith.index_cast %add3A_1038 : i32 to index
        %get3A_1040 = tpu.vector_load %arg6[%get3A_1039] {strides = array<i32>} : memref<40192xf32, #tpu.memory_space<vmem>>, vector<16xf32>,
        %get3A_1041 = arith.constant 7 : i32
        %get3A_1042 = arith.index_cast %rem3A_161 : i32 to index
        %get3A_1043 = arith.index_cast %get3A_1041 : i32 to index
        %get3A_1044 = arith.constant 48 : index
        %get3A_1045 = tpu.vector_load %arg11[%get3A_1042, %get3A_1043, %get3A_1044] {strides = array<i32>} : memref<8x16x128xf32, #tpu.memory_space<vmem>>, vector<16xf32>,
        %max3A_1046 = arith.maximumf %get3A_1040, %get3A_1045 : vector<16xf32>
        %add3A_1047 = arith.constant 48 : i32
        %add3A_1048 = arith.addi %mul3A_994, %add3A_1047 : i32
        %swap3A_1049 = arith.index_cast %add3A_1048 : i32 to index
        %swap3A_1050 = tpu.vector_load %arg6[%swap3A_1049] {strides = array<i32>} : memref<40192xf32, #tpu.memory_space<vmem>>, vector<16xf32>,
        tpu.vector_store %arg6[%swap3A_1049], %max3A_1046 {strides = array<i32>} : memref<40192xf32, #tpu.memory_space<vmem>>, vector<16xf32>,
        %add3A_1051 = arith.constant 64 : i32
        %add3A_1052 = arith.addi %mul3A_994, %add3A_1051 : i32
        %get3A_1053 = arith.index_cast %add3A_1052 : i32 to index
        %get3A_1054 = tpu.vector_load %arg6[%get3A_1053] {strides = array<i32>} : memref<40192xf32, #tpu.memory_space<vmem>>, vector<16xf32>,
        %get3A_1055 = arith.constant 7 : i32
        %get3A_1056 = arith.index_cast %rem3A_161 : i32 to index
        %get3A_1057 = arith.index_cast %get3A_1055 : i32 to index
        %get3A_1058 = arith.constant 64 : index
        %get3A_1059 = tpu.vector_load %arg11[%get3A_1056, %get3A_1057, %get3A_1058] {strides = array<i32>} : memref<8x16x128xf32, #tpu.memory_space<vmem>>, vector<16xf32>,
        %max3A_1060 = arith.maximumf %get3A_1054, %get3A_1059 : vector<16xf32>
        %add3A_1061 = arith.constant 64 : i32
        %add3A_1062 = arith.addi %mul3A_994, %add3A_1061 : i32
        %swap3A_1063 = arith.index_cast %add3A_1062 : i32 to index
        %swap3A_1064 = tpu.vector_load %arg6[%swap3A_1063] {strides = array<i32>} : memref<40192xf32, #tpu.memory_space<vmem>>, vector<16xf32>,
        tpu.vector_store %arg6[%swap3A_1063], %max3A_1060 {strides = array<i32>} : memref<40192xf32, #tpu.memory_space<vmem>>, vector<16xf32>,
        %add3A_1065 = arith.constant 80 : i32
        %add3A_1066 = arith.addi %mul3A_994, %add3A_1065 : i32
        %get3A_1067 = arith.index_cast %add3A_1066 : i32 to index
        %get3A_1068 = tpu.vector_load %arg6[%get3A_1067] {strides = array<i32>} : memref<40192xf32, #tpu.memory_space<vmem>>, vector<16xf32>,
        %get3A_1069 = arith.constant 7 : i32
        %get3A_1070 = arith.index_cast %rem3A_161 : i32 to index
        %get3A_1071 = arith.index_cast %get3A_1069 : i32 to index
        %get3A_1072 = arith.constant 80 : index
        %get3A_1073 = tpu.vector_load %arg11[%get3A_1070, %get3A_1071, %get3A_1072] {strides = array<i32>} : memref<8x16x128xf32, #tpu.memory_space<vmem>>, vector<16xf32>,
        %max3A_1074 = arith.maximumf %get3A_1068, %get3A_1073 : vector<16xf32>
        %add3A_1075 = arith.constant 80 : i32
        %add3A_1076 = arith.addi %mul3A_994, %add3A_1075 : i32
        %swap3A_1077 = arith.index_cast %add3A_1076 : i32 to index
        %swap3A_1078 = tpu.vector_load %arg6[%swap3A_1077] {strides = array<i32>} : memref<40192xf32, #tpu.memory_space<vmem>>, vector<16xf32>,
        tpu.vector_store %arg6[%swap3A_1077], %max3A_1074 {strides = array<i32>} : memref<40192xf32, #tpu.memory_space<vmem>>, vector<16xf32>,
        %add3A_1079 = arith.constant 96 : i32
        %add3A_1080 = arith.addi %mul3A_994, %add3A_1079 : i32
        %get3A_1081 = arith.index_cast %add3A_1080 : i32 to index
        %get3A_1082 = tpu.vector_load %arg6[%get3A_1081] {strides = array<i32>} : memref<40192xf32, #tpu.memory_space<vmem>>, vector<16xf32>,
        %get3A_1083 = arith.constant 7 : i32
        %get3A_1084 = arith.index_cast %rem3A_161 : i32 to index
        %get3A_1085 = arith.index_cast %get3A_1083 : i32 to index
        %get3A_1086 = arith.constant 96 : index
        %get3A_1087 = tpu.vector_load %arg11[%get3A_1084, %get3A_1085, %get3A_1086] {strides = array<i32>} : memref<8x16x128xf32, #tpu.memory_space<vmem>>, vector<16xf32>,
        %max3A_1088 = arith.maximumf %get3A_1082, %get3A_1087 : vector<16xf32>
        %add3A_1089 = arith.constant 96 : i32
        %add3A_1090 = arith.addi %mul3A_994, %add3A_1089 : i32
        %swap3A_1091 = arith.index_cast %add3A_1090 : i32 to index
        %swap3A_1092 = tpu.vector_load %arg6[%swap3A_1091] {strides = array<i32>} : memref<40192xf32, #tpu.memory_space<vmem>>, vector<16xf32>,
        tpu.vector_store %arg6[%swap3A_1091], %max3A_1088 {strides = array<i32>} : memref<40192xf32, #tpu.memory_space<vmem>>, vector<16xf32>,
        %add3A_1093 = arith.constant 112 : i32
        %add3A_1094 = arith.addi %mul3A_994, %add3A_1093 : i32
        %get3A_1095 = arith.index_cast %add3A_1094 : i32 to index
        %get3A_1096 = tpu.vector_load %arg6[%get3A_1095] {strides = array<i32>} : memref<40192xf32, #tpu.memory_space<vmem>>, vector<16xf32>,
        %get3A_1097 = arith.constant 7 : i32
        %get3A_1098 = arith.index_cast %rem3A_161 : i32 to index
        %get3A_1099 = arith.index_cast %get3A_1097 : i32 to index
        %get3A_1100 = arith.constant 112 : index
        %get3A_1101 = tpu.vector_load %arg11[%get3A_1098, %get3A_1099, %get3A_1100] {strides = array<i32>} : memref<8x16x128xf32, #tpu.memory_space<vmem>>, vector<16xf32>,
        %max3A_1102 = arith.maximumf %get3A_1096, %get3A_1101 : vector<16xf32>
        %add3A_1103 = arith.constant 112 : i32
        %add3A_1104 = arith.addi %mul3A_994, %add3A_1103 : i32
        %swap3A_1105 = arith.index_cast %add3A_1104 : i32 to index
        %swap3A_1106 = tpu.vector_load %arg6[%swap3A_1105] {strides = array<i32>} : memref<40192xf32, #tpu.memory_space<vmem>>, vector<16xf32>,
        tpu.vector_store %arg6[%swap3A_1105], %max3A_1102 {strides = array<i32>} : memref<40192xf32, #tpu.memory_space<vmem>>, vector<16xf32>,
        %slice3A_1107 = vector.extract_strided_slice %get3A_165 {offsets = [8], sizes = [1], strides = [1]} : vector<16xi32> to vector<1xi32>
        %squeeze3A_1108 = vector.extract %slice3A_1107[0] : i32 from vector<1xi32>
        %mul3A_1109 = arith.constant 128 : i32
        %mul3A_1110 = arith.muli %squeeze3A_1108, %mul3A_1109 : i32
        %add3A_1111 = arith.constant 0 : i32
        %add3A_1112 = arith.addi %mul3A_1110, %add3A_1111 : i32
        %get3A_1113 = arith.index_cast %add3A_1112 : i32 to index
        %get3A_1114 = tpu.vector_load %arg6[%get3A_1113] {strides = array<i32>} : memref<40192xf32, #tpu.memory_space<vmem>>, vector<16xf32>,
        %get3A_1115 = arith.constant 8 : i32
        %get3A_1116 = arith.index_cast %rem3A_161 : i32 to index
        %get3A_1117 = arith.index_cast %get3A_1115 : i32 to index
        %get3A_1118 = arith.constant 0 : index
        %get3A_1119 = tpu.vector_load %arg11[%get3A_1116, %get3A_1117, %get3A_1118] {strides = array<i32>} : memref<8x16x128xf32, #tpu.memory_space<vmem>>, vector<16xf32>,
        %max3A_1120 = arith.maximumf %get3A_1114, %get3A_1119 : vector<16xf32>
        %add3A_1121 = arith.constant 0 : i32
        %add3A_1122 = arith.addi %mul3A_1110, %add3A_1121 : i32
        %swap3A_1123 = arith.index_cast %add3A_1122 : i32 to index
        %swap3A_1124 = tpu.vector_load %arg6[%swap3A_1123] {strides = array<i32>} : memref<40192xf32, #tpu.memory_space<vmem>>, vector<16xf32>,
        tpu.vector_store %arg6[%swap3A_1123], %max3A_1120 {strides = array<i32>} : memref<40192xf32, #tpu.memory_space<vmem>>, vector<16xf32>,
        %add3A_1125 = arith.constant 16 : i32
        %add3A_1126 = arith.addi %mul3A_1110, %add3A_1125 : i32
        %get3A_1127 = arith.index_cast %add3A_1126 : i32 to index
        %get3A_1128 = tpu.vector_load %arg6[%get3A_1127] {strides = array<i32>} : memref<40192xf32, #tpu.memory_space<vmem>>, vector<16xf32>,
        %get3A_1129 = arith.constant 8 : i32
        %get3A_1130 = arith.index_cast %rem3A_161 : i32 to index
        %get3A_1131 = arith.index_cast %get3A_1129 : i32 to index
        %get3A_1132 = arith.constant 16 : index
        %get3A_1133 = tpu.vector_load %arg11[%get3A_1130, %get3A_1131, %get3A_1132] {strides = array<i32>} : memref<8x16x128xf32, #tpu.memory_space<vmem>>, vector<16xf32>,
        %max3A_1134 = arith.maximumf %get3A_1128, %get3A_1133 : vector<16xf32>
        %add3A_1135 = arith.constant 16 : i32
        %add3A_1136 = arith.addi %mul3A_1110, %add3A_1135 : i32
        %swap3A_1137 = arith.index_cast %add3A_1136 : i32 to index
        %swap3A_1138 = tpu.vector_load %arg6[%swap3A_1137] {strides = array<i32>} : memref<40192xf32, #tpu.memory_space<vmem>>, vector<16xf32>,
        tpu.vector_store %arg6[%swap3A_1137], %max3A_1134 {strides = array<i32>} : memref<40192xf32, #tpu.memory_space<vmem>>, vector<16xf32>,
        %add3A_1139 = arith.constant 32 : i32
        %add3A_1140 = arith.addi %mul3A_1110, %add3A_1139 : i32
        %get3A_1141 = arith.index_cast %add3A_1140 : i32 to index
        %get3A_1142 = tpu.vector_load %arg6[%get3A_1141] {strides = array<i32>} : memref<40192xf32, #tpu.memory_space<vmem>>, vector<16xf32>,
        %get3A_1143 = arith.constant 8 : i32
        %get3A_1144 = arith.index_cast %rem3A_161 : i32 to index
        %get3A_1145 = arith.index_cast %get3A_1143 : i32 to index
        %get3A_1146 = arith.constant 32 : index
        %get3A_1147 = tpu.vector_load %arg11[%get3A_1144, %get3A_1145, %get3A_1146] {strides = array<i32>} : memref<8x16x128xf32, #tpu.memory_space<vmem>>, vector<16xf32>,
        %max3A_1148 = arith.maximumf %get3A_1142, %get3A_1147 : vector<16xf32>
        %add3A_1149 = arith.constant 32 : i32
        %add3A_1150 = arith.addi %mul3A_1110, %add3A_1149 : i32
        %swap3A_1151 = arith.index_cast %add3A_1150 : i32 to index
        %swap3A_1152 = tpu.vector_load %arg6[%swap3A_1151] {strides = array<i32>} : memref<40192xf32, #tpu.memory_space<vmem>>, vector<16xf32>,
        tpu.vector_store %arg6[%swap3A_1151], %max3A_1148 {strides = array<i32>} : memref<40192xf32, #tpu.memory_space<vmem>>, vector<16xf32>,
        %add3A_1153 = arith.constant 48 : i32
        %add3A_1154 = arith.addi %mul3A_1110, %add3A_1153 : i32
        %get3A_1155 = arith.index_cast %add3A_1154 : i32 to index
        %get3A_1156 = tpu.vector_load %arg6[%get3A_1155] {strides = array<i32>} : memref<40192xf32, #tpu.memory_space<vmem>>, vector<16xf32>,
        %get3A_1157 = arith.constant 8 : i32
        %get3A_1158 = arith.index_cast %rem3A_161 : i32 to index
        %get3A_1159 = arith.index_cast %get3A_1157 : i32 to index
        %get3A_1160 = arith.constant 48 : index
        %get3A_1161 = tpu.vector_load %arg11[%get3A_1158, %get3A_1159, %get3A_1160] {strides = array<i32>} : memref<8x16x128xf32, #tpu.memory_space<vmem>>, vector<16xf32>,
        %max3A_1162 = arith.maximumf %get3A_1156, %get3A_1161 : vector<16xf32>
        %add3A_1163 = arith.constant 48 : i32
        %add3A_1164 = arith.addi %mul3A_1110, %add3A_1163 : i32
        %swap3A_1165 = arith.index_cast %add3A_1164 : i32 to index
        %swap3A_1166 = tpu.vector_load %arg6[%swap3A_1165] {strides = array<i32>} : memref<40192xf32, #tpu.memory_space<vmem>>, vector<16xf32>,
        tpu.vector_store %arg6[%swap3A_1165], %max3A_1162 {strides = array<i32>} : memref<40192xf32, #tpu.memory_space<vmem>>, vector<16xf32>,
        %add3A_1167 = arith.constant 64 : i32
        %add3A_1168 = arith.addi %mul3A_1110, %add3A_1167 : i32
        %get3A_1169 = arith.index_cast %add3A_1168 : i32 to index
        %get3A_1170 = tpu.vector_load %arg6[%get3A_1169] {strides = array<i32>} : memref<40192xf32, #tpu.memory_space<vmem>>, vector<16xf32>,
        %get3A_1171 = arith.constant 8 : i32
        %get3A_1172 = arith.index_cast %rem3A_161 : i32 to index
        %get3A_1173 = arith.index_cast %get3A_1171 : i32 to index
        %get3A_1174 = arith.constant 64 : index
        %get3A_1175 = tpu.vector_load %arg11[%get3A_1172, %get3A_1173, %get3A_1174] {strides = array<i32>} : memref<8x16x128xf32, #tpu.memory_space<vmem>>, vector<16xf32>,
        %max3A_1176 = arith.maximumf %get3A_1170, %get3A_1175 : vector<16xf32>
        %add3A_1177 = arith.constant 64 : i32
        %add3A_1178 = arith.addi %mul3A_1110, %add3A_1177 : i32
        %swap3A_1179 = arith.index_cast %add3A_1178 : i32 to index
        %swap3A_1180 = tpu.vector_load %arg6[%swap3A_1179] {strides = array<i32>} : memref<40192xf32, #tpu.memory_space<vmem>>, vector<16xf32>,
        tpu.vector_store %arg6[%swap3A_1179], %max3A_1176 {strides = array<i32>} : memref<40192xf32, #tpu.memory_space<vmem>>, vector<16xf32>,
        %add3A_1181 = arith.constant 80 : i32
        %add3A_1182 = arith.addi %mul3A_1110, %add3A_1181 : i32
        %get3A_1183 = arith.index_cast %add3A_1182 : i32 to index
        %get3A_1184 = tpu.vector_load %arg6[%get3A_1183] {strides = array<i32>} : memref<40192xf32, #tpu.memory_space<vmem>>, vector<16xf32>,
        %get3A_1185 = arith.constant 8 : i32
        %get3A_1186 = arith.index_cast %rem3A_161 : i32 to index
        %get3A_1187 = arith.index_cast %get3A_1185 : i32 to index
        %get3A_1188 = arith.constant 80 : index
        %get3A_1189 = tpu.vector_load %arg11[%get3A_1186, %get3A_1187, %get3A_1188] {strides = array<i32>} : memref<8x16x128xf32, #tpu.memory_space<vmem>>, vector<16xf32>,
        %max3A_1190 = arith.maximumf %get3A_1184, %get3A_1189 : vector<16xf32>
        %add3A_1191 = arith.constant 80 : i32
        %add3A_1192 = arith.addi %mul3A_1110, %add3A_1191 : i32
        %swap3A_1193 = arith.index_cast %add3A_1192 : i32 to index
        %swap3A_1194 = tpu.vector_load %arg6[%swap3A_1193] {strides = array<i32>} : memref<40192xf32, #tpu.memory_space<vmem>>, vector<16xf32>,
        tpu.vector_store %arg6[%swap3A_1193], %max3A_1190 {strides = array<i32>} : memref<40192xf32, #tpu.memory_space<vmem>>, vector<16xf32>,
        %add3A_1195 = arith.constant 96 : i32
        %add3A_1196 = arith.addi %mul3A_1110, %add3A_1195 : i32
        %get3A_1197 = arith.index_cast %add3A_1196 : i32 to index
        %get3A_1198 = tpu.vector_load %arg6[%get3A_1197] {strides = array<i32>} : memref<40192xf32, #tpu.memory_space<vmem>>, vector<16xf32>,
        %get3A_1199 = arith.constant 8 : i32
        %get3A_1200 = arith.index_cast %rem3A_161 : i32 to index
        %get3A_1201 = arith.index_cast %get3A_1199 : i32 to index
        %get3A_1202 = arith.constant 96 : index
        %get3A_1203 = tpu.vector_load %arg11[%get3A_1200, %get3A_1201, %get3A_1202] {strides = array<i32>} : memref<8x16x128xf32, #tpu.memory_space<vmem>>, vector<16xf32>,
        %max3A_1204 = arith.maximumf %get3A_1198, %get3A_1203 : vector<16xf32>
        %add3A_1205 = arith.constant 96 : i32
        %add3A_1206 = arith.addi %mul3A_1110, %add3A_1205 : i32
        %swap3A_1207 = arith.index_cast %add3A_1206 : i32 to index
        %swap3A_1208 = tpu.vector_load %arg6[%swap3A_1207] {strides = array<i32>} : memref<40192xf32, #tpu.memory_space<vmem>>, vector<16xf32>,
        tpu.vector_store %arg6[%swap3A_1207], %max3A_1204 {strides = array<i32>} : memref<40192xf32, #tpu.memory_space<vmem>>, vector<16xf32>,
        %add3A_1209 = arith.constant 112 : i32
        %add3A_1210 = arith.addi %mul3A_1110, %add3A_1209 : i32
        %get3A_1211 = arith.index_cast %add3A_1210 : i32 to index
        %get3A_1212 = tpu.vector_load %arg6[%get3A_1211] {strides = array<i32>} : memref<40192xf32, #tpu.memory_space<vmem>>, vector<16xf32>,
        %get3A_1213 = arith.constant 8 : i32
        %get3A_1214 = arith.index_cast %rem3A_161 : i32 to index
        %get3A_1215 = arith.index_cast %get3A_1213 : i32 to index
        %get3A_1216 = arith.constant 112 : index
        %get3A_1217 = tpu.vector_load %arg11[%get3A_1214, %get3A_1215, %get3A_1216] {strides = array<i32>} : memref<8x16x128xf32, #tpu.memory_space<vmem>>, vector<16xf32>,
        %max3A_1218 = arith.maximumf %get3A_1212, %get3A_1217 : vector<16xf32>
        %add3A_1219 = arith.constant 112 : i32
        %add3A_1220 = arith.addi %mul3A_1110, %add3A_1219 : i32
        %swap3A_1221 = arith.index_cast %add3A_1220 : i32 to index
        %swap3A_1222 = tpu.vector_load %arg6[%swap3A_1221] {strides = array<i32>} : memref<40192xf32, #tpu.memory_space<vmem>>, vector<16xf32>,
        tpu.vector_store %arg6[%swap3A_1221], %max3A_1218 {strides = array<i32>} : memref<40192xf32, #tpu.memory_space<vmem>>, vector<16xf32>,
        %slice3A_1223 = vector.extract_strided_slice %get3A_165 {offsets = [9], sizes = [1], strides = [1]} : vector<16xi32> to vector<1xi32>
        %squeeze3A_1224 = vector.extract %slice3A_1223[0] : i32 from vector<1xi32>
        %mul3A_1225 = arith.constant 128 : i32
        %mul3A_1226 = arith.muli %squeeze3A_1224, %mul3A_1225 : i32
        %add3A_1227 = arith.constant 0 : i32
        %add3A_1228 = arith.addi %mul3A_1226, %add3A_1227 : i32
        %get3A_1229 = arith.index_cast %add3A_1228 : i32 to index
        %get3A_1230 = tpu.vector_load %arg6[%get3A_1229] {strides = array<i32>} : memref<40192xf32, #tpu.memory_space<vmem>>, vector<16xf32>,
        %get3A_1231 = arith.constant 9 : i32
        %get3A_1232 = arith.index_cast %rem3A_161 : i32 to index
        %get3A_1233 = arith.index_cast %get3A_1231 : i32 to index
        %get3A_1234 = arith.constant 0 : index
        %get3A_1235 = tpu.vector_load %arg11[%get3A_1232, %get3A_1233, %get3A_1234] {strides = array<i32>} : memref<8x16x128xf32, #tpu.memory_space<vmem>>, vector<16xf32>,
        %max3A_1236 = arith.maximumf %get3A_1230, %get3A_1235 : vector<16xf32>
        %add3A_1237 = arith.constant 0 : i32
        %add3A_1238 = arith.addi %mul3A_1226, %add3A_1237 : i32
        %swap3A_1239 = arith.index_cast %add3A_1238 : i32 to index
        %swap3A_1240 = tpu.vector_load %arg6[%swap3A_1239] {strides = array<i32>} : memref<40192xf32, #tpu.memory_space<vmem>>, vector<16xf32>,
        tpu.vector_store %arg6[%swap3A_1239], %max3A_1236 {strides = array<i32>} : memref<40192xf32, #tpu.memory_space<vmem>>, vector<16xf32>,
        %add3A_1241 = arith.constant 16 : i32
        %add3A_1242 = arith.addi %mul3A_1226, %add3A_1241 : i32
        %get3A_1243 = arith.index_cast %add3A_1242 : i32 to index
        %get3A_1244 = tpu.vector_load %arg6[%get3A_1243] {strides = array<i32>} : memref<40192xf32, #tpu.memory_space<vmem>>, vector<16xf32>,
        %get3A_1245 = arith.constant 9 : i32
        %get3A_1246 = arith.index_cast %rem3A_161 : i32 to index
        %get3A_1247 = arith.index_cast %get3A_1245 : i32 to index
        %get3A_1248 = arith.constant 16 : index
        %get3A_1249 = tpu.vector_load %arg11[%get3A_1246, %get3A_1247, %get3A_1248] {strides = array<i32>} : memref<8x16x128xf32, #tpu.memory_space<vmem>>, vector<16xf32>,
        %max3A_1250 = arith.maximumf %get3A_1244, %get3A_1249 : vector<16xf32>
        %add3A_1251 = arith.constant 16 : i32
        %add3A_1252 = arith.addi %mul3A_1226, %add3A_1251 : i32
        %swap3A_1253 = arith.index_cast %add3A_1252 : i32 to index
        %swap3A_1254 = tpu.vector_load %arg6[%swap3A_1253] {strides = array<i32>} : memref<40192xf32, #tpu.memory_space<vmem>>, vector<16xf32>,
        tpu.vector_store %arg6[%swap3A_1253], %max3A_1250 {strides = array<i32>} : memref<40192xf32, #tpu.memory_space<vmem>>, vector<16xf32>,
        %add3A_1255 = arith.constant 32 : i32
        %add3A_1256 = arith.addi %mul3A_1226, %add3A_1255 : i32
        %get3A_1257 = arith.index_cast %add3A_1256 : i32 to index
        %get3A_1258 = tpu.vector_load %arg6[%get3A_1257] {strides = array<i32>} : memref<40192xf32, #tpu.memory_space<vmem>>, vector<16xf32>,
        %get3A_1259 = arith.constant 9 : i32
        %get3A_1260 = arith.index_cast %rem3A_161 : i32 to index
        %get3A_1261 = arith.index_cast %get3A_1259 : i32 to index
        %get3A_1262 = arith.constant 32 : index
        %get3A_1263 = tpu.vector_load %arg11[%get3A_1260, %get3A_1261, %get3A_1262] {strides = array<i32>} : memref<8x16x128xf32, #tpu.memory_space<vmem>>, vector<16xf32>,
        %max3A_1264 = arith.maximumf %get3A_1258, %get3A_1263 : vector<16xf32>
        %add3A_1265 = arith.constant 32 : i32
        %add3A_1266 = arith.addi %mul3A_1226, %add3A_1265 : i32
        %swap3A_1267 = arith.index_cast %add3A_1266 : i32 to index
        %swap3A_1268 = tpu.vector_load %arg6[%swap3A_1267] {strides = array<i32>} : memref<40192xf32, #tpu.memory_space<vmem>>, vector<16xf32>,
        tpu.vector_store %arg6[%swap3A_1267], %max3A_1264 {strides = array<i32>} : memref<40192xf32, #tpu.memory_space<vmem>>, vector<16xf32>,
        %add3A_1269 = arith.constant 48 : i32
        %add3A_1270 = arith.addi %mul3A_1226, %add3A_1269 : i32
        %get3A_1271 = arith.index_cast %add3A_1270 : i32 to index
        %get3A_1272 = tpu.vector_load %arg6[%get3A_1271] {strides = array<i32>} : memref<40192xf32, #tpu.memory_space<vmem>>, vector<16xf32>,
        %get3A_1273 = arith.constant 9 : i32
        %get3A_1274 = arith.index_cast %rem3A_161 : i32 to index
        %get3A_1275 = arith.index_cast %get3A_1273 : i32 to index
        %get3A_1276 = arith.constant 48 : index
        %get3A_1277 = tpu.vector_load %arg11[%get3A_1274, %get3A_1275, %get3A_1276] {strides = array<i32>} : memref<8x16x128xf32, #tpu.memory_space<vmem>>, vector<16xf32>,
        %max3A_1278 = arith.maximumf %get3A_1272, %get3A_1277 : vector<16xf32>
        %add3A_1279 = arith.constant 48 : i32
        %add3A_1280 = arith.addi %mul3A_1226, %add3A_1279 : i32
        %swap3A_1281 = arith.index_cast %add3A_1280 : i32 to index
        %swap3A_1282 = tpu.vector_load %arg6[%swap3A_1281] {strides = array<i32>} : memref<40192xf32, #tpu.memory_space<vmem>>, vector<16xf32>,
        tpu.vector_store %arg6[%swap3A_1281], %max3A_1278 {strides = array<i32>} : memref<40192xf32, #tpu.memory_space<vmem>>, vector<16xf32>,
        %add3A_1283 = arith.constant 64 : i32
        %add3A_1284 = arith.addi %mul3A_1226, %add3A_1283 : i32
        %get3A_1285 = arith.index_cast %add3A_1284 : i32 to index
        %get3A_1286 = tpu.vector_load %arg6[%get3A_1285] {strides = array<i32>} : memref<40192xf32, #tpu.memory_space<vmem>>, vector<16xf32>,
        %get3A_1287 = arith.constant 9 : i32
        %get3A_1288 = arith.index_cast %rem3A_161 : i32 to index
        %get3A_1289 = arith.index_cast %get3A_1287 : i32 to index
        %get3A_1290 = arith.constant 64 : index
        %get3A_1291 = tpu.vector_load %arg11[%get3A_1288, %get3A_1289, %get3A_1290] {strides = array<i32>} : memref<8x16x128xf32, #tpu.memory_space<vmem>>, vector<16xf32>,
        %max3A_1292 = arith.maximumf %get3A_1286, %get3A_1291 : vector<16xf32>
        %add3A_1293 = arith.constant 64 : i32
        %add3A_1294 = arith.addi %mul3A_1226, %add3A_1293 : i32
        %swap3A_1295 = arith.index_cast %add3A_1294 : i32 to index
        %swap3A_1296 = tpu.vector_load %arg6[%swap3A_1295] {strides = array<i32>} : memref<40192xf32, #tpu.memory_space<vmem>>, vector<16xf32>,
        tpu.vector_store %arg6[%swap3A_1295], %max3A_1292 {strides = array<i32>} : memref<40192xf32, #tpu.memory_space<vmem>>, vector<16xf32>,
        %add3A_1297 = arith.constant 80 : i32
        %add3A_1298 = arith.addi %mul3A_1226, %add3A_1297 : i32
        %get3A_1299 = arith.index_cast %add3A_1298 : i32 to index
        %get3A_1300 = tpu.vector_load %arg6[%get3A_1299] {strides = array<i32>} : memref<40192xf32, #tpu.memory_space<vmem>>, vector<16xf32>,
        %get3A_1301 = arith.constant 9 : i32
        %get3A_1302 = arith.index_cast %rem3A_161 : i32 to index
        %get3A_1303 = arith.index_cast %get3A_1301 : i32 to index
        %get3A_1304 = arith.constant 80 : index
        %get3A_1305 = tpu.vector_load %arg11[%get3A_1302, %get3A_1303, %get3A_1304] {strides = array<i32>} : memref<8x16x128xf32, #tpu.memory_space<vmem>>, vector<16xf32>,
        %max3A_1306 = arith.maximumf %get3A_1300, %get3A_1305 : vector<16xf32>
        %add3A_1307 = arith.constant 80 : i32
        %add3A_1308 = arith.addi %mul3A_1226, %add3A_1307 : i32
        %swap3A_1309 = arith.index_cast %add3A_1308 : i32 to index
        %swap3A_1310 = tpu.vector_load %arg6[%swap3A_1309] {strides = array<i32>} : memref<40192xf32, #tpu.memory_space<vmem>>, vector<16xf32>,
        tpu.vector_store %arg6[%swap3A_1309], %max3A_1306 {strides = array<i32>} : memref<40192xf32, #tpu.memory_space<vmem>>, vector<16xf32>,
        %add3A_1311 = arith.constant 96 : i32
        %add3A_1312 = arith.addi %mul3A_1226, %add3A_1311 : i32
        %get3A_1313 = arith.index_cast %add3A_1312 : i32 to index
        %get3A_1314 = tpu.vector_load %arg6[%get3A_1313] {strides = array<i32>} : memref<40192xf32, #tpu.memory_space<vmem>>, vector<16xf32>,
        %get3A_1315 = arith.constant 9 : i32
        %get3A_1316 = arith.index_cast %rem3A_161 : i32 to index
        %get3A_1317 = arith.index_cast %get3A_1315 : i32 to index
        %get3A_1318 = arith.constant 96 : index
        %get3A_1319 = tpu.vector_load %arg11[%get3A_1316, %get3A_1317, %get3A_1318] {strides = array<i32>} : memref<8x16x128xf32, #tpu.memory_space<vmem>>, vector<16xf32>,
        %max3A_1320 = arith.maximumf %get3A_1314, %get3A_1319 : vector<16xf32>
        %add3A_1321 = arith.constant 96 : i32
        %add3A_1322 = arith.addi %mul3A_1226, %add3A_1321 : i32
        %swap3A_1323 = arith.index_cast %add3A_1322 : i32 to index
        %swap3A_1324 = tpu.vector_load %arg6[%swap3A_1323] {strides = array<i32>} : memref<40192xf32, #tpu.memory_space<vmem>>, vector<16xf32>,
        tpu.vector_store %arg6[%swap3A_1323], %max3A_1320 {strides = array<i32>} : memref<40192xf32, #tpu.memory_space<vmem>>, vector<16xf32>,
        %add3A_1325 = arith.constant 112 : i32
        %add3A_1326 = arith.addi %mul3A_1226, %add3A_1325 : i32
        %get3A_1327 = arith.index_cast %add3A_1326 : i32 to index
        %get3A_1328 = tpu.vector_load %arg6[%get3A_1327] {strides = array<i32>} : memref<40192xf32, #tpu.memory_space<vmem>>, vector<16xf32>,
        %get3A_1329 = arith.constant 9 : i32
        %get3A_1330 = arith.index_cast %rem3A_161 : i32 to index
        %get3A_1331 = arith.index_cast %get3A_1329 : i32 to index
        %get3A_1332 = arith.constant 112 : index
        %get3A_1333 = tpu.vector_load %arg11[%get3A_1330, %get3A_1331, %get3A_1332] {strides = array<i32>} : memref<8x16x128xf32, #tpu.memory_space<vmem>>, vector<16xf32>,
        %max3A_1334 = arith.maximumf %get3A_1328, %get3A_1333 : vector<16xf32>
        %add3A_1335 = arith.constant 112 : i32
        %add3A_1336 = arith.addi %mul3A_1226, %add3A_1335 : i32
        %swap3A_1337 = arith.index_cast %add3A_1336 : i32 to index
        %swap3A_1338 = tpu.vector_load %arg6[%swap3A_1337] {strides = array<i32>} : memref<40192xf32, #tpu.memory_space<vmem>>, vector<16xf32>,
        tpu.vector_store %arg6[%swap3A_1337], %max3A_1334 {strides = array<i32>} : memref<40192xf32, #tpu.memory_space<vmem>>, vector<16xf32>,
        %slice3A_1339 = vector.extract_strided_slice %get3A_165 {offsets = [10], sizes = [1], strides = [1]} : vector<16xi32> to vector<1xi32>
        %squeeze3A_1340 = vector.extract %slice3A_1339[0] : i32 from vector<1xi32>
        %mul3A_1341 = arith.constant 128 : i32
        %mul3A_1342 = arith.muli %squeeze3A_1340, %mul3A_1341 : i32
        %add3A_1343 = arith.constant 0 : i32
        %add3A_1344 = arith.addi %mul3A_1342, %add3A_1343 : i32
        %get3A_1345 = arith.index_cast %add3A_1344 : i32 to index
        %get3A_1346 = tpu.vector_load %arg6[%get3A_1345] {strides = array<i32>} : memref<40192xf32, #tpu.memory_space<vmem>>, vector<16xf32>,
        %get3A_1347 = arith.constant 10 : i32
        %get3A_1348 = arith.index_cast %rem3A_161 : i32 to index
        %get3A_1349 = arith.index_cast %get3A_1347 : i32 to index
        %get3A_1350 = arith.constant 0 : index
        %get3A_1351 = tpu.vector_load %arg11[%get3A_1348, %get3A_1349, %get3A_1350] {strides = array<i32>} : memref<8x16x128xf32, #tpu.memory_space<vmem>>, vector<16xf32>,
        %max3A_1352 = arith.maximumf %get3A_1346, %get3A_1351 : vector<16xf32>
        %add3A_1353 = arith.constant 0 : i32
        %add3A_1354 = arith.addi %mul3A_1342, %add3A_1353 : i32
        %swap3A_1355 = arith.index_cast %add3A_1354 : i32 to index
        %swap3A_1356 = tpu.vector_load %arg6[%swap3A_1355] {strides = array<i32>} : memref<40192xf32, #tpu.memory_space<vmem>>, vector<16xf32>,
        tpu.vector_store %arg6[%swap3A_1355], %max3A_1352 {strides = array<i32>} : memref<40192xf32, #tpu.memory_space<vmem>>, vector<16xf32>,
        %add3A_1357 = arith.constant 16 : i32
        %add3A_1358 = arith.addi %mul3A_1342, %add3A_1357 : i32
        %get3A_1359 = arith.index_cast %add3A_1358 : i32 to index
        %get3A_1360 = tpu.vector_load %arg6[%get3A_1359] {strides = array<i32>} : memref<40192xf32, #tpu.memory_space<vmem>>, vector<16xf32>,
        %get3A_1361 = arith.constant 10 : i32
        %get3A_1362 = arith.index_cast %rem3A_161 : i32 to index
        %get3A_1363 = arith.index_cast %get3A_1361 : i32 to index
        %get3A_1364 = arith.constant 16 : index
        %get3A_1365 = tpu.vector_load %arg11[%get3A_1362, %get3A_1363, %get3A_1364] {strides = array<i32>} : memref<8x16x128xf32, #tpu.memory_space<vmem>>, vector<16xf32>,
        %max3A_1366 = arith.maximumf %get3A_1360, %get3A_1365 : vector<16xf32>
        %add3A_1367 = arith.constant 16 : i32
        %add3A_1368 = arith.addi %mul3A_1342, %add3A_1367 : i32
        %swap3A_1369 = arith.index_cast %add3A_1368 : i32 to index
        %swap3A_1370 = tpu.vector_load %arg6[%swap3A_1369] {strides = array<i32>} : memref<40192xf32, #tpu.memory_space<vmem>>, vector<16xf32>,
        tpu.vector_store %arg6[%swap3A_1369], %max3A_1366 {strides = array<i32>} : memref<40192xf32, #tpu.memory_space<vmem>>, vector<16xf32>,
        %add3A_1371 = arith.constant 32 : i32
        %add3A_1372 = arith.addi %mul3A_1342, %add3A_1371 : i32
        %get3A_1373 = arith.index_cast %add3A_1372 : i32 to index
        %get3A_1374 = tpu.vector_load %arg6[%get3A_1373] {strides = array<i32>} : memref<40192xf32, #tpu.memory_space<vmem>>, vector<16xf32>,
        %get3A_1375 = arith.constant 10 : i32
        %get3A_1376 = arith.index_cast %rem3A_161 : i32 to index
        %get3A_1377 = arith.index_cast %get3A_1375 : i32 to index
        %get3A_1378 = arith.constant 32 : index
        %get3A_1379 = tpu.vector_load %arg11[%get3A_1376, %get3A_1377, %get3A_1378] {strides = array<i32>} : memref<8x16x128xf32, #tpu.memory_space<vmem>>, vector<16xf32>,
        %max3A_1380 = arith.maximumf %get3A_1374, %get3A_1379 : vector<16xf32>
        %add3A_1381 = arith.constant 32 : i32
        %add3A_1382 = arith.addi %mul3A_1342, %add3A_1381 : i32
        %swap3A_1383 = arith.index_cast %add3A_1382 : i32 to index
        %swap3A_1384 = tpu.vector_load %arg6[%swap3A_1383] {strides = array<i32>} : memref<40192xf32, #tpu.memory_space<vmem>>, vector<16xf32>,
        tpu.vector_store %arg6[%swap3A_1383], %max3A_1380 {strides = array<i32>} : memref<40192xf32, #tpu.memory_space<vmem>>, vector<16xf32>,
        %add3A_1385 = arith.constant 48 : i32
        %add3A_1386 = arith.addi %mul3A_1342, %add3A_1385 : i32
        %get3A_1387 = arith.index_cast %add3A_1386 : i32 to index
        %get3A_1388 = tpu.vector_load %arg6[%get3A_1387] {strides = array<i32>} : memref<40192xf32, #tpu.memory_space<vmem>>, vector<16xf32>,
        %get3A_1389 = arith.constant 10 : i32
        %get3A_1390 = arith.index_cast %rem3A_161 : i32 to index
        %get3A_1391 = arith.index_cast %get3A_1389 : i32 to index
        %get3A_1392 = arith.constant 48 : index
        %get3A_1393 = tpu.vector_load %arg11[%get3A_1390, %get3A_1391, %get3A_1392] {strides = array<i32>} : memref<8x16x128xf32, #tpu.memory_space<vmem>>, vector<16xf32>,
        %max3A_1394 = arith.maximumf %get3A_1388, %get3A_1393 : vector<16xf32>
        %add3A_1395 = arith.constant 48 : i32
        %add3A_1396 = arith.addi %mul3A_1342, %add3A_1395 : i32
        %swap3A_1397 = arith.index_cast %add3A_1396 : i32 to index
        %swap3A_1398 = tpu.vector_load %arg6[%swap3A_1397] {strides = array<i32>} : memref<40192xf32, #tpu.memory_space<vmem>>, vector<16xf32>,
        tpu.vector_store %arg6[%swap3A_1397], %max3A_1394 {strides = array<i32>} : memref<40192xf32, #tpu.memory_space<vmem>>, vector<16xf32>,
        %add3A_1399 = arith.constant 64 : i32
        %add3A_1400 = arith.addi %mul3A_1342, %add3A_1399 : i32
        %get3A_1401 = arith.index_cast %add3A_1400 : i32 to index
        %get3A_1402 = tpu.vector_load %arg6[%get3A_1401] {strides = array<i32>} : memref<40192xf32, #tpu.memory_space<vmem>>, vector<16xf32>,
        %get3A_1403 = arith.constant 10 : i32
        %get3A_1404 = arith.index_cast %rem3A_161 : i32 to index
        %get3A_1405 = arith.index_cast %get3A_1403 : i32 to index
        %get3A_1406 = arith.constant 64 : index
        %get3A_1407 = tpu.vector_load %arg11[%get3A_1404, %get3A_1405, %get3A_1406] {strides = array<i32>} : memref<8x16x128xf32, #tpu.memory_space<vmem>>, vector<16xf32>,
        %max3A_1408 = arith.maximumf %get3A_1402, %get3A_1407 : vector<16xf32>
        %add3A_1409 = arith.constant 64 : i32
        %add3A_1410 = arith.addi %mul3A_1342, %add3A_1409 : i32
        %swap3A_1411 = arith.index_cast %add3A_1410 : i32 to index
        %swap3A_1412 = tpu.vector_load %arg6[%swap3A_1411] {strides = array<i32>} : memref<40192xf32, #tpu.memory_space<vmem>>, vector<16xf32>,
        tpu.vector_store %arg6[%swap3A_1411], %max3A_1408 {strides = array<i32>} : memref<40192xf32, #tpu.memory_space<vmem>>, vector<16xf32>,
        %add3A_1413 = arith.constant 80 : i32
        %add3A_1414 = arith.addi %mul3A_1342, %add3A_1413 : i32
        %get3A_1415 = arith.index_cast %add3A_1414 : i32 to index
        %get3A_1416 = tpu.vector_load %arg6[%get3A_1415] {strides = array<i32>} : memref<40192xf32, #tpu.memory_space<vmem>>, vector<16xf32>,
        %get3A_1417 = arith.constant 10 : i32
        %get3A_1418 = arith.index_cast %rem3A_161 : i32 to index
        %get3A_1419 = arith.index_cast %get3A_1417 : i32 to index
        %get3A_1420 = arith.constant 80 : index
        %get3A_1421 = tpu.vector_load %arg11[%get3A_1418, %get3A_1419, %get3A_1420] {strides = array<i32>} : memref<8x16x128xf32, #tpu.memory_space<vmem>>, vector<16xf32>,
        %max3A_1422 = arith.maximumf %get3A_1416, %get3A_1421 : vector<16xf32>
        %add3A_1423 = arith.constant 80 : i32
        %add3A_1424 = arith.addi %mul3A_1342, %add3A_1423 : i32
        %swap3A_1425 = arith.index_cast %add3A_1424 : i32 to index
        %swap3A_1426 = tpu.vector_load %arg6[%swap3A_1425] {strides = array<i32>} : memref<40192xf32, #tpu.memory_space<vmem>>, vector<16xf32>,
        tpu.vector_store %arg6[%swap3A_1425], %max3A_1422 {strides = array<i32>} : memref<40192xf32, #tpu.memory_space<vmem>>, vector<16xf32>,
        %add3A_1427 = arith.constant 96 : i32
        %add3A_1428 = arith.addi %mul3A_1342, %add3A_1427 : i32
        %get3A_1429 = arith.index_cast %add3A_1428 : i32 to index
        %get3A_1430 = tpu.vector_load %arg6[%get3A_1429] {strides = array<i32>} : memref<40192xf32, #tpu.memory_space<vmem>>, vector<16xf32>,
        %get3A_1431 = arith.constant 10 : i32
        %get3A_1432 = arith.index_cast %rem3A_161 : i32 to index
        %get3A_1433 = arith.index_cast %get3A_1431 : i32 to index
        %get3A_1434 = arith.constant 96 : index
        %get3A_1435 = tpu.vector_load %arg11[%get3A_1432, %get3A_1433, %get3A_1434] {strides = array<i32>} : memref<8x16x128xf32, #tpu.memory_space<vmem>>, vector<16xf32>,
        %max3A_1436 = arith.maximumf %get3A_1430, %get3A_1435 : vector<16xf32>
        %add3A_1437 = arith.constant 96 : i32
        %add3A_1438 = arith.addi %mul3A_1342, %add3A_1437 : i32
        %swap3A_1439 = arith.index_cast %add3A_1438 : i32 to index
        %swap3A_1440 = tpu.vector_load %arg6[%swap3A_1439] {strides = array<i32>} : memref<40192xf32, #tpu.memory_space<vmem>>, vector<16xf32>,
        tpu.vector_store %arg6[%swap3A_1439], %max3A_1436 {strides = array<i32>} : memref<40192xf32, #tpu.memory_space<vmem>>, vector<16xf32>,
        %add3A_1441 = arith.constant 112 : i32
        %add3A_1442 = arith.addi %mul3A_1342, %add3A_1441 : i32
        %get3A_1443 = arith.index_cast %add3A_1442 : i32 to index
        %get3A_1444 = tpu.vector_load %arg6[%get3A_1443] {strides = array<i32>} : memref<40192xf32, #tpu.memory_space<vmem>>, vector<16xf32>,
        %get3A_1445 = arith.constant 10 : i32
        %get3A_1446 = arith.index_cast %rem3A_161 : i32 to index
        %get3A_1447 = arith.index_cast %get3A_1445 : i32 to index
        %get3A_1448 = arith.constant 112 : index
        %get3A_1449 = tpu.vector_load %arg11[%get3A_1446, %get3A_1447, %get3A_1448] {strides = array<i32>} : memref<8x16x128xf32, #tpu.memory_space<vmem>>, vector<16xf32>,
        %max3A_1450 = arith.maximumf %get3A_1444, %get3A_1449 : vector<16xf32>
        %add3A_1451 = arith.constant 112 : i32
        %add3A_1452 = arith.addi %mul3A_1342, %add3A_1451 : i32
        %swap3A_1453 = arith.index_cast %add3A_1452 : i32 to index
        %swap3A_1454 = tpu.vector_load %arg6[%swap3A_1453] {strides = array<i32>} : memref<40192xf32, #tpu.memory_space<vmem>>, vector<16xf32>,
        tpu.vector_store %arg6[%swap3A_1453], %max3A_1450 {strides = array<i32>} : memref<40192xf32, #tpu.memory_space<vmem>>, vector<16xf32>,
        %slice3A_1455 = vector.extract_strided_slice %get3A_165 {offsets = [11], sizes = [1], strides = [1]} : vector<16xi32> to vector<1xi32>
        %squeeze3A_1456 = vector.extract %slice3A_1455[0] : i32 from vector<1xi32>
        %mul3A_1457 = arith.constant 128 : i32
        %mul3A_1458 = arith.muli %squeeze3A_1456, %mul3A_1457 : i32
        %add3A_1459 = arith.constant 0 : i32
        %add3A_1460 = arith.addi %mul3A_1458, %add3A_1459 : i32
        %get3A_1461 = arith.index_cast %add3A_1460 : i32 to index
        %get3A_1462 = tpu.vector_load %arg6[%get3A_1461] {strides = array<i32>} : memref<40192xf32, #tpu.memory_space<vmem>>, vector<16xf32>,
        %get3A_1463 = arith.constant 11 : i32
        %get3A_1464 = arith.index_cast %rem3A_161 : i32 to index
        %get3A_1465 = arith.index_cast %get3A_1463 : i32 to index
        %get3A_1466 = arith.constant 0 : index
        %get3A_1467 = tpu.vector_load %arg11[%get3A_1464, %get3A_1465, %get3A_1466] {strides = array<i32>} : memref<8x16x128xf32, #tpu.memory_space<vmem>>, vector<16xf32>,
        %max3A_1468 = arith.maximumf %get3A_1462, %get3A_1467 : vector<16xf32>
        %add3A_1469 = arith.constant 0 : i32
        %add3A_1470 = arith.addi %mul3A_1458, %add3A_1469 : i32
        %swap3A_1471 = arith.index_cast %add3A_1470 : i32 to index
        %swap3A_1472 = tpu.vector_load %arg6[%swap3A_1471] {strides = array<i32>} : memref<40192xf32, #tpu.memory_space<vmem>>, vector<16xf32>,
        tpu.vector_store %arg6[%swap3A_1471], %max3A_1468 {strides = array<i32>} : memref<40192xf32, #tpu.memory_space<vmem>>, vector<16xf32>,
        %add3A_1473 = arith.constant 16 : i32
        %add3A_1474 = arith.addi %mul3A_1458, %add3A_1473 : i32
        %get3A_1475 = arith.index_cast %add3A_1474 : i32 to index
        %get3A_1476 = tpu.vector_load %arg6[%get3A_1475] {strides = array<i32>} : memref<40192xf32, #tpu.memory_space<vmem>>, vector<16xf32>,
        %get3A_1477 = arith.constant 11 : i32
        %get3A_1478 = arith.index_cast %rem3A_161 : i32 to index
        %get3A_1479 = arith.index_cast %get3A_1477 : i32 to index
        %get3A_1480 = arith.constant 16 : index
        %get3A_1481 = tpu.vector_load %arg11[%get3A_1478, %get3A_1479, %get3A_1480] {strides = array<i32>} : memref<8x16x128xf32, #tpu.memory_space<vmem>>, vector<16xf32>,
        %max3A_1482 = arith.maximumf %get3A_1476, %get3A_1481 : vector<16xf32>
        %add3A_1483 = arith.constant 16 : i32
        %add3A_1484 = arith.addi %mul3A_1458, %add3A_1483 : i32
        %swap3A_1485 = arith.index_cast %add3A_1484 : i32 to index
        %swap3A_1486 = tpu.vector_load %arg6[%swap3A_1485] {strides = array<i32>} : memref<40192xf32, #tpu.memory_space<vmem>>, vector<16xf32>,
        tpu.vector_store %arg6[%swap3A_1485], %max3A_1482 {strides = array<i32>} : memref<40192xf32, #tpu.memory_space<vmem>>, vector<16xf32>,
        %add3A_1487 = arith.constant 32 : i32
        %add3A_1488 = arith.addi %mul3A_1458, %add3A_1487 : i32
        %get3A_1489 = arith.index_cast %add3A_1488 : i32 to index
        %get3A_1490 = tpu.vector_load %arg6[%get3A_1489] {strides = array<i32>} : memref<40192xf32, #tpu.memory_space<vmem>>, vector<16xf32>,
        %get3A_1491 = arith.constant 11 : i32
        %get3A_1492 = arith.index_cast %rem3A_161 : i32 to index
        %get3A_1493 = arith.index_cast %get3A_1491 : i32 to index
        %get3A_1494 = arith.constant 32 : index
        %get3A_1495 = tpu.vector_load %arg11[%get3A_1492, %get3A_1493, %get3A_1494] {strides = array<i32>} : memref<8x16x128xf32, #tpu.memory_space<vmem>>, vector<16xf32>,
        %max3A_1496 = arith.maximumf %get3A_1490, %get3A_1495 : vector<16xf32>
        %add3A_1497 = arith.constant 32 : i32
        %add3A_1498 = arith.addi %mul3A_1458, %add3A_1497 : i32
        %swap3A_1499 = arith.index_cast %add3A_1498 : i32 to index
        %swap3A_1500 = tpu.vector_load %arg6[%swap3A_1499] {strides = array<i32>} : memref<40192xf32, #tpu.memory_space<vmem>>, vector<16xf32>,
        tpu.vector_store %arg6[%swap3A_1499], %max3A_1496 {strides = array<i32>} : memref<40192xf32, #tpu.memory_space<vmem>>, vector<16xf32>,
        %add3A_1501 = arith.constant 48 : i32
        %add3A_1502 = arith.addi %mul3A_1458, %add3A_1501 : i32
        %get3A_1503 = arith.index_cast %add3A_1502 : i32 to index
        %get3A_1504 = tpu.vector_load %arg6[%get3A_1503] {strides = array<i32>} : memref<40192xf32, #tpu.memory_space<vmem>>, vector<16xf32>,
        %get3A_1505 = arith.constant 11 : i32
        %get3A_1506 = arith.index_cast %rem3A_161 : i32 to index
        %get3A_1507 = arith.index_cast %get3A_1505 : i32 to index
        %get3A_1508 = arith.constant 48 : index
        %get3A_1509 = tpu.vector_load %arg11[%get3A_1506, %get3A_1507, %get3A_1508] {strides = array<i32>} : memref<8x16x128xf32, #tpu.memory_space<vmem>>, vector<16xf32>,
        %max3A_1510 = arith.maximumf %get3A_1504, %get3A_1509 : vector<16xf32>
        %add3A_1511 = arith.constant 48 : i32
        %add3A_1512 = arith.addi %mul3A_1458, %add3A_1511 : i32
        %swap3A_1513 = arith.index_cast %add3A_1512 : i32 to index
        %swap3A_1514 = tpu.vector_load %arg6[%swap3A_1513] {strides = array<i32>} : memref<40192xf32, #tpu.memory_space<vmem>>, vector<16xf32>,
        tpu.vector_store %arg6[%swap3A_1513], %max3A_1510 {strides = array<i32>} : memref<40192xf32, #tpu.memory_space<vmem>>, vector<16xf32>,
        %add3A_1515 = arith.constant 64 : i32
        %add3A_1516 = arith.addi %mul3A_1458, %add3A_1515 : i32
        %get3A_1517 = arith.index_cast %add3A_1516 : i32 to index
        %get3A_1518 = tpu.vector_load %arg6[%get3A_1517] {strides = array<i32>} : memref<40192xf32, #tpu.memory_space<vmem>>, vector<16xf32>,
        %get3A_1519 = arith.constant 11 : i32
        %get3A_1520 = arith.index_cast %rem3A_161 : i32 to index
        %get3A_1521 = arith.index_cast %get3A_1519 : i32 to index
        %get3A_1522 = arith.constant 64 : index
        %get3A_1523 = tpu.vector_load %arg11[%get3A_1520, %get3A_1521, %get3A_1522] {strides = array<i32>} : memref<8x16x128xf32, #tpu.memory_space<vmem>>, vector<16xf32>,
        %max3A_1524 = arith.maximumf %get3A_1518, %get3A_1523 : vector<16xf32>
        %add3A_1525 = arith.constant 64 : i32
        %add3A_1526 = arith.addi %mul3A_1458, %add3A_1525 : i32
        %swap3A_1527 = arith.index_cast %add3A_1526 : i32 to index
        %swap3A_1528 = tpu.vector_load %arg6[%swap3A_1527] {strides = array<i32>} : memref<40192xf32, #tpu.memory_space<vmem>>, vector<16xf32>,
        tpu.vector_store %arg6[%swap3A_1527], %max3A_1524 {strides = array<i32>} : memref<40192xf32, #tpu.memory_space<vmem>>, vector<16xf32>,
        %add3A_1529 = arith.constant 80 : i32
        %add3A_1530 = arith.addi %mul3A_1458, %add3A_1529 : i32
        %get3A_1531 = arith.index_cast %add3A_1530 : i32 to index
        %get3A_1532 = tpu.vector_load %arg6[%get3A_1531] {strides = array<i32>} : memref<40192xf32, #tpu.memory_space<vmem>>, vector<16xf32>,
        %get3A_1533 = arith.constant 11 : i32
        %get3A_1534 = arith.index_cast %rem3A_161 : i32 to index
        %get3A_1535 = arith.index_cast %get3A_1533 : i32 to index
        %get3A_1536 = arith.constant 80 : index
        %get3A_1537 = tpu.vector_load %arg11[%get3A_1534, %get3A_1535, %get3A_1536] {strides = array<i32>} : memref<8x16x128xf32, #tpu.memory_space<vmem>>, vector<16xf32>,
        %max3A_1538 = arith.maximumf %get3A_1532, %get3A_1537 : vector<16xf32>
        %add3A_1539 = arith.constant 80 : i32
        %add3A_1540 = arith.addi %mul3A_1458, %add3A_1539 : i32
        %swap3A_1541 = arith.index_cast %add3A_1540 : i32 to index
        %swap3A_1542 = tpu.vector_load %arg6[%swap3A_1541] {strides = array<i32>} : memref<40192xf32, #tpu.memory_space<vmem>>, vector<16xf32>,
        tpu.vector_store %arg6[%swap3A_1541], %max3A_1538 {strides = array<i32>} : memref<40192xf32, #tpu.memory_space<vmem>>, vector<16xf32>,
        %add3A_1543 = arith.constant 96 : i32
        %add3A_1544 = arith.addi %mul3A_1458, %add3A_1543 : i32
        %get3A_1545 = arith.index_cast %add3A_1544 : i32 to index
        %get3A_1546 = tpu.vector_load %arg6[%get3A_1545] {strides = array<i32>} : memref<40192xf32, #tpu.memory_space<vmem>>, vector<16xf32>,
        %get3A_1547 = arith.constant 11 : i32
        %get3A_1548 = arith.index_cast %rem3A_161 : i32 to index
        %get3A_1549 = arith.index_cast %get3A_1547 : i32 to index
        %get3A_1550 = arith.constant 96 : index
        %get3A_1551 = tpu.vector_load %arg11[%get3A_1548, %get3A_1549, %get3A_1550] {strides = array<i32>} : memref<8x16x128xf32, #tpu.memory_space<vmem>>, vector<16xf32>,
        %max3A_1552 = arith.maximumf %get3A_1546, %get3A_1551 : vector<16xf32>
        %add3A_1553 = arith.constant 96 : i32
        %add3A_1554 = arith.addi %mul3A_1458, %add3A_1553 : i32
        %swap3A_1555 = arith.index_cast %add3A_1554 : i32 to index
        %swap3A_1556 = tpu.vector_load %arg6[%swap3A_1555] {strides = array<i32>} : memref<40192xf32, #tpu.memory_space<vmem>>, vector<16xf32>,
        tpu.vector_store %arg6[%swap3A_1555], %max3A_1552 {strides = array<i32>} : memref<40192xf32, #tpu.memory_space<vmem>>, vector<16xf32>,
        %add3A_1557 = arith.constant 112 : i32
        %add3A_1558 = arith.addi %mul3A_1458, %add3A_1557 : i32
        %get3A_1559 = arith.index_cast %add3A_1558 : i32 to index
        %get3A_1560 = tpu.vector_load %arg6[%get3A_1559] {strides = array<i32>} : memref<40192xf32, #tpu.memory_space<vmem>>, vector<16xf32>,
        %get3A_1561 = arith.constant 11 : i32
        %get3A_1562 = arith.index_cast %rem3A_161 : i32 to index
        %get3A_1563 = arith.index_cast %get3A_1561 : i32 to index
        %get3A_1564 = arith.constant 112 : index
        %get3A_1565 = tpu.vector_load %arg11[%get3A_1562, %get3A_1563, %get3A_1564] {strides = array<i32>} : memref<8x16x128xf32, #tpu.memory_space<vmem>>, vector<16xf32>,
        %max3A_1566 = arith.maximumf %get3A_1560, %get3A_1565 : vector<16xf32>
        %add3A_1567 = arith.constant 112 : i32
        %add3A_1568 = arith.addi %mul3A_1458, %add3A_1567 : i32
        %swap3A_1569 = arith.index_cast %add3A_1568 : i32 to index
        %swap3A_1570 = tpu.vector_load %arg6[%swap3A_1569] {strides = array<i32>} : memref<40192xf32, #tpu.memory_space<vmem>>, vector<16xf32>,
        tpu.vector_store %arg6[%swap3A_1569], %max3A_1566 {strides = array<i32>} : memref<40192xf32, #tpu.memory_space<vmem>>, vector<16xf32>,
        %slice3A_1571 = vector.extract_strided_slice %get3A_165 {offsets = [12], sizes = [1], strides = [1]} : vector<16xi32> to vector<1xi32>
        %squeeze3A_1572 = vector.extract %slice3A_1571[0] : i32 from vector<1xi32>
        %mul3A_1573 = arith.constant 128 : i32
        %mul3A_1574 = arith.muli %squeeze3A_1572, %mul3A_1573 : i32
        %add3A_1575 = arith.constant 0 : i32
        %add3A_1576 = arith.addi %mul3A_1574, %add3A_1575 : i32
        %get3A_1577 = arith.index_cast %add3A_1576 : i32 to index
        %get3A_1578 = tpu.vector_load %arg6[%get3A_1577] {strides = array<i32>} : memref<40192xf32, #tpu.memory_space<vmem>>, vector<16xf32>,
        %get3A_1579 = arith.constant 12 : i32
        %get3A_1580 = arith.index_cast %rem3A_161 : i32 to index
        %get3A_1581 = arith.index_cast %get3A_1579 : i32 to index
        %get3A_1582 = arith.constant 0 : index
        %get3A_1583 = tpu.vector_load %arg11[%get3A_1580, %get3A_1581, %get3A_1582] {strides = array<i32>} : memref<8x16x128xf32, #tpu.memory_space<vmem>>, vector<16xf32>,
        %max3A_1584 = arith.maximumf %get3A_1578, %get3A_1583 : vector<16xf32>
        %add3A_1585 = arith.constant 0 : i32
        %add3A_1586 = arith.addi %mul3A_1574, %add3A_1585 : i32
        %swap3A_1587 = arith.index_cast %add3A_1586 : i32 to index
        %swap3A_1588 = tpu.vector_load %arg6[%swap3A_1587] {strides = array<i32>} : memref<40192xf32, #tpu.memory_space<vmem>>, vector<16xf32>,
        tpu.vector_store %arg6[%swap3A_1587], %max3A_1584 {strides = array<i32>} : memref<40192xf32, #tpu.memory_space<vmem>>, vector<16xf32>,
        %add3A_1589 = arith.constant 16 : i32
        %add3A_1590 = arith.addi %mul3A_1574, %add3A_1589 : i32
        %get3A_1591 = arith.index_cast %add3A_1590 : i32 to index
        %get3A_1592 = tpu.vector_load %arg6[%get3A_1591] {strides = array<i32>} : memref<40192xf32, #tpu.memory_space<vmem>>, vector<16xf32>,
        %get3A_1593 = arith.constant 12 : i32
        %get3A_1594 = arith.index_cast %rem3A_161 : i32 to index
        %get3A_1595 = arith.index_cast %get3A_1593 : i32 to index
        %get3A_1596 = arith.constant 16 : index
        %get3A_1597 = tpu.vector_load %arg11[%get3A_1594, %get3A_1595, %get3A_1596] {strides = array<i32>} : memref<8x16x128xf32, #tpu.memory_space<vmem>>, vector<16xf32>,
        %max3A_1598 = arith.maximumf %get3A_1592, %get3A_1597 : vector<16xf32>
        %add3A_1599 = arith.constant 16 : i32
        %add3A_1600 = arith.addi %mul3A_1574, %add3A_1599 : i32
        %swap3A_1601 = arith.index_cast %add3A_1600 : i32 to index
        %swap3A_1602 = tpu.vector_load %arg6[%swap3A_1601] {strides = array<i32>} : memref<40192xf32, #tpu.memory_space<vmem>>, vector<16xf32>,
        tpu.vector_store %arg6[%swap3A_1601], %max3A_1598 {strides = array<i32>} : memref<40192xf32, #tpu.memory_space<vmem>>, vector<16xf32>,
        %add3A_1603 = arith.constant 32 : i32
        %add3A_1604 = arith.addi %mul3A_1574, %add3A_1603 : i32
        %get3A_1605 = arith.index_cast %add3A_1604 : i32 to index
        %get3A_1606 = tpu.vector_load %arg6[%get3A_1605] {strides = array<i32>} : memref<40192xf32, #tpu.memory_space<vmem>>, vector<16xf32>,
        %get3A_1607 = arith.constant 12 : i32
        %get3A_1608 = arith.index_cast %rem3A_161 : i32 to index
        %get3A_1609 = arith.index_cast %get3A_1607 : i32 to index
        %get3A_1610 = arith.constant 32 : index
        %get3A_1611 = tpu.vector_load %arg11[%get3A_1608, %get3A_1609, %get3A_1610] {strides = array<i32>} : memref<8x16x128xf32, #tpu.memory_space<vmem>>, vector<16xf32>,
        %max3A_1612 = arith.maximumf %get3A_1606, %get3A_1611 : vector<16xf32>
        %add3A_1613 = arith.constant 32 : i32
        %add3A_1614 = arith.addi %mul3A_1574, %add3A_1613 : i32
        %swap3A_1615 = arith.index_cast %add3A_1614 : i32 to index
        %swap3A_1616 = tpu.vector_load %arg6[%swap3A_1615] {strides = array<i32>} : memref<40192xf32, #tpu.memory_space<vmem>>, vector<16xf32>,
        tpu.vector_store %arg6[%swap3A_1615], %max3A_1612 {strides = array<i32>} : memref<40192xf32, #tpu.memory_space<vmem>>, vector<16xf32>,
        %add3A_1617 = arith.constant 48 : i32
        %add3A_1618 = arith.addi %mul3A_1574, %add3A_1617 : i32
        %get3A_1619 = arith.index_cast %add3A_1618 : i32 to index
        %get3A_1620 = tpu.vector_load %arg6[%get3A_1619] {strides = array<i32>} : memref<40192xf32, #tpu.memory_space<vmem>>, vector<16xf32>,
        %get3A_1621 = arith.constant 12 : i32
        %get3A_1622 = arith.index_cast %rem3A_161 : i32 to index
        %get3A_1623 = arith.index_cast %get3A_1621 : i32 to index
        %get3A_1624 = arith.constant 48 : index
        %get3A_1625 = tpu.vector_load %arg11[%get3A_1622, %get3A_1623, %get3A_1624] {strides = array<i32>} : memref<8x16x128xf32, #tpu.memory_space<vmem>>, vector<16xf32>,
        %max3A_1626 = arith.maximumf %get3A_1620, %get3A_1625 : vector<16xf32>
        %add3A_1627 = arith.constant 48 : i32
        %add3A_1628 = arith.addi %mul3A_1574, %add3A_1627 : i32
        %swap3A_1629 = arith.index_cast %add3A_1628 : i32 to index
        %swap3A_1630 = tpu.vector_load %arg6[%swap3A_1629] {strides = array<i32>} : memref<40192xf32, #tpu.memory_space<vmem>>, vector<16xf32>,
        tpu.vector_store %arg6[%swap3A_1629], %max3A_1626 {strides = array<i32>} : memref<40192xf32, #tpu.memory_space<vmem>>, vector<16xf32>,
        %add3A_1631 = arith.constant 64 : i32
        %add3A_1632 = arith.addi %mul3A_1574, %add3A_1631 : i32
        %get3A_1633 = arith.index_cast %add3A_1632 : i32 to index
        %get3A_1634 = tpu.vector_load %arg6[%get3A_1633] {strides = array<i32>} : memref<40192xf32, #tpu.memory_space<vmem>>, vector<16xf32>,
        %get3A_1635 = arith.constant 12 : i32
        %get3A_1636 = arith.index_cast %rem3A_161 : i32 to index
        %get3A_1637 = arith.index_cast %get3A_1635 : i32 to index
        %get3A_1638 = arith.constant 64 : index
        %get3A_1639 = tpu.vector_load %arg11[%get3A_1636, %get3A_1637, %get3A_1638] {strides = array<i32>} : memref<8x16x128xf32, #tpu.memory_space<vmem>>, vector<16xf32>,
        %max3A_1640 = arith.maximumf %get3A_1634, %get3A_1639 : vector<16xf32>
        %add3A_1641 = arith.constant 64 : i32
        %add3A_1642 = arith.addi %mul3A_1574, %add3A_1641 : i32
        %swap3A_1643 = arith.index_cast %add3A_1642 : i32 to index
        %swap3A_1644 = tpu.vector_load %arg6[%swap3A_1643] {strides = array<i32>} : memref<40192xf32, #tpu.memory_space<vmem>>, vector<16xf32>,
        tpu.vector_store %arg6[%swap3A_1643], %max3A_1640 {strides = array<i32>} : memref<40192xf32, #tpu.memory_space<vmem>>, vector<16xf32>,
        %add3A_1645 = arith.constant 80 : i32
        %add3A_1646 = arith.addi %mul3A_1574, %add3A_1645 : i32
        %get3A_1647 = arith.index_cast %add3A_1646 : i32 to index
        %get3A_1648 = tpu.vector_load %arg6[%get3A_1647] {strides = array<i32>} : memref<40192xf32, #tpu.memory_space<vmem>>, vector<16xf32>,
        %get3A_1649 = arith.constant 12 : i32
        %get3A_1650 = arith.index_cast %rem3A_161 : i32 to index
        %get3A_1651 = arith.index_cast %get3A_1649 : i32 to index
        %get3A_1652 = arith.constant 80 : index
        %get3A_1653 = tpu.vector_load %arg11[%get3A_1650, %get3A_1651, %get3A_1652] {strides = array<i32>} : memref<8x16x128xf32, #tpu.memory_space<vmem>>, vector<16xf32>,
        %max3A_1654 = arith.maximumf %get3A_1648, %get3A_1653 : vector<16xf32>
        %add3A_1655 = arith.constant 80 : i32
        %add3A_1656 = arith.addi %mul3A_1574, %add3A_1655 : i32
        %swap3A_1657 = arith.index_cast %add3A_1656 : i32 to index
        %swap3A_1658 = tpu.vector_load %arg6[%swap3A_1657] {strides = array<i32>} : memref<40192xf32, #tpu.memory_space<vmem>>, vector<16xf32>,
        tpu.vector_store %arg6[%swap3A_1657], %max3A_1654 {strides = array<i32>} : memref<40192xf32, #tpu.memory_space<vmem>>, vector<16xf32>,
        %add3A_1659 = arith.constant 96 : i32
        %add3A_1660 = arith.addi %mul3A_1574, %add3A_1659 : i32
        %get3A_1661 = arith.index_cast %add3A_1660 : i32 to index
        %get3A_1662 = tpu.vector_load %arg6[%get3A_1661] {strides = array<i32>} : memref<40192xf32, #tpu.memory_space<vmem>>, vector<16xf32>,
        %get3A_1663 = arith.constant 12 : i32
        %get3A_1664 = arith.index_cast %rem3A_161 : i32 to index
        %get3A_1665 = arith.index_cast %get3A_1663 : i32 to index
        %get3A_1666 = arith.constant 96 : index
        %get3A_1667 = tpu.vector_load %arg11[%get3A_1664, %get3A_1665, %get3A_1666] {strides = array<i32>} : memref<8x16x128xf32, #tpu.memory_space<vmem>>, vector<16xf32>,
        %max3A_1668 = arith.maximumf %get3A_1662, %get3A_1667 : vector<16xf32>
        %add3A_1669 = arith.constant 96 : i32
        %add3A_1670 = arith.addi %mul3A_1574, %add3A_1669 : i32
        %swap3A_1671 = arith.index_cast %add3A_1670 : i32 to index
        %swap3A_1672 = tpu.vector_load %arg6[%swap3A_1671] {strides = array<i32>} : memref<40192xf32, #tpu.memory_space<vmem>>, vector<16xf32>,
        tpu.vector_store %arg6[%swap3A_1671], %max3A_1668 {strides = array<i32>} : memref<40192xf32, #tpu.memory_space<vmem>>, vector<16xf32>,
        %add3A_1673 = arith.constant 112 : i32
        %add3A_1674 = arith.addi %mul3A_1574, %add3A_1673 : i32
        %get3A_1675 = arith.index_cast %add3A_1674 : i32 to index
        %get3A_1676 = tpu.vector_load %arg6[%get3A_1675] {strides = array<i32>} : memref<40192xf32, #tpu.memory_space<vmem>>, vector<16xf32>,
        %get3A_1677 = arith.constant 12 : i32
        %get3A_1678 = arith.index_cast %rem3A_161 : i32 to index
        %get3A_1679 = arith.index_cast %get3A_1677 : i32 to index
        %get3A_1680 = arith.constant 112 : index
        %get3A_1681 = tpu.vector_load %arg11[%get3A_1678, %get3A_1679, %get3A_1680] {strides = array<i32>} : memref<8x16x128xf32, #tpu.memory_space<vmem>>, vector<16xf32>,
        %max3A_1682 = arith.maximumf %get3A_1676, %get3A_1681 : vector<16xf32>
        %add3A_1683 = arith.constant 112 : i32
        %add3A_1684 = arith.addi %mul3A_1574, %add3A_1683 : i32
        %swap3A_1685 = arith.index_cast %add3A_1684 : i32 to index
        %swap3A_1686 = tpu.vector_load %arg6[%swap3A_1685] {strides = array<i32>} : memref<40192xf32, #tpu.memory_space<vmem>>, vector<16xf32>,
        tpu.vector_store %arg6[%swap3A_1685], %max3A_1682 {strides = array<i32>} : memref<40192xf32, #tpu.memory_space<vmem>>, vector<16xf32>,
        %slice3A_1687 = vector.extract_strided_slice %get3A_165 {offsets = [13], sizes = [1], strides = [1]} : vector<16xi32> to vector<1xi32>
        %squeeze3A_1688 = vector.extract %slice3A_1687[0] : i32 from vector<1xi32>
        %mul3A_1689 = arith.constant 128 : i32
        %mul3A_1690 = arith.muli %squeeze3A_1688, %mul3A_1689 : i32
        %add3A_1691 = arith.constant 0 : i32
        %add3A_1692 = arith.addi %mul3A_1690, %add3A_1691 : i32
        %get3A_1693 = arith.index_cast %add3A_1692 : i32 to index
        %get3A_1694 = tpu.vector_load %arg6[%get3A_1693] {strides = array<i32>} : memref<40192xf32, #tpu.memory_space<vmem>>, vector<16xf32>,
        %get3A_1695 = arith.constant 13 : i32
        %get3A_1696 = arith.index_cast %rem3A_161 : i32 to index
        %get3A_1697 = arith.index_cast %get3A_1695 : i32 to index
        %get3A_1698 = arith.constant 0 : index
        %get3A_1699 = tpu.vector_load %arg11[%get3A_1696, %get3A_1697, %get3A_1698] {strides = array<i32>} : memref<8x16x128xf32, #tpu.memory_space<vmem>>, vector<16xf32>,
        %max3A_1700 = arith.maximumf %get3A_1694, %get3A_1699 : vector<16xf32>
        %add3A_1701 = arith.constant 0 : i32
        %add3A_1702 = arith.addi %mul3A_1690, %add3A_1701 : i32
        %swap3A_1703 = arith.index_cast %add3A_1702 : i32 to index
        %swap3A_1704 = tpu.vector_load %arg6[%swap3A_1703] {strides = array<i32>} : memref<40192xf32, #tpu.memory_space<vmem>>, vector<16xf32>,
        tpu.vector_store %arg6[%swap3A_1703], %max3A_1700 {strides = array<i32>} : memref<40192xf32, #tpu.memory_space<vmem>>, vector<16xf32>,
        %add3A_1705 = arith.constant 16 : i32
        %add3A_1706 = arith.addi %mul3A_1690, %add3A_1705 : i32
        %get3A_1707 = arith.index_cast %add3A_1706 : i32 to index
        %get3A_1708 = tpu.vector_load %arg6[%get3A_1707] {strides = array<i32>} : memref<40192xf32, #tpu.memory_space<vmem>>, vector<16xf32>,
        %get3A_1709 = arith.constant 13 : i32
        %get3A_1710 = arith.index_cast %rem3A_161 : i32 to index
        %get3A_1711 = arith.index_cast %get3A_1709 : i32 to index
        %get3A_1712 = arith.constant 16 : index
        %get3A_1713 = tpu.vector_load %arg11[%get3A_1710, %get3A_1711, %get3A_1712] {strides = array<i32>} : memref<8x16x128xf32, #tpu.memory_space<vmem>>, vector<16xf32>,
        %max3A_1714 = arith.maximumf %get3A_1708, %get3A_1713 : vector<16xf32>
        %add3A_1715 = arith.constant 16 : i32
        %add3A_1716 = arith.addi %mul3A_1690, %add3A_1715 : i32
        %swap3A_1717 = arith.index_cast %add3A_1716 : i32 to index
        %swap3A_1718 = tpu.vector_load %arg6[%swap3A_1717] {strides = array<i32>} : memref<40192xf32, #tpu.memory_space<vmem>>, vector<16xf32>,
        tpu.vector_store %arg6[%swap3A_1717], %max3A_1714 {strides = array<i32>} : memref<40192xf32, #tpu.memory_space<vmem>>, vector<16xf32>,
        %add3A_1719 = arith.constant 32 : i32
        %add3A_1720 = arith.addi %mul3A_1690, %add3A_1719 : i32
        %get3A_1721 = arith.index_cast %add3A_1720 : i32 to index
        %get3A_1722 = tpu.vector_load %arg6[%get3A_1721] {strides = array<i32>} : memref<40192xf32, #tpu.memory_space<vmem>>, vector<16xf32>,
        %get3A_1723 = arith.constant 13 : i32
        %get3A_1724 = arith.index_cast %rem3A_161 : i32 to index
        %get3A_1725 = arith.index_cast %get3A_1723 : i32 to index
        %get3A_1726 = arith.constant 32 : index
        %get3A_1727 = tpu.vector_load %arg11[%get3A_1724, %get3A_1725, %get3A_1726] {strides = array<i32>} : memref<8x16x128xf32, #tpu.memory_space<vmem>>, vector<16xf32>,
        %max3A_1728 = arith.maximumf %get3A_1722, %get3A_1727 : vector<16xf32>
        %add3A_1729 = arith.constant 32 : i32
        %add3A_1730 = arith.addi %mul3A_1690, %add3A_1729 : i32
        %swap3A_1731 = arith.index_cast %add3A_1730 : i32 to index
        %swap3A_1732 = tpu.vector_load %arg6[%swap3A_1731] {strides = array<i32>} : memref<40192xf32, #tpu.memory_space<vmem>>, vector<16xf32>,
        tpu.vector_store %arg6[%swap3A_1731], %max3A_1728 {strides = array<i32>} : memref<40192xf32, #tpu.memory_space<vmem>>, vector<16xf32>,
        %add3A_1733 = arith.constant 48 : i32
        %add3A_1734 = arith.addi %mul3A_1690, %add3A_1733 : i32
        %get3A_1735 = arith.index_cast %add3A_1734 : i32 to index
        %get3A_1736 = tpu.vector_load %arg6[%get3A_1735] {strides = array<i32>} : memref<40192xf32, #tpu.memory_space<vmem>>, vector<16xf32>,
        %get3A_1737 = arith.constant 13 : i32
        %get3A_1738 = arith.index_cast %rem3A_161 : i32 to index
        %get3A_1739 = arith.index_cast %get3A_1737 : i32 to index
        %get3A_1740 = arith.constant 48 : index
        %get3A_1741 = tpu.vector_load %arg11[%get3A_1738, %get3A_1739, %get3A_1740] {strides = array<i32>} : memref<8x16x128xf32, #tpu.memory_space<vmem>>, vector<16xf32>,
        %max3A_1742 = arith.maximumf %get3A_1736, %get3A_1741 : vector<16xf32>
        %add3A_1743 = arith.constant 48 : i32
        %add3A_1744 = arith.addi %mul3A_1690, %add3A_1743 : i32
        %swap3A_1745 = arith.index_cast %add3A_1744 : i32 to index
        %swap3A_1746 = tpu.vector_load %arg6[%swap3A_1745] {strides = array<i32>} : memref<40192xf32, #tpu.memory_space<vmem>>, vector<16xf32>,
        tpu.vector_store %arg6[%swap3A_1745], %max3A_1742 {strides = array<i32>} : memref<40192xf32, #tpu.memory_space<vmem>>, vector<16xf32>,
        %add3A_1747 = arith.constant 64 : i32
        %add3A_1748 = arith.addi %mul3A_1690, %add3A_1747 : i32
        %get3A_1749 = arith.index_cast %add3A_1748 : i32 to index
        %get3A_1750 = tpu.vector_load %arg6[%get3A_1749] {strides = array<i32>} : memref<40192xf32, #tpu.memory_space<vmem>>, vector<16xf32>,
        %get3A_1751 = arith.constant 13 : i32
        %get3A_1752 = arith.index_cast %rem3A_161 : i32 to index
        %get3A_1753 = arith.index_cast %get3A_1751 : i32 to index
        %get3A_1754 = arith.constant 64 : index
        %get3A_1755 = tpu.vector_load %arg11[%get3A_1752, %get3A_1753, %get3A_1754] {strides = array<i32>} : memref<8x16x128xf32, #tpu.memory_space<vmem>>, vector<16xf32>,
        %max3A_1756 = arith.maximumf %get3A_1750, %get3A_1755 : vector<16xf32>
        %add3A_1757 = arith.constant 64 : i32
        %add3A_1758 = arith.addi %mul3A_1690, %add3A_1757 : i32
        %swap3A_1759 = arith.index_cast %add3A_1758 : i32 to index
        %swap3A_1760 = tpu.vector_load %arg6[%swap3A_1759] {strides = array<i32>} : memref<40192xf32, #tpu.memory_space<vmem>>, vector<16xf32>,
        tpu.vector_store %arg6[%swap3A_1759], %max3A_1756 {strides = array<i32>} : memref<40192xf32, #tpu.memory_space<vmem>>, vector<16xf32>,
        %add3A_1761 = arith.constant 80 : i32
        %add3A_1762 = arith.addi %mul3A_1690, %add3A_1761 : i32
        %get3A_1763 = arith.index_cast %add3A_1762 : i32 to index
        %get3A_1764 = tpu.vector_load %arg6[%get3A_1763] {strides = array<i32>} : memref<40192xf32, #tpu.memory_space<vmem>>, vector<16xf32>,
        %get3A_1765 = arith.constant 13 : i32
        %get3A_1766 = arith.index_cast %rem3A_161 : i32 to index
        %get3A_1767 = arith.index_cast %get3A_1765 : i32 to index
        %get3A_1768 = arith.constant 80 : index
        %get3A_1769 = tpu.vector_load %arg11[%get3A_1766, %get3A_1767, %get3A_1768] {strides = array<i32>} : memref<8x16x128xf32, #tpu.memory_space<vmem>>, vector<16xf32>,
        %max3A_1770 = arith.maximumf %get3A_1764, %get3A_1769 : vector<16xf32>
        %add3A_1771 = arith.constant 80 : i32
        %add3A_1772 = arith.addi %mul3A_1690, %add3A_1771 : i32
        %swap3A_1773 = arith.index_cast %add3A_1772 : i32 to index
        %swap3A_1774 = tpu.vector_load %arg6[%swap3A_1773] {strides = array<i32>} : memref<40192xf32, #tpu.memory_space<vmem>>, vector<16xf32>,
        tpu.vector_store %arg6[%swap3A_1773], %max3A_1770 {strides = array<i32>} : memref<40192xf32, #tpu.memory_space<vmem>>, vector<16xf32>,
        %add3A_1775 = arith.constant 96 : i32
        %add3A_1776 = arith.addi %mul3A_1690, %add3A_1775 : i32
        %get3A_1777 = arith.index_cast %add3A_1776 : i32 to index
        %get3A_1778 = tpu.vector_load %arg6[%get3A_1777] {strides = array<i32>} : memref<40192xf32, #tpu.memory_space<vmem>>, vector<16xf32>,
        %get3A_1779 = arith.constant 13 : i32
        %get3A_1780 = arith.index_cast %rem3A_161 : i32 to index
        %get3A_1781 = arith.index_cast %get3A_1779 : i32 to index
        %get3A_1782 = arith.constant 96 : index
        %get3A_1783 = tpu.vector_load %arg11[%get3A_1780, %get3A_1781, %get3A_1782] {strides = array<i32>} : memref<8x16x128xf32, #tpu.memory_space<vmem>>, vector<16xf32>,
        %max3A_1784 = arith.maximumf %get3A_1778, %get3A_1783 : vector<16xf32>
        %add3A_1785 = arith.constant 96 : i32
        %add3A_1786 = arith.addi %mul3A_1690, %add3A_1785 : i32
        %swap3A_1787 = arith.index_cast %add3A_1786 : i32 to index
        %swap3A_1788 = tpu.vector_load %arg6[%swap3A_1787] {strides = array<i32>} : memref<40192xf32, #tpu.memory_space<vmem>>, vector<16xf32>,
        tpu.vector_store %arg6[%swap3A_1787], %max3A_1784 {strides = array<i32>} : memref<40192xf32, #tpu.memory_space<vmem>>, vector<16xf32>,
        %add3A_1789 = arith.constant 112 : i32
        %add3A_1790 = arith.addi %mul3A_1690, %add3A_1789 : i32
        %get3A_1791 = arith.index_cast %add3A_1790 : i32 to index
        %get3A_1792 = tpu.vector_load %arg6[%get3A_1791] {strides = array<i32>} : memref<40192xf32, #tpu.memory_space<vmem>>, vector<16xf32>,
        %get3A_1793 = arith.constant 13 : i32
        %get3A_1794 = arith.index_cast %rem3A_161 : i32 to index
        %get3A_1795 = arith.index_cast %get3A_1793 : i32 to index
        %get3A_1796 = arith.constant 112 : index
        %get3A_1797 = tpu.vector_load %arg11[%get3A_1794, %get3A_1795, %get3A_1796] {strides = array<i32>} : memref<8x16x128xf32, #tpu.memory_space<vmem>>, vector<16xf32>,
        %max3A_1798 = arith.maximumf %get3A_1792, %get3A_1797 : vector<16xf32>
        %add3A_1799 = arith.constant 112 : i32
        %add3A_1800 = arith.addi %mul3A_1690, %add3A_1799 : i32
        %swap3A_1801 = arith.index_cast %add3A_1800 : i32 to index
        %swap3A_1802 = tpu.vector_load %arg6[%swap3A_1801] {strides = array<i32>} : memref<40192xf32, #tpu.memory_space<vmem>>, vector<16xf32>,
        tpu.vector_store %arg6[%swap3A_1801], %max3A_1798 {strides = array<i32>} : memref<40192xf32, #tpu.memory_space<vmem>>, vector<16xf32>,
        %slice3A_1803 = vector.extract_strided_slice %get3A_165 {offsets = [14], sizes = [1], strides = [1]} : vector<16xi32> to vector<1xi32>
        %squeeze3A_1804 = vector.extract %slice3A_1803[0] : i32 from vector<1xi32>
        %mul3A_1805 = arith.constant 128 : i32
        %mul3A_1806 = arith.muli %squeeze3A_1804, %mul3A_1805 : i32
        %add3A_1807 = arith.constant 0 : i32
        %add3A_1808 = arith.addi %mul3A_1806, %add3A_1807 : i32
        %get3A_1809 = arith.index_cast %add3A_1808 : i32 to index
        %get3A_1810 = tpu.vector_load %arg6[%get3A_1809] {strides = array<i32>} : memref<40192xf32, #tpu.memory_space<vmem>>, vector<16xf32>,
        %get3A_1811 = arith.constant 14 : i32
        %get3A_1812 = arith.index_cast %rem3A_161 : i32 to index
        %get3A_1813 = arith.index_cast %get3A_1811 : i32 to index
        %get3A_1814 = arith.constant 0 : index
        %get3A_1815 = tpu.vector_load %arg11[%get3A_1812, %get3A_1813, %get3A_1814] {strides = array<i32>} : memref<8x16x128xf32, #tpu.memory_space<vmem>>, vector<16xf32>,
        %max3A_1816 = arith.maximumf %get3A_1810, %get3A_1815 : vector<16xf32>
        %add3A_1817 = arith.constant 0 : i32
        %add3A_1818 = arith.addi %mul3A_1806, %add3A_1817 : i32
        %swap3A_1819 = arith.index_cast %add3A_1818 : i32 to index
        %swap3A_1820 = tpu.vector_load %arg6[%swap3A_1819] {strides = array<i32>} : memref<40192xf32, #tpu.memory_space<vmem>>, vector<16xf32>,
        tpu.vector_store %arg6[%swap3A_1819], %max3A_1816 {strides = array<i32>} : memref<40192xf32, #tpu.memory_space<vmem>>, vector<16xf32>,
        %add3A_1821 = arith.constant 16 : i32
        %add3A_1822 = arith.addi %mul3A_1806, %add3A_1821 : i32
        %get3A_1823 = arith.index_cast %add3A_1822 : i32 to index
        %get3A_1824 = tpu.vector_load %arg6[%get3A_1823] {strides = array<i32>} : memref<40192xf32, #tpu.memory_space<vmem>>, vector<16xf32>,
        %get3A_1825 = arith.constant 14 : i32
        %get3A_1826 = arith.index_cast %rem3A_161 : i32 to index
        %get3A_1827 = arith.index_cast %get3A_1825 : i32 to index
        %get3A_1828 = arith.constant 16 : index
        %get3A_1829 = tpu.vector_load %arg11[%get3A_1826, %get3A_1827, %get3A_1828] {strides = array<i32>} : memref<8x16x128xf32, #tpu.memory_space<vmem>>, vector<16xf32>,
        %max3A_1830 = arith.maximumf %get3A_1824, %get3A_1829 : vector<16xf32>
        %add3A_1831 = arith.constant 16 : i32
        %add3A_1832 = arith.addi %mul3A_1806, %add3A_1831 : i32
        %swap3A_1833 = arith.index_cast %add3A_1832 : i32 to index
        %swap3A_1834 = tpu.vector_load %arg6[%swap3A_1833] {strides = array<i32>} : memref<40192xf32, #tpu.memory_space<vmem>>, vector<16xf32>,
        tpu.vector_store %arg6[%swap3A_1833], %max3A_1830 {strides = array<i32>} : memref<40192xf32, #tpu.memory_space<vmem>>, vector<16xf32>,
        %add3A_1835 = arith.constant 32 : i32
        %add3A_1836 = arith.addi %mul3A_1806, %add3A_1835 : i32
        %get3A_1837 = arith.index_cast %add3A_1836 : i32 to index
        %get3A_1838 = tpu.vector_load %arg6[%get3A_1837] {strides = array<i32>} : memref<40192xf32, #tpu.memory_space<vmem>>, vector<16xf32>,
        %get3A_1839 = arith.constant 14 : i32
        %get3A_1840 = arith.index_cast %rem3A_161 : i32 to index
        %get3A_1841 = arith.index_cast %get3A_1839 : i32 to index
        %get3A_1842 = arith.constant 32 : index
        %get3A_1843 = tpu.vector_load %arg11[%get3A_1840, %get3A_1841, %get3A_1842] {strides = array<i32>} : memref<8x16x128xf32, #tpu.memory_space<vmem>>, vector<16xf32>,
        %max3A_1844 = arith.maximumf %get3A_1838, %get3A_1843 : vector<16xf32>
        %add3A_1845 = arith.constant 32 : i32
        %add3A_1846 = arith.addi %mul3A_1806, %add3A_1845 : i32
        %swap3A_1847 = arith.index_cast %add3A_1846 : i32 to index
        %swap3A_1848 = tpu.vector_load %arg6[%swap3A_1847] {strides = array<i32>} : memref<40192xf32, #tpu.memory_space<vmem>>, vector<16xf32>,
        tpu.vector_store %arg6[%swap3A_1847], %max3A_1844 {strides = array<i32>} : memref<40192xf32, #tpu.memory_space<vmem>>, vector<16xf32>,
        %add3A_1849 = arith.constant 48 : i32
        %add3A_1850 = arith.addi %mul3A_1806, %add3A_1849 : i32
        %get3A_1851 = arith.index_cast %add3A_1850 : i32 to index
        %get3A_1852 = tpu.vector_load %arg6[%get3A_1851] {strides = array<i32>} : memref<40192xf32, #tpu.memory_space<vmem>>, vector<16xf32>,
        %get3A_1853 = arith.constant 14 : i32
        %get3A_1854 = arith.index_cast %rem3A_161 : i32 to index
        %get3A_1855 = arith.index_cast %get3A_1853 : i32 to index
        %get3A_1856 = arith.constant 48 : index
        %get3A_1857 = tpu.vector_load %arg11[%get3A_1854, %get3A_1855, %get3A_1856] {strides = array<i32>} : memref<8x16x128xf32, #tpu.memory_space<vmem>>, vector<16xf32>,
        %max3A_1858 = arith.maximumf %get3A_1852, %get3A_1857 : vector<16xf32>
        %add3A_1859 = arith.constant 48 : i32
        %add3A_1860 = arith.addi %mul3A_1806, %add3A_1859 : i32
        %swap3A_1861 = arith.index_cast %add3A_1860 : i32 to index
        %swap3A_1862 = tpu.vector_load %arg6[%swap3A_1861] {strides = array<i32>} : memref<40192xf32, #tpu.memory_space<vmem>>, vector<16xf32>,
        tpu.vector_store %arg6[%swap3A_1861], %max3A_1858 {strides = array<i32>} : memref<40192xf32, #tpu.memory_space<vmem>>, vector<16xf32>,
        %add3A_1863 = arith.constant 64 : i32
        %add3A_1864 = arith.addi %mul3A_1806, %add3A_1863 : i32
        %get3A_1865 = arith.index_cast %add3A_1864 : i32 to index
        %get3A_1866 = tpu.vector_load %arg6[%get3A_1865] {strides = array<i32>} : memref<40192xf32, #tpu.memory_space<vmem>>, vector<16xf32>,
        %get3A_1867 = arith.constant 14 : i32
        %get3A_1868 = arith.index_cast %rem3A_161 : i32 to index
        %get3A_1869 = arith.index_cast %get3A_1867 : i32 to index
        %get3A_1870 = arith.constant 64 : index
        %get3A_1871 = tpu.vector_load %arg11[%get3A_1868, %get3A_1869, %get3A_1870] {strides = array<i32>} : memref<8x16x128xf32, #tpu.memory_space<vmem>>, vector<16xf32>,
        %max3A_1872 = arith.maximumf %get3A_1866, %get3A_1871 : vector<16xf32>
        %add3A_1873 = arith.constant 64 : i32
        %add3A_1874 = arith.addi %mul3A_1806, %add3A_1873 : i32
        %swap3A_1875 = arith.index_cast %add3A_1874 : i32 to index
        %swap3A_1876 = tpu.vector_load %arg6[%swap3A_1875] {strides = array<i32>} : memref<40192xf32, #tpu.memory_space<vmem>>, vector<16xf32>,
        tpu.vector_store %arg6[%swap3A_1875], %max3A_1872 {strides = array<i32>} : memref<40192xf32, #tpu.memory_space<vmem>>, vector<16xf32>,
        %add3A_1877 = arith.constant 80 : i32
        %add3A_1878 = arith.addi %mul3A_1806, %add3A_1877 : i32
        %get3A_1879 = arith.index_cast %add3A_1878 : i32 to index
        %get3A_1880 = tpu.vector_load %arg6[%get3A_1879] {strides = array<i32>} : memref<40192xf32, #tpu.memory_space<vmem>>, vector<16xf32>,
        %get3A_1881 = arith.constant 14 : i32
        %get3A_1882 = arith.index_cast %rem3A_161 : i32 to index
        %get3A_1883 = arith.index_cast %get3A_1881 : i32 to index
        %get3A_1884 = arith.constant 80 : index
        %get3A_1885 = tpu.vector_load %arg11[%get3A_1882, %get3A_1883, %get3A_1884] {strides = array<i32>} : memref<8x16x128xf32, #tpu.memory_space<vmem>>, vector<16xf32>,
        %max3A_1886 = arith.maximumf %get3A_1880, %get3A_1885 : vector<16xf32>
        %add3A_1887 = arith.constant 80 : i32
        %add3A_1888 = arith.addi %mul3A_1806, %add3A_1887 : i32
        %swap3A_1889 = arith.index_cast %add3A_1888 : i32 to index
        %swap3A_1890 = tpu.vector_load %arg6[%swap3A_1889] {strides = array<i32>} : memref<40192xf32, #tpu.memory_space<vmem>>, vector<16xf32>,
        tpu.vector_store %arg6[%swap3A_1889], %max3A_1886 {strides = array<i32>} : memref<40192xf32, #tpu.memory_space<vmem>>, vector<16xf32>,
        %add3A_1891 = arith.constant 96 : i32
        %add3A_1892 = arith.addi %mul3A_1806, %add3A_1891 : i32
        %get3A_1893 = arith.index_cast %add3A_1892 : i32 to index
        %get3A_1894 = tpu.vector_load %arg6[%get3A_1893] {strides = array<i32>} : memref<40192xf32, #tpu.memory_space<vmem>>, vector<16xf32>,
        %get3A_1895 = arith.constant 14 : i32
        %get3A_1896 = arith.index_cast %rem3A_161 : i32 to index
        %get3A_1897 = arith.index_cast %get3A_1895 : i32 to index
        %get3A_1898 = arith.constant 96 : index
        %get3A_1899 = tpu.vector_load %arg11[%get3A_1896, %get3A_1897, %get3A_1898] {strides = array<i32>} : memref<8x16x128xf32, #tpu.memory_space<vmem>>, vector<16xf32>,
        %max3A_1900 = arith.maximumf %get3A_1894, %get3A_1899 : vector<16xf32>
        %add3A_1901 = arith.constant 96 : i32
        %add3A_1902 = arith.addi %mul3A_1806, %add3A_1901 : i32
        %swap3A_1903 = arith.index_cast %add3A_1902 : i32 to index
        %swap3A_1904 = tpu.vector_load %arg6[%swap3A_1903] {strides = array<i32>} : memref<40192xf32, #tpu.memory_space<vmem>>, vector<16xf32>,
        tpu.vector_store %arg6[%swap3A_1903], %max3A_1900 {strides = array<i32>} : memref<40192xf32, #tpu.memory_space<vmem>>, vector<16xf32>,
        %add3A_1905 = arith.constant 112 : i32
        %add3A_1906 = arith.addi %mul3A_1806, %add3A_1905 : i32
        %get3A_1907 = arith.index_cast %add3A_1906 : i32 to index
        %get3A_1908 = tpu.vector_load %arg6[%get3A_1907] {strides = array<i32>} : memref<40192xf32, #tpu.memory_space<vmem>>, vector<16xf32>,
        %get3A_1909 = arith.constant 14 : i32
        %get3A_1910 = arith.index_cast %rem3A_161 : i32 to index
        %get3A_1911 = arith.index_cast %get3A_1909 : i32 to index
        %get3A_1912 = arith.constant 112 : index
        %get3A_1913 = tpu.vector_load %arg11[%get3A_1910, %get3A_1911, %get3A_1912] {strides = array<i32>} : memref<8x16x128xf32, #tpu.memory_space<vmem>>, vector<16xf32>,
        %max3A_1914 = arith.maximumf %get3A_1908, %get3A_1913 : vector<16xf32>
        %add3A_1915 = arith.constant 112 : i32
        %add3A_1916 = arith.addi %mul3A_1806, %add3A_1915 : i32
        %swap3A_1917 = arith.index_cast %add3A_1916 : i32 to index
        %swap3A_1918 = tpu.vector_load %arg6[%swap3A_1917] {strides = array<i32>} : memref<40192xf32, #tpu.memory_space<vmem>>, vector<16xf32>,
        tpu.vector_store %arg6[%swap3A_1917], %max3A_1914 {strides = array<i32>} : memref<40192xf32, #tpu.memory_space<vmem>>, vector<16xf32>,
        %slice3A_1919 = vector.extract_strided_slice %get3A_165 {offsets = [15], sizes = [1], strides = [1]} : vector<16xi32> to vector<1xi32>
        %squeeze3A_1920 = vector.extract %slice3A_1919[0] : i32 from vector<1xi32>
        %mul3A_1921 = arith.constant 128 : i32
        %mul3A_1922 = arith.muli %squeeze3A_1920, %mul3A_1921 : i32
        %add3A_1923 = arith.constant 0 : i32
        %add3A_1924 = arith.addi %mul3A_1922, %add3A_1923 : i32
        %get3A_1925 = arith.index_cast %add3A_1924 : i32 to index
        %get3A_1926 = tpu.vector_load %arg6[%get3A_1925] {strides = array<i32>} : memref<40192xf32, #tpu.memory_space<vmem>>, vector<16xf32>,
        %get3A_1927 = arith.constant 15 : i32
        %get3A_1928 = arith.index_cast %rem3A_161 : i32 to index
        %get3A_1929 = arith.index_cast %get3A_1927 : i32 to index
        %get3A_1930 = arith.constant 0 : index
        %get3A_1931 = tpu.vector_load %arg11[%get3A_1928, %get3A_1929, %get3A_1930] {strides = array<i32>} : memref<8x16x128xf32, #tpu.memory_space<vmem>>, vector<16xf32>,
        %max3A_1932 = arith.maximumf %get3A_1926, %get3A_1931 : vector<16xf32>
        %add3A_1933 = arith.constant 0 : i32
        %add3A_1934 = arith.addi %mul3A_1922, %add3A_1933 : i32
        %swap3A_1935 = arith.index_cast %add3A_1934 : i32 to index
        %swap3A_1936 = tpu.vector_load %arg6[%swap3A_1935] {strides = array<i32>} : memref<40192xf32, #tpu.memory_space<vmem>>, vector<16xf32>,
        tpu.vector_store %arg6[%swap3A_1935], %max3A_1932 {strides = array<i32>} : memref<40192xf32, #tpu.memory_space<vmem>>, vector<16xf32>,
        %add3A_1937 = arith.constant 16 : i32
        %add3A_1938 = arith.addi %mul3A_1922, %add3A_1937 : i32
        %get3A_1939 = arith.index_cast %add3A_1938 : i32 to index
        %get3A_1940 = tpu.vector_load %arg6[%get3A_1939] {strides = array<i32>} : memref<40192xf32, #tpu.memory_space<vmem>>, vector<16xf32>,
        %get3A_1941 = arith.constant 15 : i32
        %get3A_1942 = arith.index_cast %rem3A_161 : i32 to index
        %get3A_1943 = arith.index_cast %get3A_1941 : i32 to index
        %get3A_1944 = arith.constant 16 : index
        %get3A_1945 = tpu.vector_load %arg11[%get3A_1942, %get3A_1943, %get3A_1944] {strides = array<i32>} : memref<8x16x128xf32, #tpu.memory_space<vmem>>, vector<16xf32>,
        %max3A_1946 = arith.maximumf %get3A_1940, %get3A_1945 : vector<16xf32>
        %add3A_1947 = arith.constant 16 : i32
        %add3A_1948 = arith.addi %mul3A_1922, %add3A_1947 : i32
        %swap3A_1949 = arith.index_cast %add3A_1948 : i32 to index
        %swap3A_1950 = tpu.vector_load %arg6[%swap3A_1949] {strides = array<i32>} : memref<40192xf32, #tpu.memory_space<vmem>>, vector<16xf32>,
        tpu.vector_store %arg6[%swap3A_1949], %max3A_1946 {strides = array<i32>} : memref<40192xf32, #tpu.memory_space<vmem>>, vector<16xf32>,
        %add3A_1951 = arith.constant 32 : i32
        %add3A_1952 = arith.addi %mul3A_1922, %add3A_1951 : i32
        %get3A_1953 = arith.index_cast %add3A_1952 : i32 to index
        %get3A_1954 = tpu.vector_load %arg6[%get3A_1953] {strides = array<i32>} : memref<40192xf32, #tpu.memory_space<vmem>>, vector<16xf32>,
        %get3A_1955 = arith.constant 15 : i32
        %get3A_1956 = arith.index_cast %rem3A_161 : i32 to index
        %get3A_1957 = arith.index_cast %get3A_1955 : i32 to index
        %get3A_1958 = arith.constant 32 : index
        %get3A_1959 = tpu.vector_load %arg11[%get3A_1956, %get3A_1957, %get3A_1958] {strides = array<i32>} : memref<8x16x128xf32, #tpu.memory_space<vmem>>, vector<16xf32>,
        %max3A_1960 = arith.maximumf %get3A_1954, %get3A_1959 : vector<16xf32>
        %add3A_1961 = arith.constant 32 : i32
        %add3A_1962 = arith.addi %mul3A_1922, %add3A_1961 : i32
        %swap3A_1963 = arith.index_cast %add3A_1962 : i32 to index
        %swap3A_1964 = tpu.vector_load %arg6[%swap3A_1963] {strides = array<i32>} : memref<40192xf32, #tpu.memory_space<vmem>>, vector<16xf32>,
        tpu.vector_store %arg6[%swap3A_1963], %max3A_1960 {strides = array<i32>} : memref<40192xf32, #tpu.memory_space<vmem>>, vector<16xf32>,
        %add3A_1965 = arith.constant 48 : i32
        %add3A_1966 = arith.addi %mul3A_1922, %add3A_1965 : i32
        %get3A_1967 = arith.index_cast %add3A_1966 : i32 to index
        %get3A_1968 = tpu.vector_load %arg6[%get3A_1967] {strides = array<i32>} : memref<40192xf32, #tpu.memory_space<vmem>>, vector<16xf32>,
        %get3A_1969 = arith.constant 15 : i32
        %get3A_1970 = arith.index_cast %rem3A_161 : i32 to index
        %get3A_1971 = arith.index_cast %get3A_1969 : i32 to index
        %get3A_1972 = arith.constant 48 : index
        %get3A_1973 = tpu.vector_load %arg11[%get3A_1970, %get3A_1971, %get3A_1972] {strides = array<i32>} : memref<8x16x128xf32, #tpu.memory_space<vmem>>, vector<16xf32>,
        %max3A_1974 = arith.maximumf %get3A_1968, %get3A_1973 : vector<16xf32>
        %add3A_1975 = arith.constant 48 : i32
        %add3A_1976 = arith.addi %mul3A_1922, %add3A_1975 : i32
        %swap3A_1977 = arith.index_cast %add3A_1976 : i32 to index
        %swap3A_1978 = tpu.vector_load %arg6[%swap3A_1977] {strides = array<i32>} : memref<40192xf32, #tpu.memory_space<vmem>>, vector<16xf32>,
        tpu.vector_store %arg6[%swap3A_1977], %max3A_1974 {strides = array<i32>} : memref<40192xf32, #tpu.memory_space<vmem>>, vector<16xf32>,
        %add3A_1979 = arith.constant 64 : i32
        %add3A_1980 = arith.addi %mul3A_1922, %add3A_1979 : i32
        %get3A_1981 = arith.index_cast %add3A_1980 : i32 to index
        %get3A_1982 = tpu.vector_load %arg6[%get3A_1981] {strides = array<i32>} : memref<40192xf32, #tpu.memory_space<vmem>>, vector<16xf32>,
        %get3A_1983 = arith.constant 15 : i32
        %get3A_1984 = arith.index_cast %rem3A_161 : i32 to index
        %get3A_1985 = arith.index_cast %get3A_1983 : i32 to index
        %get3A_1986 = arith.constant 64 : index
        %get3A_1987 = tpu.vector_load %arg11[%get3A_1984, %get3A_1985, %get3A_1986] {strides = array<i32>} : memref<8x16x128xf32, #tpu.memory_space<vmem>>, vector<16xf32>,
        %max3A_1988 = arith.maximumf %get3A_1982, %get3A_1987 : vector<16xf32>
        %add3A_1989 = arith.constant 64 : i32
        %add3A_1990 = arith.addi %mul3A_1922, %add3A_1989 : i32
        %swap3A_1991 = arith.index_cast %add3A_1990 : i32 to index
        %swap3A_1992 = tpu.vector_load %arg6[%swap3A_1991] {strides = array<i32>} : memref<40192xf32, #tpu.memory_space<vmem>>, vector<16xf32>,
        tpu.vector_store %arg6[%swap3A_1991], %max3A_1988 {strides = array<i32>} : memref<40192xf32, #tpu.memory_space<vmem>>, vector<16xf32>,
        %add3A_1993 = arith.constant 80 : i32
        %add3A_1994 = arith.addi %mul3A_1922, %add3A_1993 : i32
        %get3A_1995 = arith.index_cast %add3A_1994 : i32 to index
        %get3A_1996 = tpu.vector_load %arg6[%get3A_1995] {strides = array<i32>} : memref<40192xf32, #tpu.memory_space<vmem>>, vector<16xf32>,
        %get3A_1997 = arith.constant 15 : i32
        %get3A_1998 = arith.index_cast %rem3A_161 : i32 to index
        %get3A_1999 = arith.index_cast %get3A_1997 : i32 to index
        %get3A_2000 = arith.constant 80 : index
        %get3A_2001 = tpu.vector_load %arg11[%get3A_1998, %get3A_1999, %get3A_2000] {strides = array<i32>} : memref<8x16x128xf32, #tpu.memory_space<vmem>>, vector<16xf32>,
        %max3A_2002 = arith.maximumf %get3A_1996, %get3A_2001 : vector<16xf32>
        %add3A_2003 = arith.constant 80 : i32
        %add3A_2004 = arith.addi %mul3A_1922, %add3A_2003 : i32
        %swap3A_2005 = arith.index_cast %add3A_2004 : i32 to index
        %swap3A_2006 = tpu.vector_load %arg6[%swap3A_2005] {strides = array<i32>} : memref<40192xf32, #tpu.memory_space<vmem>>, vector<16xf32>,
        tpu.vector_store %arg6[%swap3A_2005], %max3A_2002 {strides = array<i32>} : memref<40192xf32, #tpu.memory_space<vmem>>, vector<16xf32>,
        %add3A_2007 = arith.constant 96 : i32
        %add3A_2008 = arith.addi %mul3A_1922, %add3A_2007 : i32
        %get3A_2009 = arith.index_cast %add3A_2008 : i32 to index
        %get3A_2010 = tpu.vector_load %arg6[%get3A_2009] {strides = array<i32>} : memref<40192xf32, #tpu.memory_space<vmem>>, vector<16xf32>,
        %get3A_2011 = arith.constant 15 : i32
        %get3A_2012 = arith.index_cast %rem3A_161 : i32 to index
        %get3A_2013 = arith.index_cast %get3A_2011 : i32 to index
        %get3A_2014 = arith.constant 96 : index
        %get3A_2015 = tpu.vector_load %arg11[%get3A_2012, %get3A_2013, %get3A_2014] {strides = array<i32>} : memref<8x16x128xf32, #tpu.memory_space<vmem>>, vector<16xf32>,
        %max3A_2016 = arith.maximumf %get3A_2010, %get3A_2015 : vector<16xf32>
        %add3A_2017 = arith.constant 96 : i32
        %add3A_2018 = arith.addi %mul3A_1922, %add3A_2017 : i32
        %swap3A_2019 = arith.index_cast %add3A_2018 : i32 to index
        %swap3A_2020 = tpu.vector_load %arg6[%swap3A_2019] {strides = array<i32>} : memref<40192xf32, #tpu.memory_space<vmem>>, vector<16xf32>,
        tpu.vector_store %arg6[%swap3A_2019], %max3A_2016 {strides = array<i32>} : memref<40192xf32, #tpu.memory_space<vmem>>, vector<16xf32>,
        %add3A_2021 = arith.constant 112 : i32
        %add3A_2022 = arith.addi %mul3A_1922, %add3A_2021 : i32
        %get3A_2023 = arith.index_cast %add3A_2022 : i32 to index
        %get3A_2024 = tpu.vector_load %arg6[%get3A_2023] {strides = array<i32>} : memref<40192xf32, #tpu.memory_space<vmem>>, vector<16xf32>,
        %get3A_2025 = arith.constant 15 : i32
        %get3A_2026 = arith.index_cast %rem3A_161 : i32 to index
        %get3A_2027 = arith.index_cast %get3A_2025 : i32 to index
        %get3A_2028 = arith.constant 112 : index
        %get3A_2029 = tpu.vector_load %arg11[%get3A_2026, %get3A_2027, %get3A_2028] {strides = array<i32>} : memref<8x16x128xf32, #tpu.memory_space<vmem>>, vector<16xf32>,
        %max3A_2030 = arith.maximumf %get3A_2024, %get3A_2029 : vector<16xf32>
        %add3A_2031 = arith.constant 112 : i32
        %add3A_2032 = arith.addi %mul3A_1922, %add3A_2031 : i32
        %swap3A_2033 = arith.index_cast %add3A_2032 : i32 to index
        %swap3A_2034 = tpu.vector_load %arg6[%swap3A_2033] {strides = array<i32>} : memref<40192xf32, #tpu.memory_space<vmem>>, vector<16xf32>,
        tpu.vector_store %arg6[%swap3A_2033], %max3A_2030 {strides = array<i32>} : memref<40192xf32, #tpu.memory_space<vmem>>, vector<16xf32>,
        %add3A_2035 = arith.constant 8 : i32
        %add3A_2036 = arith.addi %while3A_158, %add3A_2035 : i32
        %lt3A_2037 = arith.cmpi slt, %add3A_2036, %select_n3A : i32
        %convert_element_type3A_2038 = arith.extui %lt3A_2037 : i1 to i32
        %cond3A_2039 = arith.constant 0 : i32
        %cond3A_2040 = arith.cmpi ne, %convert_element_type3A_2038, %cond3A_2039 : i32
        scf.if %cond3A_2040 {
          %add3A_2042 = arith.constant 8 : i32
          %add3A_2043 = arith.addi %while3A_158, %add3A_2042 : i32
          %rem3A_2044 = arith.constant 8 : i32
          %rem3A_2045 = arith.remsi %add3A_2043, %rem3A_2044 : i32
          %mul3A_2046 = arith.constant 16 : i32
          %mul3A_2047 = arith.muli %add3A_2043, %mul3A_2046 : i32
          %add3A_2048 = arith.addi %mul3A_45, %mul3A_2047 : i32
          %get3A_2049 = arith.index_cast %add3A_2048 : i32 to index
          %get3A_2050 = tpu.vector_load %arg9[%get3A_2049] {strides = array<i32>} : memref<16032xi32, #tpu.memory_space<vmem>>, vector<16xi32>,
          %dma_start3A_2051 = arith.constant 0 : i32
          %dma_start3A_2052 = arith.constant 0 : i32
          %dma_start3A_2053 = tpu.memref_slice %arg11[%rem3A_2045, %dma_start3A_2051, %dma_start3A_2052] : memref<8x16x128xf32, #tpu.memory_space<vmem>> -> memref<1x16x128xf32, #tpu.memory_space<vmem>>
          %dma_start3A_2054 = tpu.memref_squeeze %dma_start3A_2053 : memref<1x16x128xf32, #tpu.memory_space<vmem>> -> memref<16x128xf32, #tpu.memory_space<vmem>>
          %dma_start3A_2055 = arith.constant 0 : i32
          %dma_start3A_2056 = arith.constant 0 : i32
          %dma_start3A_2057 = tpu.memref_slice %arg2[%dma_start3A_2055, %dma_start3A_2056] : memref<10000x128xf32, #tpu.memory_space<hbm>> -> memref<10000x128xf32, #tpu.memory_space<hbm>>
          %dma_start3A_2058 = tpu.memref_slice %arg12[%rem3A_2045] : memref<8x!tpu.dma_semaphore, #tpu.memory_space<semaphore_mem>> -> memref<1x!tpu.dma_semaphore, #tpu.memory_space<semaphore_mem>>
          %dma_start3A_2059 = tpu.memref_squeeze %dma_start3A_2058 : memref<1x!tpu.dma_semaphore, #tpu.memory_space<semaphore_mem>> -> memref<!tpu.dma_semaphore, #tpu.memory_space<semaphore_mem>>
          tpu.enqueue_indirect_dma source(%dma_start3A_2057 : memref<10000x128xf32, #tpu.memory_space<hbm>>) target(%dma_start3A_2054 : memref<16x128xf32, #tpu.memory_space<vmem>>) offsets(%get3A_2050 : vector<16xi32>) semaphore(%dma_start3A_2059 : memref<!tpu.dma_semaphore, #tpu.memory_space<semaphore_mem>>)
        } else {
        }
        %while3A_2041 = arith.constant 0 : i32
        scf.yield %while3A_2041 : i32
      }
      %scan3A_157 = arith.constant 0 : i32
      scf.yield %scan3A_157 : i32
    }
    %scan3A_38 = arith.constant 40 : i32
    %mul3A_39 = arith.constant 128 : i32
    %mul3A_40 = arith.muli %mul3A_2, %mul3A_39 : i32
    "tpu.region"() ({
      %run_scoped3A = tpu.sem_alloc : memref<!tpu.dma_semaphore, #tpu.memory_space<semaphore_mem>>
      %dma_start3A_41 = arith.constant 0 : i32
      %dma_start3A_42 = tpu.memref_slice %arg6[%dma_start3A_41] : memref<40192xf32, #tpu.memory_space<vmem>> -> memref<40064xf32, #tpu.memory_space<vmem>>
      %dma_start3A_43 = tpu.memref_slice %arg5[%mul3A_40] : memref<1282048xf32, #tpu.memory_space<hbm>> -> memref<40064xf32, #tpu.memory_space<hbm>>
      %dma_start3A_44 = tpu.memref_slice %arg5[%mul3A_40] : memref<1282048xf32, #tpu.memory_space<hbm>> -> memref<40064xf32, #tpu.memory_space<hbm>>
      %dma_start3A_45 = arith.constant 0 : i32
      %dma_start3A_46 = tpu.memref_slice %arg6[%dma_start3A_45] : memref<40192xf32, #tpu.memory_space<vmem>> -> memref<40064xf32, #tpu.memory_space<vmem>>
      tpu.enqueue_dma source(%dma_start3A_46 : memref<40064xf32, #tpu.memory_space<vmem>>) target(%dma_start3A_44 : memref<40064xf32, #tpu.memory_space<hbm>>) target_semaphore(%run_scoped3A : memref<!tpu.dma_semaphore, #tpu.memory_space<semaphore_mem>>)
      %dma_wait3A = arith.constant 0 : i32
      %dma_wait3A_47 = tpu.memref_slice %arg6[%dma_wait3A] : memref<40192xf32, #tpu.memory_space<vmem>> -> memref<40064xf32, #tpu.memory_space<vmem>>
      %dma_wait3A_48 = tpu.memref_slice %arg5[%mul3A_40] : memref<1282048xf32, #tpu.memory_space<hbm>> -> memref<40064xf32, #tpu.memory_space<hbm>>
      %dma_wait3A_49 = tpu.memref_slice %arg5[%mul3A_40] : memref<1282048xf32, #tpu.memory_space<hbm>> -> memref<40064xf32, #tpu.memory_space<hbm>>
      %dma_wait3A_50 = arith.constant 0 : i32
      %dma_wait3A_51 = tpu.memref_slice %arg6[%dma_wait3A_50] : memref<40192xf32, #tpu.memory_space<vmem>> -> memref<40064xf32, #tpu.memory_space<vmem>>
      tpu.wait_dma2 semaphore(%run_scoped3A : memref<!tpu.dma_semaphore, #tpu.memory_space<semaphore_mem>>) src(%dma_wait3A_51 : memref<40064xf32, #tpu.memory_space<vmem>>) dst(%dma_wait3A_49 : memref<40064xf32, #tpu.memory_space<hbm>>)
      tpu.yield
    }) : () -> ()
    return
  }
}

</mosaic_0001>

<sc_bundles>
// kernel: _sc_scatter_max.3.cloned.1.call-start
scs
__scs_entry_jumppad:
0x0: {  	(pc) =	sbr.rel $0x88, $3  }
0x1: {  	(tag) =	ssettag $0x0;
	lr =	simm.s32 $0x1  }
0x2: {  	[smem:$0x3F9E] =	sst lr;
	_ =	strace $0xD0000000  }
0x3: {  	_ = 	snop  }
0x4: {  	_ = 	snop  }
0x5: {  	_ = 	snop  }
0x6: {  	_ = 	snop  }
0x7: {  	_ = 	snop  }
__scs_overlays_trampoline_lowered:
0x8: {  	[smem:$0x3FAD] =	sst s0  }
0x9: {  	[smem:$0x3FAE] =	sst s1  }
0xa: {  	[smem:$0x3FAF] =	sst s2  }
0xb: {  	[smem:$0x3FB0] =	sst s3  }
0xc: {  	[smem:$0x3FB1] =	sst s4  }
0xd: {  	[smem:$0x3FB2] =	sst s5  }
0xe: {  	[smem:$0x3FB3] =	sst s6  }
0xf: {  	[smem:$0x3FB4] =	sst s7  }
0x10: {  	[smem:$0x3FB5] =	sst s8  }
0x11: {  	[smem:$0x3FB6] =	sst s9;
	s0 =	simm.s32 @!p0 $0x0  }
0x12: {  	s1 =	sld [smem:$0x3F9C];
	s0 =	simm.s32 @p0 $0x1  }
0x13: {  	[smem:$0x3FB7] =	sst s0;
	s0 =	simm.s32 @!p1 $0x0  }
0x14: {  	s2 =	sld [smem:$0x3F9B];
	s0 =	simm.s32 @p1 $0x1  }
0x15: {  	[smem:$0x3FB8] =	sst s0;
	s0 =	simm.s32 @!p2 $0x0  }
0x16: {  	s3 =	sld [smem:$0x3FDB];
	s0 =	simm.s32 @p2 $0x1  }
0x17: {  	s4 =	simm.s32 $0x1BF5;
	[smem:$0x3FBA] =	sst s0  }
0x18: {  	s0 =	sld [smem:$0x3F9D];
	_ =	swait.ge [sflag:s4], $0x0  }
0x19: {  	s7 =	sld [smem:$0x3F9E]  }
0x1a: {  	s8 =	sadd.s32 $0xFFFFE003, lr  }
0x1b: {  	s9 =	sadd.s32 $0xFFFFFEF7, lr;
	s5 =	simm.s32 $0xFFFFFFFF;
	p2 =	slt.u32 s8, $0xFFFFF086  }
0x1c: {  	p1 =	slt.u32 s9, $0xF7A;
	s5 =	simm.s32 @!p2 $0x0  }
0x1d: {  	s5 =	simm.s32 @p1 $0x1;
	p0 =	seq.s32 s7, s2  }
0x1e: {  	s7 =	smul.u32 @!p0 $0xF7A, s2;
	p2 =	seq.s32 @!p0 s5, $0x0  }
0x1f: {  	s9 =	smul.u32 $0xF7A, s1;
	s8 =	simm.s32 @!p0 $0x1BF5;
	p2 =	por !p2, p0  }
0x20: {  	[sflag:s8] =	ssyncset.s32 @!p0 $0xFFFFF086;
	s6 =	sadd.s32 @!p0 s3, s7;
	s7 =	simm.s32 @!p0 $0x108  }
0x21: {  	s3 =	sadd.s32 s3, s9;
	s6 =	sadd.s32 @!p0 $0x88, s6;
	s7 =	simm.s32 @p2 $0x1082  }
0x22: {  	[simem:s7], [sflag:s8] =	dma.local @!p0 [hbm:s6], $0xF7A  }
0x23: {  	s9 =	sor.u32 $0xD0000000, s2;
	s6 =	simm.s32 $0x108;
	_ =	swait.ge @!p0 [sflag:s8], $0x0  }
0x24: {  	s3 =	sadd.s32 $0x88, s3;
	s6 =	simm.s32 @!p1 $0x1082;
	[sflag:s4] =	ssyncset.s32 $0xFFFFF086  }
0x25: {  	[simem:s6], [sflag:s4] =	dma.local [hbm:s3], $0xF7A  }
0x26: {  	[smem:$0x3F9E] =	sst s1;
	(tag) =	ssettag s2;
	_ =	strace s9  }
0x27: {  	s1 =	sld [smem:$0x3FAE]  }
0x28: {  	s2 =	sld [smem:$0x3FAF]  }
0x29: {  	s4 =	sld [smem:$0x3FB1]  }
0x2a: {  	p0 =	seq.s32 s5, $0x0;
	s5 =	sld [smem:$0x3FB2]  }
0x2b: {  	s6 =	sld [smem:$0x3FB3]  }
0x2c: {  	s7 =	sld [smem:$0x3FB4]  }
0x2d: {  	s3 =	simm.s32 $0x108;
	s8 =	sld [smem:$0x3FB5]  }
0x2e: {  	s3 =	simm.s32 @!p0 $0x1082;
	s9 =	sld [smem:$0x3FB6]  }
0x2f: {  	lr =	sadd.s32 s0, s3;
	s0 =	sld [smem:$0x3FAD]  }
0x30: {  	s3 =	sld [smem:$0x3FB0]  }
0x31: {  	[smem:$0x3FB9] =	sst s10  }
0x32: {  	s10 =	sld [smem:$0x3FB7];
	_ =	sdelay $0x3  }
0x33: {  	p0 =	seq.s32 s10, $0x1;
	s10 =	sld [smem:$0x3FB9];
	_ =	sdelay $0x3  }
0x34: {  	[smem:$0x3FB9] =	sst s10  }
0x35: {  	s10 =	sld [smem:$0x3FB8];
	_ =	sdelay $0x3  }
0x36: {  	p1 =	seq.s32 s10, $0x1;
	s10 =	sld [smem:$0x3FB9];
	_ =	sdelay $0x3  }
0x37: {  	[smem:$0x3FB9] =	sst s10  }
0x38: {  	s10 =	sld [smem:$0x3FBA]  }
0x39: {  	_ = 	snop;
	(pc) =	sbr.ind lr, $3  }
0x3a: {  	_ = 	snop  }
0x3b: {  	_ = 	snop  }
0x3c: {  	p2 =	seq.s32 s10, $0x1;
	s10 =	sld [smem:$0x3FB9]  }
0x3d: {  	_ =	shalt  }
0x3e: {  	_ =	shalt  }
0x3f: {  	_ =	shalt  }
0x40: {  	_ =	shalt  }
0x41: {  	_ =	shalt  }
0x42: {  	_ =	shalt  }
0x43: {  	_ =	shalt  }
0x44: {  	_ =	shalt  }
0x45: {  	_ =	shalt  }
0x46: {  	_ =	shalt  }
0x47: {  	_ =	shalt  }
0x48: {  	_ =	shalt  }
0x49: {  	_ =	shalt  }
0x4a: {  	_ =	shalt  }
0x4b: {  	_ =	shalt  }
0x4c: {  	_ =	shalt  }
0x4d: {  	_ =	shalt  }
0x4e: {  	_ =	shalt  }
0x4f: {  	_ =	shalt  }
0x50: {  	_ =	shalt  }
0x51: {  	_ =	shalt  }
0x52: {  	_ =	shalt  }
0x53: {  	_ =	shalt  }
0x54: {  	_ =	shalt  }
0x55: {  	_ =	shalt  }
0x56: {  	_ =	shalt  }
0x57: {  	_ =	shalt  }
0x58: {  	_ =	shalt  }
0x59: {  	_ =	shalt  }
0x5a: {  	_ =	shalt  }
0x5b: {  	_ =	shalt  }
0x5c: {  	_ =	shalt  }
0x5d: {  	_ =	shalt  }
0x5e: {  	_ =	shalt  }
0x5f: {  	_ =	shalt  }
0x60: {  	_ =	shalt  }
0x61: {  	_ =	shalt  }
0x62: {  	_ =	shalt  }
0x63: {  	_ =	shalt  }
0x64: {  	_ =	shalt  }
0x65: {  	_ =	shalt  }
0x66: {  	_ =	shalt  }
0x67: {  	_ =	shalt  }
0x68: {  	_ =	shalt  }
0x69: {  	_ =	shalt  }
0x6a: {  	_ =	shalt  }
0x6b: {  	_ =	shalt  }
0x6c: {  	_ =	shalt  }
0x6d: {  	_ =	shalt  }
0x6e: {  	_ =	shalt  }
0x6f: {  	_ =	shalt  }
0x70: {  	_ =	shalt  }
0x71: {  	_ =	shalt  }
0x72: {  	_ =	shalt  }
0x73: {  	_ =	shalt  }
0x74: {  	_ =	shalt  }
0x75: {  	_ =	shalt  }
0x76: {  	_ =	shalt  }
0x77: {  	_ =	shalt  }
0x78: {  	_ =	shalt  }
0x79: {  	_ =	shalt  }
0x7a: {  	_ =	shalt  }
0x7b: {  	_ =	shalt  }
0x7c: {  	_ =	shalt  }
0x7d: {  	_ =	shalt  }
0x7e: {  	_ =	shalt  }
0x7f: {  	_ =	shalt  }
0x80: {  	_ =	shalt  }
0x81: {  	_ =	shalt  }
0x82: {  	_ =	shalt  }
0x83: {  	_ =	shalt  }
0x84: {  	_ =	shalt  }
0x85: {  	_ =	shalt  }
0x86: {  	_ =	shalt  }
0x87: {  	_ =	shalt  }
.Lfunc_end0:
.L_simem_size_0:
called_computation_lowered:
.L_overlay_start_0:
0x88: {  	s2 =	sld [smem:$0x3FD9]  }
0x89: {  	s3 =	sld [smem:$0x3FFE];
	_ =	sdelay $0x1  }
0x8a: {  	s1 =	srdreg.scid  }
0x8b: {  	s0 =	sand.u32 $0x1, s1  }
0x8c: {  	s18 =	sshll.u32 s0, $0xA;
	s2 =	sadd.s32 s3, s2  }
0x8d: {  	s2 =	sadd.s32 s2, s18  }
0x8e: {  	[smem:$0x3FC5] =	sst s2  }
0x8f: {  	_ = 	snop  }
0x90: {  	s2 =	sld [smem:$0x3FC9]  }
0x91: {  	s19 =	sld [smem:$0x3FC8]  }
0x92: {  	s4 =	sld [smem:$0x3FC7]  }
0x93: {  	s5 =	sld [smem:$0x3FD0];
	(tm) =	ssettm $0x1  }
0x94: {  	s6 =	sld [smem:$0x3FFB];
	_ =	sdelay $0x3  }
0x95: {  	_ =	strace s6  }
0x96: {  	s6 =	sld [smem:$0x3FFC];
	_ =	sdelay $0x3  }
0x97: {  	_ =	strace s6  }
0x98: {  	s6 =	sld [smem:$0x3FFD];
	_ =	sdelay $0x3  }
0x99: {  	_ =	strace s6  }
0x9a: {  	_ =	strace $0x8FFFFFFF  }
0x9b: {  	s20 =	sld [smem:$0x3FDB];
	_ =	sdelay $0x1  }
0x9c: {  	s7 =	simm.s32 $_scs_section_size  }
0x9d: {  	s8 =	simm.s32 $_size__tile_overlayer_lowered;
	s9 =	simm.s32 $_tile_overlayer_lowered  }
0x9e: {  	s23 =	simm.s32 $0x1BFF;
	s22 =	sshll.u32 s9, $0x1;
	s6 =	sadd.s32 s7, s20  }
0x9f: {  	s10 =	simm.s32 $0x0;
	s21 =	sshll.u32 s8, $0x1;
	s8 =	sadd.s32 s22, s6  }
0xa0: {  	[timem:s10], [sflag:s23] =	dma.local [hbm:s8], s21  }
0xa1: {  	_ =	swait.ge [sflag:s23], s21  }
0xa2: {  	s7 =	ssub.s32 $0x0, s21;
	[sflag:s23] =	ssyncset.done $0x0  }
0xa3: {  	[sflag:s23] =	ssyncadd.s32 s7;
	_ =	sdelay $0x1  }
0xa4: {  	s24 =	simm.s32 $0x1B8B  }
0xa5: {  	_ =	swait.ge [sflag:s24], $0x1  }
0xa6: {  	[sflag:s24] =	ssyncset.done $0x0  }
0xa7: {  	s25 =	simm.s32 $0x1B8E;
	[sflag:s24] =	ssyncadd.s32 $0xFFFFFFFF  }
0xa8: {  	s26 =	simm.s32 $execute0_lowered;
	[smem:$0x3FD2] =	sst s25  }
0xa9: {  	s7 =	sshll.u32 s26, $0x1;
	_ =	strace $0x80000046;
	[dreg:$0x1] =	wrdreg $0xFFFFFFFF  }
0xaa: {  	s28 =	simm.s32 $_size_execute0_lowered;
	s6 =	sadd.s32 s6, s7;
	[dreg:$0x0] =	wrdreg $0x0  }
0xab: {  	s7 =	sshll.u32 s28, $0x1;
	[dreg:$0x2] =	wrdreg s6  }
0xac: {  	[dreg:$0x3] =	wrdreg s7  }
0xad: {  	[dreg:$0x4] =	wrdreg $0xC0  }
0xae: {  	_ =	task [dreg:s10], $0x5FFFF  }
0xaf: {  	[dreg:$0x1] =	wrdreg $0xFFFFFFFF  }
0xb0: {  	[dreg:$0x0] =	wrdreg $0x60  }
0xb1: {  	[dreg:$0x2] =	wrdreg s2  }
0xb2: {  	[dreg:$0x3] =	wrdreg s19  }
0xb3: {  	[dreg:$0x4] =	wrdreg s4  }
0xb4: {  	[dreg:$0x5] =	wrdreg s5  }
0xb5: {  	[dreg:$0x6] =	wrdreg $0x9  }
0xb6: {  	_ =	task.clear_ibuf [dreg:s10], $0x7FFFF;
	_ =	strace $0x90000046  }
0xb7: {  	s29 =	simm.s32 $0x9;
	_ =	strace $0x80000048  }
0xb8: {  	_ =	swait.ge [sflag:s29], $0x1  }
0xb9: {  	[sflag:s29] =	ssyncadd.s32 $0xFFFFFFFF  }
0xba: {  	_ =	strace $0x90000048  }
0xbb: {  	_ =	sfence  }
0xbc: {  	s30 =	sld [smem:$0x0];
	_ =	sdelay $0x2  }
0xbd: {  	s31 =	sshll.u32 s1, $0xD;
	s1 =	sshrl.u32 s1, $0x2  }
0xbe: {  	s3 =	sand.u32 $0x4000, s31;
	s1 =	sadd.s32 s1, s30  }
0xbf: {  	s0 =	sor.u32 s3, s0;
	s1 =	sshll.u32 s1, $0x11  }
0xc0: {  	s0 =	sor.u32 s1, s0  }
0xc1: {  	s0 =	sadd.s32 $0x8F2B, s0  }
0xc2: {  	[sflag:s0] =	ssyncadd.remote.s32 $0x1  }
0xc3: {  	_ =	sfence.sel $0xFFFF  }
0xc4: {  	[dreg:$0x0] =	wrdreg $0xFFFFFFFF;
	(pc) =	sbr.abs _section_cstart, $3  }
0xc5: {  	[dreg:$0x1] =	wrdreg $0xFFFFFFFF  }
0xc6: {  	_ =	task.clear_ibuf [dreg:s10], $0x2FFFF;
	_ =	strace $0x9FFFFFFF  }
0xc7: {  	(tm) =	ssettm $0x7FFFFFFF  }
tec
execute0_lowered:
.L_overlay_start_1:
0x0: {  	(tag) =	ssettag $0x1  }
0x1: {  	s1 =	rddreg [dreg:$0x0]  }
0x2: {  	s2 =	rddreg [dreg:$0x1]  }
0x3: {  	s4 =	rddreg [dreg:$0x2]  }
0x4: {  	s3 =	srdreg.scid;
	s0 =	stileid.u32  }
0x5: {  	s6 =	rddreg [dreg:$0x3];
	s10 =	simm.s32 $0x9;
	s11 =	simm.s32 $0xA  }
0x6: {  	s14 =	simm.s32 $0x19800;
	s7 =	sand.u32 $0x1, s3;
	s5 =	sshll.u32 s0, $0x1  }
0x7: {  	s15 =	simm.s32 $0x1B000;
	s16 =	simm.s32 $0xB;
	s8 =	sor.u32 s7, s5  }
0x8: {  	s17 =	simm.s32 $0x0;
	s3 =	rddreg [dreg:$0x4];
	s12 =	smul.u32 $0x139, s8  }
.Ltmp0:
0x9: {  	s5 =	simm.s32 $0x0;
	s7 =	ssub.s32 $0x2, s7;
	(pc) =	sbr.rel .LBB2_1-.Ltmp0, $4  }
0xa: {  	[smem:$0x7FF] =	sst s5;
	s9 =	sshrl.u32 s7, $0x1;
	s8 =	smul.u32 $0x1390, s8  }
0xb: {  	_ =	strace $0x80000047;
	s7 =	ssub.s32 s7, s9;
	s9 =	simm.s32 $0xDB80  }
0xc: {  	v2 =	vimm.f32 $0.0e+00;
	v3 =	vimm.s32 $0x0;
	v4 =	vimm.s32 $0x139;
	s13 =	sadd.s32 $0x139, s12;
	s6 =	sadd.s32 s6, s8;
	s7 =	smax.u32 s7, $0x1  }
0xd: {  	vm0 =	vmmov $0xffff;
	s8 =	simm.s32 $0x9D00;
	v0 =	vmov s12;
	s12 =	simm.s32 $0x11A00;
	v1 =	vmov s13;
	s13 =	simm.s32 $0x15900  }
.LBB2_12:
0xe: {  	s17 =	sadd.s32 $0x1, s17  }
0xf: {  	p0 =	sne.s32 s17, s7  }
.Ltmp1:
0x10: {  	_ = 	snop;
	(pc) =	sbr.rel @!p0 .LBB2_13-.Ltmp1, $4  }
0x11: {  	[hbm4b:s6+s5] =	stream.linear.scatter [tilespmem:s5], [sflag:$0xB], $0x9C80, $0x38;
	[tilespmem:$0x1D800] =	vst v63  }
0x12: {  	_ =	swait.ge [sflag:s16], $0x9C80  }
0x13: {  	[sflag:s16] =	ssyncset.done $0x0  }
0x14: {  	[sflag:s16] =	ssyncadd.s32 $0xFFFF6380  }
.LBB2_1:
0x15: {  	s18 =	simm.s32 $0x40;
	s19 =	simm.s32 $0x0  }
.LBB2_2:
0x16: {  	p0 =	sne.s32 s18, $0x273C0;
	[tilespmem:s19+$0x0] =	vst v2;
	s19 =	smov.u32 s18;
	s18 =	sadd.s32 $0x40, s18  }
.Ltmp2:
0x17: {  	(pc) =	sbr.rel @p0 .LBB2_2-.Ltmp2, $2  }
0x18: {  	_ =	sdelay $0x2  }
0x19: {  	s19 =	sshra.s32 s19, $0x2  }
.Ltmp3:
0x1a: {  	(pc) =	sbr.rel .LBB2_5-.Ltmp3, $4  }
0x1b: {  	[tilespmem:s19+$0x0] =	vst v2;
	s18 =	simm.s32 $0x0  }
0x1c: {  	[tilespmem:s8], [sflag:$0x9] =	stream.linear.gather [hbm4b:s2+s18], $0x1F40, $0x38;
	[tilespmem:$0x1D800] =	vst v63  }
0x1d: {  	p0 =	por $0x0, $0x0  }
0x1e: {  	[tilespmem:s9], [sflag:$0xA] =	stream.linear.gather [hbm4b:s4+s18], $0x1F40, $0x38;
	[tilespmem:$0x1D800] =	vst v63  }
.LBB2_4:
0x1f: {  	p1 =	seq.s32 s18, $0x28  }
.Ltmp4:
0x20: {  	_ = 	snop;
	(pc) =	sbr.rel @p1 .LBB2_12-.Ltmp4, $2  }
0x21: {  	_ =	sdelay $0x2  }
0x22: {  	p0 =	por !p0, !p0  }
.LBB2_5:
0x23: {  	s19 =	simm.s32 $0x1;
	_ =	swait.ge [sflag:s10], $0x1F40  }
0x24: {  	s20 =	sand.u32 $0x1, s18;
	p1 =	seq.s32 s18, $0x27;
	s19 =	simm.s32 @!p0 $0x0  }
0x25: {  	s18 =	sadd.s32 $0x1, s18;
	[sflag:s10] =	ssyncset.done $0x0;
	s21 =	smul.u32 $0x7D00, s19  }
0x26: {  	s22 =	sxor.u32 @!p1 $0x1, s20;
	s23 =	smul.u32 @!p1 $0x3E8, s18;
	[sflag:s10] =	ssyncadd.s32 $0xFFFFE0C0  }
0x27: {  	s22 =	smul.u32 @!p1 $0x1F40, s22;
	_ =	swait.ge [sflag:s11], $0x1F40;
	s21 =	sshrl.u32 s21, $0x2  }
0x28: {  	s28 =	simm.s32 @!p1 $0x0;
	[sflag:s11] =	ssyncset.done $0x0;
	s24 =	sadd.s32 $0xDBB0, s21  }
0x29: {  	s26 =	sadd.s32 @!p1 s2, s23;
	s25 =	sadd.s32 @!p1 $0x9D00, s22;
	[sflag:s11] =	ssyncadd.s32 $0xFFFFE0C0;
	v6 =	vmov s24  }
0x2a: {  	[tilespmem:s25], [sflag:$0x9] =	stream.linear.gather @!p1 [hbm4b:s26+s28], $0x1F40, $0x38;
	[tilespmem:$0x1D800] =	vst v63  }
0x2b: {  	s23 =	sadd.s32 @!p1 s4, s23;
	s22 =	sadd.s32 @!p1 $0xDB80, s22  }
0x2c: {  	[tilespmem:s22], [sflag:$0xA] =	stream.linear.gather @!p1 [hbm4b:s23+s28], $0x1F40, $0x38;
	[tilespmem:$0x1D800] =	vst v63  }
0x2d: {  	s23 =	simm.s32 $0x0  }
0x2e: {  	v7 =	vld.idx.msk [tilespmem:v6+s23+$0xFFFFFFD0 ss:$0x1], $0xffff;
	_ =	sdelay $0x1  }
0x2f: {  	v9 =	vld.idx.msk [tilespmem:v6+s23+$0xFFFFFFE0 ss:$0x1], $0xffff;
	_ =	sdelay $0x1  }
0x30: {  	v10 =	vld.idx.msk [tilespmem:v6+s23+$0xFFFFFFF0 ss:$0x1], $0xffff  }
0x31: {  	vm1 =	vge.s32 v7, v0;
	vm2 =	vlt.s32 v7, v1  }
0x32: {  	vm4 =	vmand vm1, vm2  }
0x33: {  	vm1 =	vge.s32 v9, v0;
	vm2 =	vlt.s32 v9, v1;
	v5 =	vsel vm4, $0x1, v3  }
0x34: {  	vm3 =	vmand vm1, vm2;
	(xrf0) =	vadd.scan.msk.s32 $0xffff, v5  }
0x35: {  	vm1 =	vge.s32 v10, v0;
	vm2 =	vlt.s32 v10, v1;
	v5 =	vsel vm3, $0x1, v3  }
0x36: {  	vm2 =	vmand vm1, vm2;
	(xrf0) =	vadd.scan.msk.s32 $0xffff, v5  }
0x37: {  	v5 =	vsel vm2, $0x1, v3  }
0x38: {  	v11 =	vld.idx.msk [tilespmem:v6+s23+$0x0 ss:$0x1], $0xffff;
	(xrf0) =	vadd.scan.msk.s32 $0xffff, v5;
	_ =	sdelay $0x1  }
0x39: {  	v8, _, _ =	vpop (xrf0)  }
0x3a: {  	(v2sf) =	vpush v8, $0xF  }
0x3b: {  	v12, _, _ =	vpop (xrf0)  }
0x3c: {  	vm5 =	vlt.s32 v11, v1;
	vm1 =	vge.s32 v11, v0;
	(v2sf) =	vpush v12, $0xF  }
0x3d: {  	vm1 =	vmand vm1, vm5;
	v13, _, _ =	vpop (xrf0)  }
0x3e: {  	v5 =	vsel vm1, $0x1, v3;
	(v2sf) =	vpush v13, $0xF  }
0x3f: {  	(xrf0) =	vadd.scan.msk.s32 $0xffff, v5;
	_ =	sdelay $0x5  }
0x40: {  	v14, _, _ =	vpop (xrf0)  }
0x41: {  	(v2sf) =	vpush v14, $0xF  }
0x42: {  	s22 =	smul.u32 $0x1F50, s20  }
0x43: {  	s29 =	sadd.s32 $0x9D20, s21  }
0x44: {  	s30 =	sadd.s32 $0x0, s22;
	v5 =	vmov s29;
	s31 =	spop (v2sf)  }
0x45: {  	v15 =	vmov s30;
	s21 =	sadd.s32 $0x0, s31  }
0x46: {  	v15 =	vadd.s32 $0xFFFFFFFF, v15;
	s24 =	spop (v2sf);
	s25 =	sadd.s32 s22, s21  }
0x47: {  	v15 =	vbroadcast v15, $0x0;
	s20 =	sadd.s32 s21, s24;
	v16 =	vmov s25  }
0x48: {  	s26 =	spop (v2sf);
	s21 =	sadd.s32 s22, s20;
	v16 =	vadd.s32 $0xFFFFFFFF, v16  }
0x49: {  	v8 =	vadd.s32 v8, v15;
	v62 =	vld.idx.msk [tilespmem:v5+s23+$0xFFFFFFE0 ss:$0x1], $0xffff;
	s20 =	sadd.s32 s20, s26;
	v17 =	vmov s21;
	v16 =	vbroadcast v16, $0x0  }
0x4a: {  	s28 =	sadd.s32 s22, s20;
	v17 =	vadd.s32 $0xFFFFFFFF, v17  }
0x4b: {  	v18 =	vld.idx.msk [tilespmem:v5+s23+$0xFFFFFFF0 ss:$0x1], $0xffff;
	v63 =	vmov s28;
	v17 =	vbroadcast v17, $0x0;
	v12 =	vadd.s32 v12, v16  }
0x4c: {  	v16 =	vadd.s32 $0xFFFFFFFF, v63  }
0x4d: {  	v19 =	vld.idx.msk [tilespmem:v5+s23+$0x0 ss:$0x1], $0xffff;
	v13 =	vadd.s32 v13, v17;
	v16 =	vbroadcast v16, $0x0  }
0x4e: {  	v7 =	vsub.s32 v7, v0;
	v20 =	vld.idx.msk [tilespmem:v5+s23+$0x10 ss:$0x1], $0xffff;
	[tilespmem:v8+s12+$0x0] =	vst.idx.msk vm4, v62  }
0x4f: {  	[tilespmem:v8+s13+$0x0] =	vst.idx.msk vm4, v7;
	v8 =	vadd.s32 v14, v16  }
0x50: {  	s19 =	smul.u32 $0x7D40, s19;
	v7 =	vsub.s32 v9, v0;
	s29 =	spop (v2sf);
	[tilespmem:v12+s12+$0x0] =	vst.idx.msk vm3, v18  }
0x51: {  	s21 =	sadd.s32 s20, s29;
	[tilespmem:v12+s13+$0x0] =	vst.idx.msk vm3, v7  }
0x52: {  	s30 =	sshrl.u32 s19, $0x2;
	s31 =	sadd.s32 s22, s21;
	v7 =	vsub.s32 v10, v0;
	[tilespmem:v13+s12+$0x0] =	vst.idx.msk vm2, v19  }
0x53: {  	s19 =	sadd.s32 $0x11A80, s30;
	v9 =	vmov s31;
	[tilespmem:v13+s13+$0x0] =	vst.idx.msk vm2, v7  }
0x54: {  	s23 =	simm.s32 $0x100;
	s24 =	simm.s32 $0x200;
	s20 =	sadd.s32 $0x15900, s30;
	v7 =	vadd.s32 $0xFFFFFFFF, v9;
	v9 =	vsub.s32 v11, v0;
	[tilespmem:v8+s12+$0x0] =	vst.idx.msk vm1, v20  }
.LBB2_6:
0x55: {  	p1 =	sne.s32 s24, $0x7C00  }
0x56: {  	s25 =	sshra.s32 s23, $0x2;
	[tilespmem:v8+s13+$0x0] =	vst.idx.msk vm1, v9;
	s23 =	smov.u32 s24;
	s24 =	sadd.s32 $0x100, s24  }
0x57: {  	v8 =	vld.idx.msk [tilespmem:v6+s25+$0xFFFFFFD0 ss:$0x1], $0xffff  }
0x58: {  	v9 =	vld.idx.msk [tilespmem:v6+s25+$0xFFFFFFE0 ss:$0x1], $0xffff  }
0x59: {  	v10 =	vld.idx.msk [tilespmem:v6+s25+$0xFFFFFFF0 ss:$0x1], $0xffff;
	_ =	sdelay $0x2  }
0x5a: {  	v11 =	vld.idx.msk [tilespmem:v6+s25+$0x0 ss:$0x1], $0xffff  }
0x5b: {  	vm1 =	vge.s32 v8, v0;
	vm2 =	vlt.s32 v8, v1  }
0x5c: {  	vm3 =	vmand vm1, vm2;
	vm1 =	vge.s32 v9, v0;
	vm2 =	vlt.s32 v9, v1  }
0x5d: {  	v12 =	vsel vm3, $0x1, v3;
	vm2 =	vmand vm1, vm2;
	vm1 =	vge.s32 v10, v0  }
0x5e: {  	vm4 =	vlt.s32 v10, v1;
	v13 =	vsel vm2, $0x1, v3;
	(xrf0) =	vadd.scan.msk.s32 $0xffff, v12  }
0x5f: {  	(xrf0) =	vadd.scan.msk.s32 $0xffff, v13  }
0x60: {  	vm4 =	vmand vm1, vm4;
	vm1 =	vge.s32 v11, v0;
	vm5 =	vlt.s32 v11, v1  }
0x61: {  	v12 =	vsel vm4, $0x1, v3;
	vm1 =	vmand vm1, vm5  }
0x62: {  	v13 =	vsel vm1, $0x1, v3;
	(xrf0) =	vadd.scan.msk.s32 $0xffff, v12  }
0x63: {  	v14 =	vbroadcast v7, $0x0;
	(xrf0) =	vadd.scan.msk.s32 $0xffff, v13  }
0x64: {  	v12, _, _ =	vpop (xrf0)  }
0x65: {  	v13 =	vadd.s32 v12, v14;
	v7, _, _ =	vpop (xrf0);
	(v2sf) =	vpush v12, $0xF  }
0x66: {  	(v2sf) =	vpush v7, $0xF;
	_ =	sdelay $0x1  }
0x67: {  	v12, _, _ =	vpop (xrf0)  }
0x68: {  	v14, _, _ =	vpop (xrf0);
	(v2sf) =	vpush v12, $0xF  }
0x69: {  	(v2sf) =	vpush v14, $0xF;
	_ =	sdelay $0x9  }
0x6a: {  	s26 =	spop (v2sf)  }
0x6b: {  	s21 =	sadd.s32 s21, s26;
	s26 =	spop (v2sf)  }
0x6c: {  	s28 =	sadd.s32 s22, s21;
	s21 =	sadd.s32 s21, s26  }
0x6d: {  	v15 =	vmov s28;
	s26 =	sadd.s32 s22, s21  }
0x6e: {  	v16 =	vld.idx.msk [tilespmem:v5+s25+$0xFFFFFFE0 ss:$0x1], $0xffff;
	v15 =	vadd.s32 $0xFFFFFFFF, v15;
	v17 =	vmov s26;
	s26 =	spop (v2sf)  }
0x6f: {  	v15 =	vbroadcast v15, $0x0;
	v17 =	vadd.s32 $0xFFFFFFFF, v17;
	s21 =	sadd.s32 s21, s26;
	s26 =	spop (v2sf)  }
0x70: {  	v18 =	vld.idx.msk [tilespmem:v5+s25+$0xFFFFFFF0 ss:$0x1], $0xffff;
	v17 =	vbroadcast v17, $0x0;
	s28 =	sadd.s32 s22, s21;
	s21 =	sadd.s32 s21, s26  }
0x71: {  	s26 =	sadd.s32 s22, s21;
	v15 =	vadd.s32 v7, v15;
	v7 =	vmov s28  }
0x72: {  	v19 =	vmov s26;
	v20 =	vld.idx.msk [tilespmem:v5+s25+$0x0 ss:$0x1], $0xffff;
	v21 =	vadd.s32 $0xFFFFFFFF, v7  }
0x73: {  	v12 =	vadd.s32 v12, v17;
	v7 =	vadd.s32 $0xFFFFFFFF, v19;
	v19 =	vld.idx.msk [tilespmem:v5+s25+$0x10 ss:$0x1], $0xffff;
	v17 =	vbroadcast v21, $0x0  }
0x74: {  	v8 =	vsub.s32 v8, v0;
	[tilespmem:v13+s12+$0x0] =	vst.idx.msk vm3, v16  }
0x75: {  	[tilespmem:v13+s13+$0x0] =	vst.idx.msk vm3, v8;
	v8 =	vadd.s32 v14, v17  }
.Ltmp5:
0x76: {  	v9 =	vsub.s32 v9, v0;
	[tilespmem:v15+s12+$0x0] =	vst.idx.msk vm2, v18;
	(pc) =	sbr.rel @p1 .LBB2_6-.Ltmp5, $4  }
0x77: {  	[tilespmem:v15+s13+$0x0] =	vst.idx.msk vm2, v9  }
0x78: {  	v9 =	vsub.s32 v10, v0;
	[tilespmem:v12+s12+$0x0] =	vst.idx.msk vm4, v20  }
0x79: {  	[tilespmem:v12+s13+$0x0] =	vst.idx.msk vm4, v9  }
0x7a: {  	v9 =	vsub.s32 v11, v0;
	[tilespmem:v8+s12+$0x0] =	vst.idx.msk vm1, v19  }
0x7b: {  	_ =	sdelay $0x4  }
0x7c: {  	s23 =	sshra.s32 s23, $0x2;
	[tilespmem:v8+s13+$0x0] =	vst.idx.msk vm1, v9  }
0x7d: {  	v8 =	vld.idx.msk [tilespmem:v6+s23+$0xFFFFFFD0 ss:$0x1], $0xffff;
	_ =	sdelay $0x2  }
0x7e: {  	v9 =	vld.idx.msk [tilespmem:v6+s23+$0xFFFFFFE0 ss:$0x1], $0xffff;
	_ =	sdelay $0x1  }
0x7f: {  	v10 =	vld.idx.msk [tilespmem:v6+s23+$0xFFFFFFF0 ss:$0x1], $0xffff;
	vm1 =	vge.s32 v8, v0;
	vm2 =	vlt.s32 v8, v1  }
0x80: {  	v6 =	vld.idx.msk [tilespmem:v6+s23+$0x0 ss:$0x1], $0xffff;
	vm4 =	vmand vm1, vm2  }
0x81: {  	v11 =	vsel vm4, $0x1, v3  }
0x82: {  	vm1 =	vge.s32 v9, v0;
	vm2 =	vlt.s32 v9, v1;
	(xrf0) =	vadd.scan.msk.s32 $0xffff, v11  }
0x83: {  	vm3 =	vmand vm1, vm2  }
0x84: {  	vm1 =	vge.s32 v10, v0;
	vm2 =	vlt.s32 v10, v1;
	v56 =	vsel vm3, $0x1, v3  }
0x85: {  	vm5 =	vlt.s32 v6, v1;
	vm2 =	vmand vm1, vm2;
	vm1 =	vge.s32 v6, v0;
	(xrf0) =	vadd.scan.msk.s32 $0xffff, v56  }
0x86: {  	v57 =	vsel vm2, $0x1, v3;
	vm1 =	vmand vm1, vm5  }
0x87: {  	(xrf0) =	vadd.scan.msk.s32 $0xffff, v57;
	v12 =	vsel vm1, $0x1, v3  }
0x88: {  	v58, _, _ =	vpop (xrf0);
	(xrf0) =	vadd.scan.msk.s32 $0xffff, v12;
	_ =	sdelay $0x1  }
0x89: {  	(v2sf) =	vpush v58, $0xF  }
0x8a: {  	v13, _, _ =	vpop (xrf0)  }
0x8b: {  	(v2sf) =	vpush v13, $0xF  }
0x8c: {  	v59, _, _ =	vpop (xrf0)  }
0x8d: {  	(v2sf) =	vpush v59, $0xF;
	v14, _, _ =	vpop (xrf0)  }
0x8e: {  	(v2sf) =	vpush v14, $0xF;
	_ =	sdelay $0x9  }
0x8f: {  	s24 =	spop (v2sf)  }
0x90: {  	s21 =	sadd.s32 s21, s24  }
0x91: {  	s29 =	spop (v2sf);
	s25 =	sadd.s32 s22, s21  }
0x92: {  	v7 =	vbroadcast v7, $0x0;
	s21 =	sadd.s32 s21, s29;
	v15 =	vmov s25  }
0x93: {  	s30 =	spop (v2sf);
	s24 =	sadd.s32 s22, s21;
	v15 =	vadd.s32 $0xFFFFFFFF, v15  }
0x94: {  	v60 =	vld.idx.msk [tilespmem:v5+s23+$0xFFFFFFE0 ss:$0x1], $0xffff;
	v7 =	vadd.s32 v58, v7;
	s21 =	sadd.s32 s21, s30;
	v16 =	vmov s24;
	v15 =	vbroadcast v15, $0x0;
	s25 =	spop (v2sf)  }
0x95: {  	s31 =	sadd.s32 s22, s21;
	v16 =	vadd.s32 $0xFFFFFFFF, v16;
	s21 =	sadd.s32 s21, s25  }
0x96: {  	v17 =	vld.idx.msk [tilespmem:v5+s23+$0xFFFFFFF0 ss:$0x1], $0xffff;
	v61 =	vmov s31;
	v16 =	vbroadcast v16, $0x0;
	v13 =	vadd.s32 v13, v15;
	s26 =	sadd.s32 $0xF, s21  }
0x97: {  	v15 =	vadd.s32 $0xFFFFFFFF, v61;
	s28 =	sand.u32 $0xF, s26  }
0x98: {  	v18 =	vld.idx.msk [tilespmem:v5+s23+$0x0 ss:$0x1], $0xffff;
	v12 =	vadd.s32 v59, v16;
	v15 =	vbroadcast v15, $0x0;
	s29 =	sshra.s32 s26, $0x1F;
	p1 =	slt.s32 s26, $0x1;
	p2 =	sne.s32 s28, $0x0  }
0x99: {  	v5 =	vld.idx.msk [tilespmem:v5+s23+$0x10 ss:$0x1], $0xffff;
	v8 =	vsub.s32 v8, v0;
	[tilespmem:v7+s12+$0x0] =	vst.idx.msk vm4, v60;
	s30 =	sshrl.u32 s29, $0x1C;
	p1 =	por !p1, !p2  }
0x9a: {  	[tilespmem:v7+s13+$0x0] =	vst.idx.msk vm4, v8;
	s24 =	simm.s32 $0x1;
	v7 =	vadd.s32 v14, v15;
	s23 =	sadd.s32 s30, s26;
	p1 =	por !p1, !p1  }
0x9b: {  	v62 =	vsub.s32 v9, v0;
	[tilespmem:v13+s12+$0x0] =	vst.idx.msk vm3, v17;
	s23 =	sshra.s32 s23, $0x4;
	s24 =	simm.s32 @!p1 $0x0  }
0x9c: {  	s31 =	sadd.s32 s22, s21;
	[tilespmem:v13+s13+$0x0] =	vst.idx.msk vm3, v62;
	s21 =	ssub.s32 s23, s24  }
0x9d: {  	v63 =	vsub.s32 v10, v0;
	[tilespmem:v12+s12+$0x0] =	vst.idx.msk vm2, v18;
	p1 =	slt.s32 s21, $0x1  }
.Ltmp6:
0x9e: {  	[tilespmem:v12+s13+$0x0] =	vst.idx.msk vm2, v63;
	(pc) =	sbr.rel @p1 .LBB2_4-.Ltmp6, $4  }
0x9f: {  	[tilespmem:v7+s12+$0x0] =	vst.idx.msk vm1, v5;
	v5 =	vsub.s32 v6, v0  }
0xa0: {  	[tilespmem:v7+s13+$0x0] =	vst.idx.msk vm1, v5  }
0xa1: {  	[tilespmem:s31+$0x11A00] =	vst v3  }
0xa2: {  	[tilespmem:s31+$0x15900] =	vst v4  }
0xa3: {  	v5 =	vld [tilespmem:s22+$0x11A00];
	_ =	sdelay $0x6  }
0xa4: {  	p1 =	seq.s32 s21, $0x1  }
0xa5: {  	[tilespmem:s14], [sflag:$0x1] =	stream.indirect_vreg.gather [hbm4b:s1+s5], $0x80, v5, vm0, $0xb8;
	[tilespmem:$0x1D800] =	vst v63  }
0xa6: {  	v5 =	vld @!p1 [tilespmem:s22+$0x11A10];
	_ =	sdelay $0x6  }
0xa7: {  	vm1 =	vmmov @!p1 $0xffff;
	s23 =	simm.s32 @!p1 $0x0;
	s24 =	simm.s32 @!p1 $0x1A000;
	p2 =	slt.u32 @!p1 s21, $0x3  }
0xa8: {  	[tilespmem:s24], [sflag:$0x2] =	stream.indirect_vreg.gather @!p1 [hbm4b:s1+s23], $0x80, v5, vm1, $0xb8;
	[tilespmem:$0x1D800] =	vst v63  }
0xa9: {  	p1 =	por p1, p2  }
0xaa: {  	v5 =	vld @!p1 [tilespmem:s22+$0x11A20];
	_ =	sdelay $0x6  }
0xab: {  	vm1 =	vmmov @!p1 $0xffff;
	s23 =	simm.s32 @!p1 $0x0;
	s24 =	simm.s32 @!p1 $0x1A800;
	p2 =	seq.s32 @!p1 s21, $0x3  }
0xac: {  	[tilespmem:s24], [sflag:$0x3] =	stream.indirect_vreg.gather @!p1 [hbm4b:s1+s23], $0x80, v5, vm1, $0xb8;
	[tilespmem:$0x1D800] =	vst v63  }
0xad: {  	p1 =	por p1, p2  }
.Ltmp7:
0xae: {  	_ = 	snop;
	(pc) =	sbr.rel @p1 .LBB2_10-.Ltmp7, $1  }
0xaf: {  	_ =	sdelay $0x3  }
0xb0: {  	v5 =	vld [tilespmem:s22+$0x11A30];
	_ =	sdelay $0x6  }
0xb1: {  	p1 =	slt.u32 s21, $0x5  }
0xb2: {  	[tilespmem:s15], [sflag:$0x4] =	stream.indirect_vreg.gather [hbm4b:s1+s5], $0x80, v5, vm0, $0xb8;
	[tilespmem:$0x1D800] =	vst v63  }
0xb3: {  	v5 =	vld @!p1 [tilespmem:s22+$0x11A40];
	_ =	sdelay $0x5  }
0xb4: {  	p2 =	seq.s32 @!p1 s21, $0x5  }
0xb5: {  	vm1 =	vmmov @!p1 $0xffff;
	s23 =	simm.s32 @!p1 $0x0;
	s24 =	simm.s32 @!p1 $0x1B800;
	p3 =	por p2, p1  }
0xb6: {  	[tilespmem:s24], [sflag:$0x5] =	stream.indirect_vreg.gather @!p1 [hbm4b:s1+s23], $0x80, v5, vm1, $0xb8;
	[tilespmem:$0x1D800] =	vst v63  }
0xb7: {  	v5 =	vld @!p3 [tilespmem:s22+$0x11A50];
	_ =	sdelay $0x4  }
0xb8: {  	p4 =	slt.u32 @!p3 s21, $0x7  }
0xb9: {  	p5 =	por @!p1 p4, p2  }
0xba: {  	p5 =	por p5, p1;
	vm1 =	vmmov @!p3 $0xffff;
	s23 =	simm.s32 @!p3 $0x0;
	s24 =	simm.s32 @!p3 $0x1C000  }
0xbb: {  	[tilespmem:s24], [sflag:$0x6] =	stream.indirect_vreg.gather @!p3 [hbm4b:s1+s23], $0x80, v5, vm1, $0xb8;
	[tilespmem:$0x1D800] =	vst v63  }
0xbc: {  	v5 =	vld @!p5 [tilespmem:s22+$0x11A60];
	_ =	sdelay $0x6  }
0xbd: {  	vm1 =	vmmov @!p5 $0xffff;
	s23 =	simm.s32 @!p5 $0x0;
	s24 =	simm.s32 @!p5 $0x1C800  }
0xbe: {  	[tilespmem:s24], [sflag:$0x7] =	stream.indirect_vreg.gather @!p5 [hbm4b:s1+s23], $0x80, v5, vm1, $0xb8;
	[tilespmem:$0x1D800] =	vst v63  }
0xbf: {  	p5 =	seq.s32 @!p5 s21, $0x7  }
0xc0: {  	p3 =	por @!p3 p5, p4  }
0xc1: {  	p2 =	por @!p1 p3, p2  }
0xc2: {  	p1 =	por p2, p1  }
0xc3: {  	v5 =	vld @!p1 [tilespmem:s22+$0x11A70];
	_ =	sdelay $0x6  }
0xc4: {  	vm1 =	vmmov @!p1 $0xffff;
	s22 =	simm.s32 @!p1 $0x0;
	s23 =	simm.s32 @!p1 $0x1D000  }
0xc5: {  	[tilespmem:s23], [sflag:$0x8] =	stream.indirect_vreg.gather @!p1 [hbm4b:s1+s22], $0x80, v5, vm1, $0xb8;
	[tilespmem:$0x1D800] =	vst v63  }
.LBB2_10:
0xc6: {  	s22 =	simm.s32 $0x0  }
.LBB2_11:
0xc7: {  	v5 =	vld [tilespmem:s20+$0x0];
	_ =	sdelay $0x3  }
0xc8: {  	s24 =	sand.u32 $0x7, s22  }
0xc9: {  	s23 =	sadd.s32 $0x1, s24;
	v5 =	vshll.u32 v5, $0x9  }
0xca: {  	_ =	swait.ge [sflag:s23], $0x800;
	v5 =	vshra.s32 v5, $0x2  }
0xcb: {  	(v2sf) =	vpush v5, $0x0;
	_ =	sdelay $0xc  }
0xcc: {  	[sflag:s23] =	ssyncset.done $0x0  }
0xcd: {  	s24 =	sshll.u32 s24, $0xB;
	[sflag:s23] =	ssyncadd.s32 $0xFFFFF800  }
0xce: {  	v7 =	vld [tilespmem:s24+$0x19800];
	s25 =	spop (v2sf)  }
0xcf: {  	v6 =	vld [tilespmem:s25+$0x0];
	_ =	sdelay $0x4  }
0xd0: {  	v6 =	vmax.f32 v6, v7  }
0xd1: {  	[tilespmem:s25+$0x0] =	vst v6;
	v6 =	vld [tilespmem:s25+$0x10]  }
0xd2: {  	v7 =	vld [tilespmem:s24+$0x19810];
	_ =	sdelay $0x4  }
0xd3: {  	v6 =	vmax.f32 v6, v7  }
0xd4: {  	[tilespmem:s25+$0x10] =	vst v6;
	v6 =	vld [tilespmem:s25+$0x20]  }
0xd5: {  	v7 =	vld [tilespmem:s24+$0x19820];
	_ =	sdelay $0x4  }
0xd6: {  	v6 =	vmax.f32 v6, v7  }
0xd7: {  	[tilespmem:s25+$0x20] =	vst v6;
	v6 =	vld [tilespmem:s25+$0x30]  }
0xd8: {  	v7 =	vld [tilespmem:s24+$0x19830];
	_ =	sdelay $0x4  }
0xd9: {  	v6 =	vmax.f32 v6, v7  }
0xda: {  	[tilespmem:s25+$0x30] =	vst v6;
	v6 =	vld [tilespmem:s25+$0x40]  }
0xdb: {  	v7 =	vld [tilespmem:s24+$0x19840];
	_ =	sdelay $0x4  }
0xdc: {  	v6 =	vmax.f32 v6, v7  }
0xdd: {  	[tilespmem:s25+$0x40] =	vst v6;
	v6 =	vld [tilespmem:s25+$0x50]  }
0xde: {  	v7 =	vld [tilespmem:s24+$0x19850];
	_ =	sdelay $0x4  }
0xdf: {  	(v2sf) =	vpush v5, $0x1;
	v6 =	vmax.f32 v6, v7  }
0xe0: {  	[tilespmem:s25+$0x50] =	vst v6;
	v6 =	vld [tilespmem:s25+$0x60]  }
0xe1: {  	v7 =	vld [tilespmem:s24+$0x19860];
	_ =	sdelay $0x4  }
0xe2: {  	v6 =	vmax.f32 v6, v7  }
0xe3: {  	[tilespmem:s25+$0x60] =	vst v6;
	v6 =	vld [tilespmem:s25+$0x70]  }
0xe4: {  	v7 =	vld [tilespmem:s24+$0x19870];
	_ =	sdelay $0x4  }
0xe5: {  	v6 =	vmax.f32 v6, v7  }
0xe6: {  	s26 =	spop (v2sf);
	[tilespmem:s25+$0x70] =	vst v6  }
0xe7: {  	v6 =	vld [tilespmem:s26+$0x0]  }
0xe8: {  	v7 =	vld [tilespmem:s24+$0x19880];
	_ =	sdelay $0x4  }
0xe9: {  	v6 =	vmax.f32 v6, v7  }
0xea: {  	[tilespmem:s26+$0x0] =	vst v6;
	v6 =	vld [tilespmem:s26+$0x10]  }
0xeb: {  	v7 =	vld [tilespmem:s24+$0x19890];
	_ =	sdelay $0x4  }
0xec: {  	v6 =	vmax.f32 v6, v7  }
0xed: {  	[tilespmem:s26+$0x10] =	vst v6;
	v6 =	vld [tilespmem:s26+$0x20]  }
0xee: {  	v7 =	vld [tilespmem:s24+$0x198A0];
	_ =	sdelay $0x4  }
0xef: {  	v6 =	vmax.f32 v6, v7  }
0xf0: {  	[tilespmem:s26+$0x20] =	vst v6;
	v6 =	vld [tilespmem:s26+$0x30]  }
0xf1: {  	v7 =	vld [tilespmem:s24+$0x198B0];
	_ =	sdelay $0x4  }
0xf2: {  	v6 =	vmax.f32 v6, v7  }
0xf3: {  	[tilespmem:s26+$0x30] =	vst v6;
	v6 =	vld [tilespmem:s26+$0x40]  }
0xf4: {  	v7 =	vld [tilespmem:s24+$0x198C0];
	_ =	sdelay $0x4  }
0xf5: {  	v6 =	vmax.f32 v6, v7  }
0xf6: {  	[tilespmem:s26+$0x40] =	vst v6;
	v6 =	vld [tilespmem:s26+$0x50]  }
0xf7: {  	v7 =	vld [tilespmem:s24+$0x198D0];
	_ =	sdelay $0x4  }
0xf8: {  	(v2sf) =	vpush v5, $0x2;
	v6 =	vmax.f32 v6, v7  }
0xf9: {  	[tilespmem:s26+$0x50] =	vst v6;
	v6 =	vld [tilespmem:s26+$0x60]  }
0xfa: {  	v7 =	vld [tilespmem:s24+$0x198E0];
	_ =	sdelay $0x4  }
0xfb: {  	v6 =	vmax.f32 v6, v7  }
0xfc: {  	[tilespmem:s26+$0x60] =	vst v6;
	v6 =	vld [tilespmem:s26+$0x70]  }
0xfd: {  	v7 =	vld [tilespmem:s24+$0x198F0];
	_ =	sdelay $0x4  }
0xfe: {  	v6 =	vmax.f32 v6, v7  }
0xff: {  	s28 =	spop (v2sf);
	[tilespmem:s26+$0x70] =	vst v6  }
0x100: {  	v6 =	vld [tilespmem:s28+$0x0]  }
0x101: {  	v7 =	vld [tilespmem:s24+$0x19900];
	_ =	sdelay $0x4  }
0x102: {  	v6 =	vmax.f32 v6, v7  }
0x103: {  	[tilespmem:s28+$0x0] =	vst v6;
	v6 =	vld [tilespmem:s28+$0x10]  }
0x104: {  	v7 =	vld [tilespmem:s24+$0x19910];
	_ =	sdelay $0x4  }
0x105: {  	v6 =	vmax.f32 v6, v7  }
0x106: {  	[tilespmem:s28+$0x10] =	vst v6;
	v6 =	vld [tilespmem:s28+$0x20]  }
0x107: {  	v7 =	vld [tilespmem:s24+$0x19920];
	_ =	sdelay $0x4  }
0x108: {  	v6 =	vmax.f32 v6, v7  }
0x109: {  	[tilespmem:s28+$0x20] =	vst v6;
	v6 =	vld [tilespmem:s28+$0x30]  }
0x10a: {  	v7 =	vld [tilespmem:s24+$0x19930];
	_ =	sdelay $0x4  }
0x10b: {  	v6 =	vmax.f32 v6, v7  }
0x10c: {  	[tilespmem:s28+$0x30] =	vst v6;
	v6 =	vld [tilespmem:s28+$0x40]  }
0x10d: {  	v7 =	vld [tilespmem:s24+$0x19940];
	_ =	sdelay $0x4  }
0x10e: {  	v6 =	vmax.f32 v6, v7  }
0x10f: {  	[tilespmem:s28+$0x40] =	vst v6;
	v6 =	vld [tilespmem:s28+$0x50]  }
0x110: {  	v7 =	vld [tilespmem:s24+$0x19950];
	_ =	sdelay $0x4  }
0x111: {  	(v2sf) =	vpush v5, $0x3;
	v6 =	vmax.f32 v6, v7  }
0x112: {  	[tilespmem:s28+$0x50] =	vst v6;
	v6 =	vld [tilespmem:s28+$0x60]  }
0x113: {  	v7 =	vld [tilespmem:s24+$0x19960];
	_ =	sdelay $0x4  }
0x114: {  	v6 =	vmax.f32 v6, v7  }
0x115: {  	[tilespmem:s28+$0x60] =	vst v6;
	v6 =	vld [tilespmem:s28+$0x70]  }
0x116: {  	v7 =	vld [tilespmem:s24+$0x19970];
	_ =	sdelay $0x4  }
0x117: {  	v6 =	vmax.f32 v6, v7  }
0x118: {  	s29 =	spop (v2sf);
	[tilespmem:s28+$0x70] =	vst v6  }
0x119: {  	v6 =	vld [tilespmem:s29+$0x0]  }
0x11a: {  	v7 =	vld [tilespmem:s24+$0x19980];
	_ =	sdelay $0x4  }
0x11b: {  	v6 =	vmax.f32 v6, v7  }
0x11c: {  	[tilespmem:s29+$0x0] =	vst v6;
	v6 =	vld [tilespmem:s29+$0x10]  }
0x11d: {  	v7 =	vld [tilespmem:s24+$0x19990];
	_ =	sdelay $0x4  }
0x11e: {  	v6 =	vmax.f32 v6, v7  }
0x11f: {  	[tilespmem:s29+$0x10] =	vst v6;
	v6 =	vld [tilespmem:s29+$0x20]  }
0x120: {  	v7 =	vld [tilespmem:s24+$0x199A0];
	_ =	sdelay $0x4  }
0x121: {  	v6 =	vmax.f32 v6, v7  }
0x122: {  	[tilespmem:s29+$0x20] =	vst v6;
	v6 =	vld [tilespmem:s29+$0x30]  }
0x123: {  	v7 =	vld [tilespmem:s24+$0x199B0];
	_ =	sdelay $0x4  }
0x124: {  	v6 =	vmax.f32 v6, v7  }
0x125: {  	[tilespmem:s29+$0x30] =	vst v6;
	v6 =	vld [tilespmem:s29+$0x40]  }
0x126: {  	v7 =	vld [tilespmem:s24+$0x199C0];
	_ =	sdelay $0x4  }
0x127: {  	v6 =	vmax.f32 v6, v7  }
0x128: {  	[tilespmem:s29+$0x40] =	vst v6;
	v6 =	vld [tilespmem:s29+$0x50]  }
0x129: {  	v7 =	vld [tilespmem:s24+$0x199D0];
	_ =	sdelay $0x4  }
0x12a: {  	(v2sf) =	vpush v5, $0x4;
	v6 =	vmax.f32 v6, v7  }
0x12b: {  	[tilespmem:s29+$0x50] =	vst v6;
	v6 =	vld [tilespmem:s29+$0x60]  }
0x12c: {  	v7 =	vld [tilespmem:s24+$0x199E0];
	_ =	sdelay $0x4  }
0x12d: {  	v6 =	vmax.f32 v6, v7  }
0x12e: {  	[tilespmem:s29+$0x60] =	vst v6;
	v6 =	vld [tilespmem:s29+$0x70]  }
0x12f: {  	v7 =	vld [tilespmem:s24+$0x199F0];
	_ =	sdelay $0x4  }
0x130: {  	v6 =	vmax.f32 v6, v7  }
0x131: {  	s30 =	spop (v2sf);
	[tilespmem:s29+$0x70] =	vst v6  }
0x132: {  	v6 =	vld [tilespmem:s30+$0x0]  }
0x133: {  	v7 =	vld [tilespmem:s24+$0x19A00];
	_ =	sdelay $0x4  }
0x134: {  	v6 =	vmax.f32 v6, v7  }
0x135: {  	[tilespmem:s30+$0x0] =	vst v6;
	v6 =	vld [tilespmem:s30+$0x10]  }
0x136: {  	v7 =	vld [tilespmem:s24+$0x19A10];
	_ =	sdelay $0x4  }
0x137: {  	v6 =	vmax.f32 v6, v7  }
0x138: {  	[tilespmem:s30+$0x10] =	vst v6;
	v6 =	vld [tilespmem:s30+$0x20]  }
0x139: {  	v7 =	vld [tilespmem:s24+$0x19A20];
	_ =	sdelay $0x4  }
0x13a: {  	v6 =	vmax.f32 v6, v7  }
0x13b: {  	[tilespmem:s30+$0x20] =	vst v6;
	v6 =	vld [tilespmem:s30+$0x30]  }
0x13c: {  	v7 =	vld [tilespmem:s24+$0x19A30];
	_ =	sdelay $0x4  }
0x13d: {  	v6 =	vmax.f32 v6, v7  }
0x13e: {  	[tilespmem:s30+$0x30] =	vst v6;
	v6 =	vld [tilespmem:s30+$0x40]  }
0x13f: {  	v7 =	vld [tilespmem:s24+$0x19A40];
	_ =	sdelay $0x4  }
0x140: {  	v6 =	vmax.f32 v6, v7  }
0x141: {  	[tilespmem:s30+$0x40] =	vst v6;
	v6 =	vld [tilespmem:s30+$0x50]  }
0x142: {  	v7 =	vld [tilespmem:s24+$0x19A50];
	_ =	sdelay $0x4  }
0x143: {  	(v2sf) =	vpush v5, $0x5;
	v6 =	vmax.f32 v6, v7  }
0x144: {  	[tilespmem:s30+$0x50] =	vst v6;
	v6 =	vld [tilespmem:s30+$0x60]  }
0x145: {  	v7 =	vld [tilespmem:s24+$0x19A60];
	_ =	sdelay $0x4  }
0x146: {  	v6 =	vmax.f32 v6, v7  }
0x147: {  	[tilespmem:s30+$0x60] =	vst v6;
	v6 =	vld [tilespmem:s30+$0x70]  }
0x148: {  	v7 =	vld [tilespmem:s24+$0x19A70];
	_ =	sdelay $0x4  }
0x149: {  	v6 =	vmax.f32 v6, v7  }
0x14a: {  	s31 =	spop (v2sf);
	[tilespmem:s30+$0x70] =	vst v6  }
0x14b: {  	v6 =	vld [tilespmem:s31+$0x0]  }
0x14c: {  	v7 =	vld [tilespmem:s24+$0x19A80];
	_ =	sdelay $0x4  }
0x14d: {  	v6 =	vmax.f32 v6, v7  }
0x14e: {  	[tilespmem:s31+$0x0] =	vst v6;
	v6 =	vld [tilespmem:s31+$0x10]  }
0x14f: {  	v7 =	vld [tilespmem:s24+$0x19A90];
	_ =	sdelay $0x4  }
0x150: {  	v6 =	vmax.f32 v6, v7  }
0x151: {  	[tilespmem:s31+$0x10] =	vst v6;
	v6 =	vld [tilespmem:s31+$0x20]  }
0x152: {  	v7 =	vld [tilespmem:s24+$0x19AA0];
	_ =	sdelay $0x4  }
0x153: {  	v6 =	vmax.f32 v6, v7  }
0x154: {  	[tilespmem:s31+$0x20] =	vst v6;
	v6 =	vld [tilespmem:s31+$0x30]  }
0x155: {  	v7 =	vld [tilespmem:s24+$0x19AB0];
	_ =	sdelay $0x4  }
0x156: {  	v6 =	vmax.f32 v6, v7  }
0x157: {  	[tilespmem:s31+$0x30] =	vst v6;
	v6 =	vld [tilespmem:s31+$0x40]  }
0x158: {  	v7 =	vld [tilespmem:s24+$0x19AC0];
	_ =	sdelay $0x4  }
0x159: {  	v6 =	vmax.f32 v6, v7  }
0x15a: {  	[tilespmem:s31+$0x40] =	vst v6;
	v6 =	vld [tilespmem:s31+$0x50]  }
0x15b: {  	v7 =	vld [tilespmem:s24+$0x19AD0];
	_ =	sdelay $0x4  }
0x15c: {  	(v2sf) =	vpush v5, $0x6;
	v6 =	vmax.f32 v6, v7  }
0x15d: {  	[tilespmem:s31+$0x50] =	vst v6;
	v6 =	vld [tilespmem:s31+$0x60]  }
0x15e: {  	v7 =	vld [tilespmem:s24+$0x19AE0];
	_ =	sdelay $0x4  }
0x15f: {  	v6 =	vmax.f32 v6, v7  }
0x160: {  	[tilespmem:s31+$0x60] =	vst v6;
	v6 =	vld [tilespmem:s31+$0x70]  }
0x161: {  	v7 =	vld [tilespmem:s24+$0x19AF0];
	_ =	sdelay $0x4  }
0x162: {  	v6 =	vmax.f32 v6, v7  }
0x163: {  	s26 =	spop (v2sf);
	[tilespmem:s31+$0x70] =	vst v6  }
0x164: {  	v6 =	vld [tilespmem:s26+$0x0]  }
0x165: {  	v7 =	vld [tilespmem:s24+$0x19B00];
	_ =	sdelay $0x4  }
0x166: {  	v6 =	vmax.f32 v6, v7  }
0x167: {  	[tilespmem:s26+$0x0] =	vst v6;
	v6 =	vld [tilespmem:s26+$0x10]  }
0x168: {  	v7 =	vld [tilespmem:s24+$0x19B10];
	_ =	sdelay $0x4  }
0x169: {  	v6 =	vmax.f32 v6, v7  }
0x16a: {  	[tilespmem:s26+$0x10] =	vst v6;
	v6 =	vld [tilespmem:s26+$0x20]  }
0x16b: {  	v7 =	vld [tilespmem:s24+$0x19B20];
	_ =	sdelay $0x4  }
0x16c: {  	v6 =	vmax.f32 v6, v7  }
0x16d: {  	[tilespmem:s26+$0x20] =	vst v6;
	v6 =	vld [tilespmem:s26+$0x30]  }
0x16e: {  	v7 =	vld [tilespmem:s24+$0x19B30];
	_ =	sdelay $0x4  }
0x16f: {  	v6 =	vmax.f32 v6, v7  }
0x170: {  	[tilespmem:s26+$0x30] =	vst v6;
	v6 =	vld [tilespmem:s26+$0x40]  }
0x171: {  	v7 =	vld [tilespmem:s24+$0x19B40];
	_ =	sdelay $0x4  }
0x172: {  	v6 =	vmax.f32 v6, v7  }
0x173: {  	[tilespmem:s26+$0x40] =	vst v6;
	v6 =	vld [tilespmem:s26+$0x50]  }
0x174: {  	v7 =	vld [tilespmem:s24+$0x19B50];
	_ =	sdelay $0x4  }
0x175: {  	(v2sf) =	vpush v5, $0x7;
	v6 =	vmax.f32 v6, v7  }
0x176: {  	[tilespmem:s26+$0x50] =	vst v6;
	v6 =	vld [tilespmem:s26+$0x60]  }
0x177: {  	v7 =	vld [tilespmem:s24+$0x19B60];
	_ =	sdelay $0x4  }
0x178: {  	v6 =	vmax.f32 v6, v7  }
0x179: {  	[tilespmem:s26+$0x60] =	vst v6;
	v6 =	vld [tilespmem:s26+$0x70]  }
0x17a: {  	v7 =	vld [tilespmem:s24+$0x19B70];
	_ =	sdelay $0x4  }
0x17b: {  	v6 =	vmax.f32 v6, v7  }
0x17c: {  	s28 =	spop (v2sf);
	[tilespmem:s26+$0x70] =	vst v6  }
0x17d: {  	v6 =	vld [tilespmem:s28+$0x0]  }
0x17e: {  	v7 =	vld [tilespmem:s24+$0x19B80];
	_ =	sdelay $0x4  }
0x17f: {  	v6 =	vmax.f32 v6, v7  }
0x180: {  	[tilespmem:s28+$0x0] =	vst v6;
	v6 =	vld [tilespmem:s28+$0x10]  }
0x181: {  	v7 =	vld [tilespmem:s24+$0x19B90];
	_ =	sdelay $0x4  }
0x182: {  	v6 =	vmax.f32 v6, v7  }
0x183: {  	[tilespmem:s28+$0x10] =	vst v6;
	v6 =	vld [tilespmem:s28+$0x20]  }
0x184: {  	v7 =	vld [tilespmem:s24+$0x19BA0];
	_ =	sdelay $0x4  }
0x185: {  	v6 =	vmax.f32 v6, v7  }
0x186: {  	[tilespmem:s28+$0x20] =	vst v6;
	v6 =	vld [tilespmem:s28+$0x30]  }
0x187: {  	v7 =	vld [tilespmem:s24+$0x19BB0];
	_ =	sdelay $0x4  }
0x188: {  	v6 =	vmax.f32 v6, v7  }
0x189: {  	[tilespmem:s28+$0x30] =	vst v6;
	v6 =	vld [tilespmem:s28+$0x40]  }
0x18a: {  	v7 =	vld [tilespmem:s24+$0x19BC0];
	_ =	sdelay $0x4  }
0x18b: {  	v6 =	vmax.f32 v6, v7  }
0x18c: {  	[tilespmem:s28+$0x40] =	vst v6;
	v6 =	vld [tilespmem:s28+$0x50]  }
0x18d: {  	v7 =	vld [tilespmem:s24+$0x19BD0];
	_ =	sdelay $0x4  }
0x18e: {  	(v2sf) =	vpush v5, $0x8;
	v6 =	vmax.f32 v6, v7  }
0x18f: {  	[tilespmem:s28+$0x50] =	vst v6;
	v6 =	vld [tilespmem:s28+$0x60]  }
0x190: {  	v7 =	vld [tilespmem:s24+$0x19BE0];
	_ =	sdelay $0x4  }
0x191: {  	v6 =	vmax.f32 v6, v7  }
0x192: {  	[tilespmem:s28+$0x60] =	vst v6;
	v6 =	vld [tilespmem:s28+$0x70]  }
0x193: {  	v7 =	vld [tilespmem:s24+$0x19BF0];
	_ =	sdelay $0x4  }
0x194: {  	v6 =	vmax.f32 v6, v7  }
0x195: {  	s29 =	spop (v2sf);
	[tilespmem:s28+$0x70] =	vst v6  }
0x196: {  	v6 =	vld [tilespmem:s29+$0x0]  }
0x197: {  	v7 =	vld [tilespmem:s24+$0x19C00];
	_ =	sdelay $0x4  }
0x198: {  	v6 =	vmax.f32 v6, v7  }
0x199: {  	[tilespmem:s29+$0x0] =	vst v6;
	v6 =	vld [tilespmem:s29+$0x10]  }
0x19a: {  	v7 =	vld [tilespmem:s24+$0x19C10];
	_ =	sdelay $0x4  }
0x19b: {  	v6 =	vmax.f32 v6, v7  }
0x19c: {  	[tilespmem:s29+$0x10] =	vst v6;
	v6 =	vld [tilespmem:s29+$0x20]  }
0x19d: {  	v7 =	vld [tilespmem:s24+$0x19C20];
	_ =	sdelay $0x4  }
0x19e: {  	v6 =	vmax.f32 v6, v7  }
0x19f: {  	[tilespmem:s29+$0x20] =	vst v6;
	v6 =	vld [tilespmem:s29+$0x30]  }
0x1a0: {  	v7 =	vld [tilespmem:s24+$0x19C30];
	_ =	sdelay $0x4  }
0x1a1: {  	v6 =	vmax.f32 v6, v7  }
0x1a2: {  	[tilespmem:s29+$0x30] =	vst v6;
	v6 =	vld [tilespmem:s29+$0x40]  }
0x1a3: {  	v7 =	vld [tilespmem:s24+$0x19C40];
	_ =	sdelay $0x4  }
0x1a4: {  	v6 =	vmax.f32 v6, v7  }
0x1a5: {  	[tilespmem:s29+$0x40] =	vst v6;
	v6 =	vld [tilespmem:s29+$0x50]  }
0x1a6: {  	v7 =	vld [tilespmem:s24+$0x19C50];
	_ =	sdelay $0x4  }
0x1a7: {  	(v2sf) =	vpush v5, $0x9;
	v6 =	vmax.f32 v6, v7  }
0x1a8: {  	[tilespmem:s29+$0x50] =	vst v6;
	v6 =	vld [tilespmem:s29+$0x60]  }
0x1a9: {  	v7 =	vld [tilespmem:s24+$0x19C60];
	_ =	sdelay $0x4  }
0x1aa: {  	v6 =	vmax.f32 v6, v7  }
0x1ab: {  	[tilespmem:s29+$0x60] =	vst v6;
	v6 =	vld [tilespmem:s29+$0x70]  }
0x1ac: {  	v7 =	vld [tilespmem:s24+$0x19C70];
	_ =	sdelay $0x4  }
0x1ad: {  	v6 =	vmax.f32 v6, v7  }
0x1ae: {  	s30 =	spop (v2sf);
	[tilespmem:s29+$0x70] =	vst v6  }
0x1af: {  	v6 =	vld [tilespmem:s30+$0x0]  }
0x1b0: {  	v7 =	vld [tilespmem:s24+$0x19C80];
	_ =	sdelay $0x4  }
0x1b1: {  	v6 =	vmax.f32 v6, v7  }
0x1b2: {  	[tilespmem:s30+$0x0] =	vst v6;
	v6 =	vld [tilespmem:s30+$0x10]  }
0x1b3: {  	v7 =	vld [tilespmem:s24+$0x19C90];
	_ =	sdelay $0x4  }
0x1b4: {  	v6 =	vmax.f32 v6, v7  }
0x1b5: {  	[tilespmem:s30+$0x10] =	vst v6;
	v6 =	vld [tilespmem:s30+$0x20]  }
0x1b6: {  	v7 =	vld [tilespmem:s24+$0x19CA0];
	_ =	sdelay $0x4  }
0x1b7: {  	v6 =	vmax.f32 v6, v7  }
0x1b8: {  	[tilespmem:s30+$0x20] =	vst v6;
	v6 =	vld [tilespmem:s30+$0x30]  }
0x1b9: {  	v7 =	vld [tilespmem:s24+$0x19CB0];
	_ =	sdelay $0x4  }
0x1ba: {  	v6 =	vmax.f32 v6, v7  }
0x1bb: {  	[tilespmem:s30+$0x30] =	vst v6;
	v6 =	vld [tilespmem:s30+$0x40]  }
0x1bc: {  	v7 =	vld [tilespmem:s24+$0x19CC0];
	_ =	sdelay $0x4  }
0x1bd: {  	v6 =	vmax.f32 v6, v7  }
0x1be: {  	[tilespmem:s30+$0x40] =	vst v6;
	v6 =	vld [tilespmem:s30+$0x50]  }
0x1bf: {  	v7 =	vld [tilespmem:s24+$0x19CD0];
	_ =	sdelay $0x4  }
0x1c0: {  	(v2sf) =	vpush v5, $0xA;
	v6 =	vmax.f32 v6, v7  }
0x1c1: {  	[tilespmem:s30+$0x50] =	vst v6;
	v6 =	vld [tilespmem:s30+$0x60]  }
0x1c2: {  	v7 =	vld [tilespmem:s24+$0x19CE0];
	_ =	sdelay $0x4  }
0x1c3: {  	v6 =	vmax.f32 v6, v7  }
0x1c4: {  	[tilespmem:s30+$0x60] =	vst v6;
	v6 =	vld [tilespmem:s30+$0x70]  }
0x1c5: {  	v7 =	vld [tilespmem:s24+$0x19CF0];
	_ =	sdelay $0x4  }
0x1c6: {  	v6 =	vmax.f32 v6, v7  }
0x1c7: {  	s31 =	spop (v2sf);
	[tilespmem:s30+$0x70] =	vst v6  }
0x1c8: {  	v6 =	vld [tilespmem:s31+$0x0]  }
0x1c9: {  	v7 =	vld [tilespmem:s24+$0x19D00];
	_ =	sdelay $0x4  }
0x1ca: {  	v6 =	vmax.f32 v6, v7  }
0x1cb: {  	[tilespmem:s31+$0x0] =	vst v6;
	v6 =	vld [tilespmem:s31+$0x10]  }
0x1cc: {  	v7 =	vld [tilespmem:s24+$0x19D10];
	_ =	sdelay $0x4  }
0x1cd: {  	v6 =	vmax.f32 v6, v7  }
0x1ce: {  	[tilespmem:s31+$0x10] =	vst v6;
	v6 =	vld [tilespmem:s31+$0x20]  }
0x1cf: {  	v7 =	vld [tilespmem:s24+$0x19D20];
	_ =	sdelay $0x4  }
0x1d0: {  	v6 =	vmax.f32 v6, v7  }
0x1d1: {  	[tilespmem:s31+$0x20] =	vst v6;
	v6 =	vld [tilespmem:s31+$0x30]  }
0x1d2: {  	v7 =	vld [tilespmem:s24+$0x19D30];
	_ =	sdelay $0x4  }
0x1d3: {  	v6 =	vmax.f32 v6, v7  }
0x1d4: {  	[tilespmem:s31+$0x30] =	vst v6;
	v6 =	vld [tilespmem:s31+$0x40]  }
0x1d5: {  	v7 =	vld [tilespmem:s24+$0x19D40];
	_ =	sdelay $0x4  }
0x1d6: {  	v6 =	vmax.f32 v6, v7  }
0x1d7: {  	[tilespmem:s31+$0x40] =	vst v6;
	v6 =	vld [tilespmem:s31+$0x50]  }
0x1d8: {  	v7 =	vld [tilespmem:s24+$0x19D50];
	_ =	sdelay $0x4  }
0x1d9: {  	(v2sf) =	vpush v5, $0xB;
	v6 =	vmax.f32 v6, v7  }
0x1da: {  	[tilespmem:s31+$0x50] =	vst v6;
	v6 =	vld [tilespmem:s31+$0x60]  }
0x1db: {  	v7 =	vld [tilespmem:s24+$0x19D60];
	_ =	sdelay $0x4  }
0x1dc: {  	v6 =	vmax.f32 v6, v7  }
0x1dd: {  	[tilespmem:s31+$0x60] =	vst v6;
	v6 =	vld [tilespmem:s31+$0x70]  }
0x1de: {  	v7 =	vld [tilespmem:s24+$0x19D70];
	_ =	sdelay $0x4  }
0x1df: {  	v6 =	vmax.f32 v6, v7  }
0x1e0: {  	s26 =	spop (v2sf);
	[tilespmem:s31+$0x70] =	vst v6  }
0x1e1: {  	v6 =	vld [tilespmem:s26+$0x0]  }
0x1e2: {  	v7 =	vld [tilespmem:s24+$0x19D80];
	_ =	sdelay $0x4  }
0x1e3: {  	v6 =	vmax.f32 v6, v7  }
0x1e4: {  	[tilespmem:s26+$0x0] =	vst v6;
	v6 =	vld [tilespmem:s26+$0x10]  }
0x1e5: {  	v7 =	vld [tilespmem:s24+$0x19D90];
	_ =	sdelay $0x4  }
0x1e6: {  	v6 =	vmax.f32 v6, v7  }
0x1e7: {  	[tilespmem:s26+$0x10] =	vst v6;
	v6 =	vld [tilespmem:s26+$0x20]  }
0x1e8: {  	v7 =	vld [tilespmem:s24+$0x19DA0];
	_ =	sdelay $0x4  }
0x1e9: {  	v6 =	vmax.f32 v6, v7  }
0x1ea: {  	[tilespmem:s26+$0x20] =	vst v6;
	v6 =	vld [tilespmem:s26+$0x30]  }
0x1eb: {  	v7 =	vld [tilespmem:s24+$0x19DB0];
	_ =	sdelay $0x4  }
0x1ec: {  	v6 =	vmax.f32 v6, v7  }
0x1ed: {  	[tilespmem:s26+$0x30] =	vst v6;
	v6 =	vld [tilespmem:s26+$0x40]  }
0x1ee: {  	v7 =	vld [tilespmem:s24+$0x19DC0];
	_ =	sdelay $0x4  }
0x1ef: {  	v6 =	vmax.f32 v6, v7  }
0x1f0: {  	[tilespmem:s26+$0x40] =	vst v6;
	v6 =	vld [tilespmem:s26+$0x50]  }
0x1f1: {  	v7 =	vld [tilespmem:s24+$0x19DD0];
	_ =	sdelay $0x4  }
0x1f2: {  	(v2sf) =	vpush v5, $0xC;
	v6 =	vmax.f32 v6, v7  }
0x1f3: {  	[tilespmem:s26+$0x50] =	vst v6;
	v6 =	vld [tilespmem:s26+$0x60]  }
0x1f4: {  	v7 =	vld [tilespmem:s24+$0x19DE0];
	_ =	sdelay $0x4  }
0x1f5: {  	v6 =	vmax.f32 v6, v7  }
0x1f6: {  	[tilespmem:s26+$0x60] =	vst v6;
	v6 =	vld [tilespmem:s26+$0x70]  }
0x1f7: {  	v7 =	vld [tilespmem:s24+$0x19DF0];
	_ =	sdelay $0x4  }
0x1f8: {  	v6 =	vmax.f32 v6, v7  }
0x1f9: {  	s28 =	spop (v2sf);
	[tilespmem:s26+$0x70] =	vst v6  }
0x1fa: {  	v6 =	vld [tilespmem:s28+$0x0]  }
0x1fb: {  	v7 =	vld [tilespmem:s24+$0x19E00];
	_ =	sdelay $0x4  }
0x1fc: {  	v6 =	vmax.f32 v6, v7  }
0x1fd: {  	[tilespmem:s28+$0x0] =	vst v6;
	v6 =	vld [tilespmem:s28+$0x10]  }
0x1fe: {  	v7 =	vld [tilespmem:s24+$0x19E10];
	_ =	sdelay $0x4  }
0x1ff: {  	v6 =	vmax.f32 v6, v7  }
0x200: {  	[tilespmem:s28+$0x10] =	vst v6;
	v6 =	vld [tilespmem:s28+$0x20]  }
0x201: {  	v7 =	vld [tilespmem:s24+$0x19E20];
	_ =	sdelay $0x4  }
0x202: {  	v6 =	vmax.f32 v6, v7  }
0x203: {  	[tilespmem:s28+$0x20] =	vst v6;
	v6 =	vld [tilespmem:s28+$0x30]  }
0x204: {  	v7 =	vld [tilespmem:s24+$0x19E30];
	_ =	sdelay $0x4  }
0x205: {  	v6 =	vmax.f32 v6, v7  }
0x206: {  	[tilespmem:s28+$0x30] =	vst v6;
	v6 =	vld [tilespmem:s28+$0x40]  }
0x207: {  	v7 =	vld [tilespmem:s24+$0x19E40];
	_ =	sdelay $0x4  }
0x208: {  	v6 =	vmax.f32 v6, v7  }
0x209: {  	[tilespmem:s28+$0x40] =	vst v6;
	v6 =	vld [tilespmem:s28+$0x50]  }
0x20a: {  	v7 =	vld [tilespmem:s24+$0x19E50];
	_ =	sdelay $0x4  }
0x20b: {  	(v2sf) =	vpush v5, $0xD;
	v6 =	vmax.f32 v6, v7  }
0x20c: {  	[tilespmem:s28+$0x50] =	vst v6;
	v6 =	vld [tilespmem:s28+$0x60]  }
0x20d: {  	v7 =	vld [tilespmem:s24+$0x19E60];
	_ =	sdelay $0x4  }
0x20e: {  	v6 =	vmax.f32 v6, v7  }
0x20f: {  	[tilespmem:s28+$0x60] =	vst v6;
	v6 =	vld [tilespmem:s28+$0x70]  }
0x210: {  	v7 =	vld [tilespmem:s24+$0x19E70];
	_ =	sdelay $0x4  }
0x211: {  	v6 =	vmax.f32 v6, v7  }
0x212: {  	s29 =	spop (v2sf);
	[tilespmem:s28+$0x70] =	vst v6  }
0x213: {  	v6 =	vld [tilespmem:s29+$0x0]  }
0x214: {  	v7 =	vld [tilespmem:s24+$0x19E80];
	_ =	sdelay $0x4  }
0x215: {  	v6 =	vmax.f32 v6, v7  }
0x216: {  	[tilespmem:s29+$0x0] =	vst v6;
	v6 =	vld [tilespmem:s29+$0x10]  }
0x217: {  	v7 =	vld [tilespmem:s24+$0x19E90];
	_ =	sdelay $0x4  }
0x218: {  	v6 =	vmax.f32 v6, v7  }
0x219: {  	[tilespmem:s29+$0x10] =	vst v6;
	v6 =	vld [tilespmem:s29+$0x20]  }
0x21a: {  	v7 =	vld [tilespmem:s24+$0x19EA0];
	_ =	sdelay $0x4  }
0x21b: {  	v6 =	vmax.f32 v6, v7  }
0x21c: {  	[tilespmem:s29+$0x20] =	vst v6;
	v6 =	vld [tilespmem:s29+$0x30]  }
0x21d: {  	v7 =	vld [tilespmem:s24+$0x19EB0];
	_ =	sdelay $0x4  }
0x21e: {  	v6 =	vmax.f32 v6, v7  }
0x21f: {  	[tilespmem:s29+$0x30] =	vst v6;
	v6 =	vld [tilespmem:s29+$0x40]  }
0x220: {  	v7 =	vld [tilespmem:s24+$0x19EC0];
	_ =	sdelay $0x4  }
0x221: {  	v6 =	vmax.f32 v6, v7  }
0x222: {  	[tilespmem:s29+$0x40] =	vst v6;
	v6 =	vld [tilespmem:s29+$0x50]  }
0x223: {  	v7 =	vld [tilespmem:s24+$0x19ED0];
	_ =	sdelay $0x4  }
0x224: {  	(v2sf) =	vpush v5, $0xE;
	v6 =	vmax.f32 v6, v7  }
0x225: {  	[tilespmem:s29+$0x50] =	vst v6;
	v6 =	vld [tilespmem:s29+$0x60]  }
0x226: {  	v7 =	vld [tilespmem:s24+$0x19EE0];
	_ =	sdelay $0x4  }
0x227: {  	v6 =	vmax.f32 v6, v7  }
0x228: {  	[tilespmem:s29+$0x60] =	vst v6;
	v6 =	vld [tilespmem:s29+$0x70]  }
0x229: {  	v7 =	vld [tilespmem:s24+$0x19EF0];
	_ =	sdelay $0x4  }
0x22a: {  	v6 =	vmax.f32 v6, v7  }
0x22b: {  	s30 =	spop (v2sf);
	[tilespmem:s29+$0x70] =	vst v6  }
0x22c: {  	v6 =	vld [tilespmem:s30+$0x0]  }
0x22d: {  	v7 =	vld [tilespmem:s24+$0x19F00];
	_ =	sdelay $0x4  }
0x22e: {  	v6 =	vmax.f32 v6, v7  }
0x22f: {  	[tilespmem:s30+$0x0] =	vst v6;
	v6 =	vld [tilespmem:s30+$0x10]  }
0x230: {  	v7 =	vld [tilespmem:s24+$0x19F10];
	_ =	sdelay $0x4  }
0x231: {  	v6 =	vmax.f32 v6, v7  }
0x232: {  	[tilespmem:s30+$0x10] =	vst v6;
	v6 =	vld [tilespmem:s30+$0x20]  }
0x233: {  	v7 =	vld [tilespmem:s24+$0x19F20];
	_ =	sdelay $0x4  }
0x234: {  	v6 =	vmax.f32 v6, v7  }
0x235: {  	[tilespmem:s30+$0x20] =	vst v6;
	v6 =	vld [tilespmem:s30+$0x30]  }
0x236: {  	v7 =	vld [tilespmem:s24+$0x19F30];
	_ =	sdelay $0x4  }
0x237: {  	v6 =	vmax.f32 v6, v7  }
0x238: {  	[tilespmem:s30+$0x30] =	vst v6;
	v6 =	vld [tilespmem:s30+$0x40]  }
0x239: {  	v7 =	vld [tilespmem:s24+$0x19F40];
	_ =	sdelay $0x4  }
0x23a: {  	v6 =	vmax.f32 v6, v7  }
0x23b: {  	[tilespmem:s30+$0x40] =	vst v6;
	v6 =	vld [tilespmem:s30+$0x50]  }
0x23c: {  	v7 =	vld [tilespmem:s24+$0x19F50];
	_ =	sdelay $0x4  }
0x23d: {  	(v2sf) =	vpush v5, $0xF;
	v6 =	vmax.f32 v6, v7  }
0x23e: {  	v5 =	vld [tilespmem:s30+$0x60];
	[tilespmem:s30+$0x50] =	vst v6  }
0x23f: {  	v6 =	vld [tilespmem:s24+$0x19F60];
	_ =	sdelay $0x4  }
0x240: {  	v5 =	vmax.f32 v5, v6  }
0x241: {  	[tilespmem:s30+$0x60] =	vst v5;
	v5 =	vld [tilespmem:s30+$0x70]  }
0x242: {  	v6 =	vld [tilespmem:s24+$0x19F70];
	_ =	sdelay $0x4  }
0x243: {  	v5 =	vmax.f32 v5, v6  }
0x244: {  	s31 =	spop (v2sf);
	[tilespmem:s30+$0x70] =	vst v5  }
0x245: {  	v5 =	vld [tilespmem:s31+$0x0]  }
0x246: {  	v6 =	vld [tilespmem:s24+$0x19F80];
	_ =	sdelay $0x4  }
0x247: {  	v5 =	vmax.f32 v5, v6  }
0x248: {  	[tilespmem:s31+$0x0] =	vst v5;
	v5 =	vld [tilespmem:s31+$0x10]  }
0x249: {  	v6 =	vld [tilespmem:s24+$0x19F90];
	_ =	sdelay $0x4  }
0x24a: {  	v5 =	vmax.f32 v5, v6  }
0x24b: {  	[tilespmem:s31+$0x10] =	vst v5;
	v5 =	vld [tilespmem:s31+$0x20]  }
0x24c: {  	v6 =	vld [tilespmem:s24+$0x19FA0];
	_ =	sdelay $0x4  }
0x24d: {  	v5 =	vmax.f32 v5, v6  }
0x24e: {  	[tilespmem:s31+$0x20] =	vst v5;
	v5 =	vld [tilespmem:s31+$0x30]  }
0x24f: {  	v6 =	vld [tilespmem:s24+$0x19FB0];
	_ =	sdelay $0x4  }
0x250: {  	v5 =	vmax.f32 v5, v6  }
0x251: {  	[tilespmem:s31+$0x30] =	vst v5;
	v5 =	vld [tilespmem:s31+$0x40]  }
0x252: {  	v6 =	vld [tilespmem:s24+$0x19FC0];
	_ =	sdelay $0x4  }
0x253: {  	v5 =	vmax.f32 v5, v6  }
0x254: {  	[tilespmem:s31+$0x40] =	vst v5;
	v5 =	vld [tilespmem:s31+$0x50]  }
0x255: {  	v6 =	vld [tilespmem:s24+$0x19FD0];
	_ =	sdelay $0x4  }
0x256: {  	v5 =	vmax.f32 v5, v6  }
0x257: {  	[tilespmem:s31+$0x50] =	vst v5;
	v5 =	vld [tilespmem:s31+$0x60]  }
0x258: {  	v6 =	vld [tilespmem:s24+$0x19FE0];
	_ =	sdelay $0x4  }
0x259: {  	v5 =	vmax.f32 v5, v6  }
0x25a: {  	[tilespmem:s31+$0x60] =	vst v5;
	v5 =	vld [tilespmem:s31+$0x70]  }
0x25b: {  	v6 =	vld [tilespmem:s24+$0x19FF0];
	_ =	sdelay $0x4  }
0x25c: {  	s26 =	sadd.s32 $0x8, s22;
	v5 =	vmax.f32 v5, v6  }
0x25d: {  	p1 =	sge.s32 s26, s21;
	[tilespmem:s31+$0x70] =	vst v5  }
0x25e: {  	v5 =	vld @!p1 [tilespmem:s19+$0x0];
	_ =	sdelay $0x6  }
0x25f: {  	s22 =	sadd.s32 $0x1, s22;
	vm1 =	vmmov @!p1 $0xffff;
	s25 =	simm.s32 @!p1 $0x0;
	s24 =	sadd.s32 $0x19800, s24  }
0x260: {  	[tilespmem:s24], [sflag:s23] =	stream.indirect_vreg.gather @!p1 [hbm4b:s1+s25], $0x80, v5, vm1, $0xb8;
	[tilespmem:$0x1D800] =	vst v63  }
0x261: {  	p1 =	seq.s32 s21, s22  }
.Ltmp8:
0x262: {  	_ = 	snop;
	(pc) =	sbr.rel @!p1 .LBB2_11-.Ltmp8, $2  }
0x263: {  	_ =	sdelay $0x2  }
0x264: {  	s20 =	sadd.s32 $0x10, s20;
	s19 =	sadd.s32 $0x10, s19  }
.Ltmp9:
0x265: {  	_ = 	snop;
	(pc) =	sbr.rel .LBB2_4-.Ltmp9, $1  }
0x266: {  	_ =	sdelay $0x3  }
.LBB2_13:
0x267: {  	_ =	sfence.sel $0x180000  }
0x268: {  	[bflag:$0x0] =	sbarrier.arrive $0xFFFF  }
0x269: {  	p0 =	sne.s32 s0, $0x0;
	_ =	strace $0x90000047  }
0x26a: {  	s0 =	sadd.s32 @!p0 $0x100000, s3;
	[bflag:$0x2] =	sbarrier.arrive $0xFFFF  }
0x26b: {  	[sflag:s0] =	ssyncadd.tile.s32 @!p0 $0x1;
	_ =	shalt  }
.Lfunc_end2:
_tile_overlayer_lowered:
.L_overlay_start_2:
0x26c: {  	(tag) =	ssettag $0x2  }
0x26d: {  	s0 =	rddreg [dreg:$0x0];
	s2 =	stileid.u32  }
0x26e: {  	s1 =	rddreg [dreg:$0x1];
	p0 =	sne.s32 s2, $0x0  }
0x26f: {  	s3 =	rddreg [dreg:$0x2];
	[bflag:$0x3] =	sbarrier.arrive $0xFFFF;
	s2 =	simm.s32 @!p0 $0x1C0B  }
0x270: {  	[timem:s3], [sflag:s2] =	dma.local @!p0 [hbm:s0], s1  }
0x271: {  	s0 =	simm.s32 @!p0 $0xB  }
0x272: {  	_ =	swait.ge @!p0 [sflag:s0], s1  }
0x273: {  	s1 =	ssub.s32 @!p0 $0x0, s1;
	[sflag:s0] =	ssyncset.done @!p0 $0x0  }
0x274: {  	[sflag:s0] =	ssyncadd.s32 @!p0 s1  }
0x275: {  	[bflag:$0x3] =	sbarrier.arrive $0xFFFF  }
0x276: {  	_ =	shalt  }

</sc_bundles>
